<compile_context>
chip_gen: v7x
topology: tpu7x:2x2x1
jax: 0.10.2.dev20260603
libtpu: 0.0.44.dev20260713+nightly
codegen_flags: <defaults>
</compile_context>

<pallas_src>
import functools

import jax
import jax.numpy as jnp
from jax import lax
from jax.experimental import pallas as pl
from jax.experimental.pallas import tpu as pltpu
from jax.experimental.pallas import tpu_sc as plsc

NP_, ND, E, D = 50000, 10000, 320000, 128
NC, NS = 2, 16
NW = NC * NS
EW = E // NW
EB = 80
NBLK = EW // EB

CHUNKS_USE = ((0, 10000),)
CHUNKS_REV = ((0, 12512), (12512, 12512), (25024, 12512), (37536, 12464))


def _seg_kernel_body(chunks, num_dst, with_cnt, full_range, *refs):
    if with_cnt:
        (x_hbm, src_hbm, dst_hbm, zero_hbm, zero8_hbm, ones_hbm,
         out_hbm, cnt_hbm,
         sidx_v, didx_v, rows_v, ones_v,
         acc_sh, cnt_sh, sem) = refs
    else:
        (x_hbm, src_hbm, dst_hbm, zero_hbm,
         out_hbm,
         sidx_v, didx_v, rows_v,
         acc_sh, sem) = refs
        zero8_hbm = ones_hbm = cnt_hbm = ones_v = cnt_sh = None

    c = lax.axis_index("c")
    s = lax.axis_index("s")
    w = c * NS + s
    edge_base = w * EW

    if with_cnt:
        pltpu.sync_copy(ones_hbm, ones_v)

    for (lo, rsz) in chunks:
        rz = (rsz + 16) // 16
        rw = rsz // 16
        pltpu.sync_copy(zero_hbm.at[pl.ds(0, rz)], acc_sh.at[pl.ds(s * rz, rz)])
        if with_cnt:
            pltpu.sync_copy(zero8_hbm.at[pl.ds(0, rz)],
                            cnt_sh.at[pl.ds(s * rz, rz)])
        plsc.subcore_barrier()

        dummy = rsz + s * 16 + lax.iota(jnp.int32, 16)

        def block(i, carry, lo=lo, rsz=rsz, dummy=dummy):
            base = edge_base + i * EB
            pltpu.sync_copy(src_hbm.at[pl.ds(base, EB)], sidx_v)
            pltpu.sync_copy(dst_hbm.at[pl.ds(base, EB)], didx_v)
            if not full_range:
                for t in range(EB // 16):
                    dv = didx_v[pl.ds(16 * t, 16)]
                    inr = (dv >= lo) & (dv < lo + rsz)
                    didx_v[pl.ds(16 * t, 16)] = jnp.where(inr, dv - lo, dummy)
            pltpu.async_copy(x_hbm.at[sidx_v], rows_v, sem).wait()
            pltpu.sync_copy(rows_v, acc_sh.at[didx_v], add=True)
            if with_cnt:
                pltpu.sync_copy(ones_v, cnt_sh.at[didx_v], add=True)
            return carry

        lax.fori_loop(0, NBLK, block, 0)
        plsc.subcore_barrier()

        pltpu.sync_copy(acc_sh.at[pl.ds(s * rw, rw)],
                        out_hbm.at[c, pl.ds(lo + s * rw, rw)])
        if with_cnt:
            pltpu.sync_copy(cnt_sh.at[pl.ds(s * rw, rw)],
                            cnt_hbm.at[c, pl.ds(lo + s * rw, rw)])
        if len(chunks) > 1:
            plsc.subcore_barrier()


@functools.cache
def _make_seg_kernel(chunks, num_dst, with_cnt, full_range):
    max_r = max(r for _, r in chunks)
    mesh = plsc.VectorSubcoreMesh(core_axis_name="c", subcore_axis_name="s")
    out_type = [jax.ShapeDtypeStruct((NC, num_dst, D), jnp.float32)]
    scratch = [
        pltpu.VMEM((EB,), jnp.int32),
        pltpu.VMEM((EB,), jnp.int32),
        pltpu.VMEM((EB, D), jnp.float32),
    ]
    if with_cnt:
        out_type.append(jax.ShapeDtypeStruct((NC, num_dst, 8), jnp.float32))
        scratch.append(pltpu.VMEM((EB, 8), jnp.float32))
    scratch.append(pltpu.VMEM_SHARED((max_r + 16 * (NS + 1), D),
                                     jnp.float32))
    if with_cnt:
        scratch.append(pltpu.VMEM_SHARED((max_r + 16 * (NS + 1), 8),
                                         jnp.float32))
    scratch.append(pltpu.SemaphoreType.DMA)
    body = functools.partial(_seg_kernel_body, chunks, num_dst, with_cnt,
                             full_range)
    return pl.kernel(body, out_type=out_type, mesh=mesh,
                     scratch_types=scratch,
                     compiler_params=pltpu.CompilerParams(
                         use_tc_tiling_on_sc=False))


def _seg_sum(x_src, src, dst, chunks, num_dst, with_cnt):
    full_range = len(chunks) == 1 and chunks[0][1] >= num_dst
    max_r = max(r for _, r in chunks)
    rz_max = (max_r + 16) // 16
    k = _make_seg_kernel(tuple(chunks), num_dst, with_cnt, full_range)
    zero = jnp.zeros((rz_max, D), jnp.float32)
    if with_cnt:
        zero8 = jnp.zeros((rz_max, 8), jnp.float32)
        ones = jnp.ones((EB, 8), jnp.float32)
        return k(x_src, src, dst, zero, zero8, ones)
    return k(x_src, src, dst, zero)[0]


def _fuse_body(s0, s1, c0, c1, xd, W, root, b, g, beta, y):
    cnt = c0[:, 0:1] + c1[:, 0:1]
    inv = 1.0 / jnp.maximum(cnt, 1.0)
    h = (s0[:, :] + s1[:, :]) * inv
    out = (jnp.dot(h, W[:, :], preferred_element_type=jnp.float32)
           + jnp.dot(xd[:, :], root[:, :], preferred_element_type=jnp.float32)
           + b[:, :])
    r = jnp.maximum(out + xd[:, :], 0.0)
    mu = jnp.mean(r, axis=-1, keepdims=True)
    var = jnp.mean((r - mu) ** 2, axis=-1, keepdims=True)
    y[:, :] = (r - mu) * lax.rsqrt(var + 1e-5) * g[:, :] + beta[:, :]


@functools.cache
def _make_fuse(n, blk=512):
    grid = (n + blk - 1) // blk
    row = pl.BlockSpec((blk, D), lambda i: (i, 0))
    row8 = pl.BlockSpec((blk, 8), lambda i: (i, 0))
    full = pl.BlockSpec((D, D), lambda i: (0, 0))
    vec = pl.BlockSpec((1, D), lambda i: (0, 0))
    return pl.pallas_call(
        _fuse_body,
        grid=(grid,),
        in_specs=[row, row, row8, row8, row, full, full, vec, vec, vec],
        out_specs=row,
        out_shape=jax.ShapeDtypeStruct((n, D), jnp.float32),
    )


def _fuse(s, cnt, xd, W, root, b, g, beta):
    n = xd.shape[0]
    return _make_fuse(n)(s[0], s[1], cnt[0], cnt[1], xd, W, root,
                         b.reshape(1, D), g.reshape(1, D),
                         beta.reshape(1, D))


def kernel(x_paper, x_dataset, edge_index_use, edge_index_rev,
           W1_use, root1_use, b1_use, W1_rev, root1_rev, b1_rev,
           W2_use, root2_use, b2_use, W2_rev, root2_rev, b2_rev,
           g1, beta1, g2, beta2):
    su = edge_index_use[0].astype(jnp.int32)
    du = edge_index_use[1].astype(jnp.int32)
    sr = edge_index_rev[0].astype(jnp.int32)
    dr = edge_index_rev[1].astype(jnp.int32)

    s_d, c_d = _seg_sum(x_paper, su, du, CHUNKS_USE, ND, True)
    x_dataset_b, _ = lax.optimization_barrier((x_dataset, s_d))
    s_p, c_p = _seg_sum(x_dataset_b, sr, dr, CHUNKS_REV, NP_, True)
    xd1 = _fuse(s_d, c_d, x_dataset, W1_use[0], root1_use, b1_use, g1, beta1)
    xp1 = _fuse(s_p, c_p, x_paper, W1_rev[1], root1_rev, b1_rev, g1, beta1)

    s_d2 = _seg_sum(xp1, su, du, CHUNKS_USE, ND, False)
    xd1_b, _ = lax.optimization_barrier((xd1, s_d2))
    s_p2 = _seg_sum(xd1_b, sr, dr, CHUNKS_REV, NP_, False)
    xd2 = _fuse(s_d2, c_d, xd1, W2_use[0], root2_use, b2_use, g2, beta2)
    xp2 = _fuse(s_p2, c_p, xp1, W2_rev[1], root2_rev, b2_rev, g2, beta2)
    return (xp2, xd2)

# --- scband reference (transcript-rebuilt; emitter-appended) ---
"""Pipeline reference for scband-rgcn-84894323573129 (READ-ONLY COPY).

The authoritative reference and input builder live on the scoring server;
editing this copy changes nothing except your own understanding.
"""

import jax, jax.numpy as jnp
import numpy as np

NP_, ND, E, DIN, DH = 50000, 10000, 320000, 128, 128


def layer_norm(x, g, b):
    mu = jnp.mean(x, axis=-1, keepdims=True)
    var = jnp.mean((x - mu) ** 2, axis=-1, keepdims=True)
    return (x - mu) / jnp.sqrt(var + 1e-5) * g + b


def rgcn_rel(x_src, x_dst, src, dst, W, root, bias, num_dst):
    # PyG RGCNConv (bipartite, single active relation): mean-aggregate neighbors,
    # then h @ W[edge_type] + x_dst @ root + bias
    msgs = x_src[src]
    summed = jax.ops.segment_sum(msgs, dst, num_segments=num_dst)
    cnt = jax.ops.segment_sum(jnp.ones((src.shape[0],), jnp.float32), dst, num_segments=num_dst)
    h = summed / jnp.maximum(cnt, 1.0)[:, None]
    return h @ W + x_dst @ root + bias


def setup_inputs(seed: int = 0):
    key = jax.random.key(seed)
    ks = jax.random.split(key, 26)
    def p(k, shape, scale=0.05):
        return jax.random.normal(k, shape, dtype=jnp.float32) * scale
    x_paper = jax.random.normal(ks[0], (NP_, DIN), dtype=jnp.float32)
    x_dataset = jax.random.normal(ks[1], (ND, DIN), dtype=jnp.float32)
    edge_index_use = jnp.stack([
        jax.random.randint(ks[2], (E,), 0, NP_),
        jax.random.randint(ks[3], (E,), 0, ND)]).astype(jnp.int64)
    edge_index_rev = jnp.stack([
        jax.random.randint(ks[4], (E,), 0, ND),
        jax.random.randint(ks[5], (E,), 0, NP_)]).astype(jnp.int64)
    inp = {
        'x_paper': x_paper, 'x_dataset': x_dataset,
        'edge_index_use': edge_index_use, 'edge_index_rev': edge_index_rev,
        'W1_use': p(ks[6], (2, DIN, DH)), 'root1_use': p(ks[7], (DIN, DH)), 'b1_use': p(ks[8], (DH,)),
        'W1_rev': p(ks[9], (2, DIN, DH)), 'root1_rev': p(ks[10], (DIN, DH)), 'b1_rev': p(ks[11], (DH,)),
        'W2_use': p(ks[12], (2, DH, DH)), 'root2_use': p(ks[13], (DH, DH)), 'b2_use': p(ks[14], (DH,)),
        'W2_rev': p(ks[15], (2, DH, DH)), 'root2_rev': p(ks[16], (DH, DH)), 'b2_rev': p(ks[17], (DH,)),
        'g1': 1.0 + p(ks[18], (DH,)), 'beta1': p(ks[19], (DH,)),
        'g2': 1.0 + p(ks[20], (DH,)), 'beta2': p(ks[21], (DH,)),
    }
    return inp


def reference(x_paper, x_dataset, edge_index_use, edge_index_rev,
              W1_use, root1_use, b1_use, W1_rev, root1_rev, b1_rev,
              W2_use, root2_use, b2_use, W2_rev, root2_rev, b2_rev,
              g1, beta1, g2, beta2):
    su, du = edge_index_use[0], edge_index_use[1]
    sr, dr = edge_index_rev[0], edge_index_rev[1]
    # layer 1: edge_type for 'use' is 0, for 'rev_use' is 1 -> select W[0]/W[1]
    out_d = rgcn_rel(x_paper, x_dataset, su, du, W1_use[0], root1_use, b1_use, ND)
    out_p = rgcn_rel(x_dataset, x_paper, sr, dr, W1_rev[1], root1_rev, b1_rev, NP_)
    # res_proj1 is Identity since input_dim == hidden_channels
    xp = layer_norm(jax.nn.relu(out_p + x_paper), g1, beta1)
    xd = layer_norm(jax.nn.relu(out_d + x_dataset), g1, beta1)
    # layer 2
    out_d2 = rgcn_rel(xp, xd, su, du, W2_use[0], root2_use, b2_use, ND)
    out_p2 = rgcn_rel(xd, xp, sr, dr, W2_rev[1], root2_rev, b2_rev, NP_)
    xp2 = layer_norm(jax.nn.relu(out_p2 + xp), g2, beta2)
    xd2 = layer_norm(jax.nn.relu(out_d2 + xd), g2, beta2)
    return (xp2, xd2)

if __name__ == "__main__":
    import jax
    _d = setup_inputs()
    print(jax.jit(kernel)(*tuple(_d.values())))

</pallas_src>

<mosaic_0001>
#map = affine_map<(d0, d1) -> (0, 0)>
#map1 = affine_map<(d0, d1) -> (0)>
#map2 = affine_map<(d0, d1) -> (0, 0, 0)>
module attributes {stable_mosaic.version = 14 : i64} {
  func.func @_seg_kernel_body(%arg0: i32, %arg1: i32, %arg2: memref<50000x128xf32, #tpu.memory_space<hbm>>, %arg3: memref<320000xi32, #tpu.memory_space<hbm>>, %arg4: memref<320000xi32, #tpu.memory_space<hbm>>, %arg5: memref<626x128xf32, #tpu.memory_space<hbm>>, %arg6: memref<626x8xf32, #tpu.memory_space<hbm>>, %arg7: memref<80x8xf32, #tpu.memory_space<hbm>>, %arg8: memref<2x10000x128xf32, #tpu.memory_space<hbm>>, %arg9: memref<2x10000x8xf32, #tpu.memory_space<hbm>>, %arg10: memref<80xi32, #tpu.memory_space<vmem>>, %arg11: memref<80xi32, #tpu.memory_space<vmem>>, %arg12: memref<80x128xf32, #tpu.memory_space<vmem>>, %arg13: memref<80x8xf32, #tpu.memory_space<vmem>>, %arg14: memref<10272x128xf32, #tpu.memory_space<vmem_shared>>, %arg15: memref<10272x8xf32, #tpu.memory_space<vmem_shared>>, %arg16: memref<!tpu.dma_semaphore, #tpu.memory_space<semaphore_mem>>) attributes {dimension_semantics = [#tpu.dimension_semantics<core_parallel>, #tpu.dimension_semantics<subcore_parallel>], iteration_bounds = array<i64: 2, 16>, scalar_prefetch = 0 : i64, scratch_operands = 7 : i64, tpu.core_type = #tpu.core_type<sc_vector_subcore>, window_params = [{transform_indices = #map}, {transform_indices = #map1}, {transform_indices = #map1}, {transform_indices = #map}, {transform_indices = #map}, {transform_indices = #map}, {transform_indices = #map2}, {transform_indices = #map2}]} {
    %mul3A = arith.constant 16 : i32
    %mul3A_0 = arith.muli %arg0, %mul3A : i32
    %add3A = arith.addi %mul3A_0, %arg1 : i32
    %mul3A_1 = arith.constant 10000 : i32
    %mul3A_2 = arith.muli %add3A, %mul3A_1 : i32
    "tpu.region"() ({
      %run_scoped3A = tpu.sem_alloc : memref<!tpu.dma_semaphore, #tpu.memory_space<semaphore_mem>>
      tpu.enqueue_dma source(%arg7 : memref<80x8xf32, #tpu.memory_space<hbm>>) target(%arg13 : memref<80x8xf32, #tpu.memory_space<vmem>>) target_semaphore(%run_scoped3A : memref<!tpu.dma_semaphore, #tpu.memory_space<semaphore_mem>>)
      tpu.wait_dma2 semaphore(%run_scoped3A : memref<!tpu.dma_semaphore, #tpu.memory_space<semaphore_mem>>) src(%arg7 : memref<80x8xf32, #tpu.memory_space<hbm>>) dst(%arg13 : memref<80x8xf32, #tpu.memory_space<vmem>>)
      tpu.yield
    }) : () -> ()
    %mul3A_3 = arith.constant 626 : i32
    %mul3A_4 = arith.muli %arg1, %mul3A_3 : i32
    "tpu.region"() ({
      %run_scoped3A = tpu.sem_alloc : memref<!tpu.dma_semaphore, #tpu.memory_space<semaphore_mem>>
      %dma_start3A = arith.constant 0 : i32
      %dma_start3A_31 = tpu.memref_slice %arg14[%mul3A_4, %dma_start3A] : memref<10272x128xf32, #tpu.memory_space<vmem_shared>> -> memref<626x128xf32, #tpu.memory_space<vmem_shared>>
      %dma_start3A_32 = arith.constant 0 : i32
      %dma_start3A_33 = arith.constant 0 : i32
      %dma_start3A_34 = tpu.memref_slice %arg5[%dma_start3A_32, %dma_start3A_33] : memref<626x128xf32, #tpu.memory_space<hbm>> -> memref<626x128xf32, #tpu.memory_space<hbm>>
      tpu.enqueue_dma source(%dma_start3A_34 : memref<626x128xf32, #tpu.memory_space<hbm>>) target(%dma_start3A_31 : memref<626x128xf32, #tpu.memory_space<vmem_shared>>) target_semaphore(%run_scoped3A : memref<!tpu.dma_semaphore, #tpu.memory_space<semaphore_mem>>)
      %dma_wait3A = arith.constant 0 : i32
      %dma_wait3A_35 = tpu.memref_slice %arg14[%mul3A_4, %dma_wait3A] : memref<10272x128xf32, #tpu.memory_space<vmem_shared>> -> memref<626x128xf32, #tpu.memory_space<vmem_shared>>
      %dma_wait3A_36 = arith.constant 0 : i32
      %dma_wait3A_37 = arith.constant 0 : i32
      %dma_wait3A_38 = tpu.memref_slice %arg5[%dma_wait3A_36, %dma_wait3A_37] : memref<626x128xf32, #tpu.memory_space<hbm>> -> memref<626x128xf32, #tpu.memory_space<hbm>>
      tpu.wait_dma2 semaphore(%run_scoped3A : memref<!tpu.dma_semaphore, #tpu.memory_space<semaphore_mem>>) src(%dma_wait3A_38 : memref<626x128xf32, #tpu.memory_space<hbm>>) dst(%dma_wait3A_35 : memref<626x128xf32, #tpu.memory_space<vmem_shared>>)
      tpu.yield
    }) : () -> ()
    %mul3A_5 = arith.constant 626 : i32
    %mul3A_6 = arith.muli %arg1, %mul3A_5 : i32
    "tpu.region"() ({
      %run_scoped3A = tpu.sem_alloc : memref<!tpu.dma_semaphore, #tpu.memory_space<semaphore_mem>>
      %dma_start3A = arith.constant 0 : i32
      %dma_start3A_31 = tpu.memref_slice %arg15[%mul3A_6, %dma_start3A] : memref<10272x8xf32, #tpu.memory_space<vmem_shared>> -> memref<626x8xf32, #tpu.memory_space<vmem_shared>>
      %dma_start3A_32 = arith.constant 0 : i32
      %dma_start3A_33 = arith.constant 0 : i32
      %dma_start3A_34 = tpu.memref_slice %arg6[%dma_start3A_32, %dma_start3A_33] : memref<626x8xf32, #tpu.memory_space<hbm>> -> memref<626x8xf32, #tpu.memory_space<hbm>>
      tpu.enqueue_dma source(%dma_start3A_34 : memref<626x8xf32, #tpu.memory_space<hbm>>) target(%dma_start3A_31 : memref<626x8xf32, #tpu.memory_space<vmem_shared>>) target_semaphore(%run_scoped3A : memref<!tpu.dma_semaphore, #tpu.memory_space<semaphore_mem>>)
      %dma_wait3A = arith.constant 0 : i32
      %dma_wait3A_35 = tpu.memref_slice %arg15[%mul3A_6, %dma_wait3A] : memref<10272x8xf32, #tpu.memory_space<vmem_shared>> -> memref<626x8xf32, #tpu.memory_space<vmem_shared>>
      %dma_wait3A_36 = arith.constant 0 : i32
      %dma_wait3A_37 = arith.constant 0 : i32
      %dma_wait3A_38 = tpu.memref_slice %arg6[%dma_wait3A_36, %dma_wait3A_37] : memref<626x8xf32, #tpu.memory_space<hbm>> -> memref<626x8xf32, #tpu.memory_space<hbm>>
      tpu.wait_dma2 semaphore(%run_scoped3A : memref<!tpu.dma_semaphore, #tpu.memory_space<semaphore_mem>>) src(%dma_wait3A_38 : memref<626x8xf32, #tpu.memory_space<hbm>>) dst(%dma_wait3A_35 : memref<626x8xf32, #tpu.memory_space<vmem_shared>>)
      tpu.yield
    }) : () -> ()
    %barrier3A = arith.constant 0 : index
    tpu.barrier barrier_id(%barrier3A)
    %mul3A_7 = arith.constant 16 : i32
    %mul3A_8 = arith.muli %arg1, %mul3A_7 : i32
    %add3A_9 = arith.constant 10000 : i32
    %add3A_10 = arith.addi %add3A_9, %mul3A_8 : i32
    %iota3A = tpu.iota {dimensions = array<i32: 0>} : vector<16xi32>
    %add3A_11 = vector.broadcast %add3A_10 : i32 to vector<16xi32>
    %add3A_12 = arith.addi %add3A_11, %iota3A : vector<16xi32>
    %scan3A = arith.constant 0 : i32
    %scan3A_13 = arith.constant 0 : i32
    %scan3A_14 = arith.constant 125 : i32
    %scan3A_15 = arith.addi %scan3A_13, %scan3A_14 : i32
    %scan3A_16 = arith.constant 1 : i32
    scf.for %scan3A_31 = %scan3A_13 to %scan3A_15 step %scan3A_16  : i32 {
      %mul3A_32 = arith.constant 80 : i32
      %mul3A_33 = arith.muli %scan3A_31, %mul3A_32 : i32
      %add3A_34 = arith.addi %mul3A_2, %mul3A_33 : i32
      "tpu.region"() ({
        %run_scoped3A = tpu.sem_alloc : memref<!tpu.dma_semaphore, #tpu.memory_space<semaphore_mem>>
        %dma_start3A_39 = tpu.memref_slice %arg3[%add3A_34] : memref<320000xi32, #tpu.memory_space<hbm>> -> memref<80xi32, #tpu.memory_space<hbm>>
        %dma_start3A_40 = tpu.memref_slice %arg3[%add3A_34] : memref<320000xi32, #tpu.memory_space<hbm>> -> memref<80xi32, #tpu.memory_space<hbm>>
        tpu.enqueue_dma source(%dma_start3A_40 : memref<80xi32, #tpu.memory_space<hbm>>) target(%arg10 : memref<80xi32, #tpu.memory_space<vmem>>) target_semaphore(%run_scoped3A : memref<!tpu.dma_semaphore, #tpu.memory_space<semaphore_mem>>)
        %dma_wait3A_41 = tpu.memref_slice %arg3[%add3A_34] : memref<320000xi32, #tpu.memory_space<hbm>> -> memref<80xi32, #tpu.memory_space<hbm>>
        %dma_wait3A_42 = tpu.memref_slice %arg3[%add3A_34] : memref<320000xi32, #tpu.memory_space<hbm>> -> memref<80xi32, #tpu.memory_space<hbm>>
        tpu.wait_dma2 semaphore(%run_scoped3A : memref<!tpu.dma_semaphore, #tpu.memory_space<semaphore_mem>>) src(%dma_wait3A_42 : memref<80xi32, #tpu.memory_space<hbm>>) dst(%arg10 : memref<80xi32, #tpu.memory_space<vmem>>)
        tpu.yield
      }) : () -> ()
      "tpu.region"() ({
        %run_scoped3A = tpu.sem_alloc : memref<!tpu.dma_semaphore, #tpu.memory_space<semaphore_mem>>
        %dma_start3A_39 = tpu.memref_slice %arg4[%add3A_34] : memref<320000xi32, #tpu.memory_space<hbm>> -> memref<80xi32, #tpu.memory_space<hbm>>
        %dma_start3A_40 = tpu.memref_slice %arg4[%add3A_34] : memref<320000xi32, #tpu.memory_space<hbm>> -> memref<80xi32, #tpu.memory_space<hbm>>
        tpu.enqueue_dma source(%dma_start3A_40 : memref<80xi32, #tpu.memory_space<hbm>>) target(%arg11 : memref<80xi32, #tpu.memory_space<vmem>>) target_semaphore(%run_scoped3A : memref<!tpu.dma_semaphore, #tpu.memory_space<semaphore_mem>>)
        %dma_wait3A_41 = tpu.memref_slice %arg4[%add3A_34] : memref<320000xi32, #tpu.memory_space<hbm>> -> memref<80xi32, #tpu.memory_space<hbm>>
        %dma_wait3A_42 = tpu.memref_slice %arg4[%add3A_34] : memref<320000xi32, #tpu.memory_space<hbm>> -> memref<80xi32, #tpu.memory_space<hbm>>
        tpu.wait_dma2 semaphore(%run_scoped3A : memref<!tpu.dma_semaphore, #tpu.memory_space<semaphore_mem>>) src(%dma_wait3A_42 : memref<80xi32, #tpu.memory_space<hbm>>) dst(%arg11 : memref<80xi32, #tpu.memory_space<vmem>>)
        tpu.yield
      }) : () -> ()
      %dma_start3A = arith.constant 0 : i32
      %dma_start3A_35 = arith.constant 0 : i32
      %dma_start3A_36 = tpu.memref_slice %arg2[%dma_start3A, %dma_start3A_35] : memref<50000x128xf32, #tpu.memory_space<hbm>> -> memref<50000x128xf32, #tpu.memory_space<hbm>>
      tpu.enqueue_indirect_dma source(%dma_start3A_36 : memref<50000x128xf32, #tpu.memory_space<hbm>>) target(%arg12 : memref<80x128xf32, #tpu.memory_space<vmem>>) offsets(%arg10 : memref<80xi32, #tpu.memory_space<vmem>>) semaphore(%arg16 : memref<!tpu.dma_semaphore, #tpu.memory_space<semaphore_mem>>)
      %dma_wait3A = arith.constant 0 : i32
      %dma_wait3A_37 = arith.constant 0 : i32
      %dma_wait3A_38 = tpu.memref_slice %arg2[%dma_wait3A, %dma_wait3A_37] : memref<50000x128xf32, #tpu.memory_space<hbm>> -> memref<50000x128xf32, #tpu.memory_space<hbm>>
      tpu.wait_indirect_dma semaphore(%arg16 : memref<!tpu.dma_semaphore, #tpu.memory_space<semaphore_mem>>) src(%dma_wait3A_38 : memref<50000x128xf32, #tpu.memory_space<hbm>>) dst(%arg12 : memref<80x128xf32, #tpu.memory_space<vmem>>)
      "tpu.region"() ({
        %run_scoped3A = tpu.sem_alloc : memref<!tpu.dma_semaphore, #tpu.memory_space<semaphore_mem>>
        %dma_start3A_39 = arith.constant 0 : i32
        %dma_start3A_40 = arith.constant 0 : i32
        %dma_start3A_41 = tpu.memref_slice %arg14[%dma_start3A_39, %dma_start3A_40] : memref<10272x128xf32, #tpu.memory_space<vmem_shared>> -> memref<10272x128xf32, #tpu.memory_space<vmem_shared>>
        tpu.enqueue_indirect_dma source(%arg12 : memref<80x128xf32, #tpu.memory_space<vmem>>) target(%dma_start3A_41 : memref<10272x128xf32, #tpu.memory_space<vmem_shared>>) offsets(%arg11 : memref<80xi32, #tpu.memory_space<vmem>>) semaphore(%run_scoped3A : memref<!tpu.dma_semaphore, #tpu.memory_space<semaphore_mem>>) {add = true}
        %dma_wait3A_42 = arith.constant 0 : i32
        %dma_wait3A_43 = arith.constant 0 : i32
        %dma_wait3A_44 = tpu.memref_slice %arg14[%dma_wait3A_42, %dma_wait3A_43] : memref<10272x128xf32, #tpu.memory_space<vmem_shared>> -> memref<10272x128xf32, #tpu.memory_space<vmem_shared>>
        tpu.wait_indirect_dma semaphore(%run_scoped3A : memref<!tpu.dma_semaphore, #tpu.memory_space<semaphore_mem>>) src(%arg12 : memref<80x128xf32, #tpu.memory_space<vmem>>) dst(%dma_wait3A_44 : memref<10272x128xf32, #tpu.memory_space<vmem_shared>>)
        tpu.yield
      }) : () -> ()
      "tpu.region"() ({
        %run_scoped3A = tpu.sem_alloc : memref<!tpu.dma_semaphore, #tpu.memory_space<semaphore_mem>>
        %dma_start3A_39 = arith.constant 0 : i32
        %dma_start3A_40 = arith.constant 0 : i32
        %dma_start3A_41 = tpu.memref_slice %arg15[%dma_start3A_39, %dma_start3A_40] : memref<10272x8xf32, #tpu.memory_space<vmem_shared>> -> memref<10272x8xf32, #tpu.memory_space<vmem_shared>>
        tpu.enqueue_indirect_dma source(%arg13 : memref<80x8xf32, #tpu.memory_space<vmem>>) target(%dma_start3A_41 : memref<10272x8xf32, #tpu.memory_space<vmem_shared>>) offsets(%arg11 : memref<80xi32, #tpu.memory_space<vmem>>) semaphore(%run_scoped3A : memref<!tpu.dma_semaphore, #tpu.memory_space<semaphore_mem>>) {add = true}
        %dma_wait3A_42 = arith.constant 0 : i32
        %dma_wait3A_43 = arith.constant 0 : i32
        %dma_wait3A_44 = tpu.memref_slice %arg15[%dma_wait3A_42, %dma_wait3A_43] : memref<10272x8xf32, #tpu.memory_space<vmem_shared>> -> memref<10272x8xf32, #tpu.memory_space<vmem_shared>>
        tpu.wait_indirect_dma semaphore(%run_scoped3A : memref<!tpu.dma_semaphore, #tpu.memory_space<semaphore_mem>>) src(%arg13 : memref<80x8xf32, #tpu.memory_space<vmem>>) dst(%dma_wait3A_44 : memref<10272x8xf32, #tpu.memory_space<vmem_shared>>)
        tpu.yield
      }) : () -> ()
    }
    %scan3A_17 = arith.constant 125 : i32
    %barrier3A_18 = arith.constant 0 : index
    tpu.barrier barrier_id(%barrier3A_18)
    %mul3A_19 = arith.constant 625 : i32
    %mul3A_20 = arith.muli %arg1, %mul3A_19 : i32
    %mul3A_21 = arith.constant 625 : i32
    %mul3A_22 = arith.muli %arg1, %mul3A_21 : i32
    %add3A_23 = arith.constant 0 : i32
    %add3A_24 = arith.addi %add3A_23, %mul3A_22 : i32
    "tpu.region"() ({
      %run_scoped3A = tpu.sem_alloc : memref<!tpu.dma_semaphore, #tpu.memory_space<semaphore_mem>>
      %dma_start3A = arith.constant 0 : i32
      %dma_start3A_31 = tpu.memref_slice %arg8[%arg0, %add3A_24, %dma_start3A] : memref<2x10000x128xf32, #tpu.memory_space<hbm>> -> memref<1x625x128xf32, #tpu.memory_space<hbm>>
      %dma_start3A_32 = tpu.memref_squeeze %dma_start3A_31 : memref<1x625x128xf32, #tpu.memory_space<hbm>> -> memref<625x128xf32, #tpu.memory_space<hbm>>
      %dma_start3A_33 = arith.constant 0 : i32
      %dma_start3A_34 = tpu.memref_slice %arg14[%mul3A_20, %dma_start3A_33] : memref<10272x128xf32, #tpu.memory_space<vmem_shared>> -> memref<625x128xf32, #tpu.memory_space<vmem_shared>>
      tpu.enqueue_dma source(%dma_start3A_34 : memref<625x128xf32, #tpu.memory_space<vmem_shared>>) target(%dma_start3A_32 : memref<625x128xf32, #tpu.memory_space<hbm>>) target_semaphore(%run_scoped3A : memref<!tpu.dma_semaphore, #tpu.memory_space<semaphore_mem>>)
      %dma_wait3A = arith.constant 0 : i32
      %dma_wait3A_35 = tpu.memref_slice %arg8[%arg0, %add3A_24, %dma_wait3A] : memref<2x10000x128xf32, #tpu.memory_space<hbm>> -> memref<1x625x128xf32, #tpu.memory_space<hbm>>
      %dma_wait3A_36 = tpu.memref_squeeze %dma_wait3A_35 : memref<1x625x128xf32, #tpu.memory_space<hbm>> -> memref<625x128xf32, #tpu.memory_space<hbm>>
      %dma_wait3A_37 = arith.constant 0 : i32
      %dma_wait3A_38 = tpu.memref_slice %arg14[%mul3A_20, %dma_wait3A_37] : memref<10272x128xf32, #tpu.memory_space<vmem_shared>> -> memref<625x128xf32, #tpu.memory_space<vmem_shared>>
      tpu.wait_dma2 semaphore(%run_scoped3A : memref<!tpu.dma_semaphore, #tpu.memory_space<semaphore_mem>>) src(%dma_wait3A_38 : memref<625x128xf32, #tpu.memory_space<vmem_shared>>) dst(%dma_wait3A_36 : memref<625x128xf32, #tpu.memory_space<hbm>>)
      tpu.yield
    }) : () -> ()
    %mul3A_25 = arith.constant 625 : i32
    %mul3A_26 = arith.muli %arg1, %mul3A_25 : i32
    %mul3A_27 = arith.constant 625 : i32
    %mul3A_28 = arith.muli %arg1, %mul3A_27 : i32
    %add3A_29 = arith.constant 0 : i32
    %add3A_30 = arith.addi %add3A_29, %mul3A_28 : i32
    "tpu.region"() ({
      %run_scoped3A = tpu.sem_alloc : memref<!tpu.dma_semaphore, #tpu.memory_space<semaphore_mem>>
      %dma_start3A = arith.constant 0 : i32
      %dma_start3A_31 = tpu.memref_slice %arg9[%arg0, %add3A_30, %dma_start3A] : memref<2x10000x8xf32, #tpu.memory_space<hbm>> -> memref<1x625x8xf32, #tpu.memory_space<hbm>>
      %dma_start3A_32 = tpu.memref_squeeze %dma_start3A_31 : memref<1x625x8xf32, #tpu.memory_space<hbm>> -> memref<625x8xf32, #tpu.memory_space<hbm>>
      %dma_start3A_33 = arith.constant 0 : i32
      %dma_start3A_34 = tpu.memref_slice %arg15[%mul3A_26, %dma_start3A_33] : memref<10272x8xf32, #tpu.memory_space<vmem_shared>> -> memref<625x8xf32, #tpu.memory_space<vmem_shared>>
      tpu.enqueue_dma source(%dma_start3A_34 : memref<625x8xf32, #tpu.memory_space<vmem_shared>>) target(%dma_start3A_32 : memref<625x8xf32, #tpu.memory_space<hbm>>) target_semaphore(%run_scoped3A : memref<!tpu.dma_semaphore, #tpu.memory_space<semaphore_mem>>)
      %dma_wait3A = arith.constant 0 : i32
      %dma_wait3A_35 = tpu.memref_slice %arg9[%arg0, %add3A_30, %dma_wait3A] : memref<2x10000x8xf32, #tpu.memory_space<hbm>> -> memref<1x625x8xf32, #tpu.memory_space<hbm>>
      %dma_wait3A_36 = tpu.memref_squeeze %dma_wait3A_35 : memref<1x625x8xf32, #tpu.memory_space<hbm>> -> memref<625x8xf32, #tpu.memory_space<hbm>>
      %dma_wait3A_37 = arith.constant 0 : i32
      %dma_wait3A_38 = tpu.memref_slice %arg15[%mul3A_26, %dma_wait3A_37] : memref<10272x8xf32, #tpu.memory_space<vmem_shared>> -> memref<625x8xf32, #tpu.memory_space<vmem_shared>>
      tpu.wait_dma2 semaphore(%run_scoped3A : memref<!tpu.dma_semaphore, #tpu.memory_space<semaphore_mem>>) src(%dma_wait3A_38 : memref<625x8xf32, #tpu.memory_space<vmem_shared>>) dst(%dma_wait3A_36 : memref<625x8xf32, #tpu.memory_space<hbm>>)
      tpu.yield
    }) : () -> ()
    return
  }
}

#map = affine_map<(d0, d1) -> (0, 0)>
#map1 = affine_map<(d0, d1) -> (0)>
#map2 = affine_map<(d0, d1) -> (0, 0, 0)>
module attributes {stable_mosaic.version = 14 : i64} {
  func.func @_seg_kernel_body(%arg0: i32, %arg1: i32, %arg2: memref<10000x128xf32, #tpu.memory_space<hbm>>, %arg3: memref<320000xi32, #tpu.memory_space<hbm>>, %arg4: memref<320000xi32, #tpu.memory_space<hbm>>, %arg5: memref<783x128xf32, #tpu.memory_space<hbm>>, %arg6: memref<2x50000x128xf32, #tpu.memory_space<hbm>>, %arg7: memref<80xi32, #tpu.memory_space<vmem>>, %arg8: memref<80xi32, #tpu.memory_space<vmem>>, %arg9: memref<80x128xf32, #tpu.memory_space<vmem>>, %arg10: memref<12784x128xf32, #tpu.memory_space<vmem_shared>>, %arg11: memref<!tpu.dma_semaphore, #tpu.memory_space<semaphore_mem>>) attributes {dimension_semantics = [#tpu.dimension_semantics<core_parallel>, #tpu.dimension_semantics<subcore_parallel>], iteration_bounds = array<i64: 2, 16>, scalar_prefetch = 0 : i64, scratch_operands = 5 : i64, tpu.core_type = #tpu.core_type<sc_vector_subcore>, window_params = [{transform_indices = #map}, {transform_indices = #map1}, {transform_indices = #map1}, {transform_indices = #map}, {transform_indices = #map2}]} {
    %mul3A = arith.constant 16 : i32
    %mul3A_0 = arith.muli %arg0, %mul3A : i32
    %add3A = arith.addi %mul3A_0, %arg1 : i32
    %mul3A_1 = arith.constant 10000 : i32
    %mul3A_2 = arith.muli %add3A, %mul3A_1 : i32
    %mul3A_3 = arith.constant 783 : i32
    %mul3A_4 = arith.muli %arg1, %mul3A_3 : i32
    "tpu.region"() ({
      %run_scoped3A = tpu.sem_alloc : memref<!tpu.dma_semaphore, #tpu.memory_space<semaphore_mem>>
      %dma_start3A = arith.constant 0 : i32
      %dma_start3A_96 = tpu.memref_slice %arg10[%mul3A_4, %dma_start3A] : memref<12784x128xf32, #tpu.memory_space<vmem_shared>> -> memref<783x128xf32, #tpu.memory_space<vmem_shared>>
      %dma_start3A_97 = arith.constant 0 : i32
      %dma_start3A_98 = arith.constant 0 : i32
      %dma_start3A_99 = tpu.memref_slice %arg5[%dma_start3A_97, %dma_start3A_98] : memref<783x128xf32, #tpu.memory_space<hbm>> -> memref<783x128xf32, #tpu.memory_space<hbm>>
      tpu.enqueue_dma source(%dma_start3A_99 : memref<783x128xf32, #tpu.memory_space<hbm>>) target(%dma_start3A_96 : memref<783x128xf32, #tpu.memory_space<vmem_shared>>) target_semaphore(%run_scoped3A : memref<!tpu.dma_semaphore, #tpu.memory_space<semaphore_mem>>)
      %dma_wait3A = arith.constant 0 : i32
      %dma_wait3A_100 = tpu.memref_slice %arg10[%mul3A_4, %dma_wait3A] : memref<12784x128xf32, #tpu.memory_space<vmem_shared>> -> memref<783x128xf32, #tpu.memory_space<vmem_shared>>
      %dma_wait3A_101 = arith.constant 0 : i32
      %dma_wait3A_102 = arith.constant 0 : i32
      %dma_wait3A_103 = tpu.memref_slice %arg5[%dma_wait3A_101, %dma_wait3A_102] : memref<783x128xf32, #tpu.memory_space<hbm>> -> memref<783x128xf32, #tpu.memory_space<hbm>>
      tpu.wait_dma2 semaphore(%run_scoped3A : memref<!tpu.dma_semaphore, #tpu.memory_space<semaphore_mem>>) src(%dma_wait3A_103 : memref<783x128xf32, #tpu.memory_space<hbm>>) dst(%dma_wait3A_100 : memref<783x128xf32, #tpu.memory_space<vmem_shared>>)
      tpu.yield
    }) : () -> ()
    %barrier3A = arith.constant 0 : index
    tpu.barrier barrier_id(%barrier3A)
    %mul3A_5 = arith.constant 16 : i32
    %mul3A_6 = arith.muli %arg1, %mul3A_5 : i32
    %add3A_7 = arith.constant 12512 : i32
    %add3A_8 = arith.addi %add3A_7, %mul3A_6 : i32
    %iota3A = tpu.iota {dimensions = array<i32: 0>} : vector<16xi32>
    %add3A_9 = vector.broadcast %add3A_8 : i32 to vector<16xi32>
    %add3A_10 = arith.addi %add3A_9, %iota3A : vector<16xi32>
    %scan3A = arith.constant 0 : i32
    %scan3A_11 = arith.constant 0 : i32
    %scan3A_12 = arith.constant 125 : i32
    %scan3A_13 = arith.addi %scan3A_11, %scan3A_12 : i32
    %scan3A_14 = arith.constant 1 : i32
    scf.for %scan3A_96 = %scan3A_11 to %scan3A_13 step %scan3A_14  : i32 {
      %mul3A_97 = arith.constant 80 : i32
      %mul3A_98 = arith.muli %scan3A_96, %mul3A_97 : i32
      %add3A_99 = arith.addi %mul3A_2, %mul3A_98 : i32
      "tpu.region"() ({
        %run_scoped3A = tpu.sem_alloc : memref<!tpu.dma_semaphore, #tpu.memory_space<semaphore_mem>>
        %dma_start3A_187 = tpu.memref_slice %arg3[%add3A_99] : memref<320000xi32, #tpu.memory_space<hbm>> -> memref<80xi32, #tpu.memory_space<hbm>>
        %dma_start3A_188 = tpu.memref_slice %arg3[%add3A_99] : memref<320000xi32, #tpu.memory_space<hbm>> -> memref<80xi32, #tpu.memory_space<hbm>>
        tpu.enqueue_dma source(%dma_start3A_188 : memref<80xi32, #tpu.memory_space<hbm>>) target(%arg7 : memref<80xi32, #tpu.memory_space<vmem>>) target_semaphore(%run_scoped3A : memref<!tpu.dma_semaphore, #tpu.memory_space<semaphore_mem>>)
        %dma_wait3A_189 = tpu.memref_slice %arg3[%add3A_99] : memref<320000xi32, #tpu.memory_space<hbm>> -> memref<80xi32, #tpu.memory_space<hbm>>
        %dma_wait3A_190 = tpu.memref_slice %arg3[%add3A_99] : memref<320000xi32, #tpu.memory_space<hbm>> -> memref<80xi32, #tpu.memory_space<hbm>>
        tpu.wait_dma2 semaphore(%run_scoped3A : memref<!tpu.dma_semaphore, #tpu.memory_space<semaphore_mem>>) src(%dma_wait3A_190 : memref<80xi32, #tpu.memory_space<hbm>>) dst(%arg7 : memref<80xi32, #tpu.memory_space<vmem>>)
        tpu.yield
      }) : () -> ()
      "tpu.region"() ({
        %run_scoped3A = tpu.sem_alloc : memref<!tpu.dma_semaphore, #tpu.memory_space<semaphore_mem>>
        %dma_start3A_187 = tpu.memref_slice %arg4[%add3A_99] : memref<320000xi32, #tpu.memory_space<hbm>> -> memref<80xi32, #tpu.memory_space<hbm>>
        %dma_start3A_188 = tpu.memref_slice %arg4[%add3A_99] : memref<320000xi32, #tpu.memory_space<hbm>> -> memref<80xi32, #tpu.memory_space<hbm>>
        tpu.enqueue_dma source(%dma_start3A_188 : memref<80xi32, #tpu.memory_space<hbm>>) target(%arg8 : memref<80xi32, #tpu.memory_space<vmem>>) target_semaphore(%run_scoped3A : memref<!tpu.dma_semaphore, #tpu.memory_space<semaphore_mem>>)
        %dma_wait3A_189 = tpu.memref_slice %arg4[%add3A_99] : memref<320000xi32, #tpu.memory_space<hbm>> -> memref<80xi32, #tpu.memory_space<hbm>>
        %dma_wait3A_190 = tpu.memref_slice %arg4[%add3A_99] : memref<320000xi32, #tpu.memory_space<hbm>> -> memref<80xi32, #tpu.memory_space<hbm>>
        tpu.wait_dma2 semaphore(%run_scoped3A : memref<!tpu.dma_semaphore, #tpu.memory_space<semaphore_mem>>) src(%dma_wait3A_190 : memref<80xi32, #tpu.memory_space<hbm>>) dst(%arg8 : memref<80xi32, #tpu.memory_space<vmem>>)
        tpu.yield
      }) : () -> ()
      %get3A = arith.constant 0 : index
      %get3A_100 = tpu.vector_load %arg8[%get3A] {strides = array<i32>} : memref<80xi32, #tpu.memory_space<vmem>>, vector<16xi32>,
      %get3A_101 = vector.shape_cast %get3A_100 : vector<16xi32> to vector<16xi32>
      %ge3A = arith.constant 0 : i32
      %ge3A_102 = vector.broadcast %ge3A : i32 to vector<16xi32>
      %ge3A_103 = arith.cmpi sge, %get3A_101, %ge3A_102 : vector<16xi32>
      %lt3A = arith.constant 12512 : i32
      %lt3A_104 = vector.broadcast %lt3A : i32 to vector<16xi32>
      %lt3A_105 = arith.cmpi slt, %get3A_101, %lt3A_104 : vector<16xi32>
      %and3A = arith.andi %ge3A_103, %lt3A_105 : vector<16xi1>
      %sub3A = arith.constant 0 : i32
      %sub3A_106 = vector.broadcast %sub3A : i32 to vector<16xi32>
      %sub3A_107 = arith.subi %get3A_101, %sub3A_106 : vector<16xi32>
      %select_n3A = arith.select %and3A, %sub3A_107, %add3A_10 : vector<16xi1>, vector<16xi32>
      %swap3A = arith.constant 0 : index
      %swap3A_108 = tpu.vector_load %arg8[%swap3A] {strides = array<i32>} : memref<80xi32, #tpu.memory_space<vmem>>, vector<16xi32>,
      %swap3A_109 = vector.shape_cast %swap3A_108 : vector<16xi32> to vector<16xi32>
      %swap3A_110 = vector.shape_cast %select_n3A : vector<16xi32> to vector<16xi32>
      tpu.vector_store %arg8[%swap3A], %swap3A_110 {strides = array<i32>} : memref<80xi32, #tpu.memory_space<vmem>>, vector<16xi32>,
      %get3A_111 = arith.constant 16 : index
      %get3A_112 = tpu.vector_load %arg8[%get3A_111] {strides = array<i32>} : memref<80xi32, #tpu.memory_space<vmem>>, vector<16xi32>,
      %get3A_113 = vector.shape_cast %get3A_112 : vector<16xi32> to vector<16xi32>
      %ge3A_114 = arith.constant 0 : i32
      %ge3A_115 = vector.broadcast %ge3A_114 : i32 to vector<16xi32>
      %ge3A_116 = arith.cmpi sge, %get3A_113, %ge3A_115 : vector<16xi32>
      %lt3A_117 = arith.constant 12512 : i32
      %lt3A_118 = vector.broadcast %lt3A_117 : i32 to vector<16xi32>
      %lt3A_119 = arith.cmpi slt, %get3A_113, %lt3A_118 : vector<16xi32>
      %and3A_120 = arith.andi %ge3A_116, %lt3A_119 : vector<16xi1>
      %sub3A_121 = arith.constant 0 : i32
      %sub3A_122 = vector.broadcast %sub3A_121 : i32 to vector<16xi32>
      %sub3A_123 = arith.subi %get3A_113, %sub3A_122 : vector<16xi32>
      %select_n3A_124 = arith.select %and3A_120, %sub3A_123, %add3A_10 : vector<16xi1>, vector<16xi32>
      %swap3A_125 = arith.constant 16 : index
      %swap3A_126 = tpu.vector_load %arg8[%swap3A_125] {strides = array<i32>} : memref<80xi32, #tpu.memory_space<vmem>>, vector<16xi32>,
      %swap3A_127 = vector.shape_cast %swap3A_126 : vector<16xi32> to vector<16xi32>
      %swap3A_128 = vector.shape_cast %select_n3A_124 : vector<16xi32> to vector<16xi32>
      tpu.vector_store %arg8[%swap3A_125], %swap3A_128 {strides = array<i32>} : memref<80xi32, #tpu.memory_space<vmem>>, vector<16xi32>,
      %get3A_129 = arith.constant 32 : index
      %get3A_130 = tpu.vector_load %arg8[%get3A_129] {strides = array<i32>} : memref<80xi32, #tpu.memory_space<vmem>>, vector<16xi32>,
      %get3A_131 = vector.shape_cast %get3A_130 : vector<16xi32> to vector<16xi32>
      %ge3A_132 = arith.constant 0 : i32
      %ge3A_133 = vector.broadcast %ge3A_132 : i32 to vector<16xi32>
      %ge3A_134 = arith.cmpi sge, %get3A_131, %ge3A_133 : vector<16xi32>
      %lt3A_135 = arith.constant 12512 : i32
      %lt3A_136 = vector.broadcast %lt3A_135 : i32 to vector<16xi32>
      %lt3A_137 = arith.cmpi slt, %get3A_131, %lt3A_136 : vector<16xi32>
      %and3A_138 = arith.andi %ge3A_134, %lt3A_137 : vector<16xi1>
      %sub3A_139 = arith.constant 0 : i32
      %sub3A_140 = vector.broadcast %sub3A_139 : i32 to vector<16xi32>
      %sub3A_141 = arith.subi %get3A_131, %sub3A_140 : vector<16xi32>
      %select_n3A_142 = arith.select %and3A_138, %sub3A_141, %add3A_10 : vector<16xi1>, vector<16xi32>
      %swap3A_143 = arith.constant 32 : index
      %swap3A_144 = tpu.vector_load %arg8[%swap3A_143] {strides = array<i32>} : memref<80xi32, #tpu.memory_space<vmem>>, vector<16xi32>,
      %swap3A_145 = vector.shape_cast %swap3A_144 : vector<16xi32> to vector<16xi32>
      %swap3A_146 = vector.shape_cast %select_n3A_142 : vector<16xi32> to vector<16xi32>
      tpu.vector_store %arg8[%swap3A_143], %swap3A_146 {strides = array<i32>} : memref<80xi32, #tpu.memory_space<vmem>>, vector<16xi32>,
      %get3A_147 = arith.constant 48 : index
      %get3A_148 = tpu.vector_load %arg8[%get3A_147] {strides = array<i32>} : memref<80xi32, #tpu.memory_space<vmem>>, vector<16xi32>,
      %get3A_149 = vector.shape_cast %get3A_148 : vector<16xi32> to vector<16xi32>
      %ge3A_150 = arith.constant 0 : i32
      %ge3A_151 = vector.broadcast %ge3A_150 : i32 to vector<16xi32>
      %ge3A_152 = arith.cmpi sge, %get3A_149, %ge3A_151 : vector<16xi32>
      %lt3A_153 = arith.constant 12512 : i32
      %lt3A_154 = vector.broadcast %lt3A_153 : i32 to vector<16xi32>
      %lt3A_155 = arith.cmpi slt, %get3A_149, %lt3A_154 : vector<16xi32>
      %and3A_156 = arith.andi %ge3A_152, %lt3A_155 : vector<16xi1>
      %sub3A_157 = arith.constant 0 : i32
      %sub3A_158 = vector.broadcast %sub3A_157 : i32 to vector<16xi32>
      %sub3A_159 = arith.subi %get3A_149, %sub3A_158 : vector<16xi32>
      %select_n3A_160 = arith.select %and3A_156, %sub3A_159, %add3A_10 : vector<16xi1>, vector<16xi32>
      %swap3A_161 = arith.constant 48 : index
      %swap3A_162 = tpu.vector_load %arg8[%swap3A_161] {strides = array<i32>} : memref<80xi32, #tpu.memory_space<vmem>>, vector<16xi32>,
      %swap3A_163 = vector.shape_cast %swap3A_162 : vector<16xi32> to vector<16xi32>
      %swap3A_164 = vector.shape_cast %select_n3A_160 : vector<16xi32> to vector<16xi32>
      tpu.vector_store %arg8[%swap3A_161], %swap3A_164 {strides = array<i32>} : memref<80xi32, #tpu.memory_space<vmem>>, vector<16xi32>,
      %get3A_165 = arith.constant 64 : index
      %get3A_166 = tpu.vector_load %arg8[%get3A_165] {strides = array<i32>} : memref<80xi32, #tpu.memory_space<vmem>>, vector<16xi32>,
      %get3A_167 = vector.shape_cast %get3A_166 : vector<16xi32> to vector<16xi32>
      %ge3A_168 = arith.constant 0 : i32
      %ge3A_169 = vector.broadcast %ge3A_168 : i32 to vector<16xi32>
      %ge3A_170 = arith.cmpi sge, %get3A_167, %ge3A_169 : vector<16xi32>
      %lt3A_171 = arith.constant 12512 : i32
      %lt3A_172 = vector.broadcast %lt3A_171 : i32 to vector<16xi32>
      %lt3A_173 = arith.cmpi slt, %get3A_167, %lt3A_172 : vector<16xi32>
      %and3A_174 = arith.andi %ge3A_170, %lt3A_173 : vector<16xi1>
      %sub3A_175 = arith.constant 0 : i32
      %sub3A_176 = vector.broadcast %sub3A_175 : i32 to vector<16xi32>
      %sub3A_177 = arith.subi %get3A_167, %sub3A_176 : vector<16xi32>
      %select_n3A_178 = arith.select %and3A_174, %sub3A_177, %add3A_10 : vector<16xi1>, vector<16xi32>
      %swap3A_179 = arith.constant 64 : index
      %swap3A_180 = tpu.vector_load %arg8[%swap3A_179] {strides = array<i32>} : memref<80xi32, #tpu.memory_space<vmem>>, vector<16xi32>,
      %swap3A_181 = vector.shape_cast %swap3A_180 : vector<16xi32> to vector<16xi32>
      %swap3A_182 = vector.shape_cast %select_n3A_178 : vector<16xi32> to vector<16xi32>
      tpu.vector_store %arg8[%swap3A_179], %swap3A_182 {strides = array<i32>} : memref<80xi32, #tpu.memory_space<vmem>>, vector<16xi32>,
      %dma_start3A = arith.constant 0 : i32
      %dma_start3A_183 = arith.constant 0 : i32
      %dma_start3A_184 = tpu.memref_slice %arg2[%dma_start3A, %dma_start3A_183] : memref<10000x128xf32, #tpu.memory_space<hbm>> -> memref<10000x128xf32, #tpu.memory_space<hbm>>
      tpu.enqueue_indirect_dma source(%dma_start3A_184 : memref<10000x128xf32, #tpu.memory_space<hbm>>) target(%arg9 : memref<80x128xf32, #tpu.memory_space<vmem>>) offsets(%arg7 : memref<80xi32, #tpu.memory_space<vmem>>) semaphore(%arg11 : memref<!tpu.dma_semaphore, #tpu.memory_space<semaphore_mem>>)
      %dma_wait3A = arith.constant 0 : i32
      %dma_wait3A_185 = arith.constant 0 : i32
      %dma_wait3A_186 = tpu.memref_slice %arg2[%dma_wait3A, %dma_wait3A_185] : memref<10000x128xf32, #tpu.memory_space<hbm>> -> memref<10000x128xf32, #tpu.memory_space<hbm>>
      tpu.wait_indirect_dma semaphore(%arg11 : memref<!tpu.dma_semaphore, #tpu.memory_space<semaphore_mem>>) src(%dma_wait3A_186 : memref<10000x128xf32, #tpu.memory_space<hbm>>) dst(%arg9 : memref<80x128xf32, #tpu.memory_space<vmem>>)
      "tpu.region"() ({
        %run_scoped3A = tpu.sem_alloc : memref<!tpu.dma_semaphore, #tpu.memory_space<semaphore_mem>>
        %dma_start3A_187 = arith.constant 0 : i32
        %dma_start3A_188 = arith.constant 0 : i32
        %dma_start3A_189 = tpu.memref_slice %arg10[%dma_start3A_187, %dma_start3A_188] : memref<12784x128xf32, #tpu.memory_space<vmem_shared>> -> memref<12784x128xf32, #tpu.memory_space<vmem_shared>>
        tpu.enqueue_indirect_dma source(%arg9 : memref<80x128xf32, #tpu.memory_space<vmem>>) target(%dma_start3A_189 : memref<12784x128xf32, #tpu.memory_space<vmem_shared>>) offsets(%arg8 : memref<80xi32, #tpu.memory_space<vmem>>) semaphore(%run_scoped3A : memref<!tpu.dma_semaphore, #tpu.memory_space<semaphore_mem>>) {add = true}
        %dma_wait3A_190 = arith.constant 0 : i32
        %dma_wait3A_191 = arith.constant 0 : i32
        %dma_wait3A_192 = tpu.memref_slice %arg10[%dma_wait3A_190, %dma_wait3A_191] : memref<12784x128xf32, #tpu.memory_space<vmem_shared>> -> memref<12784x128xf32, #tpu.memory_space<vmem_shared>>
        tpu.wait_indirect_dma semaphore(%run_scoped3A : memref<!tpu.dma_semaphore, #tpu.memory_space<semaphore_mem>>) src(%arg9 : memref<80x128xf32, #tpu.memory_space<vmem>>) dst(%dma_wait3A_192 : memref<12784x128xf32, #tpu.memory_space<vmem_shared>>)
        tpu.yield
      }) : () -> ()
    }
    %scan3A_15 = arith.constant 125 : i32
    %barrier3A_16 = arith.constant 0 : index
    tpu.barrier barrier_id(%barrier3A_16)
    %mul3A_17 = arith.constant 782 : i32
    %mul3A_18 = arith.muli %arg1, %mul3A_17 : i32
    %mul3A_19 = arith.constant 782 : i32
    %mul3A_20 = arith.muli %arg1, %mul3A_19 : i32
    %add3A_21 = arith.constant 0 : i32
    %add3A_22 = arith.addi %add3A_21, %mul3A_20 : i32
    "tpu.region"() ({
      %run_scoped3A = tpu.sem_alloc : memref<!tpu.dma_semaphore, #tpu.memory_space<semaphore_mem>>
      %dma_start3A = arith.constant 0 : i32
      %dma_start3A_96 = tpu.memref_slice %arg6[%arg0, %add3A_22, %dma_start3A] : memref<2x50000x128xf32, #tpu.memory_space<hbm>> -> memref<1x782x128xf32, #tpu.memory_space<hbm>>
      %dma_start3A_97 = tpu.memref_squeeze %dma_start3A_96 : memref<1x782x128xf32, #tpu.memory_space<hbm>> -> memref<782x128xf32, #tpu.memory_space<hbm>>
      %dma_start3A_98 = arith.constant 0 : i32
      %dma_start3A_99 = tpu.memref_slice %arg10[%mul3A_18, %dma_start3A_98] : memref<12784x128xf32, #tpu.memory_space<vmem_shared>> -> memref<782x128xf32, #tpu.memory_space<vmem_shared>>
      tpu.enqueue_dma source(%dma_start3A_99 : memref<782x128xf32, #tpu.memory_space<vmem_shared>>) target(%dma_start3A_97 : memref<782x128xf32, #tpu.memory_space<hbm>>) target_semaphore(%run_scoped3A : memref<!tpu.dma_semaphore, #tpu.memory_space<semaphore_mem>>)
      %dma_wait3A = arith.constant 0 : i32
      %dma_wait3A_100 = tpu.memref_slice %arg6[%arg0, %add3A_22, %dma_wait3A] : memref<2x50000x128xf32, #tpu.memory_space<hbm>> -> memref<1x782x128xf32, #tpu.memory_space<hbm>>
      %dma_wait3A_101 = tpu.memref_squeeze %dma_wait3A_100 : memref<1x782x128xf32, #tpu.memory_space<hbm>> -> memref<782x128xf32, #tpu.memory_space<hbm>>
      %dma_wait3A_102 = arith.constant 0 : i32
      %dma_wait3A_103 = tpu.memref_slice %arg10[%mul3A_18, %dma_wait3A_102] : memref<12784x128xf32, #tpu.memory_space<vmem_shared>> -> memref<782x128xf32, #tpu.memory_space<vmem_shared>>
      tpu.wait_dma2 semaphore(%run_scoped3A : memref<!tpu.dma_semaphore, #tpu.memory_space<semaphore_mem>>) src(%dma_wait3A_103 : memref<782x128xf32, #tpu.memory_space<vmem_shared>>) dst(%dma_wait3A_101 : memref<782x128xf32, #tpu.memory_space<hbm>>)
      tpu.yield
    }) : () -> ()
    %barrier3A_23 = arith.constant 0 : index
    tpu.barrier barrier_id(%barrier3A_23)
    %mul3A_24 = arith.constant 783 : i32
    %mul3A_25 = arith.muli %arg1, %mul3A_24 : i32
    "tpu.region"() ({
      %run_scoped3A = tpu.sem_alloc : memref<!tpu.dma_semaphore, #tpu.memory_space<semaphore_mem>>
      %dma_start3A = arith.constant 0 : i32
      %dma_start3A_96 = tpu.memref_slice %arg10[%mul3A_25, %dma_start3A] : memref<12784x128xf32, #tpu.memory_space<vmem_shared>> -> memref<783x128xf32, #tpu.memory_space<vmem_shared>>
      %dma_start3A_97 = arith.constant 0 : i32
      %dma_start3A_98 = arith.constant 0 : i32
      %dma_start3A_99 = tpu.memref_slice %arg5[%dma_start3A_97, %dma_start3A_98] : memref<783x128xf32, #tpu.memory_space<hbm>> -> memref<783x128xf32, #tpu.memory_space<hbm>>
      tpu.enqueue_dma source(%dma_start3A_99 : memref<783x128xf32, #tpu.memory_space<hbm>>) target(%dma_start3A_96 : memref<783x128xf32, #tpu.memory_space<vmem_shared>>) target_semaphore(%run_scoped3A : memref<!tpu.dma_semaphore, #tpu.memory_space<semaphore_mem>>)
      %dma_wait3A = arith.constant 0 : i32
      %dma_wait3A_100 = tpu.memref_slice %arg10[%mul3A_25, %dma_wait3A] : memref<12784x128xf32, #tpu.memory_space<vmem_shared>> -> memref<783x128xf32, #tpu.memory_space<vmem_shared>>
      %dma_wait3A_101 = arith.constant 0 : i32
      %dma_wait3A_102 = arith.constant 0 : i32
      %dma_wait3A_103 = tpu.memref_slice %arg5[%dma_wait3A_101, %dma_wait3A_102] : memref<783x128xf32, #tpu.memory_space<hbm>> -> memref<783x128xf32, #tpu.memory_space<hbm>>
      tpu.wait_dma2 semaphore(%run_scoped3A : memref<!tpu.dma_semaphore, #tpu.memory_space<semaphore_mem>>) src(%dma_wait3A_103 : memref<783x128xf32, #tpu.memory_space<hbm>>) dst(%dma_wait3A_100 : memref<783x128xf32, #tpu.memory_space<vmem_shared>>)
      tpu.yield
    }) : () -> ()
    %barrier3A_26 = arith.constant 0 : index
    tpu.barrier barrier_id(%barrier3A_26)
    %mul3A_27 = arith.constant 16 : i32
    %mul3A_28 = arith.muli %arg1, %mul3A_27 : i32
    %add3A_29 = arith.constant 12512 : i32
    %add3A_30 = arith.addi %add3A_29, %mul3A_28 : i32
    %iota3A_31 = tpu.iota {dimensions = array<i32: 0>} : vector<16xi32>
    %add3A_32 = vector.broadcast %add3A_30 : i32 to vector<16xi32>
    %add3A_33 = arith.addi %add3A_32, %iota3A_31 : vector<16xi32>
    %scan3A_34 = arith.constant 0 : i32
    %scan3A_35 = arith.constant 0 : i32
    %scan3A_36 = arith.constant 125 : i32
    %scan3A_37 = arith.addi %scan3A_35, %scan3A_36 : i32
    %scan3A_38 = arith.constant 1 : i32
    scf.for %scan3A_96 = %scan3A_35 to %scan3A_37 step %scan3A_38  : i32 {
      %mul3A_97 = arith.constant 80 : i32
      %mul3A_98 = arith.muli %scan3A_96, %mul3A_97 : i32
      %add3A_99 = arith.addi %mul3A_2, %mul3A_98 : i32
      "tpu.region"() ({
        %run_scoped3A = tpu.sem_alloc : memref<!tpu.dma_semaphore, #tpu.memory_space<semaphore_mem>>
        %dma_start3A_187 = tpu.memref_slice %arg3[%add3A_99] : memref<320000xi32, #tpu.memory_space<hbm>> -> memref<80xi32, #tpu.memory_space<hbm>>
        %dma_start3A_188 = tpu.memref_slice %arg3[%add3A_99] : memref<320000xi32, #tpu.memory_space<hbm>> -> memref<80xi32, #tpu.memory_space<hbm>>
        tpu.enqueue_dma source(%dma_start3A_188 : memref<80xi32, #tpu.memory_space<hbm>>) target(%arg7 : memref<80xi32, #tpu.memory_space<vmem>>) target_semaphore(%run_scoped3A : memref<!tpu.dma_semaphore, #tpu.memory_space<semaphore_mem>>)
        %dma_wait3A_189 = tpu.memref_slice %arg3[%add3A_99] : memref<320000xi32, #tpu.memory_space<hbm>> -> memref<80xi32, #tpu.memory_space<hbm>>
        %dma_wait3A_190 = tpu.memref_slice %arg3[%add3A_99] : memref<320000xi32, #tpu.memory_space<hbm>> -> memref<80xi32, #tpu.memory_space<hbm>>
        tpu.wait_dma2 semaphore(%run_scoped3A : memref<!tpu.dma_semaphore, #tpu.memory_space<semaphore_mem>>) src(%dma_wait3A_190 : memref<80xi32, #tpu.memory_space<hbm>>) dst(%arg7 : memref<80xi32, #tpu.memory_space<vmem>>)
        tpu.yield
      }) : () -> ()
      "tpu.region"() ({
        %run_scoped3A = tpu.sem_alloc : memref<!tpu.dma_semaphore, #tpu.memory_space<semaphore_mem>>
        %dma_start3A_187 = tpu.memref_slice %arg4[%add3A_99] : memref<320000xi32, #tpu.memory_space<hbm>> -> memref<80xi32, #tpu.memory_space<hbm>>
        %dma_start3A_188 = tpu.memref_slice %arg4[%add3A_99] : memref<320000xi32, #tpu.memory_space<hbm>> -> memref<80xi32, #tpu.memory_space<hbm>>
        tpu.enqueue_dma source(%dma_start3A_188 : memref<80xi32, #tpu.memory_space<hbm>>) target(%arg8 : memref<80xi32, #tpu.memory_space<vmem>>) target_semaphore(%run_scoped3A : memref<!tpu.dma_semaphore, #tpu.memory_space<semaphore_mem>>)
        %dma_wait3A_189 = tpu.memref_slice %arg4[%add3A_99] : memref<320000xi32, #tpu.memory_space<hbm>> -> memref<80xi32, #tpu.memory_space<hbm>>
        %dma_wait3A_190 = tpu.memref_slice %arg4[%add3A_99] : memref<320000xi32, #tpu.memory_space<hbm>> -> memref<80xi32, #tpu.memory_space<hbm>>
        tpu.wait_dma2 semaphore(%run_scoped3A : memref<!tpu.dma_semaphore, #tpu.memory_space<semaphore_mem>>) src(%dma_wait3A_190 : memref<80xi32, #tpu.memory_space<hbm>>) dst(%arg8 : memref<80xi32, #tpu.memory_space<vmem>>)
        tpu.yield
      }) : () -> ()
      %get3A = arith.constant 0 : index
      %get3A_100 = tpu.vector_load %arg8[%get3A] {strides = array<i32>} : memref<80xi32, #tpu.memory_space<vmem>>, vector<16xi32>,
      %get3A_101 = vector.shape_cast %get3A_100 : vector<16xi32> to vector<16xi32>
      %ge3A = arith.constant 12512 : i32
      %ge3A_102 = vector.broadcast %ge3A : i32 to vector<16xi32>
      %ge3A_103 = arith.cmpi sge, %get3A_101, %ge3A_102 : vector<16xi32>
      %lt3A = arith.constant 25024 : i32
      %lt3A_104 = vector.broadcast %lt3A : i32 to vector<16xi32>
      %lt3A_105 = arith.cmpi slt, %get3A_101, %lt3A_104 : vector<16xi32>
      %and3A = arith.andi %ge3A_103, %lt3A_105 : vector<16xi1>
      %sub3A = arith.constant 12512 : i32
      %sub3A_106 = vector.broadcast %sub3A : i32 to vector<16xi32>
      %sub3A_107 = arith.subi %get3A_101, %sub3A_106 : vector<16xi32>
      %select_n3A = arith.select %and3A, %sub3A_107, %add3A_33 : vector<16xi1>, vector<16xi32>
      %swap3A = arith.constant 0 : index
      %swap3A_108 = tpu.vector_load %arg8[%swap3A] {strides = array<i32>} : memref<80xi32, #tpu.memory_space<vmem>>, vector<16xi32>,
      %swap3A_109 = vector.shape_cast %swap3A_108 : vector<16xi32> to vector<16xi32>
      %swap3A_110 = vector.shape_cast %select_n3A : vector<16xi32> to vector<16xi32>
      tpu.vector_store %arg8[%swap3A], %swap3A_110 {strides = array<i32>} : memref<80xi32, #tpu.memory_space<vmem>>, vector<16xi32>,
      %get3A_111 = arith.constant 16 : index
      %get3A_112 = tpu.vector_load %arg8[%get3A_111] {strides = array<i32>} : memref<80xi32, #tpu.memory_space<vmem>>, vector<16xi32>,
      %get3A_113 = vector.shape_cast %get3A_112 : vector<16xi32> to vector<16xi32>
      %ge3A_114 = arith.constant 12512 : i32
      %ge3A_115 = vector.broadcast %ge3A_114 : i32 to vector<16xi32>
      %ge3A_116 = arith.cmpi sge, %get3A_113, %ge3A_115 : vector<16xi32>
      %lt3A_117 = arith.constant 25024 : i32
      %lt3A_118 = vector.broadcast %lt3A_117 : i32 to vector<16xi32>
      %lt3A_119 = arith.cmpi slt, %get3A_113, %lt3A_118 : vector<16xi32>
      %and3A_120 = arith.andi %ge3A_116, %lt3A_119 : vector<16xi1>
      %sub3A_121 = arith.constant 12512 : i32
      %sub3A_122 = vector.broadcast %sub3A_121 : i32 to vector<16xi32>
      %sub3A_123 = arith.subi %get3A_113, %sub3A_122 : vector<16xi32>
      %select_n3A_124 = arith.select %and3A_120, %sub3A_123, %add3A_33 : vector<16xi1>, vector<16xi32>
      %swap3A_125 = arith.constant 16 : index
      %swap3A_126 = tpu.vector_load %arg8[%swap3A_125] {strides = array<i32>} : memref<80xi32, #tpu.memory_space<vmem>>, vector<16xi32>,
      %swap3A_127 = vector.shape_cast %swap3A_126 : vector<16xi32> to vector<16xi32>
      %swap3A_128 = vector.shape_cast %select_n3A_124 : vector<16xi32> to vector<16xi32>
      tpu.vector_store %arg8[%swap3A_125], %swap3A_128 {strides = array<i32>} : memref<80xi32, #tpu.memory_space<vmem>>, vector<16xi32>,
      %get3A_129 = arith.constant 32 : index
      %get3A_130 = tpu.vector_load %arg8[%get3A_129] {strides = array<i32>} : memref<80xi32, #tpu.memory_space<vmem>>, vector<16xi32>,
      %get3A_131 = vector.shape_cast %get3A_130 : vector<16xi32> to vector<16xi32>
      %ge3A_132 = arith.constant 12512 : i32
      %ge3A_133 = vector.broadcast %ge3A_132 : i32 to vector<16xi32>
      %ge3A_134 = arith.cmpi sge, %get3A_131, %ge3A_133 : vector<16xi32>
      %lt3A_135 = arith.constant 25024 : i32
      %lt3A_136 = vector.broadcast %lt3A_135 : i32 to vector<16xi32>
      %lt3A_137 = arith.cmpi slt, %get3A_131, %lt3A_136 : vector<16xi32>
      %and3A_138 = arith.andi %ge3A_134, %lt3A_137 : vector<16xi1>
      %sub3A_139 = arith.constant 12512 : i32
      %sub3A_140 = vector.broadcast %sub3A_139 : i32 to vector<16xi32>
      %sub3A_141 = arith.subi %get3A_131, %sub3A_140 : vector<16xi32>
      %select_n3A_142 = arith.select %and3A_138, %sub3A_141, %add3A_33 : vector<16xi1>, vector<16xi32>
      %swap3A_143 = arith.constant 32 : index
      %swap3A_144 = tpu.vector_load %arg8[%swap3A_143] {strides = array<i32>} : memref<80xi32, #tpu.memory_space<vmem>>, vector<16xi32>,
      %swap3A_145 = vector.shape_cast %swap3A_144 : vector<16xi32> to vector<16xi32>
      %swap3A_146 = vector.shape_cast %select_n3A_142 : vector<16xi32> to vector<16xi32>
      tpu.vector_store %arg8[%swap3A_143], %swap3A_146 {strides = array<i32>} : memref<80xi32, #tpu.memory_space<vmem>>, vector<16xi32>,
      %get3A_147 = arith.constant 48 : index
      %get3A_148 = tpu.vector_load %arg8[%get3A_147] {strides = array<i32>} : memref<80xi32, #tpu.memory_space<vmem>>, vector<16xi32>,
      %get3A_149 = vector.shape_cast %get3A_148 : vector<16xi32> to vector<16xi32>
      %ge3A_150 = arith.constant 12512 : i32
      %ge3A_151 = vector.broadcast %ge3A_150 : i32 to vector<16xi32>
      %ge3A_152 = arith.cmpi sge, %get3A_149, %ge3A_151 : vector<16xi32>
      %lt3A_153 = arith.constant 25024 : i32
      %lt3A_154 = vector.broadcast %lt3A_153 : i32 to vector<16xi32>
      %lt3A_155 = arith.cmpi slt, %get3A_149, %lt3A_154 : vector<16xi32>
      %and3A_156 = arith.andi %ge3A_152, %lt3A_155 : vector<16xi1>
      %sub3A_157 = arith.constant 12512 : i32
      %sub3A_158 = vector.broadcast %sub3A_157 : i32 to vector<16xi32>
      %sub3A_159 = arith.subi %get3A_149, %sub3A_158 : vector<16xi32>
      %select_n3A_160 = arith.select %and3A_156, %sub3A_159, %add3A_33 : vector<16xi1>, vector<16xi32>
      %swap3A_161 = arith.constant 48 : index
      %swap3A_162 = tpu.vector_load %arg8[%swap3A_161] {strides = array<i32>} : memref<80xi32, #tpu.memory_space<vmem>>, vector<16xi32>,
      %swap3A_163 = vector.shape_cast %swap3A_162 : vector<16xi32> to vector<16xi32>
      %swap3A_164 = vector.shape_cast %select_n3A_160 : vector<16xi32> to vector<16xi32>
      tpu.vector_store %arg8[%swap3A_161], %swap3A_164 {strides = array<i32>} : memref<80xi32, #tpu.memory_space<vmem>>, vector<16xi32>,
      %get3A_165 = arith.constant 64 : index
      %get3A_166 = tpu.vector_load %arg8[%get3A_165] {strides = array<i32>} : memref<80xi32, #tpu.memory_space<vmem>>, vector<16xi32>,
      %get3A_167 = vector.shape_cast %get3A_166 : vector<16xi32> to vector<16xi32>
      %ge3A_168 = arith.constant 12512 : i32
      %ge3A_169 = vector.broadcast %ge3A_168 : i32 to vector<16xi32>
      %ge3A_170 = arith.cmpi sge, %get3A_167, %ge3A_169 : vector<16xi32>
      %lt3A_171 = arith.constant 25024 : i32
      %lt3A_172 = vector.broadcast %lt3A_171 : i32 to vector<16xi32>
      %lt3A_173 = arith.cmpi slt, %get3A_167, %lt3A_172 : vector<16xi32>
      %and3A_174 = arith.andi %ge3A_170, %lt3A_173 : vector<16xi1>
      %sub3A_175 = arith.constant 12512 : i32
      %sub3A_176 = vector.broadcast %sub3A_175 : i32 to vector<16xi32>
      %sub3A_177 = arith.subi %get3A_167, %sub3A_176 : vector<16xi32>
      %select_n3A_178 = arith.select %and3A_174, %sub3A_177, %add3A_33 : vector<16xi1>, vector<16xi32>
      %swap3A_179 = arith.constant 64 : index
      %swap3A_180 = tpu.vector_load %arg8[%swap3A_179] {strides = array<i32>} : memref<80xi32, #tpu.memory_space<vmem>>, vector<16xi32>,
      %swap3A_181 = vector.shape_cast %swap3A_180 : vector<16xi32> to vector<16xi32>
      %swap3A_182 = vector.shape_cast %select_n3A_178 : vector<16xi32> to vector<16xi32>
      tpu.vector_store %arg8[%swap3A_179], %swap3A_182 {strides = array<i32>} : memref<80xi32, #tpu.memory_space<vmem>>, vector<16xi32>,
      %dma_start3A = arith.constant 0 : i32
      %dma_start3A_183 = arith.constant 0 : i32
      %dma_start3A_184 = tpu.memref_slice %arg2[%dma_start3A, %dma_start3A_183] : memref<10000x128xf32, #tpu.memory_space<hbm>> -> memref<10000x128xf32, #tpu.memory_space<hbm>>
      tpu.enqueue_indirect_dma source(%dma_start3A_184 : memref<10000x128xf32, #tpu.memory_space<hbm>>) target(%arg9 : memref<80x128xf32, #tpu.memory_space<vmem>>) offsets(%arg7 : memref<80xi32, #tpu.memory_space<vmem>>) semaphore(%arg11 : memref<!tpu.dma_semaphore, #tpu.memory_space<semaphore_mem>>)
      %dma_wait3A = arith.constant 0 : i32
      %dma_wait3A_185 = arith.constant 0 : i32
      %dma_wait3A_186 = tpu.memref_slice %arg2[%dma_wait3A, %dma_wait3A_185] : memref<10000x128xf32, #tpu.memory_space<hbm>> -> memref<10000x128xf32, #tpu.memory_space<hbm>>
      tpu.wait_indirect_dma semaphore(%arg11 : memref<!tpu.dma_semaphore, #tpu.memory_space<semaphore_mem>>) src(%dma_wait3A_186 : memref<10000x128xf32, #tpu.memory_space<hbm>>) dst(%arg9 : memref<80x128xf32, #tpu.memory_space<vmem>>)
      "tpu.region"() ({
        %run_scoped3A = tpu.sem_alloc : memref<!tpu.dma_semaphore, #tpu.memory_space<semaphore_mem>>
        %dma_start3A_187 = arith.constant 0 : i32
        %dma_start3A_188 = arith.constant 0 : i32
        %dma_start3A_189 = tpu.memref_slice %arg10[%dma_start3A_187, %dma_start3A_188] : memref<12784x128xf32, #tpu.memory_space<vmem_shared>> -> memref<12784x128xf32, #tpu.memory_space<vmem_shared>>
        tpu.enqueue_indirect_dma source(%arg9 : memref<80x128xf32, #tpu.memory_space<vmem>>) target(%dma_start3A_189 : memref<12784x128xf32, #tpu.memory_space<vmem_shared>>) offsets(%arg8 : memref<80xi32, #tpu.memory_space<vmem>>) semaphore(%run_scoped3A : memref<!tpu.dma_semaphore, #tpu.memory_space<semaphore_mem>>) {add = true}
        %dma_wait3A_190 = arith.constant 0 : i32
        %dma_wait3A_191 = arith.constant 0 : i32
        %dma_wait3A_192 = tpu.memref_slice %arg10[%dma_wait3A_190, %dma_wait3A_191] : memref<12784x128xf32, #tpu.memory_space<vmem_shared>> -> memref<12784x128xf32, #tpu.memory_space<vmem_shared>>
        tpu.wait_indirect_dma semaphore(%run_scoped3A : memref<!tpu.dma_semaphore, #tpu.memory_space<semaphore_mem>>) src(%arg9 : memref<80x128xf32, #tpu.memory_space<vmem>>) dst(%dma_wait3A_192 : memref<12784x128xf32, #tpu.memory_space<vmem_shared>>)
        tpu.yield
      }) : () -> ()
    }
    %scan3A_39 = arith.constant 125 : i32
    %barrier3A_40 = arith.constant 0 : index
    tpu.barrier barrier_id(%barrier3A_40)
    %mul3A_41 = arith.constant 782 : i32
    %mul3A_42 = arith.muli %arg1, %mul3A_41 : i32
    %mul3A_43 = arith.constant 782 : i32
    %mul3A_44 = arith.muli %arg1, %mul3A_43 : i32
    %add3A_45 = arith.constant 12512 : i32
    %add3A_46 = arith.addi %add3A_45, %mul3A_44 : i32
    "tpu.region"() ({
      %run_scoped3A = tpu.sem_alloc : memref<!tpu.dma_semaphore, #tpu.memory_space<semaphore_mem>>
      %dma_start3A = arith.constant 0 : i32
      %dma_start3A_96 = tpu.memref_slice %arg6[%arg0, %add3A_46, %dma_start3A] : memref<2x50000x128xf32, #tpu.memory_space<hbm>> -> memref<1x782x128xf32, #tpu.memory_space<hbm>>
      %dma_start3A_97 = tpu.memref_squeeze %dma_start3A_96 : memref<1x782x128xf32, #tpu.memory_space<hbm>> -> memref<782x128xf32, #tpu.memory_space<hbm>>
      %dma_start3A_98 = arith.constant 0 : i32
      %dma_start3A_99 = tpu.memref_slice %arg10[%mul3A_42, %dma_start3A_98] : memref<12784x128xf32, #tpu.memory_space<vmem_shared>> -> memref<782x128xf32, #tpu.memory_space<vmem_shared>>
      tpu.enqueue_dma source(%dma_start3A_99 : memref<782x128xf32, #tpu.memory_space<vmem_shared>>) target(%dma_start3A_97 : memref<782x128xf32, #tpu.memory_space<hbm>>) target_semaphore(%run_scoped3A : memref<!tpu.dma_semaphore, #tpu.memory_space<semaphore_mem>>)
      %dma_wait3A = arith.constant 0 : i32
      %dma_wait3A_100 = tpu.memref_slice %arg6[%arg0, %add3A_46, %dma_wait3A] : memref<2x50000x128xf32, #tpu.memory_space<hbm>> -> memref<1x782x128xf32, #tpu.memory_space<hbm>>
      %dma_wait3A_101 = tpu.memref_squeeze %dma_wait3A_100 : memref<1x782x128xf32, #tpu.memory_space<hbm>> -> memref<782x128xf32, #tpu.memory_space<hbm>>
      %dma_wait3A_102 = arith.constant 0 : i32
      %dma_wait3A_103 = tpu.memref_slice %arg10[%mul3A_42, %dma_wait3A_102] : memref<12784x128xf32, #tpu.memory_space<vmem_shared>> -> memref<782x128xf32, #tpu.memory_space<vmem_shared>>
      tpu.wait_dma2 semaphore(%run_scoped3A : memref<!tpu.dma_semaphore, #tpu.memory_space<semaphore_mem>>) src(%dma_wait3A_103 : memref<782x128xf32, #tpu.memory_space<vmem_shared>>) dst(%dma_wait3A_101 : memref<782x128xf32, #tpu.memory_space<hbm>>)
      tpu.yield
    }) : () -> ()
    %barrier3A_47 = arith.constant 0 : index
    tpu.barrier barrier_id(%barrier3A_47)
    %mul3A_48 = arith.constant 783 : i32
    %mul3A_49 = arith.muli %arg1, %mul3A_48 : i32
    "tpu.region"() ({
      %run_scoped3A = tpu.sem_alloc : memref<!tpu.dma_semaphore, #tpu.memory_space<semaphore_mem>>
      %dma_start3A = arith.constant 0 : i32
      %dma_start3A_96 = tpu.memref_slice %arg10[%mul3A_49, %dma_start3A] : memref<12784x128xf32, #tpu.memory_space<vmem_shared>> -> memref<783x128xf32, #tpu.memory_space<vmem_shared>>
      %dma_start3A_97 = arith.constant 0 : i32
      %dma_start3A_98 = arith.constant 0 : i32
      %dma_start3A_99 = tpu.memref_slice %arg5[%dma_start3A_97, %dma_start3A_98] : memref<783x128xf32, #tpu.memory_space<hbm>> -> memref<783x128xf32, #tpu.memory_space<hbm>>
      tpu.enqueue_dma source(%dma_start3A_99 : memref<783x128xf32, #tpu.memory_space<hbm>>) target(%dma_start3A_96 : memref<783x128xf32, #tpu.memory_space<vmem_shared>>) target_semaphore(%run_scoped3A : memref<!tpu.dma_semaphore, #tpu.memory_space<semaphore_mem>>)
      %dma_wait3A = arith.constant 0 : i32
      %dma_wait3A_100 = tpu.memref_slice %arg10[%mul3A_49, %dma_wait3A] : memref<12784x128xf32, #tpu.memory_space<vmem_shared>> -> memref<783x128xf32, #tpu.memory_space<vmem_shared>>
      %dma_wait3A_101 = arith.constant 0 : i32
      %dma_wait3A_102 = arith.constant 0 : i32
      %dma_wait3A_103 = tpu.memref_slice %arg5[%dma_wait3A_101, %dma_wait3A_102] : memref<783x128xf32, #tpu.memory_space<hbm>> -> memref<783x128xf32, #tpu.memory_space<hbm>>
      tpu.wait_dma2 semaphore(%run_scoped3A : memref<!tpu.dma_semaphore, #tpu.memory_space<semaphore_mem>>) src(%dma_wait3A_103 : memref<783x128xf32, #tpu.memory_space<hbm>>) dst(%dma_wait3A_100 : memref<783x128xf32, #tpu.memory_space<vmem_shared>>)
      tpu.yield
    }) : () -> ()
    %barrier3A_50 = arith.constant 0 : index
    tpu.barrier barrier_id(%barrier3A_50)
    %mul3A_51 = arith.constant 16 : i32
    %mul3A_52 = arith.muli %arg1, %mul3A_51 : i32
    %add3A_53 = arith.constant 12512 : i32
    %add3A_54 = arith.addi %add3A_53, %mul3A_52 : i32
    %iota3A_55 = tpu.iota {dimensions = array<i32: 0>} : vector<16xi32>
    %add3A_56 = vector.broadcast %add3A_54 : i32 to vector<16xi32>
    %add3A_57 = arith.addi %add3A_56, %iota3A_55 : vector<16xi32>
    %scan3A_58 = arith.constant 0 : i32
    %scan3A_59 = arith.constant 0 : i32
    %scan3A_60 = arith.constant 125 : i32
    %scan3A_61 = arith.addi %scan3A_59, %scan3A_60 : i32
    %scan3A_62 = arith.constant 1 : i32
    scf.for %scan3A_96 = %scan3A_59 to %scan3A_61 step %scan3A_62  : i32 {
      %mul3A_97 = arith.constant 80 : i32
      %mul3A_98 = arith.muli %scan3A_96, %mul3A_97 : i32
      %add3A_99 = arith.addi %mul3A_2, %mul3A_98 : i32
      "tpu.region"() ({
        %run_scoped3A = tpu.sem_alloc : memref<!tpu.dma_semaphore, #tpu.memory_space<semaphore_mem>>
        %dma_start3A_187 = tpu.memref_slice %arg3[%add3A_99] : memref<320000xi32, #tpu.memory_space<hbm>> -> memref<80xi32, #tpu.memory_space<hbm>>
        %dma_start3A_188 = tpu.memref_slice %arg3[%add3A_99] : memref<320000xi32, #tpu.memory_space<hbm>> -> memref<80xi32, #tpu.memory_space<hbm>>
        tpu.enqueue_dma source(%dma_start3A_188 : memref<80xi32, #tpu.memory_space<hbm>>) target(%arg7 : memref<80xi32, #tpu.memory_space<vmem>>) target_semaphore(%run_scoped3A : memref<!tpu.dma_semaphore, #tpu.memory_space<semaphore_mem>>)
        %dma_wait3A_189 = tpu.memref_slice %arg3[%add3A_99] : memref<320000xi32, #tpu.memory_space<hbm>> -> memref<80xi32, #tpu.memory_space<hbm>>
        %dma_wait3A_190 = tpu.memref_slice %arg3[%add3A_99] : memref<320000xi32, #tpu.memory_space<hbm>> -> memref<80xi32, #tpu.memory_space<hbm>>
        tpu.wait_dma2 semaphore(%run_scoped3A : memref<!tpu.dma_semaphore, #tpu.memory_space<semaphore_mem>>) src(%dma_wait3A_190 : memref<80xi32, #tpu.memory_space<hbm>>) dst(%arg7 : memref<80xi32, #tpu.memory_space<vmem>>)
        tpu.yield
      }) : () -> ()
      "tpu.region"() ({
        %run_scoped3A = tpu.sem_alloc : memref<!tpu.dma_semaphore, #tpu.memory_space<semaphore_mem>>
        %dma_start3A_187 = tpu.memref_slice %arg4[%add3A_99] : memref<320000xi32, #tpu.memory_space<hbm>> -> memref<80xi32, #tpu.memory_space<hbm>>
        %dma_start3A_188 = tpu.memref_slice %arg4[%add3A_99] : memref<320000xi32, #tpu.memory_space<hbm>> -> memref<80xi32, #tpu.memory_space<hbm>>
        tpu.enqueue_dma source(%dma_start3A_188 : memref<80xi32, #tpu.memory_space<hbm>>) target(%arg8 : memref<80xi32, #tpu.memory_space<vmem>>) target_semaphore(%run_scoped3A : memref<!tpu.dma_semaphore, #tpu.memory_space<semaphore_mem>>)
        %dma_wait3A_189 = tpu.memref_slice %arg4[%add3A_99] : memref<320000xi32, #tpu.memory_space<hbm>> -> memref<80xi32, #tpu.memory_space<hbm>>
        %dma_wait3A_190 = tpu.memref_slice %arg4[%add3A_99] : memref<320000xi32, #tpu.memory_space<hbm>> -> memref<80xi32, #tpu.memory_space<hbm>>
        tpu.wait_dma2 semaphore(%run_scoped3A : memref<!tpu.dma_semaphore, #tpu.memory_space<semaphore_mem>>) src(%dma_wait3A_190 : memref<80xi32, #tpu.memory_space<hbm>>) dst(%arg8 : memref<80xi32, #tpu.memory_space<vmem>>)
        tpu.yield
      }) : () -> ()
      %get3A = arith.constant 0 : index
      %get3A_100 = tpu.vector_load %arg8[%get3A] {strides = array<i32>} : memref<80xi32, #tpu.memory_space<vmem>>, vector<16xi32>,
      %get3A_101 = vector.shape_cast %get3A_100 : vector<16xi32> to vector<16xi32>
      %ge3A = arith.constant 25024 : i32
      %ge3A_102 = vector.broadcast %ge3A : i32 to vector<16xi32>
      %ge3A_103 = arith.cmpi sge, %get3A_101, %ge3A_102 : vector<16xi32>
      %lt3A = arith.constant 37536 : i32
      %lt3A_104 = vector.broadcast %lt3A : i32 to vector<16xi32>
      %lt3A_105 = arith.cmpi slt, %get3A_101, %lt3A_104 : vector<16xi32>
      %and3A = arith.andi %ge3A_103, %lt3A_105 : vector<16xi1>
      %sub3A = arith.constant 25024 : i32
      %sub3A_106 = vector.broadcast %sub3A : i32 to vector<16xi32>
      %sub3A_107 = arith.subi %get3A_101, %sub3A_106 : vector<16xi32>
      %select_n3A = arith.select %and3A, %sub3A_107, %add3A_57 : vector<16xi1>, vector<16xi32>
      %swap3A = arith.constant 0 : index
      %swap3A_108 = tpu.vector_load %arg8[%swap3A] {strides = array<i32>} : memref<80xi32, #tpu.memory_space<vmem>>, vector<16xi32>,
      %swap3A_109 = vector.shape_cast %swap3A_108 : vector<16xi32> to vector<16xi32>
      %swap3A_110 = vector.shape_cast %select_n3A : vector<16xi32> to vector<16xi32>
      tpu.vector_store %arg8[%swap3A], %swap3A_110 {strides = array<i32>} : memref<80xi32, #tpu.memory_space<vmem>>, vector<16xi32>,
      %get3A_111 = arith.constant 16 : index
      %get3A_112 = tpu.vector_load %arg8[%get3A_111] {strides = array<i32>} : memref<80xi32, #tpu.memory_space<vmem>>, vector<16xi32>,
      %get3A_113 = vector.shape_cast %get3A_112 : vector<16xi32> to vector<16xi32>
      %ge3A_114 = arith.constant 25024 : i32
      %ge3A_115 = vector.broadcast %ge3A_114 : i32 to vector<16xi32>
      %ge3A_116 = arith.cmpi sge, %get3A_113, %ge3A_115 : vector<16xi32>
      %lt3A_117 = arith.constant 37536 : i32
      %lt3A_118 = vector.broadcast %lt3A_117 : i32 to vector<16xi32>
      %lt3A_119 = arith.cmpi slt, %get3A_113, %lt3A_118 : vector<16xi32>
      %and3A_120 = arith.andi %ge3A_116, %lt3A_119 : vector<16xi1>
      %sub3A_121 = arith.constant 25024 : i32
      %sub3A_122 = vector.broadcast %sub3A_121 : i32 to vector<16xi32>
      %sub3A_123 = arith.subi %get3A_113, %sub3A_122 : vector<16xi32>
      %select_n3A_124 = arith.select %and3A_120, %sub3A_123, %add3A_57 : vector<16xi1>, vector<16xi32>
      %swap3A_125 = arith.constant 16 : index
      %swap3A_126 = tpu.vector_load %arg8[%swap3A_125] {strides = array<i32>} : memref<80xi32, #tpu.memory_space<vmem>>, vector<16xi32>,
      %swap3A_127 = vector.shape_cast %swap3A_126 : vector<16xi32> to vector<16xi32>
      %swap3A_128 = vector.shape_cast %select_n3A_124 : vector<16xi32> to vector<16xi32>
      tpu.vector_store %arg8[%swap3A_125], %swap3A_128 {strides = array<i32>} : memref<80xi32, #tpu.memory_space<vmem>>, vector<16xi32>,
      %get3A_129 = arith.constant 32 : index
      %get3A_130 = tpu.vector_load %arg8[%get3A_129] {strides = array<i32>} : memref<80xi32, #tpu.memory_space<vmem>>, vector<16xi32>,
      %get3A_131 = vector.shape_cast %get3A_130 : vector<16xi32> to vector<16xi32>
      %ge3A_132 = arith.constant 25024 : i32
      %ge3A_133 = vector.broadcast %ge3A_132 : i32 to vector<16xi32>
      %ge3A_134 = arith.cmpi sge, %get3A_131, %ge3A_133 : vector<16xi32>
      %lt3A_135 = arith.constant 37536 : i32
      %lt3A_136 = vector.broadcast %lt3A_135 : i32 to vector<16xi32>
      %lt3A_137 = arith.cmpi slt, %get3A_131, %lt3A_136 : vector<16xi32>
      %and3A_138 = arith.andi %ge3A_134, %lt3A_137 : vector<16xi1>
      %sub3A_139 = arith.constant 25024 : i32
      %sub3A_140 = vector.broadcast %sub3A_139 : i32 to vector<16xi32>
      %sub3A_141 = arith.subi %get3A_131, %sub3A_140 : vector<16xi32>
      %select_n3A_142 = arith.select %and3A_138, %sub3A_141, %add3A_57 : vector<16xi1>, vector<16xi32>
      %swap3A_143 = arith.constant 32 : index
      %swap3A_144 = tpu.vector_load %arg8[%swap3A_143] {strides = array<i32>} : memref<80xi32, #tpu.memory_space<vmem>>, vector<16xi32>,
      %swap3A_145 = vector.shape_cast %swap3A_144 : vector<16xi32> to vector<16xi32>
      %swap3A_146 = vector.shape_cast %select_n3A_142 : vector<16xi32> to vector<16xi32>
      tpu.vector_store %arg8[%swap3A_143], %swap3A_146 {strides = array<i32>} : memref<80xi32, #tpu.memory_space<vmem>>, vector<16xi32>,
      %get3A_147 = arith.constant 48 : index
      %get3A_148 = tpu.vector_load %arg8[%get3A_147] {strides = array<i32>} : memref<80xi32, #tpu.memory_space<vmem>>, vector<16xi32>,
      %get3A_149 = vector.shape_cast %get3A_148 : vector<16xi32> to vector<16xi32>
      %ge3A_150 = arith.constant 25024 : i32
      %ge3A_151 = vector.broadcast %ge3A_150 : i32 to vector<16xi32>
      %ge3A_152 = arith.cmpi sge, %get3A_149, %ge3A_151 : vector<16xi32>
      %lt3A_153 = arith.constant 37536 : i32
      %lt3A_154 = vector.broadcast %lt3A_153 : i32 to vector<16xi32>
      %lt3A_155 = arith.cmpi slt, %get3A_149, %lt3A_154 : vector<16xi32>
      %and3A_156 = arith.andi %ge3A_152, %lt3A_155 : vector<16xi1>
      %sub3A_157 = arith.constant 25024 : i32
      %sub3A_158 = vector.broadcast %sub3A_157 : i32 to vector<16xi32>
      %sub3A_159 = arith.subi %get3A_149, %sub3A_158 : vector<16xi32>
      %select_n3A_160 = arith.select %and3A_156, %sub3A_159, %add3A_57 : vector<16xi1>, vector<16xi32>
      %swap3A_161 = arith.constant 48 : index
      %swap3A_162 = tpu.vector_load %arg8[%swap3A_161] {strides = array<i32>} : memref<80xi32, #tpu.memory_space<vmem>>, vector<16xi32>,
      %swap3A_163 = vector.shape_cast %swap3A_162 : vector<16xi32> to vector<16xi32>
      %swap3A_164 = vector.shape_cast %select_n3A_160 : vector<16xi32> to vector<16xi32>
      tpu.vector_store %arg8[%swap3A_161], %swap3A_164 {strides = array<i32>} : memref<80xi32, #tpu.memory_space<vmem>>, vector<16xi32>,
      %get3A_165 = arith.constant 64 : index
      %get3A_166 = tpu.vector_load %arg8[%get3A_165] {strides = array<i32>} : memref<80xi32, #tpu.memory_space<vmem>>, vector<16xi32>,
      %get3A_167 = vector.shape_cast %get3A_166 : vector<16xi32> to vector<16xi32>
      %ge3A_168 = arith.constant 25024 : i32
      %ge3A_169 = vector.broadcast %ge3A_168 : i32 to vector<16xi32>
      %ge3A_170 = arith.cmpi sge, %get3A_167, %ge3A_169 : vector<16xi32>
      %lt3A_171 = arith.constant 37536 : i32
      %lt3A_172 = vector.broadcast %lt3A_171 : i32 to vector<16xi32>
      %lt3A_173 = arith.cmpi slt, %get3A_167, %lt3A_172 : vector<16xi32>
      %and3A_174 = arith.andi %ge3A_170, %lt3A_173 : vector<16xi1>
      %sub3A_175 = arith.constant 25024 : i32
      %sub3A_176 = vector.broadcast %sub3A_175 : i32 to vector<16xi32>
      %sub3A_177 = arith.subi %get3A_167, %sub3A_176 : vector<16xi32>
      %select_n3A_178 = arith.select %and3A_174, %sub3A_177, %add3A_57 : vector<16xi1>, vector<16xi32>
      %swap3A_179 = arith.constant 64 : index
      %swap3A_180 = tpu.vector_load %arg8[%swap3A_179] {strides = array<i32>} : memref<80xi32, #tpu.memory_space<vmem>>, vector<16xi32>,
      %swap3A_181 = vector.shape_cast %swap3A_180 : vector<16xi32> to vector<16xi32>
      %swap3A_182 = vector.shape_cast %select_n3A_178 : vector<16xi32> to vector<16xi32>
      tpu.vector_store %arg8[%swap3A_179], %swap3A_182 {strides = array<i32>} : memref<80xi32, #tpu.memory_space<vmem>>, vector<16xi32>,
      %dma_start3A = arith.constant 0 : i32
      %dma_start3A_183 = arith.constant 0 : i32
      %dma_start3A_184 = tpu.memref_slice %arg2[%dma_start3A, %dma_start3A_183] : memref<10000x128xf32, #tpu.memory_space<hbm>> -> memref<10000x128xf32, #tpu.memory_space<hbm>>
      tpu.enqueue_indirect_dma source(%dma_start3A_184 : memref<10000x128xf32, #tpu.memory_space<hbm>>) target(%arg9 : memref<80x128xf32, #tpu.memory_space<vmem>>) offsets(%arg7 : memref<80xi32, #tpu.memory_space<vmem>>) semaphore(%arg11 : memref<!tpu.dma_semaphore, #tpu.memory_space<semaphore_mem>>)
      %dma_wait3A = arith.constant 0 : i32
      %dma_wait3A_185 = arith.constant 0 : i32
      %dma_wait3A_186 = tpu.memref_slice %arg2[%dma_wait3A, %dma_wait3A_185] : memref<10000x128xf32, #tpu.memory_space<hbm>> -> memref<10000x128xf32, #tpu.memory_space<hbm>>
      tpu.wait_indirect_dma semaphore(%arg11 : memref<!tpu.dma_semaphore, #tpu.memory_space<semaphore_mem>>) src(%dma_wait3A_186 : memref<10000x128xf32, #tpu.memory_space<hbm>>) dst(%arg9 : memref<80x128xf32, #tpu.memory_space<vmem>>)
      "tpu.region"() ({
        %run_scoped3A = tpu.sem_alloc : memref<!tpu.dma_semaphore, #tpu.memory_space<semaphore_mem>>
        %dma_start3A_187 = arith.constant 0 : i32
        %dma_start3A_188 = arith.constant 0 : i32
        %dma_start3A_189 = tpu.memref_slice %arg10[%dma_start3A_187, %dma_start3A_188] : memref<12784x128xf32, #tpu.memory_space<vmem_shared>> -> memref<12784x128xf32, #tpu.memory_space<vmem_shared>>
        tpu.enqueue_indirect_dma source(%arg9 : memref<80x128xf32, #tpu.memory_space<vmem>>) target(%dma_start3A_189 : memref<12784x128xf32, #tpu.memory_space<vmem_shared>>) offsets(%arg8 : memref<80xi32, #tpu.memory_space<vmem>>) semaphore(%run_scoped3A : memref<!tpu.dma_semaphore, #tpu.memory_space<semaphore_mem>>) {add = true}
        %dma_wait3A_190 = arith.constant 0 : i32
        %dma_wait3A_191 = arith.constant 0 : i32
        %dma_wait3A_192 = tpu.memref_slice %arg10[%dma_wait3A_190, %dma_wait3A_191] : memref<12784x128xf32, #tpu.memory_space<vmem_shared>> -> memref<12784x128xf32, #tpu.memory_space<vmem_shared>>
        tpu.wait_indirect_dma semaphore(%run_scoped3A : memref<!tpu.dma_semaphore, #tpu.memory_space<semaphore_mem>>) src(%arg9 : memref<80x128xf32, #tpu.memory_space<vmem>>) dst(%dma_wait3A_192 : memref<12784x128xf32, #tpu.memory_space<vmem_shared>>)
        tpu.yield
      }) : () -> ()
    }
    %scan3A_63 = arith.constant 125 : i32
    %barrier3A_64 = arith.constant 0 : index
    tpu.barrier barrier_id(%barrier3A_64)
    %mul3A_65 = arith.constant 782 : i32
    %mul3A_66 = arith.muli %arg1, %mul3A_65 : i32
    %mul3A_67 = arith.constant 782 : i32
    %mul3A_68 = arith.muli %arg1, %mul3A_67 : i32
    %add3A_69 = arith.constant 25024 : i32
    %add3A_70 = arith.addi %add3A_69, %mul3A_68 : i32
    "tpu.region"() ({
      %run_scoped3A = tpu.sem_alloc : memref<!tpu.dma_semaphore, #tpu.memory_space<semaphore_mem>>
      %dma_start3A = arith.constant 0 : i32
      %dma_start3A_96 = tpu.memref_slice %arg6[%arg0, %add3A_70, %dma_start3A] : memref<2x50000x128xf32, #tpu.memory_space<hbm>> -> memref<1x782x128xf32, #tpu.memory_space<hbm>>
      %dma_start3A_97 = tpu.memref_squeeze %dma_start3A_96 : memref<1x782x128xf32, #tpu.memory_space<hbm>> -> memref<782x128xf32, #tpu.memory_space<hbm>>
      %dma_start3A_98 = arith.constant 0 : i32
      %dma_start3A_99 = tpu.memref_slice %arg10[%mul3A_66, %dma_start3A_98] : memref<12784x128xf32, #tpu.memory_space<vmem_shared>> -> memref<782x128xf32, #tpu.memory_space<vmem_shared>>
      tpu.enqueue_dma source(%dma_start3A_99 : memref<782x128xf32, #tpu.memory_space<vmem_shared>>) target(%dma_start3A_97 : memref<782x128xf32, #tpu.memory_space<hbm>>) target_semaphore(%run_scoped3A : memref<!tpu.dma_semaphore, #tpu.memory_space<semaphore_mem>>)
      %dma_wait3A = arith.constant 0 : i32
      %dma_wait3A_100 = tpu.memref_slice %arg6[%arg0, %add3A_70, %dma_wait3A] : memref<2x50000x128xf32, #tpu.memory_space<hbm>> -> memref<1x782x128xf32, #tpu.memory_space<hbm>>
      %dma_wait3A_101 = tpu.memref_squeeze %dma_wait3A_100 : memref<1x782x128xf32, #tpu.memory_space<hbm>> -> memref<782x128xf32, #tpu.memory_space<hbm>>
      %dma_wait3A_102 = arith.constant 0 : i32
      %dma_wait3A_103 = tpu.memref_slice %arg10[%mul3A_66, %dma_wait3A_102] : memref<12784x128xf32, #tpu.memory_space<vmem_shared>> -> memref<782x128xf32, #tpu.memory_space<vmem_shared>>
      tpu.wait_dma2 semaphore(%run_scoped3A : memref<!tpu.dma_semaphore, #tpu.memory_space<semaphore_mem>>) src(%dma_wait3A_103 : memref<782x128xf32, #tpu.memory_space<vmem_shared>>) dst(%dma_wait3A_101 : memref<782x128xf32, #tpu.memory_space<hbm>>)
      tpu.yield
    }) : () -> ()
    %barrier3A_71 = arith.constant 0 : index
    tpu.barrier barrier_id(%barrier3A_71)
    %mul3A_72 = arith.constant 780 : i32
    %mul3A_73 = arith.muli %arg1, %mul3A_72 : i32
    "tpu.region"() ({
      %run_scoped3A = tpu.sem_alloc : memref<!tpu.dma_semaphore, #tpu.memory_space<semaphore_mem>>
      %dma_start3A = arith.constant 0 : i32
      %dma_start3A_96 = tpu.memref_slice %arg10[%mul3A_73, %dma_start3A] : memref<12784x128xf32, #tpu.memory_space<vmem_shared>> -> memref<780x128xf32, #tpu.memory_space<vmem_shared>>
      %dma_start3A_97 = arith.constant 0 : i32
      %dma_start3A_98 = arith.constant 0 : i32
      %dma_start3A_99 = tpu.memref_slice %arg5[%dma_start3A_97, %dma_start3A_98] : memref<783x128xf32, #tpu.memory_space<hbm>> -> memref<780x128xf32, #tpu.memory_space<hbm>>
      tpu.enqueue_dma source(%dma_start3A_99 : memref<780x128xf32, #tpu.memory_space<hbm>>) target(%dma_start3A_96 : memref<780x128xf32, #tpu.memory_space<vmem_shared>>) target_semaphore(%run_scoped3A : memref<!tpu.dma_semaphore, #tpu.memory_space<semaphore_mem>>)
      %dma_wait3A = arith.constant 0 : i32
      %dma_wait3A_100 = tpu.memref_slice %arg10[%mul3A_73, %dma_wait3A] : memref<12784x128xf32, #tpu.memory_space<vmem_shared>> -> memref<780x128xf32, #tpu.memory_space<vmem_shared>>
      %dma_wait3A_101 = arith.constant 0 : i32
      %dma_wait3A_102 = arith.constant 0 : i32
      %dma_wait3A_103 = tpu.memref_slice %arg5[%dma_wait3A_101, %dma_wait3A_102] : memref<783x128xf32, #tpu.memory_space<hbm>> -> memref<780x128xf32, #tpu.memory_space<hbm>>
      tpu.wait_dma2 semaphore(%run_scoped3A : memref<!tpu.dma_semaphore, #tpu.memory_space<semaphore_mem>>) src(%dma_wait3A_103 : memref<780x128xf32, #tpu.memory_space<hbm>>) dst(%dma_wait3A_100 : memref<780x128xf32, #tpu.memory_space<vmem_shared>>)
      tpu.yield
    }) : () -> ()
    %barrier3A_74 = arith.constant 0 : index
    tpu.barrier barrier_id(%barrier3A_74)
    %mul3A_75 = arith.constant 16 : i32
    %mul3A_76 = arith.muli %arg1, %mul3A_75 : i32
    %add3A_77 = arith.constant 12464 : i32
    %add3A_78 = arith.addi %add3A_77, %mul3A_76 : i32
    %iota3A_79 = tpu.iota {dimensions = array<i32: 0>} : vector<16xi32>
    %add3A_80 = vector.broadcast %add3A_78 : i32 to vector<16xi32>
    %add3A_81 = arith.addi %add3A_80, %iota3A_79 : vector<16xi32>
    %scan3A_82 = arith.constant 0 : i32
    %scan3A_83 = arith.constant 0 : i32
    %scan3A_84 = arith.constant 125 : i32
    %scan3A_85 = arith.addi %scan3A_83, %scan3A_84 : i32
    %scan3A_86 = arith.constant 1 : i32
    scf.for %scan3A_96 = %scan3A_83 to %scan3A_85 step %scan3A_86  : i32 {
      %mul3A_97 = arith.constant 80 : i32
      %mul3A_98 = arith.muli %scan3A_96, %mul3A_97 : i32
      %add3A_99 = arith.addi %mul3A_2, %mul3A_98 : i32
      "tpu.region"() ({
        %run_scoped3A = tpu.sem_alloc : memref<!tpu.dma_semaphore, #tpu.memory_space<semaphore_mem>>
        %dma_start3A_187 = tpu.memref_slice %arg3[%add3A_99] : memref<320000xi32, #tpu.memory_space<hbm>> -> memref<80xi32, #tpu.memory_space<hbm>>
        %dma_start3A_188 = tpu.memref_slice %arg3[%add3A_99] : memref<320000xi32, #tpu.memory_space<hbm>> -> memref<80xi32, #tpu.memory_space<hbm>>
        tpu.enqueue_dma source(%dma_start3A_188 : memref<80xi32, #tpu.memory_space<hbm>>) target(%arg7 : memref<80xi32, #tpu.memory_space<vmem>>) target_semaphore(%run_scoped3A : memref<!tpu.dma_semaphore, #tpu.memory_space<semaphore_mem>>)
        %dma_wait3A_189 = tpu.memref_slice %arg3[%add3A_99] : memref<320000xi32, #tpu.memory_space<hbm>> -> memref<80xi32, #tpu.memory_space<hbm>>
        %dma_wait3A_190 = tpu.memref_slice %arg3[%add3A_99] : memref<320000xi32, #tpu.memory_space<hbm>> -> memref<80xi32, #tpu.memory_space<hbm>>
        tpu.wait_dma2 semaphore(%run_scoped3A : memref<!tpu.dma_semaphore, #tpu.memory_space<semaphore_mem>>) src(%dma_wait3A_190 : memref<80xi32, #tpu.memory_space<hbm>>) dst(%arg7 : memref<80xi32, #tpu.memory_space<vmem>>)
        tpu.yield
      }) : () -> ()
      "tpu.region"() ({
        %run_scoped3A = tpu.sem_alloc : memref<!tpu.dma_semaphore, #tpu.memory_space<semaphore_mem>>
        %dma_start3A_187 = tpu.memref_slice %arg4[%add3A_99] : memref<320000xi32, #tpu.memory_space<hbm>> -> memref<80xi32, #tpu.memory_space<hbm>>
        %dma_start3A_188 = tpu.memref_slice %arg4[%add3A_99] : memref<320000xi32, #tpu.memory_space<hbm>> -> memref<80xi32, #tpu.memory_space<hbm>>
        tpu.enqueue_dma source(%dma_start3A_188 : memref<80xi32, #tpu.memory_space<hbm>>) target(%arg8 : memref<80xi32, #tpu.memory_space<vmem>>) target_semaphore(%run_scoped3A : memref<!tpu.dma_semaphore, #tpu.memory_space<semaphore_mem>>)
        %dma_wait3A_189 = tpu.memref_slice %arg4[%add3A_99] : memref<320000xi32, #tpu.memory_space<hbm>> -> memref<80xi32, #tpu.memory_space<hbm>>
        %dma_wait3A_190 = tpu.memref_slice %arg4[%add3A_99] : memref<320000xi32, #tpu.memory_space<hbm>> -> memref<80xi32, #tpu.memory_space<hbm>>
        tpu.wait_dma2 semaphore(%run_scoped3A : memref<!tpu.dma_semaphore, #tpu.memory_space<semaphore_mem>>) src(%dma_wait3A_190 : memref<80xi32, #tpu.memory_space<hbm>>) dst(%arg8 : memref<80xi32, #tpu.memory_space<vmem>>)
        tpu.yield
      }) : () -> ()
      %get3A = arith.constant 0 : index
      %get3A_100 = tpu.vector_load %arg8[%get3A] {strides = array<i32>} : memref<80xi32, #tpu.memory_space<vmem>>, vector<16xi32>,
      %get3A_101 = vector.shape_cast %get3A_100 : vector<16xi32> to vector<16xi32>
      %ge3A = arith.constant 37536 : i32
      %ge3A_102 = vector.broadcast %ge3A : i32 to vector<16xi32>
      %ge3A_103 = arith.cmpi sge, %get3A_101, %ge3A_102 : vector<16xi32>
      %lt3A = arith.constant 50000 : i32
      %lt3A_104 = vector.broadcast %lt3A : i32 to vector<16xi32>
      %lt3A_105 = arith.cmpi slt, %get3A_101, %lt3A_104 : vector<16xi32>
      %and3A = arith.andi %ge3A_103, %lt3A_105 : vector<16xi1>
      %sub3A = arith.constant 37536 : i32
      %sub3A_106 = vector.broadcast %sub3A : i32 to vector<16xi32>
      %sub3A_107 = arith.subi %get3A_101, %sub3A_106 : vector<16xi32>
      %select_n3A = arith.select %and3A, %sub3A_107, %add3A_81 : vector<16xi1>, vector<16xi32>
      %swap3A = arith.constant 0 : index
      %swap3A_108 = tpu.vector_load %arg8[%swap3A] {strides = array<i32>} : memref<80xi32, #tpu.memory_space<vmem>>, vector<16xi32>,
      %swap3A_109 = vector.shape_cast %swap3A_108 : vector<16xi32> to vector<16xi32>
      %swap3A_110 = vector.shape_cast %select_n3A : vector<16xi32> to vector<16xi32>
      tpu.vector_store %arg8[%swap3A], %swap3A_110 {strides = array<i32>} : memref<80xi32, #tpu.memory_space<vmem>>, vector<16xi32>,
      %get3A_111 = arith.constant 16 : index
      %get3A_112 = tpu.vector_load %arg8[%get3A_111] {strides = array<i32>} : memref<80xi32, #tpu.memory_space<vmem>>, vector<16xi32>,
      %get3A_113 = vector.shape_cast %get3A_112 : vector<16xi32> to vector<16xi32>
      %ge3A_114 = arith.constant 37536 : i32
      %ge3A_115 = vector.broadcast %ge3A_114 : i32 to vector<16xi32>
      %ge3A_116 = arith.cmpi sge, %get3A_113, %ge3A_115 : vector<16xi32>
      %lt3A_117 = arith.constant 50000 : i32
      %lt3A_118 = vector.broadcast %lt3A_117 : i32 to vector<16xi32>
      %lt3A_119 = arith.cmpi slt, %get3A_113, %lt3A_118 : vector<16xi32>
      %and3A_120 = arith.andi %ge3A_116, %lt3A_119 : vector<16xi1>
      %sub3A_121 = arith.constant 37536 : i32
      %sub3A_122 = vector.broadcast %sub3A_121 : i32 to vector<16xi32>
      %sub3A_123 = arith.subi %get3A_113, %sub3A_122 : vector<16xi32>
      %select_n3A_124 = arith.select %and3A_120, %sub3A_123, %add3A_81 : vector<16xi1>, vector<16xi32>
      %swap3A_125 = arith.constant 16 : index
      %swap3A_126 = tpu.vector_load %arg8[%swap3A_125] {strides = array<i32>} : memref<80xi32, #tpu.memory_space<vmem>>, vector<16xi32>,
      %swap3A_127 = vector.shape_cast %swap3A_126 : vector<16xi32> to vector<16xi32>
      %swap3A_128 = vector.shape_cast %select_n3A_124 : vector<16xi32> to vector<16xi32>
      tpu.vector_store %arg8[%swap3A_125], %swap3A_128 {strides = array<i32>} : memref<80xi32, #tpu.memory_space<vmem>>, vector<16xi32>,
      %get3A_129 = arith.constant 32 : index
      %get3A_130 = tpu.vector_load %arg8[%get3A_129] {strides = array<i32>} : memref<80xi32, #tpu.memory_space<vmem>>, vector<16xi32>,
      %get3A_131 = vector.shape_cast %get3A_130 : vector<16xi32> to vector<16xi32>
      %ge3A_132 = arith.constant 37536 : i32
      %ge3A_133 = vector.broadcast %ge3A_132 : i32 to vector<16xi32>
      %ge3A_134 = arith.cmpi sge, %get3A_131, %ge3A_133 : vector<16xi32>
      %lt3A_135 = arith.constant 50000 : i32
      %lt3A_136 = vector.broadcast %lt3A_135 : i32 to vector<16xi32>
      %lt3A_137 = arith.cmpi slt, %get3A_131, %lt3A_136 : vector<16xi32>
      %and3A_138 = arith.andi %ge3A_134, %lt3A_137 : vector<16xi1>
      %sub3A_139 = arith.constant 37536 : i32
      %sub3A_140 = vector.broadcast %sub3A_139 : i32 to vector<16xi32>
      %sub3A_141 = arith.subi %get3A_131, %sub3A_140 : vector<16xi32>
      %select_n3A_142 = arith.select %and3A_138, %sub3A_141, %add3A_81 : vector<16xi1>, vector<16xi32>
      %swap3A_143 = arith.constant 32 : index
      %swap3A_144 = tpu.vector_load %arg8[%swap3A_143] {strides = array<i32>} : memref<80xi32, #tpu.memory_space<vmem>>, vector<16xi32>,
      %swap3A_145 = vector.shape_cast %swap3A_144 : vector<16xi32> to vector<16xi32>
      %swap3A_146 = vector.shape_cast %select_n3A_142 : vector<16xi32> to vector<16xi32>
      tpu.vector_store %arg8[%swap3A_143], %swap3A_146 {strides = array<i32>} : memref<80xi32, #tpu.memory_space<vmem>>, vector<16xi32>,
      %get3A_147 = arith.constant 48 : index
      %get3A_148 = tpu.vector_load %arg8[%get3A_147] {strides = array<i32>} : memref<80xi32, #tpu.memory_space<vmem>>, vector<16xi32>,
      %get3A_149 = vector.shape_cast %get3A_148 : vector<16xi32> to vector<16xi32>
      %ge3A_150 = arith.constant 37536 : i32
      %ge3A_151 = vector.broadcast %ge3A_150 : i32 to vector<16xi32>
      %ge3A_152 = arith.cmpi sge, %get3A_149, %ge3A_151 : vector<16xi32>
      %lt3A_153 = arith.constant 50000 : i32
      %lt3A_154 = vector.broadcast %lt3A_153 : i32 to vector<16xi32>
      %lt3A_155 = arith.cmpi slt, %get3A_149, %lt3A_154 : vector<16xi32>
      %and3A_156 = arith.andi %ge3A_152, %lt3A_155 : vector<16xi1>
      %sub3A_157 = arith.constant 37536 : i32
      %sub3A_158 = vector.broadcast %sub3A_157 : i32 to vector<16xi32>
      %sub3A_159 = arith.subi %get3A_149, %sub3A_158 : vector<16xi32>
      %select_n3A_160 = arith.select %and3A_156, %sub3A_159, %add3A_81 : vector<16xi1>, vector<16xi32>
      %swap3A_161 = arith.constant 48 : index
      %swap3A_162 = tpu.vector_load %arg8[%swap3A_161] {strides = array<i32>} : memref<80xi32, #tpu.memory_space<vmem>>, vector<16xi32>,
      %swap3A_163 = vector.shape_cast %swap3A_162 : vector<16xi32> to vector<16xi32>
      %swap3A_164 = vector.shape_cast %select_n3A_160 : vector<16xi32> to vector<16xi32>
      tpu.vector_store %arg8[%swap3A_161], %swap3A_164 {strides = array<i32>} : memref<80xi32, #tpu.memory_space<vmem>>, vector<16xi32>,
      %get3A_165 = arith.constant 64 : index
      %get3A_166 = tpu.vector_load %arg8[%get3A_165] {strides = array<i32>} : memref<80xi32, #tpu.memory_space<vmem>>, vector<16xi32>,
      %get3A_167 = vector.shape_cast %get3A_166 : vector<16xi32> to vector<16xi32>
      %ge3A_168 = arith.constant 37536 : i32
      %ge3A_169 = vector.broadcast %ge3A_168 : i32 to vector<16xi32>
      %ge3A_170 = arith.cmpi sge, %get3A_167, %ge3A_169 : vector<16xi32>
      %lt3A_171 = arith.constant 50000 : i32
      %lt3A_172 = vector.broadcast %lt3A_171 : i32 to vector<16xi32>
      %lt3A_173 = arith.cmpi slt, %get3A_167, %lt3A_172 : vector<16xi32>
      %and3A_174 = arith.andi %ge3A_170, %lt3A_173 : vector<16xi1>
      %sub3A_175 = arith.constant 37536 : i32
      %sub3A_176 = vector.broadcast %sub3A_175 : i32 to vector<16xi32>
      %sub3A_177 = arith.subi %get3A_167, %sub3A_176 : vector<16xi32>
      %select_n3A_178 = arith.select %and3A_174, %sub3A_177, %add3A_81 : vector<16xi1>, vector<16xi32>
      %swap3A_179 = arith.constant 64 : index
      %swap3A_180 = tpu.vector_load %arg8[%swap3A_179] {strides = array<i32>} : memref<80xi32, #tpu.memory_space<vmem>>, vector<16xi32>,
      %swap3A_181 = vector.shape_cast %swap3A_180 : vector<16xi32> to vector<16xi32>
      %swap3A_182 = vector.shape_cast %select_n3A_178 : vector<16xi32> to vector<16xi32>
      tpu.vector_store %arg8[%swap3A_179], %swap3A_182 {strides = array<i32>} : memref<80xi32, #tpu.memory_space<vmem>>, vector<16xi32>,
      %dma_start3A = arith.constant 0 : i32
      %dma_start3A_183 = arith.constant 0 : i32
      %dma_start3A_184 = tpu.memref_slice %arg2[%dma_start3A, %dma_start3A_183] : memref<10000x128xf32, #tpu.memory_space<hbm>> -> memref<10000x128xf32, #tpu.memory_space<hbm>>
      tpu.enqueue_indirect_dma source(%dma_start3A_184 : memref<10000x128xf32, #tpu.memory_space<hbm>>) target(%arg9 : memref<80x128xf32, #tpu.memory_space<vmem>>) offsets(%arg7 : memref<80xi32, #tpu.memory_space<vmem>>) semaphore(%arg11 : memref<!tpu.dma_semaphore, #tpu.memory_space<semaphore_mem>>)
      %dma_wait3A = arith.constant 0 : i32
      %dma_wait3A_185 = arith.constant 0 : i32
      %dma_wait3A_186 = tpu.memref_slice %arg2[%dma_wait3A, %dma_wait3A_185] : memref<10000x128xf32, #tpu.memory_space<hbm>> -> memref<10000x128xf32, #tpu.memory_space<hbm>>
      tpu.wait_indirect_dma semaphore(%arg11 : memref<!tpu.dma_semaphore, #tpu.memory_space<semaphore_mem>>) src(%dma_wait3A_186 : memref<10000x128xf32, #tpu.memory_space<hbm>>) dst(%arg9 : memref<80x128xf32, #tpu.memory_space<vmem>>)
      "tpu.region"() ({
        %run_scoped3A = tpu.sem_alloc : memref<!tpu.dma_semaphore, #tpu.memory_space<semaphore_mem>>
        %dma_start3A_187 = arith.constant 0 : i32
        %dma_start3A_188 = arith.constant 0 : i32
        %dma_start3A_189 = tpu.memref_slice %arg10[%dma_start3A_187, %dma_start3A_188] : memref<12784x128xf32, #tpu.memory_space<vmem_shared>> -> memref<12784x128xf32, #tpu.memory_space<vmem_shared>>
        tpu.enqueue_indirect_dma source(%arg9 : memref<80x128xf32, #tpu.memory_space<vmem>>) target(%dma_start3A_189 : memref<12784x128xf32, #tpu.memory_space<vmem_shared>>) offsets(%arg8 : memref<80xi32, #tpu.memory_space<vmem>>) semaphore(%run_scoped3A : memref<!tpu.dma_semaphore, #tpu.memory_space<semaphore_mem>>) {add = true}
        %dma_wait3A_190 = arith.constant 0 : i32
        %dma_wait3A_191 = arith.constant 0 : i32
        %dma_wait3A_192 = tpu.memref_slice %arg10[%dma_wait3A_190, %dma_wait3A_191] : memref<12784x128xf32, #tpu.memory_space<vmem_shared>> -> memref<12784x128xf32, #tpu.memory_space<vmem_shared>>
        tpu.wait_indirect_dma semaphore(%run_scoped3A : memref<!tpu.dma_semaphore, #tpu.memory_space<semaphore_mem>>) src(%arg9 : memref<80x128xf32, #tpu.memory_space<vmem>>) dst(%dma_wait3A_192 : memref<12784x128xf32, #tpu.memory_space<vmem_shared>>)
        tpu.yield
      }) : () -> ()
    }
    %scan3A_87 = arith.constant 125 : i32
    %barrier3A_88 = arith.constant 0 : index
    tpu.barrier barrier_id(%barrier3A_88)
    %mul3A_89 = arith.constant 779 : i32
    %mul3A_90 = arith.muli %arg1, %mul3A_89 : i32
    %mul3A_91 = arith.constant 779 : i32
    %mul3A_92 = arith.muli %arg1, %mul3A_91 : i32
    %add3A_93 = arith.constant 37536 : i32
    %add3A_94 = arith.addi %add3A_93, %mul3A_92 : i32
    "tpu.region"() ({
      %run_scoped3A = tpu.sem_alloc : memref<!tpu.dma_semaphore, #tpu.memory_space<semaphore_mem>>
      %dma_start3A = arith.constant 0 : i32
      %dma_start3A_96 = tpu.memref_slice %arg6[%arg0, %add3A_94, %dma_start3A] : memref<2x50000x128xf32, #tpu.memory_space<hbm>> -> memref<1x779x128xf32, #tpu.memory_space<hbm>>
      %dma_start3A_97 = tpu.memref_squeeze %dma_start3A_96 : memref<1x779x128xf32, #tpu.memory_space<hbm>> -> memref<779x128xf32, #tpu.memory_space<hbm>>
      %dma_start3A_98 = arith.constant 0 : i32
      %dma_start3A_99 = tpu.memref_slice %arg10[%mul3A_90, %dma_start3A_98] : memref<12784x128xf32, #tpu.memory_space<vmem_shared>> -> memref<779x128xf32, #tpu.memory_space<vmem_shared>>
      tpu.enqueue_dma source(%dma_start3A_99 : memref<779x128xf32, #tpu.memory_space<vmem_shared>>) target(%dma_start3A_97 : memref<779x128xf32, #tpu.memory_space<hbm>>) target_semaphore(%run_scoped3A : memref<!tpu.dma_semaphore, #tpu.memory_space<semaphore_mem>>)
      %dma_wait3A = arith.constant 0 : i32
      %dma_wait3A_100 = tpu.memref_slice %arg6[%arg0, %add3A_94, %dma_wait3A] : memref<2x50000x128xf32, #tpu.memory_space<hbm>> -> memref<1x779x128xf32, #tpu.memory_space<hbm>>
      %dma_wait3A_101 = tpu.memref_squeeze %dma_wait3A_100 : memref<1x779x128xf32, #tpu.memory_space<hbm>> -> memref<779x128xf32, #tpu.memory_space<hbm>>
      %dma_wait3A_102 = arith.constant 0 : i32
      %dma_wait3A_103 = tpu.memref_slice %arg10[%mul3A_90, %dma_wait3A_102] : memref<12784x128xf32, #tpu.memory_space<vmem_shared>> -> memref<779x128xf32, #tpu.memory_space<vmem_shared>>
      tpu.wait_dma2 semaphore(%run_scoped3A : memref<!tpu.dma_semaphore, #tpu.memory_space<semaphore_mem>>) src(%dma_wait3A_103 : memref<779x128xf32, #tpu.memory_space<vmem_shared>>) dst(%dma_wait3A_101 : memref<779x128xf32, #tpu.memory_space<hbm>>)
      tpu.yield
    }) : () -> ()
    %barrier3A_95 = arith.constant 0 : index
    tpu.barrier barrier_id(%barrier3A_95)
    return
  }
}

#map = affine_map<(d0, d1) -> (0, 0)>
#map1 = affine_map<(d0, d1) -> (0)>
#map2 = affine_map<(d0, d1) -> (0, 0, 0)>
module attributes {stable_mosaic.version = 14 : i64} {
  func.func @_seg_kernel_body(%arg0: i32, %arg1: i32, %arg2: memref<50000x128xf32, #tpu.memory_space<hbm>>, %arg3: memref<320000xi32, #tpu.memory_space<hbm>>, %arg4: memref<320000xi32, #tpu.memory_space<hbm>>, %arg5: memref<626x128xf32, #tpu.memory_space<hbm>>, %arg6: memref<2x10000x128xf32, #tpu.memory_space<hbm>>, %arg7: memref<80xi32, #tpu.memory_space<vmem>>, %arg8: memref<80xi32, #tpu.memory_space<vmem>>, %arg9: memref<80x128xf32, #tpu.memory_space<vmem>>, %arg10: memref<10272x128xf32, #tpu.memory_space<vmem_shared>>, %arg11: memref<!tpu.dma_semaphore, #tpu.memory_space<semaphore_mem>>) attributes {dimension_semantics = [#tpu.dimension_semantics<core_parallel>, #tpu.dimension_semantics<subcore_parallel>], iteration_bounds = array<i64: 2, 16>, scalar_prefetch = 0 : i64, scratch_operands = 5 : i64, tpu.core_type = #tpu.core_type<sc_vector_subcore>, window_params = [{transform_indices = #map}, {transform_indices = #map1}, {transform_indices = #map1}, {transform_indices = #map}, {transform_indices = #map2}]} {
    %mul3A = arith.constant 16 : i32
    %mul3A_0 = arith.muli %arg0, %mul3A : i32
    %add3A = arith.addi %mul3A_0, %arg1 : i32
    %mul3A_1 = arith.constant 10000 : i32
    %mul3A_2 = arith.muli %add3A, %mul3A_1 : i32
    %mul3A_3 = arith.constant 626 : i32
    %mul3A_4 = arith.muli %arg1, %mul3A_3 : i32
    "tpu.region"() ({
      %run_scoped3A = tpu.sem_alloc : memref<!tpu.dma_semaphore, #tpu.memory_space<semaphore_mem>>
      %dma_start3A = arith.constant 0 : i32
      %dma_start3A_23 = tpu.memref_slice %arg10[%mul3A_4, %dma_start3A] : memref<10272x128xf32, #tpu.memory_space<vmem_shared>> -> memref<626x128xf32, #tpu.memory_space<vmem_shared>>
      %dma_start3A_24 = arith.constant 0 : i32
      %dma_start3A_25 = arith.constant 0 : i32
      %dma_start3A_26 = tpu.memref_slice %arg5[%dma_start3A_24, %dma_start3A_25] : memref<626x128xf32, #tpu.memory_space<hbm>> -> memref<626x128xf32, #tpu.memory_space<hbm>>
      tpu.enqueue_dma source(%dma_start3A_26 : memref<626x128xf32, #tpu.memory_space<hbm>>) target(%dma_start3A_23 : memref<626x128xf32, #tpu.memory_space<vmem_shared>>) target_semaphore(%run_scoped3A : memref<!tpu.dma_semaphore, #tpu.memory_space<semaphore_mem>>)
      %dma_wait3A = arith.constant 0 : i32
      %dma_wait3A_27 = tpu.memref_slice %arg10[%mul3A_4, %dma_wait3A] : memref<10272x128xf32, #tpu.memory_space<vmem_shared>> -> memref<626x128xf32, #tpu.memory_space<vmem_shared>>
      %dma_wait3A_28 = arith.constant 0 : i32
      %dma_wait3A_29 = arith.constant 0 : i32
      %dma_wait3A_30 = tpu.memref_slice %arg5[%dma_wait3A_28, %dma_wait3A_29] : memref<626x128xf32, #tpu.memory_space<hbm>> -> memref<626x128xf32, #tpu.memory_space<hbm>>
      tpu.wait_dma2 semaphore(%run_scoped3A : memref<!tpu.dma_semaphore, #tpu.memory_space<semaphore_mem>>) src(%dma_wait3A_30 : memref<626x128xf32, #tpu.memory_space<hbm>>) dst(%dma_wait3A_27 : memref<626x128xf32, #tpu.memory_space<vmem_shared>>)
      tpu.yield
    }) : () -> ()
    %barrier3A = arith.constant 0 : index
    tpu.barrier barrier_id(%barrier3A)
    %mul3A_5 = arith.constant 16 : i32
    %mul3A_6 = arith.muli %arg1, %mul3A_5 : i32
    %add3A_7 = arith.constant 10000 : i32
    %add3A_8 = arith.addi %add3A_7, %mul3A_6 : i32
    %iota3A = tpu.iota {dimensions = array<i32: 0>} : vector<16xi32>
    %add3A_9 = vector.broadcast %add3A_8 : i32 to vector<16xi32>
    %add3A_10 = arith.addi %add3A_9, %iota3A : vector<16xi32>
    %scan3A = arith.constant 0 : i32
    %scan3A_11 = arith.constant 0 : i32
    %scan3A_12 = arith.constant 125 : i32
    %scan3A_13 = arith.addi %scan3A_11, %scan3A_12 : i32
    %scan3A_14 = arith.constant 1 : i32
    scf.for %scan3A_23 = %scan3A_11 to %scan3A_13 step %scan3A_14  : i32 {
      %mul3A_24 = arith.constant 80 : i32
      %mul3A_25 = arith.muli %scan3A_23, %mul3A_24 : i32
      %add3A_26 = arith.addi %mul3A_2, %mul3A_25 : i32
      "tpu.region"() ({
        %run_scoped3A = tpu.sem_alloc : memref<!tpu.dma_semaphore, #tpu.memory_space<semaphore_mem>>
        %dma_start3A_31 = tpu.memref_slice %arg3[%add3A_26] : memref<320000xi32, #tpu.memory_space<hbm>> -> memref<80xi32, #tpu.memory_space<hbm>>
        %dma_start3A_32 = tpu.memref_slice %arg3[%add3A_26] : memref<320000xi32, #tpu.memory_space<hbm>> -> memref<80xi32, #tpu.memory_space<hbm>>
        tpu.enqueue_dma source(%dma_start3A_32 : memref<80xi32, #tpu.memory_space<hbm>>) target(%arg7 : memref<80xi32, #tpu.memory_space<vmem>>) target_semaphore(%run_scoped3A : memref<!tpu.dma_semaphore, #tpu.memory_space<semaphore_mem>>)
        %dma_wait3A_33 = tpu.memref_slice %arg3[%add3A_26] : memref<320000xi32, #tpu.memory_space<hbm>> -> memref<80xi32, #tpu.memory_space<hbm>>
        %dma_wait3A_34 = tpu.memref_slice %arg3[%add3A_26] : memref<320000xi32, #tpu.memory_space<hbm>> -> memref<80xi32, #tpu.memory_space<hbm>>
        tpu.wait_dma2 semaphore(%run_scoped3A : memref<!tpu.dma_semaphore, #tpu.memory_space<semaphore_mem>>) src(%dma_wait3A_34 : memref<80xi32, #tpu.memory_space<hbm>>) dst(%arg7 : memref<80xi32, #tpu.memory_space<vmem>>)
        tpu.yield
      }) : () -> ()
      "tpu.region"() ({
        %run_scoped3A = tpu.sem_alloc : memref<!tpu.dma_semaphore, #tpu.memory_space<semaphore_mem>>
        %dma_start3A_31 = tpu.memref_slice %arg4[%add3A_26] : memref<320000xi32, #tpu.memory_space<hbm>> -> memref<80xi32, #tpu.memory_space<hbm>>
        %dma_start3A_32 = tpu.memref_slice %arg4[%add3A_26] : memref<320000xi32, #tpu.memory_space<hbm>> -> memref<80xi32, #tpu.memory_space<hbm>>
        tpu.enqueue_dma source(%dma_start3A_32 : memref<80xi32, #tpu.memory_space<hbm>>) target(%arg8 : memref<80xi32, #tpu.memory_space<vmem>>) target_semaphore(%run_scoped3A : memref<!tpu.dma_semaphore, #tpu.memory_space<semaphore_mem>>)
        %dma_wait3A_33 = tpu.memref_slice %arg4[%add3A_26] : memref<320000xi32, #tpu.memory_space<hbm>> -> memref<80xi32, #tpu.memory_space<hbm>>
        %dma_wait3A_34 = tpu.memref_slice %arg4[%add3A_26] : memref<320000xi32, #tpu.memory_space<hbm>> -> memref<80xi32, #tpu.memory_space<hbm>>
        tpu.wait_dma2 semaphore(%run_scoped3A : memref<!tpu.dma_semaphore, #tpu.memory_space<semaphore_mem>>) src(%dma_wait3A_34 : memref<80xi32, #tpu.memory_space<hbm>>) dst(%arg8 : memref<80xi32, #tpu.memory_space<vmem>>)
        tpu.yield
      }) : () -> ()
      %dma_start3A = arith.constant 0 : i32
      %dma_start3A_27 = arith.constant 0 : i32
      %dma_start3A_28 = tpu.memref_slice %arg2[%dma_start3A, %dma_start3A_27] : memref<50000x128xf32, #tpu.memory_space<hbm>> -> memref<50000x128xf32, #tpu.memory_space<hbm>>
      tpu.enqueue_indirect_dma source(%dma_start3A_28 : memref<50000x128xf32, #tpu.memory_space<hbm>>) target(%arg9 : memref<80x128xf32, #tpu.memory_space<vmem>>) offsets(%arg7 : memref<80xi32, #tpu.memory_space<vmem>>) semaphore(%arg11 : memref<!tpu.dma_semaphore, #tpu.memory_space<semaphore_mem>>)
      %dma_wait3A = arith.constant 0 : i32
      %dma_wait3A_29 = arith.constant 0 : i32
      %dma_wait3A_30 = tpu.memref_slice %arg2[%dma_wait3A, %dma_wait3A_29] : memref<50000x128xf32, #tpu.memory_space<hbm>> -> memref<50000x128xf32, #tpu.memory_space<hbm>>
      tpu.wait_indirect_dma semaphore(%arg11 : memref<!tpu.dma_semaphore, #tpu.memory_space<semaphore_mem>>) src(%dma_wait3A_30 : memref<50000x128xf32, #tpu.memory_space<hbm>>) dst(%arg9 : memref<80x128xf32, #tpu.memory_space<vmem>>)
      "tpu.region"() ({
        %run_scoped3A = tpu.sem_alloc : memref<!tpu.dma_semaphore, #tpu.memory_space<semaphore_mem>>
        %dma_start3A_31 = arith.constant 0 : i32
        %dma_start3A_32 = arith.constant 0 : i32
        %dma_start3A_33 = tpu.memref_slice %arg10[%dma_start3A_31, %dma_start3A_32] : memref<10272x128xf32, #tpu.memory_space<vmem_shared>> -> memref<10272x128xf32, #tpu.memory_space<vmem_shared>>
        tpu.enqueue_indirect_dma source(%arg9 : memref<80x128xf32, #tpu.memory_space<vmem>>) target(%dma_start3A_33 : memref<10272x128xf32, #tpu.memory_space<vmem_shared>>) offsets(%arg8 : memref<80xi32, #tpu.memory_space<vmem>>) semaphore(%run_scoped3A : memref<!tpu.dma_semaphore, #tpu.memory_space<semaphore_mem>>) {add = true}
        %dma_wait3A_34 = arith.constant 0 : i32
        %dma_wait3A_35 = arith.constant 0 : i32
        %dma_wait3A_36 = tpu.memref_slice %arg10[%dma_wait3A_34, %dma_wait3A_35] : memref<10272x128xf32, #tpu.memory_space<vmem_shared>> -> memref<10272x128xf32, #tpu.memory_space<vmem_shared>>
        tpu.wait_indirect_dma semaphore(%run_scoped3A : memref<!tpu.dma_semaphore, #tpu.memory_space<semaphore_mem>>) src(%arg9 : memref<80x128xf32, #tpu.memory_space<vmem>>) dst(%dma_wait3A_36 : memref<10272x128xf32, #tpu.memory_space<vmem_shared>>)
        tpu.yield
      }) : () -> ()
    }
    %scan3A_15 = arith.constant 125 : i32
    %barrier3A_16 = arith.constant 0 : index
    tpu.barrier barrier_id(%barrier3A_16)
    %mul3A_17 = arith.constant 625 : i32
    %mul3A_18 = arith.muli %arg1, %mul3A_17 : i32
    %mul3A_19 = arith.constant 625 : i32
    %mul3A_20 = arith.muli %arg1, %mul3A_19 : i32
    %add3A_21 = arith.constant 0 : i32
    %add3A_22 = arith.addi %add3A_21, %mul3A_20 : i32
    "tpu.region"() ({
      %run_scoped3A = tpu.sem_alloc : memref<!tpu.dma_semaphore, #tpu.memory_space<semaphore_mem>>
      %dma_start3A = arith.constant 0 : i32
      %dma_start3A_23 = tpu.memref_slice %arg6[%arg0, %add3A_22, %dma_start3A] : memref<2x10000x128xf32, #tpu.memory_space<hbm>> -> memref<1x625x128xf32, #tpu.memory_space<hbm>>
      %dma_start3A_24 = tpu.memref_squeeze %dma_start3A_23 : memref<1x625x128xf32, #tpu.memory_space<hbm>> -> memref<625x128xf32, #tpu.memory_space<hbm>>
      %dma_start3A_25 = arith.constant 0 : i32
      %dma_start3A_26 = tpu.memref_slice %arg10[%mul3A_18, %dma_start3A_25] : memref<10272x128xf32, #tpu.memory_space<vmem_shared>> -> memref<625x128xf32, #tpu.memory_space<vmem_shared>>
      tpu.enqueue_dma source(%dma_start3A_26 : memref<625x128xf32, #tpu.memory_space<vmem_shared>>) target(%dma_start3A_24 : memref<625x128xf32, #tpu.memory_space<hbm>>) target_semaphore(%run_scoped3A : memref<!tpu.dma_semaphore, #tpu.memory_space<semaphore_mem>>)
      %dma_wait3A = arith.constant 0 : i32
      %dma_wait3A_27 = tpu.memref_slice %arg6[%arg0, %add3A_22, %dma_wait3A] : memref<2x10000x128xf32, #tpu.memory_space<hbm>> -> memref<1x625x128xf32, #tpu.memory_space<hbm>>
      %dma_wait3A_28 = tpu.memref_squeeze %dma_wait3A_27 : memref<1x625x128xf32, #tpu.memory_space<hbm>> -> memref<625x128xf32, #tpu.memory_space<hbm>>
      %dma_wait3A_29 = arith.constant 0 : i32
      %dma_wait3A_30 = tpu.memref_slice %arg10[%mul3A_18, %dma_wait3A_29] : memref<10272x128xf32, #tpu.memory_space<vmem_shared>> -> memref<625x128xf32, #tpu.memory_space<vmem_shared>>
      tpu.wait_dma2 semaphore(%run_scoped3A : memref<!tpu.dma_semaphore, #tpu.memory_space<semaphore_mem>>) src(%dma_wait3A_30 : memref<625x128xf32, #tpu.memory_space<vmem_shared>>) dst(%dma_wait3A_28 : memref<625x128xf32, #tpu.memory_space<hbm>>)
      tpu.yield
    }) : () -> ()
    return
  }
}

#map = affine_map<(d0, d1) -> (0, 0)>
#map1 = affine_map<(d0, d1) -> (0)>
#map2 = affine_map<(d0, d1) -> (0, 0, 0)>
module attributes {stable_mosaic.version = 14 : i64} {
  func.func @_seg_kernel_body(%arg0: i32, %arg1: i32, %arg2: memref<10000x128xf32, #tpu.memory_space<hbm>>, %arg3: memref<320000xi32, #tpu.memory_space<hbm>>, %arg4: memref<320000xi32, #tpu.memory_space<hbm>>, %arg5: memref<783x128xf32, #tpu.memory_space<hbm>>, %arg6: memref<783x8xf32, #tpu.memory_space<hbm>>, %arg7: memref<80x8xf32, #tpu.memory_space<hbm>>, %arg8: memref<2x50000x128xf32, #tpu.memory_space<hbm>>, %arg9: memref<2x50000x8xf32, #tpu.memory_space<hbm>>, %arg10: memref<80xi32, #tpu.memory_space<vmem>>, %arg11: memref<80xi32, #tpu.memory_space<vmem>>, %arg12: memref<80x128xf32, #tpu.memory_space<vmem>>, %arg13: memref<80x8xf32, #tpu.memory_space<vmem>>, %arg14: memref<12784x128xf32, #tpu.memory_space<vmem_shared>>, %arg15: memref<12784x8xf32, #tpu.memory_space<vmem_shared>>, %arg16: memref<!tpu.dma_semaphore, #tpu.memory_space<semaphore_mem>>) attributes {dimension_semantics = [#tpu.dimension_semantics<core_parallel>, #tpu.dimension_semantics<subcore_parallel>], iteration_bounds = array<i64: 2, 16>, scalar_prefetch = 0 : i64, scratch_operands = 7 : i64, tpu.core_type = #tpu.core_type<sc_vector_subcore>, window_params = [{transform_indices = #map}, {transform_indices = #map1}, {transform_indices = #map1}, {transform_indices = #map}, {transform_indices = #map}, {transform_indices = #map}, {transform_indices = #map2}, {transform_indices = #map2}]} {
    %mul3A = arith.constant 16 : i32
    %mul3A_0 = arith.muli %arg0, %mul3A : i32
    %add3A = arith.addi %mul3A_0, %arg1 : i32
    %mul3A_1 = arith.constant 10000 : i32
    %mul3A_2 = arith.muli %add3A, %mul3A_1 : i32
    "tpu.region"() ({
      %run_scoped3A = tpu.sem_alloc : memref<!tpu.dma_semaphore, #tpu.memory_space<semaphore_mem>>
      tpu.enqueue_dma source(%arg7 : memref<80x8xf32, #tpu.memory_space<hbm>>) target(%arg13 : memref<80x8xf32, #tpu.memory_space<vmem>>) target_semaphore(%run_scoped3A : memref<!tpu.dma_semaphore, #tpu.memory_space<semaphore_mem>>)
      tpu.wait_dma2 semaphore(%run_scoped3A : memref<!tpu.dma_semaphore, #tpu.memory_space<semaphore_mem>>) src(%arg7 : memref<80x8xf32, #tpu.memory_space<hbm>>) dst(%arg13 : memref<80x8xf32, #tpu.memory_space<vmem>>)
      tpu.yield
    }) : () -> ()
    %mul3A_3 = arith.constant 783 : i32
    %mul3A_4 = arith.muli %arg1, %mul3A_3 : i32
    "tpu.region"() ({
      %run_scoped3A = tpu.sem_alloc : memref<!tpu.dma_semaphore, #tpu.memory_space<semaphore_mem>>
      %dma_start3A = arith.constant 0 : i32
      %dma_start3A_128 = tpu.memref_slice %arg14[%mul3A_4, %dma_start3A] : memref<12784x128xf32, #tpu.memory_space<vmem_shared>> -> memref<783x128xf32, #tpu.memory_space<vmem_shared>>
      %dma_start3A_129 = arith.constant 0 : i32
      %dma_start3A_130 = arith.constant 0 : i32
      %dma_start3A_131 = tpu.memref_slice %arg5[%dma_start3A_129, %dma_start3A_130] : memref<783x128xf32, #tpu.memory_space<hbm>> -> memref<783x128xf32, #tpu.memory_space<hbm>>
      tpu.enqueue_dma source(%dma_start3A_131 : memref<783x128xf32, #tpu.memory_space<hbm>>) target(%dma_start3A_128 : memref<783x128xf32, #tpu.memory_space<vmem_shared>>) target_semaphore(%run_scoped3A : memref<!tpu.dma_semaphore, #tpu.memory_space<semaphore_mem>>)
      %dma_wait3A = arith.constant 0 : i32
      %dma_wait3A_132 = tpu.memref_slice %arg14[%mul3A_4, %dma_wait3A] : memref<12784x128xf32, #tpu.memory_space<vmem_shared>> -> memref<783x128xf32, #tpu.memory_space<vmem_shared>>
      %dma_wait3A_133 = arith.constant 0 : i32
      %dma_wait3A_134 = arith.constant 0 : i32
      %dma_wait3A_135 = tpu.memref_slice %arg5[%dma_wait3A_133, %dma_wait3A_134] : memref<783x128xf32, #tpu.memory_space<hbm>> -> memref<783x128xf32, #tpu.memory_space<hbm>>
      tpu.wait_dma2 semaphore(%run_scoped3A : memref<!tpu.dma_semaphore, #tpu.memory_space<semaphore_mem>>) src(%dma_wait3A_135 : memref<783x128xf32, #tpu.memory_space<hbm>>) dst(%dma_wait3A_132 : memref<783x128xf32, #tpu.memory_space<vmem_shared>>)
      tpu.yield
    }) : () -> ()
    %mul3A_5 = arith.constant 783 : i32
    %mul3A_6 = arith.muli %arg1, %mul3A_5 : i32
    "tpu.region"() ({
      %run_scoped3A = tpu.sem_alloc : memref<!tpu.dma_semaphore, #tpu.memory_space<semaphore_mem>>
      %dma_start3A = arith.constant 0 : i32
      %dma_start3A_128 = tpu.memref_slice %arg15[%mul3A_6, %dma_start3A] : memref<12784x8xf32, #tpu.memory_space<vmem_shared>> -> memref<783x8xf32, #tpu.memory_space<vmem_shared>>
      %dma_start3A_129 = arith.constant 0 : i32
      %dma_start3A_130 = arith.constant 0 : i32
      %dma_start3A_131 = tpu.memref_slice %arg6[%dma_start3A_129, %dma_start3A_130] : memref<783x8xf32, #tpu.memory_space<hbm>> -> memref<783x8xf32, #tpu.memory_space<hbm>>
      tpu.enqueue_dma source(%dma_start3A_131 : memref<783x8xf32, #tpu.memory_space<hbm>>) target(%dma_start3A_128 : memref<783x8xf32, #tpu.memory_space<vmem_shared>>) target_semaphore(%run_scoped3A : memref<!tpu.dma_semaphore, #tpu.memory_space<semaphore_mem>>)
      %dma_wait3A = arith.constant 0 : i32
      %dma_wait3A_132 = tpu.memref_slice %arg15[%mul3A_6, %dma_wait3A] : memref<12784x8xf32, #tpu.memory_space<vmem_shared>> -> memref<783x8xf32, #tpu.memory_space<vmem_shared>>
      %dma_wait3A_133 = arith.constant 0 : i32
      %dma_wait3A_134 = arith.constant 0 : i32
      %dma_wait3A_135 = tpu.memref_slice %arg6[%dma_wait3A_133, %dma_wait3A_134] : memref<783x8xf32, #tpu.memory_space<hbm>> -> memref<783x8xf32, #tpu.memory_space<hbm>>
      tpu.wait_dma2 semaphore(%run_scoped3A : memref<!tpu.dma_semaphore, #tpu.memory_space<semaphore_mem>>) src(%dma_wait3A_135 : memref<783x8xf32, #tpu.memory_space<hbm>>) dst(%dma_wait3A_132 : memref<783x8xf32, #tpu.memory_space<vmem_shared>>)
      tpu.yield
    }) : () -> ()
    %barrier3A = arith.constant 0 : index
    tpu.barrier barrier_id(%barrier3A)
    %mul3A_7 = arith.constant 16 : i32
    %mul3A_8 = arith.muli %arg1, %mul3A_7 : i32
    %add3A_9 = arith.constant 12512 : i32
    %add3A_10 = arith.addi %add3A_9, %mul3A_8 : i32
    %iota3A = tpu.iota {dimensions = array<i32: 0>} : vector<16xi32>
    %add3A_11 = vector.broadcast %add3A_10 : i32 to vector<16xi32>
    %add3A_12 = arith.addi %add3A_11, %iota3A : vector<16xi32>
    %scan3A = arith.constant 0 : i32
    %scan3A_13 = arith.constant 0 : i32
    %scan3A_14 = arith.constant 125 : i32
    %scan3A_15 = arith.addi %scan3A_13, %scan3A_14 : i32
    %scan3A_16 = arith.constant 1 : i32
    scf.for %scan3A_128 = %scan3A_13 to %scan3A_15 step %scan3A_16  : i32 {
      %mul3A_129 = arith.constant 80 : i32
      %mul3A_130 = arith.muli %scan3A_128, %mul3A_129 : i32
      %add3A_131 = arith.addi %mul3A_2, %mul3A_130 : i32
      "tpu.region"() ({
        %run_scoped3A = tpu.sem_alloc : memref<!tpu.dma_semaphore, #tpu.memory_space<semaphore_mem>>
        %dma_start3A_219 = tpu.memref_slice %arg3[%add3A_131] : memref<320000xi32, #tpu.memory_space<hbm>> -> memref<80xi32, #tpu.memory_space<hbm>>
        %dma_start3A_220 = tpu.memref_slice %arg3[%add3A_131] : memref<320000xi32, #tpu.memory_space<hbm>> -> memref<80xi32, #tpu.memory_space<hbm>>
        tpu.enqueue_dma source(%dma_start3A_220 : memref<80xi32, #tpu.memory_space<hbm>>) target(%arg10 : memref<80xi32, #tpu.memory_space<vmem>>) target_semaphore(%run_scoped3A : memref<!tpu.dma_semaphore, #tpu.memory_space<semaphore_mem>>)
        %dma_wait3A_221 = tpu.memref_slice %arg3[%add3A_131] : memref<320000xi32, #tpu.memory_space<hbm>> -> memref<80xi32, #tpu.memory_space<hbm>>
        %dma_wait3A_222 = tpu.memref_slice %arg3[%add3A_131] : memref<320000xi32, #tpu.memory_space<hbm>> -> memref<80xi32, #tpu.memory_space<hbm>>
        tpu.wait_dma2 semaphore(%run_scoped3A : memref<!tpu.dma_semaphore, #tpu.memory_space<semaphore_mem>>) src(%dma_wait3A_222 : memref<80xi32, #tpu.memory_space<hbm>>) dst(%arg10 : memref<80xi32, #tpu.memory_space<vmem>>)
        tpu.yield
      }) : () -> ()
      "tpu.region"() ({
        %run_scoped3A = tpu.sem_alloc : memref<!tpu.dma_semaphore, #tpu.memory_space<semaphore_mem>>
        %dma_start3A_219 = tpu.memref_slice %arg4[%add3A_131] : memref<320000xi32, #tpu.memory_space<hbm>> -> memref<80xi32, #tpu.memory_space<hbm>>
        %dma_start3A_220 = tpu.memref_slice %arg4[%add3A_131] : memref<320000xi32, #tpu.memory_space<hbm>> -> memref<80xi32, #tpu.memory_space<hbm>>
        tpu.enqueue_dma source(%dma_start3A_220 : memref<80xi32, #tpu.memory_space<hbm>>) target(%arg11 : memref<80xi32, #tpu.memory_space<vmem>>) target_semaphore(%run_scoped3A : memref<!tpu.dma_semaphore, #tpu.memory_space<semaphore_mem>>)
        %dma_wait3A_221 = tpu.memref_slice %arg4[%add3A_131] : memref<320000xi32, #tpu.memory_space<hbm>> -> memref<80xi32, #tpu.memory_space<hbm>>
        %dma_wait3A_222 = tpu.memref_slice %arg4[%add3A_131] : memref<320000xi32, #tpu.memory_space<hbm>> -> memref<80xi32, #tpu.memory_space<hbm>>
        tpu.wait_dma2 semaphore(%run_scoped3A : memref<!tpu.dma_semaphore, #tpu.memory_space<semaphore_mem>>) src(%dma_wait3A_222 : memref<80xi32, #tpu.memory_space<hbm>>) dst(%arg11 : memref<80xi32, #tpu.memory_space<vmem>>)
        tpu.yield
      }) : () -> ()
      %get3A = arith.constant 0 : index
      %get3A_132 = tpu.vector_load %arg11[%get3A] {strides = array<i32>} : memref<80xi32, #tpu.memory_space<vmem>>, vector<16xi32>,
      %get3A_133 = vector.shape_cast %get3A_132 : vector<16xi32> to vector<16xi32>
      %ge3A = arith.constant 0 : i32
      %ge3A_134 = vector.broadcast %ge3A : i32 to vector<16xi32>
      %ge3A_135 = arith.cmpi sge, %get3A_133, %ge3A_134 : vector<16xi32>
      %lt3A = arith.constant 12512 : i32
      %lt3A_136 = vector.broadcast %lt3A : i32 to vector<16xi32>
      %lt3A_137 = arith.cmpi slt, %get3A_133, %lt3A_136 : vector<16xi32>
      %and3A = arith.andi %ge3A_135, %lt3A_137 : vector<16xi1>
      %sub3A = arith.constant 0 : i32
      %sub3A_138 = vector.broadcast %sub3A : i32 to vector<16xi32>
      %sub3A_139 = arith.subi %get3A_133, %sub3A_138 : vector<16xi32>
      %select_n3A = arith.select %and3A, %sub3A_139, %add3A_12 : vector<16xi1>, vector<16xi32>
      %swap3A = arith.constant 0 : index
      %swap3A_140 = tpu.vector_load %arg11[%swap3A] {strides = array<i32>} : memref<80xi32, #tpu.memory_space<vmem>>, vector<16xi32>,
      %swap3A_141 = vector.shape_cast %swap3A_140 : vector<16xi32> to vector<16xi32>
      %swap3A_142 = vector.shape_cast %select_n3A : vector<16xi32> to vector<16xi32>
      tpu.vector_store %arg11[%swap3A], %swap3A_142 {strides = array<i32>} : memref<80xi32, #tpu.memory_space<vmem>>, vector<16xi32>,
      %get3A_143 = arith.constant 16 : index
      %get3A_144 = tpu.vector_load %arg11[%get3A_143] {strides = array<i32>} : memref<80xi32, #tpu.memory_space<vmem>>, vector<16xi32>,
      %get3A_145 = vector.shape_cast %get3A_144 : vector<16xi32> to vector<16xi32>
      %ge3A_146 = arith.constant 0 : i32
      %ge3A_147 = vector.broadcast %ge3A_146 : i32 to vector<16xi32>
      %ge3A_148 = arith.cmpi sge, %get3A_145, %ge3A_147 : vector<16xi32>
      %lt3A_149 = arith.constant 12512 : i32
      %lt3A_150 = vector.broadcast %lt3A_149 : i32 to vector<16xi32>
      %lt3A_151 = arith.cmpi slt, %get3A_145, %lt3A_150 : vector<16xi32>
      %and3A_152 = arith.andi %ge3A_148, %lt3A_151 : vector<16xi1>
      %sub3A_153 = arith.constant 0 : i32
      %sub3A_154 = vector.broadcast %sub3A_153 : i32 to vector<16xi32>
      %sub3A_155 = arith.subi %get3A_145, %sub3A_154 : vector<16xi32>
      %select_n3A_156 = arith.select %and3A_152, %sub3A_155, %add3A_12 : vector<16xi1>, vector<16xi32>
      %swap3A_157 = arith.constant 16 : index
      %swap3A_158 = tpu.vector_load %arg11[%swap3A_157] {strides = array<i32>} : memref<80xi32, #tpu.memory_space<vmem>>, vector<16xi32>,
      %swap3A_159 = vector.shape_cast %swap3A_158 : vector<16xi32> to vector<16xi32>
      %swap3A_160 = vector.shape_cast %select_n3A_156 : vector<16xi32> to vector<16xi32>
      tpu.vector_store %arg11[%swap3A_157], %swap3A_160 {strides = array<i32>} : memref<80xi32, #tpu.memory_space<vmem>>, vector<16xi32>,
      %get3A_161 = arith.constant 32 : index
      %get3A_162 = tpu.vector_load %arg11[%get3A_161] {strides = array<i32>} : memref<80xi32, #tpu.memory_space<vmem>>, vector<16xi32>,
      %get3A_163 = vector.shape_cast %get3A_162 : vector<16xi32> to vector<16xi32>
      %ge3A_164 = arith.constant 0 : i32
      %ge3A_165 = vector.broadcast %ge3A_164 : i32 to vector<16xi32>
      %ge3A_166 = arith.cmpi sge, %get3A_163, %ge3A_165 : vector<16xi32>
      %lt3A_167 = arith.constant 12512 : i32
      %lt3A_168 = vector.broadcast %lt3A_167 : i32 to vector<16xi32>
      %lt3A_169 = arith.cmpi slt, %get3A_163, %lt3A_168 : vector<16xi32>
      %and3A_170 = arith.andi %ge3A_166, %lt3A_169 : vector<16xi1>
      %sub3A_171 = arith.constant 0 : i32
      %sub3A_172 = vector.broadcast %sub3A_171 : i32 to vector<16xi32>
      %sub3A_173 = arith.subi %get3A_163, %sub3A_172 : vector<16xi32>
      %select_n3A_174 = arith.select %and3A_170, %sub3A_173, %add3A_12 : vector<16xi1>, vector<16xi32>
      %swap3A_175 = arith.constant 32 : index
      %swap3A_176 = tpu.vector_load %arg11[%swap3A_175] {strides = array<i32>} : memref<80xi32, #tpu.memory_space<vmem>>, vector<16xi32>,
      %swap3A_177 = vector.shape_cast %swap3A_176 : vector<16xi32> to vector<16xi32>
      %swap3A_178 = vector.shape_cast %select_n3A_174 : vector<16xi32> to vector<16xi32>
      tpu.vector_store %arg11[%swap3A_175], %swap3A_178 {strides = array<i32>} : memref<80xi32, #tpu.memory_space<vmem>>, vector<16xi32>,
      %get3A_179 = arith.constant 48 : index
      %get3A_180 = tpu.vector_load %arg11[%get3A_179] {strides = array<i32>} : memref<80xi32, #tpu.memory_space<vmem>>, vector<16xi32>,
      %get3A_181 = vector.shape_cast %get3A_180 : vector<16xi32> to vector<16xi32>
      %ge3A_182 = arith.constant 0 : i32
      %ge3A_183 = vector.broadcast %ge3A_182 : i32 to vector<16xi32>
      %ge3A_184 = arith.cmpi sge, %get3A_181, %ge3A_183 : vector<16xi32>
      %lt3A_185 = arith.constant 12512 : i32
      %lt3A_186 = vector.broadcast %lt3A_185 : i32 to vector<16xi32>
      %lt3A_187 = arith.cmpi slt, %get3A_181, %lt3A_186 : vector<16xi32>
      %and3A_188 = arith.andi %ge3A_184, %lt3A_187 : vector<16xi1>
      %sub3A_189 = arith.constant 0 : i32
      %sub3A_190 = vector.broadcast %sub3A_189 : i32 to vector<16xi32>
      %sub3A_191 = arith.subi %get3A_181, %sub3A_190 : vector<16xi32>
      %select_n3A_192 = arith.select %and3A_188, %sub3A_191, %add3A_12 : vector<16xi1>, vector<16xi32>
      %swap3A_193 = arith.constant 48 : index
      %swap3A_194 = tpu.vector_load %arg11[%swap3A_193] {strides = array<i32>} : memref<80xi32, #tpu.memory_space<vmem>>, vector<16xi32>,
      %swap3A_195 = vector.shape_cast %swap3A_194 : vector<16xi32> to vector<16xi32>
      %swap3A_196 = vector.shape_cast %select_n3A_192 : vector<16xi32> to vector<16xi32>
      tpu.vector_store %arg11[%swap3A_193], %swap3A_196 {strides = array<i32>} : memref<80xi32, #tpu.memory_space<vmem>>, vector<16xi32>,
      %get3A_197 = arith.constant 64 : index
      %get3A_198 = tpu.vector_load %arg11[%get3A_197] {strides = array<i32>} : memref<80xi32, #tpu.memory_space<vmem>>, vector<16xi32>,
      %get3A_199 = vector.shape_cast %get3A_198 : vector<16xi32> to vector<16xi32>
      %ge3A_200 = arith.constant 0 : i32
      %ge3A_201 = vector.broadcast %ge3A_200 : i32 to vector<16xi32>
      %ge3A_202 = arith.cmpi sge, %get3A_199, %ge3A_201 : vector<16xi32>
      %lt3A_203 = arith.constant 12512 : i32
      %lt3A_204 = vector.broadcast %lt3A_203 : i32 to vector<16xi32>
      %lt3A_205 = arith.cmpi slt, %get3A_199, %lt3A_204 : vector<16xi32>
      %and3A_206 = arith.andi %ge3A_202, %lt3A_205 : vector<16xi1>
      %sub3A_207 = arith.constant 0 : i32
      %sub3A_208 = vector.broadcast %sub3A_207 : i32 to vector<16xi32>
      %sub3A_209 = arith.subi %get3A_199, %sub3A_208 : vector<16xi32>
      %select_n3A_210 = arith.select %and3A_206, %sub3A_209, %add3A_12 : vector<16xi1>, vector<16xi32>
      %swap3A_211 = arith.constant 64 : index
      %swap3A_212 = tpu.vector_load %arg11[%swap3A_211] {strides = array<i32>} : memref<80xi32, #tpu.memory_space<vmem>>, vector<16xi32>,
      %swap3A_213 = vector.shape_cast %swap3A_212 : vector<16xi32> to vector<16xi32>
      %swap3A_214 = vector.shape_cast %select_n3A_210 : vector<16xi32> to vector<16xi32>
      tpu.vector_store %arg11[%swap3A_211], %swap3A_214 {strides = array<i32>} : memref<80xi32, #tpu.memory_space<vmem>>, vector<16xi32>,
      %dma_start3A = arith.constant 0 : i32
      %dma_start3A_215 = arith.constant 0 : i32
      %dma_start3A_216 = tpu.memref_slice %arg2[%dma_start3A, %dma_start3A_215] : memref<10000x128xf32, #tpu.memory_space<hbm>> -> memref<10000x128xf32, #tpu.memory_space<hbm>>
      tpu.enqueue_indirect_dma source(%dma_start3A_216 : memref<10000x128xf32, #tpu.memory_space<hbm>>) target(%arg12 : memref<80x128xf32, #tpu.memory_space<vmem>>) offsets(%arg10 : memref<80xi32, #tpu.memory_space<vmem>>) semaphore(%arg16 : memref<!tpu.dma_semaphore, #tpu.memory_space<semaphore_mem>>)
      %dma_wait3A = arith.constant 0 : i32
      %dma_wait3A_217 = arith.constant 0 : i32
      %dma_wait3A_218 = tpu.memref_slice %arg2[%dma_wait3A, %dma_wait3A_217] : memref<10000x128xf32, #tpu.memory_space<hbm>> -> memref<10000x128xf32, #tpu.memory_space<hbm>>
      tpu.wait_indirect_dma semaphore(%arg16 : memref<!tpu.dma_semaphore, #tpu.memory_space<semaphore_mem>>) src(%dma_wait3A_218 : memref<10000x128xf32, #tpu.memory_space<hbm>>) dst(%arg12 : memref<80x128xf32, #tpu.memory_space<vmem>>)
      "tpu.region"() ({
        %run_scoped3A = tpu.sem_alloc : memref<!tpu.dma_semaphore, #tpu.memory_space<semaphore_mem>>
        %dma_start3A_219 = arith.constant 0 : i32
        %dma_start3A_220 = arith.constant 0 : i32
        %dma_start3A_221 = tpu.memref_slice %arg14[%dma_start3A_219, %dma_start3A_220] : memref<12784x128xf32, #tpu.memory_space<vmem_shared>> -> memref<12784x128xf32, #tpu.memory_space<vmem_shared>>
        tpu.enqueue_indirect_dma source(%arg12 : memref<80x128xf32, #tpu.memory_space<vmem>>) target(%dma_start3A_221 : memref<12784x128xf32, #tpu.memory_space<vmem_shared>>) offsets(%arg11 : memref<80xi32, #tpu.memory_space<vmem>>) semaphore(%run_scoped3A : memref<!tpu.dma_semaphore, #tpu.memory_space<semaphore_mem>>) {add = true}
        %dma_wait3A_222 = arith.constant 0 : i32
        %dma_wait3A_223 = arith.constant 0 : i32
        %dma_wait3A_224 = tpu.memref_slice %arg14[%dma_wait3A_222, %dma_wait3A_223] : memref<12784x128xf32, #tpu.memory_space<vmem_shared>> -> memref<12784x128xf32, #tpu.memory_space<vmem_shared>>
        tpu.wait_indirect_dma semaphore(%run_scoped3A : memref<!tpu.dma_semaphore, #tpu.memory_space<semaphore_mem>>) src(%arg12 : memref<80x128xf32, #tpu.memory_space<vmem>>) dst(%dma_wait3A_224 : memref<12784x128xf32, #tpu.memory_space<vmem_shared>>)
        tpu.yield
      }) : () -> ()
      "tpu.region"() ({
        %run_scoped3A = tpu.sem_alloc : memref<!tpu.dma_semaphore, #tpu.memory_space<semaphore_mem>>
        %dma_start3A_219 = arith.constant 0 : i32
        %dma_start3A_220 = arith.constant 0 : i32
        %dma_start3A_221 = tpu.memref_slice %arg15[%dma_start3A_219, %dma_start3A_220] : memref<12784x8xf32, #tpu.memory_space<vmem_shared>> -> memref<12784x8xf32, #tpu.memory_space<vmem_shared>>
        tpu.enqueue_indirect_dma source(%arg13 : memref<80x8xf32, #tpu.memory_space<vmem>>) target(%dma_start3A_221 : memref<12784x8xf32, #tpu.memory_space<vmem_shared>>) offsets(%arg11 : memref<80xi32, #tpu.memory_space<vmem>>) semaphore(%run_scoped3A : memref<!tpu.dma_semaphore, #tpu.memory_space<semaphore_mem>>) {add = true}
        %dma_wait3A_222 = arith.constant 0 : i32
        %dma_wait3A_223 = arith.constant 0 : i32
        %dma_wait3A_224 = tpu.memref_slice %arg15[%dma_wait3A_222, %dma_wait3A_223] : memref<12784x8xf32, #tpu.memory_space<vmem_shared>> -> memref<12784x8xf32, #tpu.memory_space<vmem_shared>>
        tpu.wait_indirect_dma semaphore(%run_scoped3A : memref<!tpu.dma_semaphore, #tpu.memory_space<semaphore_mem>>) src(%arg13 : memref<80x8xf32, #tpu.memory_space<vmem>>) dst(%dma_wait3A_224 : memref<12784x8xf32, #tpu.memory_space<vmem_shared>>)
        tpu.yield
      }) : () -> ()
    }
    %scan3A_17 = arith.constant 125 : i32
    %barrier3A_18 = arith.constant 0 : index
    tpu.barrier barrier_id(%barrier3A_18)
    %mul3A_19 = arith.constant 782 : i32
    %mul3A_20 = arith.muli %arg1, %mul3A_19 : i32
    %mul3A_21 = arith.constant 782 : i32
    %mul3A_22 = arith.muli %arg1, %mul3A_21 : i32
    %add3A_23 = arith.constant 0 : i32
    %add3A_24 = arith.addi %add3A_23, %mul3A_22 : i32
    "tpu.region"() ({
      %run_scoped3A = tpu.sem_alloc : memref<!tpu.dma_semaphore, #tpu.memory_space<semaphore_mem>>
      %dma_start3A = arith.constant 0 : i32
      %dma_start3A_128 = tpu.memref_slice %arg8[%arg0, %add3A_24, %dma_start3A] : memref<2x50000x128xf32, #tpu.memory_space<hbm>> -> memref<1x782x128xf32, #tpu.memory_space<hbm>>
      %dma_start3A_129 = tpu.memref_squeeze %dma_start3A_128 : memref<1x782x128xf32, #tpu.memory_space<hbm>> -> memref<782x128xf32, #tpu.memory_space<hbm>>
      %dma_start3A_130 = arith.constant 0 : i32
      %dma_start3A_131 = tpu.memref_slice %arg14[%mul3A_20, %dma_start3A_130] : memref<12784x128xf32, #tpu.memory_space<vmem_shared>> -> memref<782x128xf32, #tpu.memory_space<vmem_shared>>
      tpu.enqueue_dma source(%dma_start3A_131 : memref<782x128xf32, #tpu.memory_space<vmem_shared>>) target(%dma_start3A_129 : memref<782x128xf32, #tpu.memory_space<hbm>>) target_semaphore(%run_scoped3A : memref<!tpu.dma_semaphore, #tpu.memory_space<semaphore_mem>>)
      %dma_wait3A = arith.constant 0 : i32
      %dma_wait3A_132 = tpu.memref_slice %arg8[%arg0, %add3A_24, %dma_wait3A] : memref<2x50000x128xf32, #tpu.memory_space<hbm>> -> memref<1x782x128xf32, #tpu.memory_space<hbm>>
      %dma_wait3A_133 = tpu.memref_squeeze %dma_wait3A_132 : memref<1x782x128xf32, #tpu.memory_space<hbm>> -> memref<782x128xf32, #tpu.memory_space<hbm>>
      %dma_wait3A_134 = arith.constant 0 : i32
      %dma_wait3A_135 = tpu.memref_slice %arg14[%mul3A_20, %dma_wait3A_134] : memref<12784x128xf32, #tpu.memory_space<vmem_shared>> -> memref<782x128xf32, #tpu.memory_space<vmem_shared>>
      tpu.wait_dma2 semaphore(%run_scoped3A : memref<!tpu.dma_semaphore, #tpu.memory_space<semaphore_mem>>) src(%dma_wait3A_135 : memref<782x128xf32, #tpu.memory_space<vmem_shared>>) dst(%dma_wait3A_133 : memref<782x128xf32, #tpu.memory_space<hbm>>)
      tpu.yield
    }) : () -> ()
    %mul3A_25 = arith.constant 782 : i32
    %mul3A_26 = arith.muli %arg1, %mul3A_25 : i32
    %mul3A_27 = arith.constant 782 : i32
    %mul3A_28 = arith.muli %arg1, %mul3A_27 : i32
    %add3A_29 = arith.constant 0 : i32
    %add3A_30 = arith.addi %add3A_29, %mul3A_28 : i32
    "tpu.region"() ({
      %run_scoped3A = tpu.sem_alloc : memref<!tpu.dma_semaphore, #tpu.memory_space<semaphore_mem>>
      %dma_start3A = arith.constant 0 : i32
      %dma_start3A_128 = tpu.memref_slice %arg9[%arg0, %add3A_30, %dma_start3A] : memref<2x50000x8xf32, #tpu.memory_space<hbm>> -> memref<1x782x8xf32, #tpu.memory_space<hbm>>
      %dma_start3A_129 = tpu.memref_squeeze %dma_start3A_128 : memref<1x782x8xf32, #tpu.memory_space<hbm>> -> memref<782x8xf32, #tpu.memory_space<hbm>>
      %dma_start3A_130 = arith.constant 0 : i32
      %dma_start3A_131 = tpu.memref_slice %arg15[%mul3A_26, %dma_start3A_130] : memref<12784x8xf32, #tpu.memory_space<vmem_shared>> -> memref<782x8xf32, #tpu.memory_space<vmem_shared>>
      tpu.enqueue_dma source(%dma_start3A_131 : memref<782x8xf32, #tpu.memory_space<vmem_shared>>) target(%dma_start3A_129 : memref<782x8xf32, #tpu.memory_space<hbm>>) target_semaphore(%run_scoped3A : memref<!tpu.dma_semaphore, #tpu.memory_space<semaphore_mem>>)
      %dma_wait3A = arith.constant 0 : i32
      %dma_wait3A_132 = tpu.memref_slice %arg9[%arg0, %add3A_30, %dma_wait3A] : memref<2x50000x8xf32, #tpu.memory_space<hbm>> -> memref<1x782x8xf32, #tpu.memory_space<hbm>>
      %dma_wait3A_133 = tpu.memref_squeeze %dma_wait3A_132 : memref<1x782x8xf32, #tpu.memory_space<hbm>> -> memref<782x8xf32, #tpu.memory_space<hbm>>
      %dma_wait3A_134 = arith.constant 0 : i32
      %dma_wait3A_135 = tpu.memref_slice %arg15[%mul3A_26, %dma_wait3A_134] : memref<12784x8xf32, #tpu.memory_space<vmem_shared>> -> memref<782x8xf32, #tpu.memory_space<vmem_shared>>
      tpu.wait_dma2 semaphore(%run_scoped3A : memref<!tpu.dma_semaphore, #tpu.memory_space<semaphore_mem>>) src(%dma_wait3A_135 : memref<782x8xf32, #tpu.memory_space<vmem_shared>>) dst(%dma_wait3A_133 : memref<782x8xf32, #tpu.memory_space<hbm>>)
      tpu.yield
    }) : () -> ()
    %barrier3A_31 = arith.constant 0 : index
    tpu.barrier barrier_id(%barrier3A_31)
    %mul3A_32 = arith.constant 783 : i32
    %mul3A_33 = arith.muli %arg1, %mul3A_32 : i32
    "tpu.region"() ({
      %run_scoped3A = tpu.sem_alloc : memref<!tpu.dma_semaphore, #tpu.memory_space<semaphore_mem>>
      %dma_start3A = arith.constant 0 : i32
      %dma_start3A_128 = tpu.memref_slice %arg14[%mul3A_33, %dma_start3A] : memref<12784x128xf32, #tpu.memory_space<vmem_shared>> -> memref<783x128xf32, #tpu.memory_space<vmem_shared>>
      %dma_start3A_129 = arith.constant 0 : i32
      %dma_start3A_130 = arith.constant 0 : i32
      %dma_start3A_131 = tpu.memref_slice %arg5[%dma_start3A_129, %dma_start3A_130] : memref<783x128xf32, #tpu.memory_space<hbm>> -> memref<783x128xf32, #tpu.memory_space<hbm>>
      tpu.enqueue_dma source(%dma_start3A_131 : memref<783x128xf32, #tpu.memory_space<hbm>>) target(%dma_start3A_128 : memref<783x128xf32, #tpu.memory_space<vmem_shared>>) target_semaphore(%run_scoped3A : memref<!tpu.dma_semaphore, #tpu.memory_space<semaphore_mem>>)
      %dma_wait3A = arith.constant 0 : i32
      %dma_wait3A_132 = tpu.memref_slice %arg14[%mul3A_33, %dma_wait3A] : memref<12784x128xf32, #tpu.memory_space<vmem_shared>> -> memref<783x128xf32, #tpu.memory_space<vmem_shared>>
      %dma_wait3A_133 = arith.constant 0 : i32
      %dma_wait3A_134 = arith.constant 0 : i32
      %dma_wait3A_135 = tpu.memref_slice %arg5[%dma_wait3A_133, %dma_wait3A_134] : memref<783x128xf32, #tpu.memory_space<hbm>> -> memref<783x128xf32, #tpu.memory_space<hbm>>
      tpu.wait_dma2 semaphore(%run_scoped3A : memref<!tpu.dma_semaphore, #tpu.memory_space<semaphore_mem>>) src(%dma_wait3A_135 : memref<783x128xf32, #tpu.memory_space<hbm>>) dst(%dma_wait3A_132 : memref<783x128xf32, #tpu.memory_space<vmem_shared>>)
      tpu.yield
    }) : () -> ()
    %mul3A_34 = arith.constant 783 : i32
    %mul3A_35 = arith.muli %arg1, %mul3A_34 : i32
    "tpu.region"() ({
      %run_scoped3A = tpu.sem_alloc : memref<!tpu.dma_semaphore, #tpu.memory_space<semaphore_mem>>
      %dma_start3A = arith.constant 0 : i32
      %dma_start3A_128 = tpu.memref_slice %arg15[%mul3A_35, %dma_start3A] : memref<12784x8xf32, #tpu.memory_space<vmem_shared>> -> memref<783x8xf32, #tpu.memory_space<vmem_shared>>
      %dma_start3A_129 = arith.constant 0 : i32
      %dma_start3A_130 = arith.constant 0 : i32
      %dma_start3A_131 = tpu.memref_slice %arg6[%dma_start3A_129, %dma_start3A_130] : memref<783x8xf32, #tpu.memory_space<hbm>> -> memref<783x8xf32, #tpu.memory_space<hbm>>
      tpu.enqueue_dma source(%dma_start3A_131 : memref<783x8xf32, #tpu.memory_space<hbm>>) target(%dma_start3A_128 : memref<783x8xf32, #tpu.memory_space<vmem_shared>>) target_semaphore(%run_scoped3A : memref<!tpu.dma_semaphore, #tpu.memory_space<semaphore_mem>>)
      %dma_wait3A = arith.constant 0 : i32
      %dma_wait3A_132 = tpu.memref_slice %arg15[%mul3A_35, %dma_wait3A] : memref<12784x8xf32, #tpu.memory_space<vmem_shared>> -> memref<783x8xf32, #tpu.memory_space<vmem_shared>>
      %dma_wait3A_133 = arith.constant 0 : i32
      %dma_wait3A_134 = arith.constant 0 : i32
      %dma_wait3A_135 = tpu.memref_slice %arg6[%dma_wait3A_133, %dma_wait3A_134] : memref<783x8xf32, #tpu.memory_space<hbm>> -> memref<783x8xf32, #tpu.memory_space<hbm>>
      tpu.wait_dma2 semaphore(%run_scoped3A : memref<!tpu.dma_semaphore, #tpu.memory_space<semaphore_mem>>) src(%dma_wait3A_135 : memref<783x8xf32, #tpu.memory_space<hbm>>) dst(%dma_wait3A_132 : memref<783x8xf32, #tpu.memory_space<vmem_shared>>)
      tpu.yield
    }) : () -> ()
    %barrier3A_36 = arith.constant 0 : index
    tpu.barrier barrier_id(%barrier3A_36)
    %mul3A_37 = arith.constant 16 : i32
    %mul3A_38 = arith.muli %arg1, %mul3A_37 : i32
    %add3A_39 = arith.constant 12512 : i32
    %add3A_40 = arith.addi %add3A_39, %mul3A_38 : i32
    %iota3A_41 = tpu.iota {dimensions = array<i32: 0>} : vector<16xi32>
    %add3A_42 = vector.broadcast %add3A_40 : i32 to vector<16xi32>
    %add3A_43 = arith.addi %add3A_42, %iota3A_41 : vector<16xi32>
    %scan3A_44 = arith.constant 0 : i32
    %scan3A_45 = arith.constant 0 : i32
    %scan3A_46 = arith.constant 125 : i32
    %scan3A_47 = arith.addi %scan3A_45, %scan3A_46 : i32
    %scan3A_48 = arith.constant 1 : i32
    scf.for %scan3A_128 = %scan3A_45 to %scan3A_47 step %scan3A_48  : i32 {
      %mul3A_129 = arith.constant 80 : i32
      %mul3A_130 = arith.muli %scan3A_128, %mul3A_129 : i32
      %add3A_131 = arith.addi %mul3A_2, %mul3A_130 : i32
      "tpu.region"() ({
        %run_scoped3A = tpu.sem_alloc : memref<!tpu.dma_semaphore, #tpu.memory_space<semaphore_mem>>
        %dma_start3A_219 = tpu.memref_slice %arg3[%add3A_131] : memref<320000xi32, #tpu.memory_space<hbm>> -> memref<80xi32, #tpu.memory_space<hbm>>
        %dma_start3A_220 = tpu.memref_slice %arg3[%add3A_131] : memref<320000xi32, #tpu.memory_space<hbm>> -> memref<80xi32, #tpu.memory_space<hbm>>
        tpu.enqueue_dma source(%dma_start3A_220 : memref<80xi32, #tpu.memory_space<hbm>>) target(%arg10 : memref<80xi32, #tpu.memory_space<vmem>>) target_semaphore(%run_scoped3A : memref<!tpu.dma_semaphore, #tpu.memory_space<semaphore_mem>>)
        %dma_wait3A_221 = tpu.memref_slice %arg3[%add3A_131] : memref<320000xi32, #tpu.memory_space<hbm>> -> memref<80xi32, #tpu.memory_space<hbm>>
        %dma_wait3A_222 = tpu.memref_slice %arg3[%add3A_131] : memref<320000xi32, #tpu.memory_space<hbm>> -> memref<80xi32, #tpu.memory_space<hbm>>
        tpu.wait_dma2 semaphore(%run_scoped3A : memref<!tpu.dma_semaphore, #tpu.memory_space<semaphore_mem>>) src(%dma_wait3A_222 : memref<80xi32, #tpu.memory_space<hbm>>) dst(%arg10 : memref<80xi32, #tpu.memory_space<vmem>>)
        tpu.yield
      }) : () -> ()
      "tpu.region"() ({
        %run_scoped3A = tpu.sem_alloc : memref<!tpu.dma_semaphore, #tpu.memory_space<semaphore_mem>>
        %dma_start3A_219 = tpu.memref_slice %arg4[%add3A_131] : memref<320000xi32, #tpu.memory_space<hbm>> -> memref<80xi32, #tpu.memory_space<hbm>>
        %dma_start3A_220 = tpu.memref_slice %arg4[%add3A_131] : memref<320000xi32, #tpu.memory_space<hbm>> -> memref<80xi32, #tpu.memory_space<hbm>>
        tpu.enqueue_dma source(%dma_start3A_220 : memref<80xi32, #tpu.memory_space<hbm>>) target(%arg11 : memref<80xi32, #tpu.memory_space<vmem>>) target_semaphore(%run_scoped3A : memref<!tpu.dma_semaphore, #tpu.memory_space<semaphore_mem>>)
        %dma_wait3A_221 = tpu.memref_slice %arg4[%add3A_131] : memref<320000xi32, #tpu.memory_space<hbm>> -> memref<80xi32, #tpu.memory_space<hbm>>
        %dma_wait3A_222 = tpu.memref_slice %arg4[%add3A_131] : memref<320000xi32, #tpu.memory_space<hbm>> -> memref<80xi32, #tpu.memory_space<hbm>>
        tpu.wait_dma2 semaphore(%run_scoped3A : memref<!tpu.dma_semaphore, #tpu.memory_space<semaphore_mem>>) src(%dma_wait3A_222 : memref<80xi32, #tpu.memory_space<hbm>>) dst(%arg11 : memref<80xi32, #tpu.memory_space<vmem>>)
        tpu.yield
      }) : () -> ()
      %get3A = arith.constant 0 : index
      %get3A_132 = tpu.vector_load %arg11[%get3A] {strides = array<i32>} : memref<80xi32, #tpu.memory_space<vmem>>, vector<16xi32>,
      %get3A_133 = vector.shape_cast %get3A_132 : vector<16xi32> to vector<16xi32>
      %ge3A = arith.constant 12512 : i32
      %ge3A_134 = vector.broadcast %ge3A : i32 to vector<16xi32>
      %ge3A_135 = arith.cmpi sge, %get3A_133, %ge3A_134 : vector<16xi32>
      %lt3A = arith.constant 25024 : i32
      %lt3A_136 = vector.broadcast %lt3A : i32 to vector<16xi32>
      %lt3A_137 = arith.cmpi slt, %get3A_133, %lt3A_136 : vector<16xi32>
      %and3A = arith.andi %ge3A_135, %lt3A_137 : vector<16xi1>
      %sub3A = arith.constant 12512 : i32
      %sub3A_138 = vector.broadcast %sub3A : i32 to vector<16xi32>
      %sub3A_139 = arith.subi %get3A_133, %sub3A_138 : vector<16xi32>
      %select_n3A = arith.select %and3A, %sub3A_139, %add3A_43 : vector<16xi1>, vector<16xi32>
      %swap3A = arith.constant 0 : index
      %swap3A_140 = tpu.vector_load %arg11[%swap3A] {strides = array<i32>} : memref<80xi32, #tpu.memory_space<vmem>>, vector<16xi32>,
      %swap3A_141 = vector.shape_cast %swap3A_140 : vector<16xi32> to vector<16xi32>
      %swap3A_142 = vector.shape_cast %select_n3A : vector<16xi32> to vector<16xi32>
      tpu.vector_store %arg11[%swap3A], %swap3A_142 {strides = array<i32>} : memref<80xi32, #tpu.memory_space<vmem>>, vector<16xi32>,
      %get3A_143 = arith.constant 16 : index
      %get3A_144 = tpu.vector_load %arg11[%get3A_143] {strides = array<i32>} : memref<80xi32, #tpu.memory_space<vmem>>, vector<16xi32>,
      %get3A_145 = vector.shape_cast %get3A_144 : vector<16xi32> to vector<16xi32>
      %ge3A_146 = arith.constant 12512 : i32
      %ge3A_147 = vector.broadcast %ge3A_146 : i32 to vector<16xi32>
      %ge3A_148 = arith.cmpi sge, %get3A_145, %ge3A_147 : vector<16xi32>
      %lt3A_149 = arith.constant 25024 : i32
      %lt3A_150 = vector.broadcast %lt3A_149 : i32 to vector<16xi32>
      %lt3A_151 = arith.cmpi slt, %get3A_145, %lt3A_150 : vector<16xi32>
      %and3A_152 = arith.andi %ge3A_148, %lt3A_151 : vector<16xi1>
      %sub3A_153 = arith.constant 12512 : i32
      %sub3A_154 = vector.broadcast %sub3A_153 : i32 to vector<16xi32>
      %sub3A_155 = arith.subi %get3A_145, %sub3A_154 : vector<16xi32>
      %select_n3A_156 = arith.select %and3A_152, %sub3A_155, %add3A_43 : vector<16xi1>, vector<16xi32>
      %swap3A_157 = arith.constant 16 : index
      %swap3A_158 = tpu.vector_load %arg11[%swap3A_157] {strides = array<i32>} : memref<80xi32, #tpu.memory_space<vmem>>, vector<16xi32>,
      %swap3A_159 = vector.shape_cast %swap3A_158 : vector<16xi32> to vector<16xi32>
      %swap3A_160 = vector.shape_cast %select_n3A_156 : vector<16xi32> to vector<16xi32>
      tpu.vector_store %arg11[%swap3A_157], %swap3A_160 {strides = array<i32>} : memref<80xi32, #tpu.memory_space<vmem>>, vector<16xi32>,
      %get3A_161 = arith.constant 32 : index
      %get3A_162 = tpu.vector_load %arg11[%get3A_161] {strides = array<i32>} : memref<80xi32, #tpu.memory_space<vmem>>, vector<16xi32>,
      %get3A_163 = vector.shape_cast %get3A_162 : vector<16xi32> to vector<16xi32>
      %ge3A_164 = arith.constant 12512 : i32
      %ge3A_165 = vector.broadcast %ge3A_164 : i32 to vector<16xi32>
      %ge3A_166 = arith.cmpi sge, %get3A_163, %ge3A_165 : vector<16xi32>
      %lt3A_167 = arith.constant 25024 : i32
      %lt3A_168 = vector.broadcast %lt3A_167 : i32 to vector<16xi32>
      %lt3A_169 = arith.cmpi slt, %get3A_163, %lt3A_168 : vector<16xi32>
      %and3A_170 = arith.andi %ge3A_166, %lt3A_169 : vector<16xi1>
      %sub3A_171 = arith.constant 12512 : i32
      %sub3A_172 = vector.broadcast %sub3A_171 : i32 to vector<16xi32>
      %sub3A_173 = arith.subi %get3A_163, %sub3A_172 : vector<16xi32>
      %select_n3A_174 = arith.select %and3A_170, %sub3A_173, %add3A_43 : vector<16xi1>, vector<16xi32>
      %swap3A_175 = arith.constant 32 : index
      %swap3A_176 = tpu.vector_load %arg11[%swap3A_175] {strides = array<i32>} : memref<80xi32, #tpu.memory_space<vmem>>, vector<16xi32>,
      %swap3A_177 = vector.shape_cast %swap3A_176 : vector<16xi32> to vector<16xi32>
      %swap3A_178 = vector.shape_cast %select_n3A_174 : vector<16xi32> to vector<16xi32>
      tpu.vector_store %arg11[%swap3A_175], %swap3A_178 {strides = array<i32>} : memref<80xi32, #tpu.memory_space<vmem>>, vector<16xi32>,
      %get3A_179 = arith.constant 48 : index
      %get3A_180 = tpu.vector_load %arg11[%get3A_179] {strides = array<i32>} : memref<80xi32, #tpu.memory_space<vmem>>, vector<16xi32>,
      %get3A_181 = vector.shape_cast %get3A_180 : vector<16xi32> to vector<16xi32>
      %ge3A_182 = arith.constant 12512 : i32
      %ge3A_183 = vector.broadcast %ge3A_182 : i32 to vector<16xi32>
      %ge3A_184 = arith.cmpi sge, %get3A_181, %ge3A_183 : vector<16xi32>
      %lt3A_185 = arith.constant 25024 : i32
      %lt3A_186 = vector.broadcast %lt3A_185 : i32 to vector<16xi32>
      %lt3A_187 = arith.cmpi slt, %get3A_181, %lt3A_186 : vector<16xi32>
      %and3A_188 = arith.andi %ge3A_184, %lt3A_187 : vector<16xi1>
      %sub3A_189 = arith.constant 12512 : i32
      %sub3A_190 = vector.broadcast %sub3A_189 : i32 to vector<16xi32>
      %sub3A_191 = arith.subi %get3A_181, %sub3A_190 : vector<16xi32>
      %select_n3A_192 = arith.select %and3A_188, %sub3A_191, %add3A_43 : vector<16xi1>, vector<16xi32>
      %swap3A_193 = arith.constant 48 : index
      %swap3A_194 = tpu.vector_load %arg11[%swap3A_193] {strides = array<i32>} : memref<80xi32, #tpu.memory_space<vmem>>, vector<16xi32>,
      %swap3A_195 = vector.shape_cast %swap3A_194 : vector<16xi32> to vector<16xi32>
      %swap3A_196 = vector.shape_cast %select_n3A_192 : vector<16xi32> to vector<16xi32>
      tpu.vector_store %arg11[%swap3A_193], %swap3A_196 {strides = array<i32>} : memref<80xi32, #tpu.memory_space<vmem>>, vector<16xi32>,
      %get3A_197 = arith.constant 64 : index
      %get3A_198 = tpu.vector_load %arg11[%get3A_197] {strides = array<i32>} : memref<80xi32, #tpu.memory_space<vmem>>, vector<16xi32>,
      %get3A_199 = vector.shape_cast %get3A_198 : vector<16xi32> to vector<16xi32>
      %ge3A_200 = arith.constant 12512 : i32
      %ge3A_201 = vector.broadcast %ge3A_200 : i32 to vector<16xi32>
      %ge3A_202 = arith.cmpi sge, %get3A_199, %ge3A_201 : vector<16xi32>
      %lt3A_203 = arith.constant 25024 : i32
      %lt3A_204 = vector.broadcast %lt3A_203 : i32 to vector<16xi32>
      %lt3A_205 = arith.cmpi slt, %get3A_199, %lt3A_204 : vector<16xi32>
      %and3A_206 = arith.andi %ge3A_202, %lt3A_205 : vector<16xi1>
      %sub3A_207 = arith.constant 12512 : i32
      %sub3A_208 = vector.broadcast %sub3A_207 : i32 to vector<16xi32>
      %sub3A_209 = arith.subi %get3A_199, %sub3A_208 : vector<16xi32>
      %select_n3A_210 = arith.select %and3A_206, %sub3A_209, %add3A_43 : vector<16xi1>, vector<16xi32>
      %swap3A_211 = arith.constant 64 : index
      %swap3A_212 = tpu.vector_load %arg11[%swap3A_211] {strides = array<i32>} : memref<80xi32, #tpu.memory_space<vmem>>, vector<16xi32>,
      %swap3A_213 = vector.shape_cast %swap3A_212 : vector<16xi32> to vector<16xi32>
      %swap3A_214 = vector.shape_cast %select_n3A_210 : vector<16xi32> to vector<16xi32>
      tpu.vector_store %arg11[%swap3A_211], %swap3A_214 {strides = array<i32>} : memref<80xi32, #tpu.memory_space<vmem>>, vector<16xi32>,
      %dma_start3A = arith.constant 0 : i32
      %dma_start3A_215 = arith.constant 0 : i32
      %dma_start3A_216 = tpu.memref_slice %arg2[%dma_start3A, %dma_start3A_215] : memref<10000x128xf32, #tpu.memory_space<hbm>> -> memref<10000x128xf32, #tpu.memory_space<hbm>>
      tpu.enqueue_indirect_dma source(%dma_start3A_216 : memref<10000x128xf32, #tpu.memory_space<hbm>>) target(%arg12 : memref<80x128xf32, #tpu.memory_space<vmem>>) offsets(%arg10 : memref<80xi32, #tpu.memory_space<vmem>>) semaphore(%arg16 : memref<!tpu.dma_semaphore, #tpu.memory_space<semaphore_mem>>)
      %dma_wait3A = arith.constant 0 : i32
      %dma_wait3A_217 = arith.constant 0 : i32
      %dma_wait3A_218 = tpu.memref_slice %arg2[%dma_wait3A, %dma_wait3A_217] : memref<10000x128xf32, #tpu.memory_space<hbm>> -> memref<10000x128xf32, #tpu.memory_space<hbm>>
      tpu.wait_indirect_dma semaphore(%arg16 : memref<!tpu.dma_semaphore, #tpu.memory_space<semaphore_mem>>) src(%dma_wait3A_218 : memref<10000x128xf32, #tpu.memory_space<hbm>>) dst(%arg12 : memref<80x128xf32, #tpu.memory_space<vmem>>)
      "tpu.region"() ({
        %run_scoped3A = tpu.sem_alloc : memref<!tpu.dma_semaphore, #tpu.memory_space<semaphore_mem>>
        %dma_start3A_219 = arith.constant 0 : i32
        %dma_start3A_220 = arith.constant 0 : i32
        %dma_start3A_221 = tpu.memref_slice %arg14[%dma_start3A_219, %dma_start3A_220] : memref<12784x128xf32, #tpu.memory_space<vmem_shared>> -> memref<12784x128xf32, #tpu.memory_space<vmem_shared>>
        tpu.enqueue_indirect_dma source(%arg12 : memref<80x128xf32, #tpu.memory_space<vmem>>) target(%dma_start3A_221 : memref<12784x128xf32, #tpu.memory_space<vmem_shared>>) offsets(%arg11 : memref<80xi32, #tpu.memory_space<vmem>>) semaphore(%run_scoped3A : memref<!tpu.dma_semaphore, #tpu.memory_space<semaphore_mem>>) {add = true}
        %dma_wait3A_222 = arith.constant 0 : i32
        %dma_wait3A_223 = arith.constant 0 : i32
        %dma_wait3A_224 = tpu.memref_slice %arg14[%dma_wait3A_222, %dma_wait3A_223] : memref<12784x128xf32, #tpu.memory_space<vmem_shared>> -> memref<12784x128xf32, #tpu.memory_space<vmem_shared>>
        tpu.wait_indirect_dma semaphore(%run_scoped3A : memref<!tpu.dma_semaphore, #tpu.memory_space<semaphore_mem>>) src(%arg12 : memref<80x128xf32, #tpu.memory_space<vmem>>) dst(%dma_wait3A_224 : memref<12784x128xf32, #tpu.memory_space<vmem_shared>>)
        tpu.yield
      }) : () -> ()
      "tpu.region"() ({
        %run_scoped3A = tpu.sem_alloc : memref<!tpu.dma_semaphore, #tpu.memory_space<semaphore_mem>>
        %dma_start3A_219 = arith.constant 0 : i32
        %dma_start3A_220 = arith.constant 0 : i32
        %dma_start3A_221 = tpu.memref_slice %arg15[%dma_start3A_219, %dma_start3A_220] : memref<12784x8xf32, #tpu.memory_space<vmem_shared>> -> memref<12784x8xf32, #tpu.memory_space<vmem_shared>>
        tpu.enqueue_indirect_dma source(%arg13 : memref<80x8xf32, #tpu.memory_space<vmem>>) target(%dma_start3A_221 : memref<12784x8xf32, #tpu.memory_space<vmem_shared>>) offsets(%arg11 : memref<80xi32, #tpu.memory_space<vmem>>) semaphore(%run_scoped3A : memref<!tpu.dma_semaphore, #tpu.memory_space<semaphore_mem>>) {add = true}
        %dma_wait3A_222 = arith.constant 0 : i32
        %dma_wait3A_223 = arith.constant 0 : i32
        %dma_wait3A_224 = tpu.memref_slice %arg15[%dma_wait3A_222, %dma_wait3A_223] : memref<12784x8xf32, #tpu.memory_space<vmem_shared>> -> memref<12784x8xf32, #tpu.memory_space<vmem_shared>>
        tpu.wait_indirect_dma semaphore(%run_scoped3A : memref<!tpu.dma_semaphore, #tpu.memory_space<semaphore_mem>>) src(%arg13 : memref<80x8xf32, #tpu.memory_space<vmem>>) dst(%dma_wait3A_224 : memref<12784x8xf32, #tpu.memory_space<vmem_shared>>)
        tpu.yield
      }) : () -> ()
    }
    %scan3A_49 = arith.constant 125 : i32
    %barrier3A_50 = arith.constant 0 : index
    tpu.barrier barrier_id(%barrier3A_50)
    %mul3A_51 = arith.constant 782 : i32
    %mul3A_52 = arith.muli %arg1, %mul3A_51 : i32
    %mul3A_53 = arith.constant 782 : i32
    %mul3A_54 = arith.muli %arg1, %mul3A_53 : i32
    %add3A_55 = arith.constant 12512 : i32
    %add3A_56 = arith.addi %add3A_55, %mul3A_54 : i32
    "tpu.region"() ({
      %run_scoped3A = tpu.sem_alloc : memref<!tpu.dma_semaphore, #tpu.memory_space<semaphore_mem>>
      %dma_start3A = arith.constant 0 : i32
      %dma_start3A_128 = tpu.memref_slice %arg8[%arg0, %add3A_56, %dma_start3A] : memref<2x50000x128xf32, #tpu.memory_space<hbm>> -> memref<1x782x128xf32, #tpu.memory_space<hbm>>
      %dma_start3A_129 = tpu.memref_squeeze %dma_start3A_128 : memref<1x782x128xf32, #tpu.memory_space<hbm>> -> memref<782x128xf32, #tpu.memory_space<hbm>>
      %dma_start3A_130 = arith.constant 0 : i32
      %dma_start3A_131 = tpu.memref_slice %arg14[%mul3A_52, %dma_start3A_130] : memref<12784x128xf32, #tpu.memory_space<vmem_shared>> -> memref<782x128xf32, #tpu.memory_space<vmem_shared>>
      tpu.enqueue_dma source(%dma_start3A_131 : memref<782x128xf32, #tpu.memory_space<vmem_shared>>) target(%dma_start3A_129 : memref<782x128xf32, #tpu.memory_space<hbm>>) target_semaphore(%run_scoped3A : memref<!tpu.dma_semaphore, #tpu.memory_space<semaphore_mem>>)
      %dma_wait3A = arith.constant 0 : i32
      %dma_wait3A_132 = tpu.memref_slice %arg8[%arg0, %add3A_56, %dma_wait3A] : memref<2x50000x128xf32, #tpu.memory_space<hbm>> -> memref<1x782x128xf32, #tpu.memory_space<hbm>>
      %dma_wait3A_133 = tpu.memref_squeeze %dma_wait3A_132 : memref<1x782x128xf32, #tpu.memory_space<hbm>> -> memref<782x128xf32, #tpu.memory_space<hbm>>
      %dma_wait3A_134 = arith.constant 0 : i32
      %dma_wait3A_135 = tpu.memref_slice %arg14[%mul3A_52, %dma_wait3A_134] : memref<12784x128xf32, #tpu.memory_space<vmem_shared>> -> memref<782x128xf32, #tpu.memory_space<vmem_shared>>
      tpu.wait_dma2 semaphore(%run_scoped3A : memref<!tpu.dma_semaphore, #tpu.memory_space<semaphore_mem>>) src(%dma_wait3A_135 : memref<782x128xf32, #tpu.memory_space<vmem_shared>>) dst(%dma_wait3A_133 : memref<782x128xf32, #tpu.memory_space<hbm>>)
      tpu.yield
    }) : () -> ()
    %mul3A_57 = arith.constant 782 : i32
    %mul3A_58 = arith.muli %arg1, %mul3A_57 : i32
    %mul3A_59 = arith.constant 782 : i32
    %mul3A_60 = arith.muli %arg1, %mul3A_59 : i32
    %add3A_61 = arith.constant 12512 : i32
    %add3A_62 = arith.addi %add3A_61, %mul3A_60 : i32
    "tpu.region"() ({
      %run_scoped3A = tpu.sem_alloc : memref<!tpu.dma_semaphore, #tpu.memory_space<semaphore_mem>>
      %dma_start3A = arith.constant 0 : i32
      %dma_start3A_128 = tpu.memref_slice %arg9[%arg0, %add3A_62, %dma_start3A] : memref<2x50000x8xf32, #tpu.memory_space<hbm>> -> memref<1x782x8xf32, #tpu.memory_space<hbm>>
      %dma_start3A_129 = tpu.memref_squeeze %dma_start3A_128 : memref<1x782x8xf32, #tpu.memory_space<hbm>> -> memref<782x8xf32, #tpu.memory_space<hbm>>
      %dma_start3A_130 = arith.constant 0 : i32
      %dma_start3A_131 = tpu.memref_slice %arg15[%mul3A_58, %dma_start3A_130] : memref<12784x8xf32, #tpu.memory_space<vmem_shared>> -> memref<782x8xf32, #tpu.memory_space<vmem_shared>>
      tpu.enqueue_dma source(%dma_start3A_131 : memref<782x8xf32, #tpu.memory_space<vmem_shared>>) target(%dma_start3A_129 : memref<782x8xf32, #tpu.memory_space<hbm>>) target_semaphore(%run_scoped3A : memref<!tpu.dma_semaphore, #tpu.memory_space<semaphore_mem>>)
      %dma_wait3A = arith.constant 0 : i32
      %dma_wait3A_132 = tpu.memref_slice %arg9[%arg0, %add3A_62, %dma_wait3A] : memref<2x50000x8xf32, #tpu.memory_space<hbm>> -> memref<1x782x8xf32, #tpu.memory_space<hbm>>
      %dma_wait3A_133 = tpu.memref_squeeze %dma_wait3A_132 : memref<1x782x8xf32, #tpu.memory_space<hbm>> -> memref<782x8xf32, #tpu.memory_space<hbm>>
      %dma_wait3A_134 = arith.constant 0 : i32
      %dma_wait3A_135 = tpu.memref_slice %arg15[%mul3A_58, %dma_wait3A_134] : memref<12784x8xf32, #tpu.memory_space<vmem_shared>> -> memref<782x8xf32, #tpu.memory_space<vmem_shared>>
      tpu.wait_dma2 semaphore(%run_scoped3A : memref<!tpu.dma_semaphore, #tpu.memory_space<semaphore_mem>>) src(%dma_wait3A_135 : memref<782x8xf32, #tpu.memory_space<vmem_shared>>) dst(%dma_wait3A_133 : memref<782x8xf32, #tpu.memory_space<hbm>>)
      tpu.yield
    }) : () -> ()
    %barrier3A_63 = arith.constant 0 : index
    tpu.barrier barrier_id(%barrier3A_63)
    %mul3A_64 = arith.constant 783 : i32
    %mul3A_65 = arith.muli %arg1, %mul3A_64 : i32
    "tpu.region"() ({
      %run_scoped3A = tpu.sem_alloc : memref<!tpu.dma_semaphore, #tpu.memory_space<semaphore_mem>>
      %dma_start3A = arith.constant 0 : i32
      %dma_start3A_128 = tpu.memref_slice %arg14[%mul3A_65, %dma_start3A] : memref<12784x128xf32, #tpu.memory_space<vmem_shared>> -> memref<783x128xf32, #tpu.memory_space<vmem_shared>>
      %dma_start3A_129 = arith.constant 0 : i32
      %dma_start3A_130 = arith.constant 0 : i32
      %dma_start3A_131 = tpu.memref_slice %arg5[%dma_start3A_129, %dma_start3A_130] : memref<783x128xf32, #tpu.memory_space<hbm>> -> memref<783x128xf32, #tpu.memory_space<hbm>>
      tpu.enqueue_dma source(%dma_start3A_131 : memref<783x128xf32, #tpu.memory_space<hbm>>) target(%dma_start3A_128 : memref<783x128xf32, #tpu.memory_space<vmem_shared>>) target_semaphore(%run_scoped3A : memref<!tpu.dma_semaphore, #tpu.memory_space<semaphore_mem>>)
      %dma_wait3A = arith.constant 0 : i32
      %dma_wait3A_132 = tpu.memref_slice %arg14[%mul3A_65, %dma_wait3A] : memref<12784x128xf32, #tpu.memory_space<vmem_shared>> -> memref<783x128xf32, #tpu.memory_space<vmem_shared>>
      %dma_wait3A_133 = arith.constant 0 : i32
      %dma_wait3A_134 = arith.constant 0 : i32
      %dma_wait3A_135 = tpu.memref_slice %arg5[%dma_wait3A_133, %dma_wait3A_134] : memref<783x128xf32, #tpu.memory_space<hbm>> -> memref<783x128xf32, #tpu.memory_space<hbm>>
      tpu.wait_dma2 semaphore(%run_scoped3A : memref<!tpu.dma_semaphore, #tpu.memory_space<semaphore_mem>>) src(%dma_wait3A_135 : memref<783x128xf32, #tpu.memory_space<hbm>>) dst(%dma_wait3A_132 : memref<783x128xf32, #tpu.memory_space<vmem_shared>>)
      tpu.yield
    }) : () -> ()
    %mul3A_66 = arith.constant 783 : i32
    %mul3A_67 = arith.muli %arg1, %mul3A_66 : i32
    "tpu.region"() ({
      %run_scoped3A = tpu.sem_alloc : memref<!tpu.dma_semaphore, #tpu.memory_space<semaphore_mem>>
      %dma_start3A = arith.constant 0 : i32
      %dma_start3A_128 = tpu.memref_slice %arg15[%mul3A_67, %dma_start3A] : memref<12784x8xf32, #tpu.memory_space<vmem_shared>> -> memref<783x8xf32, #tpu.memory_space<vmem_shared>>
      %dma_start3A_129 = arith.constant 0 : i32
      %dma_start3A_130 = arith.constant 0 : i32
      %dma_start3A_131 = tpu.memref_slice %arg6[%dma_start3A_129, %dma_start3A_130] : memref<783x8xf32, #tpu.memory_space<hbm>> -> memref<783x8xf32, #tpu.memory_space<hbm>>
      tpu.enqueue_dma source(%dma_start3A_131 : memref<783x8xf32, #tpu.memory_space<hbm>>) target(%dma_start3A_128 : memref<783x8xf32, #tpu.memory_space<vmem_shared>>) target_semaphore(%run_scoped3A : memref<!tpu.dma_semaphore, #tpu.memory_space<semaphore_mem>>)
      %dma_wait3A = arith.constant 0 : i32
      %dma_wait3A_132 = tpu.memref_slice %arg15[%mul3A_67, %dma_wait3A] : memref<12784x8xf32, #tpu.memory_space<vmem_shared>> -> memref<783x8xf32, #tpu.memory_space<vmem_shared>>
      %dma_wait3A_133 = arith.constant 0 : i32
      %dma_wait3A_134 = arith.constant 0 : i32
      %dma_wait3A_135 = tpu.memref_slice %arg6[%dma_wait3A_133, %dma_wait3A_134] : memref<783x8xf32, #tpu.memory_space<hbm>> -> memref<783x8xf32, #tpu.memory_space<hbm>>
      tpu.wait_dma2 semaphore(%run_scoped3A : memref<!tpu.dma_semaphore, #tpu.memory_space<semaphore_mem>>) src(%dma_wait3A_135 : memref<783x8xf32, #tpu.memory_space<hbm>>) dst(%dma_wait3A_132 : memref<783x8xf32, #tpu.memory_space<vmem_shared>>)
      tpu.yield
    }) : () -> ()
    %barrier3A_68 = arith.constant 0 : index
    tpu.barrier barrier_id(%barrier3A_68)
    %mul3A_69 = arith.constant 16 : i32
    %mul3A_70 = arith.muli %arg1, %mul3A_69 : i32
    %add3A_71 = arith.constant 12512 : i32
    %add3A_72 = arith.addi %add3A_71, %mul3A_70 : i32
    %iota3A_73 = tpu.iota {dimensions = array<i32: 0>} : vector<16xi32>
    %add3A_74 = vector.broadcast %add3A_72 : i32 to vector<16xi32>
    %add3A_75 = arith.addi %add3A_74, %iota3A_73 : vector<16xi32>
    %scan3A_76 = arith.constant 0 : i32
    %scan3A_77 = arith.constant 0 : i32
    %scan3A_78 = arith.constant 125 : i32
    %scan3A_79 = arith.addi %scan3A_77, %scan3A_78 : i32
    %scan3A_80 = arith.constant 1 : i32
    scf.for %scan3A_128 = %scan3A_77 to %scan3A_79 step %scan3A_80  : i32 {
      %mul3A_129 = arith.constant 80 : i32
      %mul3A_130 = arith.muli %scan3A_128, %mul3A_129 : i32
      %add3A_131 = arith.addi %mul3A_2, %mul3A_130 : i32
      "tpu.region"() ({
        %run_scoped3A = tpu.sem_alloc : memref<!tpu.dma_semaphore, #tpu.memory_space<semaphore_mem>>
        %dma_start3A_219 = tpu.memref_slice %arg3[%add3A_131] : memref<320000xi32, #tpu.memory_space<hbm>> -> memref<80xi32, #tpu.memory_space<hbm>>
        %dma_start3A_220 = tpu.memref_slice %arg3[%add3A_131] : memref<320000xi32, #tpu.memory_space<hbm>> -> memref<80xi32, #tpu.memory_space<hbm>>
        tpu.enqueue_dma source(%dma_start3A_220 : memref<80xi32, #tpu.memory_space<hbm>>) target(%arg10 : memref<80xi32, #tpu.memory_space<vmem>>) target_semaphore(%run_scoped3A : memref<!tpu.dma_semaphore, #tpu.memory_space<semaphore_mem>>)
        %dma_wait3A_221 = tpu.memref_slice %arg3[%add3A_131] : memref<320000xi32, #tpu.memory_space<hbm>> -> memref<80xi32, #tpu.memory_space<hbm>>
        %dma_wait3A_222 = tpu.memref_slice %arg3[%add3A_131] : memref<320000xi32, #tpu.memory_space<hbm>> -> memref<80xi32, #tpu.memory_space<hbm>>
        tpu.wait_dma2 semaphore(%run_scoped3A : memref<!tpu.dma_semaphore, #tpu.memory_space<semaphore_mem>>) src(%dma_wait3A_222 : memref<80xi32, #tpu.memory_space<hbm>>) dst(%arg10 : memref<80xi32, #tpu.memory_space<vmem>>)
        tpu.yield
      }) : () -> ()
      "tpu.region"() ({
        %run_scoped3A = tpu.sem_alloc : memref<!tpu.dma_semaphore, #tpu.memory_space<semaphore_mem>>
        %dma_start3A_219 = tpu.memref_slice %arg4[%add3A_131] : memref<320000xi32, #tpu.memory_space<hbm>> -> memref<80xi32, #tpu.memory_space<hbm>>
        %dma_start3A_220 = tpu.memref_slice %arg4[%add3A_131] : memref<320000xi32, #tpu.memory_space<hbm>> -> memref<80xi32, #tpu.memory_space<hbm>>
        tpu.enqueue_dma source(%dma_start3A_220 : memref<80xi32, #tpu.memory_space<hbm>>) target(%arg11 : memref<80xi32, #tpu.memory_space<vmem>>) target_semaphore(%run_scoped3A : memref<!tpu.dma_semaphore, #tpu.memory_space<semaphore_mem>>)
        %dma_wait3A_221 = tpu.memref_slice %arg4[%add3A_131] : memref<320000xi32, #tpu.memory_space<hbm>> -> memref<80xi32, #tpu.memory_space<hbm>>
        %dma_wait3A_222 = tpu.memref_slice %arg4[%add3A_131] : memref<320000xi32, #tpu.memory_space<hbm>> -> memref<80xi32, #tpu.memory_space<hbm>>
        tpu.wait_dma2 semaphore(%run_scoped3A : memref<!tpu.dma_semaphore, #tpu.memory_space<semaphore_mem>>) src(%dma_wait3A_222 : memref<80xi32, #tpu.memory_space<hbm>>) dst(%arg11 : memref<80xi32, #tpu.memory_space<vmem>>)
        tpu.yield
      }) : () -> ()
      %get3A = arith.constant 0 : index
      %get3A_132 = tpu.vector_load %arg11[%get3A] {strides = array<i32>} : memref<80xi32, #tpu.memory_space<vmem>>, vector<16xi32>,
      %get3A_133 = vector.shape_cast %get3A_132 : vector<16xi32> to vector<16xi32>
      %ge3A = arith.constant 25024 : i32
      %ge3A_134 = vector.broadcast %ge3A : i32 to vector<16xi32>
      %ge3A_135 = arith.cmpi sge, %get3A_133, %ge3A_134 : vector<16xi32>
      %lt3A = arith.constant 37536 : i32
      %lt3A_136 = vector.broadcast %lt3A : i32 to vector<16xi32>
      %lt3A_137 = arith.cmpi slt, %get3A_133, %lt3A_136 : vector<16xi32>
      %and3A = arith.andi %ge3A_135, %lt3A_137 : vector<16xi1>
      %sub3A = arith.constant 25024 : i32
      %sub3A_138 = vector.broadcast %sub3A : i32 to vector<16xi32>
      %sub3A_139 = arith.subi %get3A_133, %sub3A_138 : vector<16xi32>
      %select_n3A = arith.select %and3A, %sub3A_139, %add3A_75 : vector<16xi1>, vector<16xi32>
      %swap3A = arith.constant 0 : index
      %swap3A_140 = tpu.vector_load %arg11[%swap3A] {strides = array<i32>} : memref<80xi32, #tpu.memory_space<vmem>>, vector<16xi32>,
      %swap3A_141 = vector.shape_cast %swap3A_140 : vector<16xi32> to vector<16xi32>
      %swap3A_142 = vector.shape_cast %select_n3A : vector<16xi32> to vector<16xi32>
      tpu.vector_store %arg11[%swap3A], %swap3A_142 {strides = array<i32>} : memref<80xi32, #tpu.memory_space<vmem>>, vector<16xi32>,
      %get3A_143 = arith.constant 16 : index
      %get3A_144 = tpu.vector_load %arg11[%get3A_143] {strides = array<i32>} : memref<80xi32, #tpu.memory_space<vmem>>, vector<16xi32>,
      %get3A_145 = vector.shape_cast %get3A_144 : vector<16xi32> to vector<16xi32>
      %ge3A_146 = arith.constant 25024 : i32
      %ge3A_147 = vector.broadcast %ge3A_146 : i32 to vector<16xi32>
      %ge3A_148 = arith.cmpi sge, %get3A_145, %ge3A_147 : vector<16xi32>
      %lt3A_149 = arith.constant 37536 : i32
      %lt3A_150 = vector.broadcast %lt3A_149 : i32 to vector<16xi32>
      %lt3A_151 = arith.cmpi slt, %get3A_145, %lt3A_150 : vector<16xi32>
      %and3A_152 = arith.andi %ge3A_148, %lt3A_151 : vector<16xi1>
      %sub3A_153 = arith.constant 25024 : i32
      %sub3A_154 = vector.broadcast %sub3A_153 : i32 to vector<16xi32>
      %sub3A_155 = arith.subi %get3A_145, %sub3A_154 : vector<16xi32>
      %select_n3A_156 = arith.select %and3A_152, %sub3A_155, %add3A_75 : vector<16xi1>, vector<16xi32>
      %swap3A_157 = arith.constant 16 : index
      %swap3A_158 = tpu.vector_load %arg11[%swap3A_157] {strides = array<i32>} : memref<80xi32, #tpu.memory_space<vmem>>, vector<16xi32>,
      %swap3A_159 = vector.shape_cast %swap3A_158 : vector<16xi32> to vector<16xi32>
      %swap3A_160 = vector.shape_cast %select_n3A_156 : vector<16xi32> to vector<16xi32>
      tpu.vector_store %arg11[%swap3A_157], %swap3A_160 {strides = array<i32>} : memref<80xi32, #tpu.memory_space<vmem>>, vector<16xi32>,
      %get3A_161 = arith.constant 32 : index
      %get3A_162 = tpu.vector_load %arg11[%get3A_161] {strides = array<i32>} : memref<80xi32, #tpu.memory_space<vmem>>, vector<16xi32>,
      %get3A_163 = vector.shape_cast %get3A_162 : vector<16xi32> to vector<16xi32>
      %ge3A_164 = arith.constant 25024 : i32
      %ge3A_165 = vector.broadcast %ge3A_164 : i32 to vector<16xi32>
      %ge3A_166 = arith.cmpi sge, %get3A_163, %ge3A_165 : vector<16xi32>
      %lt3A_167 = arith.constant 37536 : i32
      %lt3A_168 = vector.broadcast %lt3A_167 : i32 to vector<16xi32>
      %lt3A_169 = arith.cmpi slt, %get3A_163, %lt3A_168 : vector<16xi32>
      %and3A_170 = arith.andi %ge3A_166, %lt3A_169 : vector<16xi1>
      %sub3A_171 = arith.constant 25024 : i32
      %sub3A_172 = vector.broadcast %sub3A_171 : i32 to vector<16xi32>
      %sub3A_173 = arith.subi %get3A_163, %sub3A_172 : vector<16xi32>
      %select_n3A_174 = arith.select %and3A_170, %sub3A_173, %add3A_75 : vector<16xi1>, vector<16xi32>
      %swap3A_175 = arith.constant 32 : index
      %swap3A_176 = tpu.vector_load %arg11[%swap3A_175] {strides = array<i32>} : memref<80xi32, #tpu.memory_space<vmem>>, vector<16xi32>,
      %swap3A_177 = vector.shape_cast %swap3A_176 : vector<16xi32> to vector<16xi32>
      %swap3A_178 = vector.shape_cast %select_n3A_174 : vector<16xi32> to vector<16xi32>
      tpu.vector_store %arg11[%swap3A_175], %swap3A_178 {strides = array<i32>} : memref<80xi32, #tpu.memory_space<vmem>>, vector<16xi32>,
      %get3A_179 = arith.constant 48 : index
      %get3A_180 = tpu.vector_load %arg11[%get3A_179] {strides = array<i32>} : memref<80xi32, #tpu.memory_space<vmem>>, vector<16xi32>,
      %get3A_181 = vector.shape_cast %get3A_180 : vector<16xi32> to vector<16xi32>
      %ge3A_182 = arith.constant 25024 : i32
      %ge3A_183 = vector.broadcast %ge3A_182 : i32 to vector<16xi32>
      %ge3A_184 = arith.cmpi sge, %get3A_181, %ge3A_183 : vector<16xi32>
      %lt3A_185 = arith.constant 37536 : i32
      %lt3A_186 = vector.broadcast %lt3A_185 : i32 to vector<16xi32>
      %lt3A_187 = arith.cmpi slt, %get3A_181, %lt3A_186 : vector<16xi32>
      %and3A_188 = arith.andi %ge3A_184, %lt3A_187 : vector<16xi1>
      %sub3A_189 = arith.constant 25024 : i32
      %sub3A_190 = vector.broadcast %sub3A_189 : i32 to vector<16xi32>
      %sub3A_191 = arith.subi %get3A_181, %sub3A_190 : vector<16xi32>
      %select_n3A_192 = arith.select %and3A_188, %sub3A_191, %add3A_75 : vector<16xi1>, vector<16xi32>
      %swap3A_193 = arith.constant 48 : index
      %swap3A_194 = tpu.vector_load %arg11[%swap3A_193] {strides = array<i32>} : memref<80xi32, #tpu.memory_space<vmem>>, vector<16xi32>,
      %swap3A_195 = vector.shape_cast %swap3A_194 : vector<16xi32> to vector<16xi32>
      %swap3A_196 = vector.shape_cast %select_n3A_192 : vector<16xi32> to vector<16xi32>
      tpu.vector_store %arg11[%swap3A_193], %swap3A_196 {strides = array<i32>} : memref<80xi32, #tpu.memory_space<vmem>>, vector<16xi32>,
      %get3A_197 = arith.constant 64 : index
      %get3A_198 = tpu.vector_load %arg11[%get3A_197] {strides = array<i32>} : memref<80xi32, #tpu.memory_space<vmem>>, vector<16xi32>,
      %get3A_199 = vector.shape_cast %get3A_198 : vector<16xi32> to vector<16xi32>
      %ge3A_200 = arith.constant 25024 : i32
      %ge3A_201 = vector.broadcast %ge3A_200 : i32 to vector<16xi32>
      %ge3A_202 = arith.cmpi sge, %get3A_199, %ge3A_201 : vector<16xi32>
      %lt3A_203 = arith.constant 37536 : i32
      %lt3A_204 = vector.broadcast %lt3A_203 : i32 to vector<16xi32>
      %lt3A_205 = arith.cmpi slt, %get3A_199, %lt3A_204 : vector<16xi32>
      %and3A_206 = arith.andi %ge3A_202, %lt3A_205 : vector<16xi1>
      %sub3A_207 = arith.constant 25024 : i32
      %sub3A_208 = vector.broadcast %sub3A_207 : i32 to vector<16xi32>
      %sub3A_209 = arith.subi %get3A_199, %sub3A_208 : vector<16xi32>
      %select_n3A_210 = arith.select %and3A_206, %sub3A_209, %add3A_75 : vector<16xi1>, vector<16xi32>
      %swap3A_211 = arith.constant 64 : index
      %swap3A_212 = tpu.vector_load %arg11[%swap3A_211] {strides = array<i32>} : memref<80xi32, #tpu.memory_space<vmem>>, vector<16xi32>,
      %swap3A_213 = vector.shape_cast %swap3A_212 : vector<16xi32> to vector<16xi32>
      %swap3A_214 = vector.shape_cast %select_n3A_210 : vector<16xi32> to vector<16xi32>
      tpu.vector_store %arg11[%swap3A_211], %swap3A_214 {strides = array<i32>} : memref<80xi32, #tpu.memory_space<vmem>>, vector<16xi32>,
      %dma_start3A = arith.constant 0 : i32
      %dma_start3A_215 = arith.constant 0 : i32
      %dma_start3A_216 = tpu.memref_slice %arg2[%dma_start3A, %dma_start3A_215] : memref<10000x128xf32, #tpu.memory_space<hbm>> -> memref<10000x128xf32, #tpu.memory_space<hbm>>
      tpu.enqueue_indirect_dma source(%dma_start3A_216 : memref<10000x128xf32, #tpu.memory_space<hbm>>) target(%arg12 : memref<80x128xf32, #tpu.memory_space<vmem>>) offsets(%arg10 : memref<80xi32, #tpu.memory_space<vmem>>) semaphore(%arg16 : memref<!tpu.dma_semaphore, #tpu.memory_space<semaphore_mem>>)
      %dma_wait3A = arith.constant 0 : i32
      %dma_wait3A_217 = arith.constant 0 : i32
      %dma_wait3A_218 = tpu.memref_slice %arg2[%dma_wait3A, %dma_wait3A_217] : memref<10000x128xf32, #tpu.memory_space<hbm>> -> memref<10000x128xf32, #tpu.memory_space<hbm>>
      tpu.wait_indirect_dma semaphore(%arg16 : memref<!tpu.dma_semaphore, #tpu.memory_space<semaphore_mem>>) src(%dma_wait3A_218 : memref<10000x128xf32, #tpu.memory_space<hbm>>) dst(%arg12 : memref<80x128xf32, #tpu.memory_space<vmem>>)
      "tpu.region"() ({
        %run_scoped3A = tpu.sem_alloc : memref<!tpu.dma_semaphore, #tpu.memory_space<semaphore_mem>>
        %dma_start3A_219 = arith.constant 0 : i32
        %dma_start3A_220 = arith.constant 0 : i32
        %dma_start3A_221 = tpu.memref_slice %arg14[%dma_start3A_219, %dma_start3A_220] : memref<12784x128xf32, #tpu.memory_space<vmem_shared>> -> memref<12784x128xf32, #tpu.memory_space<vmem_shared>>
        tpu.enqueue_indirect_dma source(%arg12 : memref<80x128xf32, #tpu.memory_space<vmem>>) target(%dma_start3A_221 : memref<12784x128xf32, #tpu.memory_space<vmem_shared>>) offsets(%arg11 : memref<80xi32, #tpu.memory_space<vmem>>) semaphore(%run_scoped3A : memref<!tpu.dma_semaphore, #tpu.memory_space<semaphore_mem>>) {add = true}
        %dma_wait3A_222 = arith.constant 0 : i32
        %dma_wait3A_223 = arith.constant 0 : i32
        %dma_wait3A_224 = tpu.memref_slice %arg14[%dma_wait3A_222, %dma_wait3A_223] : memref<12784x128xf32, #tpu.memory_space<vmem_shared>> -> memref<12784x128xf32, #tpu.memory_space<vmem_shared>>
        tpu.wait_indirect_dma semaphore(%run_scoped3A : memref<!tpu.dma_semaphore, #tpu.memory_space<semaphore_mem>>) src(%arg12 : memref<80x128xf32, #tpu.memory_space<vmem>>) dst(%dma_wait3A_224 : memref<12784x128xf32, #tpu.memory_space<vmem_shared>>)
        tpu.yield
      }) : () -> ()
      "tpu.region"() ({
        %run_scoped3A = tpu.sem_alloc : memref<!tpu.dma_semaphore, #tpu.memory_space<semaphore_mem>>
        %dma_start3A_219 = arith.constant 0 : i32
        %dma_start3A_220 = arith.constant 0 : i32
        %dma_start3A_221 = tpu.memref_slice %arg15[%dma_start3A_219, %dma_start3A_220] : memref<12784x8xf32, #tpu.memory_space<vmem_shared>> -> memref<12784x8xf32, #tpu.memory_space<vmem_shared>>
        tpu.enqueue_indirect_dma source(%arg13 : memref<80x8xf32, #tpu.memory_space<vmem>>) target(%dma_start3A_221 : memref<12784x8xf32, #tpu.memory_space<vmem_shared>>) offsets(%arg11 : memref<80xi32, #tpu.memory_space<vmem>>) semaphore(%run_scoped3A : memref<!tpu.dma_semaphore, #tpu.memory_space<semaphore_mem>>) {add = true}
        %dma_wait3A_222 = arith.constant 0 : i32
        %dma_wait3A_223 = arith.constant 0 : i32
        %dma_wait3A_224 = tpu.memref_slice %arg15[%dma_wait3A_222, %dma_wait3A_223] : memref<12784x8xf32, #tpu.memory_space<vmem_shared>> -> memref<12784x8xf32, #tpu.memory_space<vmem_shared>>
        tpu.wait_indirect_dma semaphore(%run_scoped3A : memref<!tpu.dma_semaphore, #tpu.memory_space<semaphore_mem>>) src(%arg13 : memref<80x8xf32, #tpu.memory_space<vmem>>) dst(%dma_wait3A_224 : memref<12784x8xf32, #tpu.memory_space<vmem_shared>>)
        tpu.yield
      }) : () -> ()
    }
    %scan3A_81 = arith.constant 125 : i32
    %barrier3A_82 = arith.constant 0 : index
    tpu.barrier barrier_id(%barrier3A_82)
    %mul3A_83 = arith.constant 782 : i32
    %mul3A_84 = arith.muli %arg1, %mul3A_83 : i32
    %mul3A_85 = arith.constant 782 : i32
    %mul3A_86 = arith.muli %arg1, %mul3A_85 : i32
    %add3A_87 = arith.constant 25024 : i32
    %add3A_88 = arith.addi %add3A_87, %mul3A_86 : i32
    "tpu.region"() ({
      %run_scoped3A = tpu.sem_alloc : memref<!tpu.dma_semaphore, #tpu.memory_space<semaphore_mem>>
      %dma_start3A = arith.constant 0 : i32
      %dma_start3A_128 = tpu.memref_slice %arg8[%arg0, %add3A_88, %dma_start3A] : memref<2x50000x128xf32, #tpu.memory_space<hbm>> -> memref<1x782x128xf32, #tpu.memory_space<hbm>>
      %dma_start3A_129 = tpu.memref_squeeze %dma_start3A_128 : memref<1x782x128xf32, #tpu.memory_space<hbm>> -> memref<782x128xf32, #tpu.memory_space<hbm>>
      %dma_start3A_130 = arith.constant 0 : i32
      %dma_start3A_131 = tpu.memref_slice %arg14[%mul3A_84, %dma_start3A_130] : memref<12784x128xf32, #tpu.memory_space<vmem_shared>> -> memref<782x128xf32, #tpu.memory_space<vmem_shared>>
      tpu.enqueue_dma source(%dma_start3A_131 : memref<782x128xf32, #tpu.memory_space<vmem_shared>>) target(%dma_start3A_129 : memref<782x128xf32, #tpu.memory_space<hbm>>) target_semaphore(%run_scoped3A : memref<!tpu.dma_semaphore, #tpu.memory_space<semaphore_mem>>)
      %dma_wait3A = arith.constant 0 : i32
      %dma_wait3A_132 = tpu.memref_slice %arg8[%arg0, %add3A_88, %dma_wait3A] : memref<2x50000x128xf32, #tpu.memory_space<hbm>> -> memref<1x782x128xf32, #tpu.memory_space<hbm>>
      %dma_wait3A_133 = tpu.memref_squeeze %dma_wait3A_132 : memref<1x782x128xf32, #tpu.memory_space<hbm>> -> memref<782x128xf32, #tpu.memory_space<hbm>>
      %dma_wait3A_134 = arith.constant 0 : i32
      %dma_wait3A_135 = tpu.memref_slice %arg14[%mul3A_84, %dma_wait3A_134] : memref<12784x128xf32, #tpu.memory_space<vmem_shared>> -> memref<782x128xf32, #tpu.memory_space<vmem_shared>>
      tpu.wait_dma2 semaphore(%run_scoped3A : memref<!tpu.dma_semaphore, #tpu.memory_space<semaphore_mem>>) src(%dma_wait3A_135 : memref<782x128xf32, #tpu.memory_space<vmem_shared>>) dst(%dma_wait3A_133 : memref<782x128xf32, #tpu.memory_space<hbm>>)
      tpu.yield
    }) : () -> ()
    %mul3A_89 = arith.constant 782 : i32
    %mul3A_90 = arith.muli %arg1, %mul3A_89 : i32
    %mul3A_91 = arith.constant 782 : i32
    %mul3A_92 = arith.muli %arg1, %mul3A_91 : i32
    %add3A_93 = arith.constant 25024 : i32
    %add3A_94 = arith.addi %add3A_93, %mul3A_92 : i32
    "tpu.region"() ({
      %run_scoped3A = tpu.sem_alloc : memref<!tpu.dma_semaphore, #tpu.memory_space<semaphore_mem>>
      %dma_start3A = arith.constant 0 : i32
      %dma_start3A_128 = tpu.memref_slice %arg9[%arg0, %add3A_94, %dma_start3A] : memref<2x50000x8xf32, #tpu.memory_space<hbm>> -> memref<1x782x8xf32, #tpu.memory_space<hbm>>
      %dma_start3A_129 = tpu.memref_squeeze %dma_start3A_128 : memref<1x782x8xf32, #tpu.memory_space<hbm>> -> memref<782x8xf32, #tpu.memory_space<hbm>>
      %dma_start3A_130 = arith.constant 0 : i32
      %dma_start3A_131 = tpu.memref_slice %arg15[%mul3A_90, %dma_start3A_130] : memref<12784x8xf32, #tpu.memory_space<vmem_shared>> -> memref<782x8xf32, #tpu.memory_space<vmem_shared>>
      tpu.enqueue_dma source(%dma_start3A_131 : memref<782x8xf32, #tpu.memory_space<vmem_shared>>) target(%dma_start3A_129 : memref<782x8xf32, #tpu.memory_space<hbm>>) target_semaphore(%run_scoped3A : memref<!tpu.dma_semaphore, #tpu.memory_space<semaphore_mem>>)
      %dma_wait3A = arith.constant 0 : i32
      %dma_wait3A_132 = tpu.memref_slice %arg9[%arg0, %add3A_94, %dma_wait3A] : memref<2x50000x8xf32, #tpu.memory_space<hbm>> -> memref<1x782x8xf32, #tpu.memory_space<hbm>>
      %dma_wait3A_133 = tpu.memref_squeeze %dma_wait3A_132 : memref<1x782x8xf32, #tpu.memory_space<hbm>> -> memref<782x8xf32, #tpu.memory_space<hbm>>
      %dma_wait3A_134 = arith.constant 0 : i32
      %dma_wait3A_135 = tpu.memref_slice %arg15[%mul3A_90, %dma_wait3A_134] : memref<12784x8xf32, #tpu.memory_space<vmem_shared>> -> memref<782x8xf32, #tpu.memory_space<vmem_shared>>
      tpu.wait_dma2 semaphore(%run_scoped3A : memref<!tpu.dma_semaphore, #tpu.memory_space<semaphore_mem>>) src(%dma_wait3A_135 : memref<782x8xf32, #tpu.memory_space<vmem_shared>>) dst(%dma_wait3A_133 : memref<782x8xf32, #tpu.memory_space<hbm>>)
      tpu.yield
    }) : () -> ()
    %barrier3A_95 = arith.constant 0 : index
    tpu.barrier barrier_id(%barrier3A_95)
    %mul3A_96 = arith.constant 780 : i32
    %mul3A_97 = arith.muli %arg1, %mul3A_96 : i32
    "tpu.region"() ({
      %run_scoped3A = tpu.sem_alloc : memref<!tpu.dma_semaphore, #tpu.memory_space<semaphore_mem>>
      %dma_start3A = arith.constant 0 : i32
      %dma_start3A_128 = tpu.memref_slice %arg14[%mul3A_97, %dma_start3A] : memref<12784x128xf32, #tpu.memory_space<vmem_shared>> -> memref<780x128xf32, #tpu.memory_space<vmem_shared>>
      %dma_start3A_129 = arith.constant 0 : i32
      %dma_start3A_130 = arith.constant 0 : i32
      %dma_start3A_131 = tpu.memref_slice %arg5[%dma_start3A_129, %dma_start3A_130] : memref<783x128xf32, #tpu.memory_space<hbm>> -> memref<780x128xf32, #tpu.memory_space<hbm>>
      tpu.enqueue_dma source(%dma_start3A_131 : memref<780x128xf32, #tpu.memory_space<hbm>>) target(%dma_start3A_128 : memref<780x128xf32, #tpu.memory_space<vmem_shared>>) target_semaphore(%run_scoped3A : memref<!tpu.dma_semaphore, #tpu.memory_space<semaphore_mem>>)
      %dma_wait3A = arith.constant 0 : i32
      %dma_wait3A_132 = tpu.memref_slice %arg14[%mul3A_97, %dma_wait3A] : memref<12784x128xf32, #tpu.memory_space<vmem_shared>> -> memref<780x128xf32, #tpu.memory_space<vmem_shared>>
      %dma_wait3A_133 = arith.constant 0 : i32
      %dma_wait3A_134 = arith.constant 0 : i32
      %dma_wait3A_135 = tpu.memref_slice %arg5[%dma_wait3A_133, %dma_wait3A_134] : memref<783x128xf32, #tpu.memory_space<hbm>> -> memref<780x128xf32, #tpu.memory_space<hbm>>
      tpu.wait_dma2 semaphore(%run_scoped3A : memref<!tpu.dma_semaphore, #tpu.memory_space<semaphore_mem>>) src(%dma_wait3A_135 : memref<780x128xf32, #tpu.memory_space<hbm>>) dst(%dma_wait3A_132 : memref<780x128xf32, #tpu.memory_space<vmem_shared>>)
      tpu.yield
    }) : () -> ()
    %mul3A_98 = arith.constant 780 : i32
    %mul3A_99 = arith.muli %arg1, %mul3A_98 : i32
    "tpu.region"() ({
      %run_scoped3A = tpu.sem_alloc : memref<!tpu.dma_semaphore, #tpu.memory_space<semaphore_mem>>
      %dma_start3A = arith.constant 0 : i32
      %dma_start3A_128 = tpu.memref_slice %arg15[%mul3A_99, %dma_start3A] : memref<12784x8xf32, #tpu.memory_space<vmem_shared>> -> memref<780x8xf32, #tpu.memory_space<vmem_shared>>
      %dma_start3A_129 = arith.constant 0 : i32
      %dma_start3A_130 = arith.constant 0 : i32
      %dma_start3A_131 = tpu.memref_slice %arg6[%dma_start3A_129, %dma_start3A_130] : memref<783x8xf32, #tpu.memory_space<hbm>> -> memref<780x8xf32, #tpu.memory_space<hbm>>
      tpu.enqueue_dma source(%dma_start3A_131 : memref<780x8xf32, #tpu.memory_space<hbm>>) target(%dma_start3A_128 : memref<780x8xf32, #tpu.memory_space<vmem_shared>>) target_semaphore(%run_scoped3A : memref<!tpu.dma_semaphore, #tpu.memory_space<semaphore_mem>>)
      %dma_wait3A = arith.constant 0 : i32
      %dma_wait3A_132 = tpu.memref_slice %arg15[%mul3A_99, %dma_wait3A] : memref<12784x8xf32, #tpu.memory_space<vmem_shared>> -> memref<780x8xf32, #tpu.memory_space<vmem_shared>>
      %dma_wait3A_133 = arith.constant 0 : i32
      %dma_wait3A_134 = arith.constant 0 : i32
      %dma_wait3A_135 = tpu.memref_slice %arg6[%dma_wait3A_133, %dma_wait3A_134] : memref<783x8xf32, #tpu.memory_space<hbm>> -> memref<780x8xf32, #tpu.memory_space<hbm>>
      tpu.wait_dma2 semaphore(%run_scoped3A : memref<!tpu.dma_semaphore, #tpu.memory_space<semaphore_mem>>) src(%dma_wait3A_135 : memref<780x8xf32, #tpu.memory_space<hbm>>) dst(%dma_wait3A_132 : memref<780x8xf32, #tpu.memory_space<vmem_shared>>)
      tpu.yield
    }) : () -> ()
    %barrier3A_100 = arith.constant 0 : index
    tpu.barrier barrier_id(%barrier3A_100)
    %mul3A_101 = arith.constant 16 : i32
    %mul3A_102 = arith.muli %arg1, %mul3A_101 : i32
    %add3A_103 = arith.constant 12464 : i32
    %add3A_104 = arith.addi %add3A_103, %mul3A_102 : i32
    %iota3A_105 = tpu.iota {dimensions = array<i32: 0>} : vector<16xi32>
    %add3A_106 = vector.broadcast %add3A_104 : i32 to vector<16xi32>
    %add3A_107 = arith.addi %add3A_106, %iota3A_105 : vector<16xi32>
    %scan3A_108 = arith.constant 0 : i32
    %scan3A_109 = arith.constant 0 : i32
    %scan3A_110 = arith.constant 125 : i32
    %scan3A_111 = arith.addi %scan3A_109, %scan3A_110 : i32
    %scan3A_112 = arith.constant 1 : i32
    scf.for %scan3A_128 = %scan3A_109 to %scan3A_111 step %scan3A_112  : i32 {
      %mul3A_129 = arith.constant 80 : i32
      %mul3A_130 = arith.muli %scan3A_128, %mul3A_129 : i32
      %add3A_131 = arith.addi %mul3A_2, %mul3A_130 : i32
      "tpu.region"() ({
        %run_scoped3A = tpu.sem_alloc : memref<!tpu.dma_semaphore, #tpu.memory_space<semaphore_mem>>
        %dma_start3A_219 = tpu.memref_slice %arg3[%add3A_131] : memref<320000xi32, #tpu.memory_space<hbm>> -> memref<80xi32, #tpu.memory_space<hbm>>
        %dma_start3A_220 = tpu.memref_slice %arg3[%add3A_131] : memref<320000xi32, #tpu.memory_space<hbm>> -> memref<80xi32, #tpu.memory_space<hbm>>
        tpu.enqueue_dma source(%dma_start3A_220 : memref<80xi32, #tpu.memory_space<hbm>>) target(%arg10 : memref<80xi32, #tpu.memory_space<vmem>>) target_semaphore(%run_scoped3A : memref<!tpu.dma_semaphore, #tpu.memory_space<semaphore_mem>>)
        %dma_wait3A_221 = tpu.memref_slice %arg3[%add3A_131] : memref<320000xi32, #tpu.memory_space<hbm>> -> memref<80xi32, #tpu.memory_space<hbm>>
        %dma_wait3A_222 = tpu.memref_slice %arg3[%add3A_131] : memref<320000xi32, #tpu.memory_space<hbm>> -> memref<80xi32, #tpu.memory_space<hbm>>
        tpu.wait_dma2 semaphore(%run_scoped3A : memref<!tpu.dma_semaphore, #tpu.memory_space<semaphore_mem>>) src(%dma_wait3A_222 : memref<80xi32, #tpu.memory_space<hbm>>) dst(%arg10 : memref<80xi32, #tpu.memory_space<vmem>>)
        tpu.yield
      }) : () -> ()
      "tpu.region"() ({
        %run_scoped3A = tpu.sem_alloc : memref<!tpu.dma_semaphore, #tpu.memory_space<semaphore_mem>>
        %dma_start3A_219 = tpu.memref_slice %arg4[%add3A_131] : memref<320000xi32, #tpu.memory_space<hbm>> -> memref<80xi32, #tpu.memory_space<hbm>>
        %dma_start3A_220 = tpu.memref_slice %arg4[%add3A_131] : memref<320000xi32, #tpu.memory_space<hbm>> -> memref<80xi32, #tpu.memory_space<hbm>>
        tpu.enqueue_dma source(%dma_start3A_220 : memref<80xi32, #tpu.memory_space<hbm>>) target(%arg11 : memref<80xi32, #tpu.memory_space<vmem>>) target_semaphore(%run_scoped3A : memref<!tpu.dma_semaphore, #tpu.memory_space<semaphore_mem>>)
        %dma_wait3A_221 = tpu.memref_slice %arg4[%add3A_131] : memref<320000xi32, #tpu.memory_space<hbm>> -> memref<80xi32, #tpu.memory_space<hbm>>
        %dma_wait3A_222 = tpu.memref_slice %arg4[%add3A_131] : memref<320000xi32, #tpu.memory_space<hbm>> -> memref<80xi32, #tpu.memory_space<hbm>>
        tpu.wait_dma2 semaphore(%run_scoped3A : memref<!tpu.dma_semaphore, #tpu.memory_space<semaphore_mem>>) src(%dma_wait3A_222 : memref<80xi32, #tpu.memory_space<hbm>>) dst(%arg11 : memref<80xi32, #tpu.memory_space<vmem>>)
        tpu.yield
      }) : () -> ()
      %get3A = arith.constant 0 : index
      %get3A_132 = tpu.vector_load %arg11[%get3A] {strides = array<i32>} : memref<80xi32, #tpu.memory_space<vmem>>, vector<16xi32>,
      %get3A_133 = vector.shape_cast %get3A_132 : vector<16xi32> to vector<16xi32>
      %ge3A = arith.constant 37536 : i32
      %ge3A_134 = vector.broadcast %ge3A : i32 to vector<16xi32>
      %ge3A_135 = arith.cmpi sge, %get3A_133, %ge3A_134 : vector<16xi32>
      %lt3A = arith.constant 50000 : i32
      %lt3A_136 = vector.broadcast %lt3A : i32 to vector<16xi32>
      %lt3A_137 = arith.cmpi slt, %get3A_133, %lt3A_136 : vector<16xi32>
      %and3A = arith.andi %ge3A_135, %lt3A_137 : vector<16xi1>
      %sub3A = arith.constant 37536 : i32
      %sub3A_138 = vector.broadcast %sub3A : i32 to vector<16xi32>
      %sub3A_139 = arith.subi %get3A_133, %sub3A_138 : vector<16xi32>
      %select_n3A = arith.select %and3A, %sub3A_139, %add3A_107 : vector<16xi1>, vector<16xi32>
      %swap3A = arith.constant 0 : index
      %swap3A_140 = tpu.vector_load %arg11[%swap3A] {strides = array<i32>} : memref<80xi32, #tpu.memory_space<vmem>>, vector<16xi32>,
      %swap3A_141 = vector.shape_cast %swap3A_140 : vector<16xi32> to vector<16xi32>
      %swap3A_142 = vector.shape_cast %select_n3A : vector<16xi32> to vector<16xi32>
      tpu.vector_store %arg11[%swap3A], %swap3A_142 {strides = array<i32>} : memref<80xi32, #tpu.memory_space<vmem>>, vector<16xi32>,
      %get3A_143 = arith.constant 16 : index
      %get3A_144 = tpu.vector_load %arg11[%get3A_143] {strides = array<i32>} : memref<80xi32, #tpu.memory_space<vmem>>, vector<16xi32>,
      %get3A_145 = vector.shape_cast %get3A_144 : vector<16xi32> to vector<16xi32>
      %ge3A_146 = arith.constant 37536 : i32
      %ge3A_147 = vector.broadcast %ge3A_146 : i32 to vector<16xi32>
      %ge3A_148 = arith.cmpi sge, %get3A_145, %ge3A_147 : vector<16xi32>
      %lt3A_149 = arith.constant 50000 : i32
      %lt3A_150 = vector.broadcast %lt3A_149 : i32 to vector<16xi32>
      %lt3A_151 = arith.cmpi slt, %get3A_145, %lt3A_150 : vector<16xi32>
      %and3A_152 = arith.andi %ge3A_148, %lt3A_151 : vector<16xi1>
      %sub3A_153 = arith.constant 37536 : i32
      %sub3A_154 = vector.broadcast %sub3A_153 : i32 to vector<16xi32>
      %sub3A_155 = arith.subi %get3A_145, %sub3A_154 : vector<16xi32>
      %select_n3A_156 = arith.select %and3A_152, %sub3A_155, %add3A_107 : vector<16xi1>, vector<16xi32>
      %swap3A_157 = arith.constant 16 : index
      %swap3A_158 = tpu.vector_load %arg11[%swap3A_157] {strides = array<i32>} : memref<80xi32, #tpu.memory_space<vmem>>, vector<16xi32>,
      %swap3A_159 = vector.shape_cast %swap3A_158 : vector<16xi32> to vector<16xi32>
      %swap3A_160 = vector.shape_cast %select_n3A_156 : vector<16xi32> to vector<16xi32>
      tpu.vector_store %arg11[%swap3A_157], %swap3A_160 {strides = array<i32>} : memref<80xi32, #tpu.memory_space<vmem>>, vector<16xi32>,
      %get3A_161 = arith.constant 32 : index
      %get3A_162 = tpu.vector_load %arg11[%get3A_161] {strides = array<i32>} : memref<80xi32, #tpu.memory_space<vmem>>, vector<16xi32>,
      %get3A_163 = vector.shape_cast %get3A_162 : vector<16xi32> to vector<16xi32>
      %ge3A_164 = arith.constant 37536 : i32
      %ge3A_165 = vector.broadcast %ge3A_164 : i32 to vector<16xi32>
      %ge3A_166 = arith.cmpi sge, %get3A_163, %ge3A_165 : vector<16xi32>
      %lt3A_167 = arith.constant 50000 : i32
      %lt3A_168 = vector.broadcast %lt3A_167 : i32 to vector<16xi32>
      %lt3A_169 = arith.cmpi slt, %get3A_163, %lt3A_168 : vector<16xi32>
      %and3A_170 = arith.andi %ge3A_166, %lt3A_169 : vector<16xi1>
      %sub3A_171 = arith.constant 37536 : i32
      %sub3A_172 = vector.broadcast %sub3A_171 : i32 to vector<16xi32>
      %sub3A_173 = arith.subi %get3A_163, %sub3A_172 : vector<16xi32>
      %select_n3A_174 = arith.select %and3A_170, %sub3A_173, %add3A_107 : vector<16xi1>, vector<16xi32>
      %swap3A_175 = arith.constant 32 : index
      %swap3A_176 = tpu.vector_load %arg11[%swap3A_175] {strides = array<i32>} : memref<80xi32, #tpu.memory_space<vmem>>, vector<16xi32>,
      %swap3A_177 = vector.shape_cast %swap3A_176 : vector<16xi32> to vector<16xi32>
      %swap3A_178 = vector.shape_cast %select_n3A_174 : vector<16xi32> to vector<16xi32>
      tpu.vector_store %arg11[%swap3A_175], %swap3A_178 {strides = array<i32>} : memref<80xi32, #tpu.memory_space<vmem>>, vector<16xi32>,
      %get3A_179 = arith.constant 48 : index
      %get3A_180 = tpu.vector_load %arg11[%get3A_179] {strides = array<i32>} : memref<80xi32, #tpu.memory_space<vmem>>, vector<16xi32>,
      %get3A_181 = vector.shape_cast %get3A_180 : vector<16xi32> to vector<16xi32>
      %ge3A_182 = arith.constant 37536 : i32
      %ge3A_183 = vector.broadcast %ge3A_182 : i32 to vector<16xi32>
      %ge3A_184 = arith.cmpi sge, %get3A_181, %ge3A_183 : vector<16xi32>
      %lt3A_185 = arith.constant 50000 : i32
      %lt3A_186 = vector.broadcast %lt3A_185 : i32 to vector<16xi32>
      %lt3A_187 = arith.cmpi slt, %get3A_181, %lt3A_186 : vector<16xi32>
      %and3A_188 = arith.andi %ge3A_184, %lt3A_187 : vector<16xi1>
      %sub3A_189 = arith.constant 37536 : i32
      %sub3A_190 = vector.broadcast %sub3A_189 : i32 to vector<16xi32>
      %sub3A_191 = arith.subi %get3A_181, %sub3A_190 : vector<16xi32>
      %select_n3A_192 = arith.select %and3A_188, %sub3A_191, %add3A_107 : vector<16xi1>, vector<16xi32>
      %swap3A_193 = arith.constant 48 : index
      %swap3A_194 = tpu.vector_load %arg11[%swap3A_193] {strides = array<i32>} : memref<80xi32, #tpu.memory_space<vmem>>, vector<16xi32>,
      %swap3A_195 = vector.shape_cast %swap3A_194 : vector<16xi32> to vector<16xi32>
      %swap3A_196 = vector.shape_cast %select_n3A_192 : vector<16xi32> to vector<16xi32>
      tpu.vector_store %arg11[%swap3A_193], %swap3A_196 {strides = array<i32>} : memref<80xi32, #tpu.memory_space<vmem>>, vector<16xi32>,
      %get3A_197 = arith.constant 64 : index
      %get3A_198 = tpu.vector_load %arg11[%get3A_197] {strides = array<i32>} : memref<80xi32, #tpu.memory_space<vmem>>, vector<16xi32>,
      %get3A_199 = vector.shape_cast %get3A_198 : vector<16xi32> to vector<16xi32>
      %ge3A_200 = arith.constant 37536 : i32
      %ge3A_201 = vector.broadcast %ge3A_200 : i32 to vector<16xi32>
      %ge3A_202 = arith.cmpi sge, %get3A_199, %ge3A_201 : vector<16xi32>
      %lt3A_203 = arith.constant 50000 : i32
      %lt3A_204 = vector.broadcast %lt3A_203 : i32 to vector<16xi32>
      %lt3A_205 = arith.cmpi slt, %get3A_199, %lt3A_204 : vector<16xi32>
      %and3A_206 = arith.andi %ge3A_202, %lt3A_205 : vector<16xi1>
      %sub3A_207 = arith.constant 37536 : i32
      %sub3A_208 = vector.broadcast %sub3A_207 : i32 to vector<16xi32>
      %sub3A_209 = arith.subi %get3A_199, %sub3A_208 : vector<16xi32>
      %select_n3A_210 = arith.select %and3A_206, %sub3A_209, %add3A_107 : vector<16xi1>, vector<16xi32>
      %swap3A_211 = arith.constant 64 : index
      %swap3A_212 = tpu.vector_load %arg11[%swap3A_211] {strides = array<i32>} : memref<80xi32, #tpu.memory_space<vmem>>, vector<16xi32>,
      %swap3A_213 = vector.shape_cast %swap3A_212 : vector<16xi32> to vector<16xi32>
      %swap3A_214 = vector.shape_cast %select_n3A_210 : vector<16xi32> to vector<16xi32>
      tpu.vector_store %arg11[%swap3A_211], %swap3A_214 {strides = array<i32>} : memref<80xi32, #tpu.memory_space<vmem>>, vector<16xi32>,
      %dma_start3A = arith.constant 0 : i32
      %dma_start3A_215 = arith.constant 0 : i32
      %dma_start3A_216 = tpu.memref_slice %arg2[%dma_start3A, %dma_start3A_215] : memref<10000x128xf32, #tpu.memory_space<hbm>> -> memref<10000x128xf32, #tpu.memory_space<hbm>>
      tpu.enqueue_indirect_dma source(%dma_start3A_216 : memref<10000x128xf32, #tpu.memory_space<hbm>>) target(%arg12 : memref<80x128xf32, #tpu.memory_space<vmem>>) offsets(%arg10 : memref<80xi32, #tpu.memory_space<vmem>>) semaphore(%arg16 : memref<!tpu.dma_semaphore, #tpu.memory_space<semaphore_mem>>)
      %dma_wait3A = arith.constant 0 : i32
      %dma_wait3A_217 = arith.constant 0 : i32
      %dma_wait3A_218 = tpu.memref_slice %arg2[%dma_wait3A, %dma_wait3A_217] : memref<10000x128xf32, #tpu.memory_space<hbm>> -> memref<10000x128xf32, #tpu.memory_space<hbm>>
      tpu.wait_indirect_dma semaphore(%arg16 : memref<!tpu.dma_semaphore, #tpu.memory_space<semaphore_mem>>) src(%dma_wait3A_218 : memref<10000x128xf32, #tpu.memory_space<hbm>>) dst(%arg12 : memref<80x128xf32, #tpu.memory_space<vmem>>)
      "tpu.region"() ({
        %run_scoped3A = tpu.sem_alloc : memref<!tpu.dma_semaphore, #tpu.memory_space<semaphore_mem>>
        %dma_start3A_219 = arith.constant 0 : i32
        %dma_start3A_220 = arith.constant 0 : i32
        %dma_start3A_221 = tpu.memref_slice %arg14[%dma_start3A_219, %dma_start3A_220] : memref<12784x128xf32, #tpu.memory_space<vmem_shared>> -> memref<12784x128xf32, #tpu.memory_space<vmem_shared>>
        tpu.enqueue_indirect_dma source(%arg12 : memref<80x128xf32, #tpu.memory_space<vmem>>) target(%dma_start3A_221 : memref<12784x128xf32, #tpu.memory_space<vmem_shared>>) offsets(%arg11 : memref<80xi32, #tpu.memory_space<vmem>>) semaphore(%run_scoped3A : memref<!tpu.dma_semaphore, #tpu.memory_space<semaphore_mem>>) {add = true}
        %dma_wait3A_222 = arith.constant 0 : i32
        %dma_wait3A_223 = arith.constant 0 : i32
        %dma_wait3A_224 = tpu.memref_slice %arg14[%dma_wait3A_222, %dma_wait3A_223] : memref<12784x128xf32, #tpu.memory_space<vmem_shared>> -> memref<12784x128xf32, #tpu.memory_space<vmem_shared>>
        tpu.wait_indirect_dma semaphore(%run_scoped3A : memref<!tpu.dma_semaphore, #tpu.memory_space<semaphore_mem>>) src(%arg12 : memref<80x128xf32, #tpu.memory_space<vmem>>) dst(%dma_wait3A_224 : memref<12784x128xf32, #tpu.memory_space<vmem_shared>>)
        tpu.yield
      }) : () -> ()
      "tpu.region"() ({
        %run_scoped3A = tpu.sem_alloc : memref<!tpu.dma_semaphore, #tpu.memory_space<semaphore_mem>>
        %dma_start3A_219 = arith.constant 0 : i32
        %dma_start3A_220 = arith.constant 0 : i32
        %dma_start3A_221 = tpu.memref_slice %arg15[%dma_start3A_219, %dma_start3A_220] : memref<12784x8xf32, #tpu.memory_space<vmem_shared>> -> memref<12784x8xf32, #tpu.memory_space<vmem_shared>>
        tpu.enqueue_indirect_dma source(%arg13 : memref<80x8xf32, #tpu.memory_space<vmem>>) target(%dma_start3A_221 : memref<12784x8xf32, #tpu.memory_space<vmem_shared>>) offsets(%arg11 : memref<80xi32, #tpu.memory_space<vmem>>) semaphore(%run_scoped3A : memref<!tpu.dma_semaphore, #tpu.memory_space<semaphore_mem>>) {add = true}
        %dma_wait3A_222 = arith.constant 0 : i32
        %dma_wait3A_223 = arith.constant 0 : i32
        %dma_wait3A_224 = tpu.memref_slice %arg15[%dma_wait3A_222, %dma_wait3A_223] : memref<12784x8xf32, #tpu.memory_space<vmem_shared>> -> memref<12784x8xf32, #tpu.memory_space<vmem_shared>>
        tpu.wait_indirect_dma semaphore(%run_scoped3A : memref<!tpu.dma_semaphore, #tpu.memory_space<semaphore_mem>>) src(%arg13 : memref<80x8xf32, #tpu.memory_space<vmem>>) dst(%dma_wait3A_224 : memref<12784x8xf32, #tpu.memory_space<vmem_shared>>)
        tpu.yield
      }) : () -> ()
    }
    %scan3A_113 = arith.constant 125 : i32
    %barrier3A_114 = arith.constant 0 : index
    tpu.barrier barrier_id(%barrier3A_114)
    %mul3A_115 = arith.constant 779 : i32
    %mul3A_116 = arith.muli %arg1, %mul3A_115 : i32
    %mul3A_117 = arith.constant 779 : i32
    %mul3A_118 = arith.muli %arg1, %mul3A_117 : i32
    %add3A_119 = arith.constant 37536 : i32
    %add3A_120 = arith.addi %add3A_119, %mul3A_118 : i32
    "tpu.region"() ({
      %run_scoped3A = tpu.sem_alloc : memref<!tpu.dma_semaphore, #tpu.memory_space<semaphore_mem>>
      %dma_start3A = arith.constant 0 : i32
      %dma_start3A_128 = tpu.memref_slice %arg8[%arg0, %add3A_120, %dma_start3A] : memref<2x50000x128xf32, #tpu.memory_space<hbm>> -> memref<1x779x128xf32, #tpu.memory_space<hbm>>
      %dma_start3A_129 = tpu.memref_squeeze %dma_start3A_128 : memref<1x779x128xf32, #tpu.memory_space<hbm>> -> memref<779x128xf32, #tpu.memory_space<hbm>>
      %dma_start3A_130 = arith.constant 0 : i32
      %dma_start3A_131 = tpu.memref_slice %arg14[%mul3A_116, %dma_start3A_130] : memref<12784x128xf32, #tpu.memory_space<vmem_shared>> -> memref<779x128xf32, #tpu.memory_space<vmem_shared>>
      tpu.enqueue_dma source(%dma_start3A_131 : memref<779x128xf32, #tpu.memory_space<vmem_shared>>) target(%dma_start3A_129 : memref<779x128xf32, #tpu.memory_space<hbm>>) target_semaphore(%run_scoped3A : memref<!tpu.dma_semaphore, #tpu.memory_space<semaphore_mem>>)
      %dma_wait3A = arith.constant 0 : i32
      %dma_wait3A_132 = tpu.memref_slice %arg8[%arg0, %add3A_120, %dma_wait3A] : memref<2x50000x128xf32, #tpu.memory_space<hbm>> -> memref<1x779x128xf32, #tpu.memory_space<hbm>>
      %dma_wait3A_133 = tpu.memref_squeeze %dma_wait3A_132 : memref<1x779x128xf32, #tpu.memory_space<hbm>> -> memref<779x128xf32, #tpu.memory_space<hbm>>
      %dma_wait3A_134 = arith.constant 0 : i32
      %dma_wait3A_135 = tpu.memref_slice %arg14[%mul3A_116, %dma_wait3A_134] : memref<12784x128xf32, #tpu.memory_space<vmem_shared>> -> memref<779x128xf32, #tpu.memory_space<vmem_shared>>
      tpu.wait_dma2 semaphore(%run_scoped3A : memref<!tpu.dma_semaphore, #tpu.memory_space<semaphore_mem>>) src(%dma_wait3A_135 : memref<779x128xf32, #tpu.memory_space<vmem_shared>>) dst(%dma_wait3A_133 : memref<779x128xf32, #tpu.memory_space<hbm>>)
      tpu.yield
    }) : () -> ()
    %mul3A_121 = arith.constant 779 : i32
    %mul3A_122 = arith.muli %arg1, %mul3A_121 : i32
    %mul3A_123 = arith.constant 779 : i32
    %mul3A_124 = arith.muli %arg1, %mul3A_123 : i32
    %add3A_125 = arith.constant 37536 : i32
    %add3A_126 = arith.addi %add3A_125, %mul3A_124 : i32
    "tpu.region"() ({
      %run_scoped3A = tpu.sem_alloc : memref<!tpu.dma_semaphore, #tpu.memory_space<semaphore_mem>>
      %dma_start3A = arith.constant 0 : i32
      %dma_start3A_128 = tpu.memref_slice %arg9[%arg0, %add3A_126, %dma_start3A] : memref<2x50000x8xf32, #tpu.memory_space<hbm>> -> memref<1x779x8xf32, #tpu.memory_space<hbm>>
      %dma_start3A_129 = tpu.memref_squeeze %dma_start3A_128 : memref<1x779x8xf32, #tpu.memory_space<hbm>> -> memref<779x8xf32, #tpu.memory_space<hbm>>
      %dma_start3A_130 = arith.constant 0 : i32
      %dma_start3A_131 = tpu.memref_slice %arg15[%mul3A_122, %dma_start3A_130] : memref<12784x8xf32, #tpu.memory_space<vmem_shared>> -> memref<779x8xf32, #tpu.memory_space<vmem_shared>>
      tpu.enqueue_dma source(%dma_start3A_131 : memref<779x8xf32, #tpu.memory_space<vmem_shared>>) target(%dma_start3A_129 : memref<779x8xf32, #tpu.memory_space<hbm>>) target_semaphore(%run_scoped3A : memref<!tpu.dma_semaphore, #tpu.memory_space<semaphore_mem>>)
      %dma_wait3A = arith.constant 0 : i32
      %dma_wait3A_132 = tpu.memref_slice %arg9[%arg0, %add3A_126, %dma_wait3A] : memref<2x50000x8xf32, #tpu.memory_space<hbm>> -> memref<1x779x8xf32, #tpu.memory_space<hbm>>
      %dma_wait3A_133 = tpu.memref_squeeze %dma_wait3A_132 : memref<1x779x8xf32, #tpu.memory_space<hbm>> -> memref<779x8xf32, #tpu.memory_space<hbm>>
      %dma_wait3A_134 = arith.constant 0 : i32
      %dma_wait3A_135 = tpu.memref_slice %arg15[%mul3A_122, %dma_wait3A_134] : memref<12784x8xf32, #tpu.memory_space<vmem_shared>> -> memref<779x8xf32, #tpu.memory_space<vmem_shared>>
      tpu.wait_dma2 semaphore(%run_scoped3A : memref<!tpu.dma_semaphore, #tpu.memory_space<semaphore_mem>>) src(%dma_wait3A_135 : memref<779x8xf32, #tpu.memory_space<vmem_shared>>) dst(%dma_wait3A_133 : memref<779x8xf32, #tpu.memory_space<hbm>>)
      tpu.yield
    }) : () -> ()
    %barrier3A_127 = arith.constant 0 : index
    tpu.barrier barrier_id(%barrier3A_127)
    return
  }
}

module attributes {stable_mosaic.version = 14 : i64} {
  func.func @_fuse_body(%arg0: i32, %arg1: memref<512x128xf32, #tpu.memory_space<vmem>>, %arg2: memref<512x128xf32, #tpu.memory_space<vmem>>, %arg3: memref<512x8xf32, #tpu.memory_space<vmem>>, %arg4: memref<512x8xf32, #tpu.memory_space<vmem>>, %arg5: memref<512x128xf32, #tpu.memory_space<vmem>>, %arg6: memref<128x128xf32, #tpu.memory_space<vmem>>, %arg7: memref<128x128xf32, #tpu.memory_space<vmem>>, %arg8: memref<1x128xf32, #tpu.memory_space<vmem>>, %arg9: memref<1x128xf32, #tpu.memory_space<vmem>>, %arg10: memref<1x128xf32, #tpu.memory_space<vmem>>, %arg11: memref<512x128xf32, #tpu.memory_space<vmem>>) attributes {dimension_semantics = [#tpu.dimension_semantics<arbitrary>], iteration_bounds = array<i64: 98>, scalar_prefetch = 0 : i64, scratch_operands = 0 : i64, tpu.core_type = #tpu.core_type<tc>, window_params = [{transform_indices = @transform_0, window_bounds = array<i64: 512, 128>}, {transform_indices = @transform_1, window_bounds = array<i64: 512, 128>}, {transform_indices = @transform_2, window_bounds = array<i64: 512, 8>}, {transform_indices = @transform_3, window_bounds = array<i64: 512, 8>}, {transform_indices = @transform_4, window_bounds = array<i64: 512, 128>}, {pipeline_mode = #tpu.pipeline_mode<synchronous>, transform_indices = @transform_5, window_bounds = array<i64: 128, 128>}, {pipeline_mode = #tpu.pipeline_mode<synchronous>, transform_indices = @transform_6, window_bounds = array<i64: 128, 128>}, {pipeline_mode = #tpu.pipeline_mode<synchronous>, transform_indices = @transform_7, window_bounds = array<i64: 1, 128>}, {pipeline_mode = #tpu.pipeline_mode<synchronous>, transform_indices = @transform_8, window_bounds = array<i64: 1, 128>}, {pipeline_mode = #tpu.pipeline_mode<synchronous>, transform_indices = @transform_9, window_bounds = array<i64: 1, 128>}, {transform_indices = @transform_10, window_bounds = array<i64: 512, 128>}]} {
    %get3A = arith.constant 0 : index
    %get3A_0 = arith.constant 0 : index
    %get3A_1 = vector.load %arg3[%get3A, %get3A_0] : memref<512x8xf32, #tpu.memory_space<vmem>>, vector<512x1xf32>
    %get3A_2 = arith.constant 0 : index
    %get3A_3 = arith.constant 0 : index
    %get3A_4 = vector.load %arg4[%get3A_2, %get3A_3] : memref<512x8xf32, #tpu.memory_space<vmem>>, vector<512x1xf32>
    %add3A = arith.addf %get3A_1, %get3A_4 : vector<512x1xf32>
    %max3A = arith.constant 1.000000e+00 : f32
    %max3A_5 = vector.broadcast %max3A : f32 to vector<512x1xf32>
    %max3A_6 = arith.maximumf %add3A, %max3A_5 : vector<512x1xf32>
    %div3A = arith.constant 1.000000e+00 : f32
    %div3A_7 = vector.broadcast %div3A : f32 to vector<512x1xf32>
    %div3A_8 = arith.divf %div3A_7, %max3A_6 : vector<512x1xf32>
    %get3A_9 = arith.constant 0 : index
    %get3A_10 = arith.constant 0 : index
    %get3A_11 = vector.load %arg1[%get3A_9, %get3A_10] : memref<512x128xf32, #tpu.memory_space<vmem>>, vector<512x128xf32>
    %get3A_12 = arith.constant 0 : index
    %get3A_13 = arith.constant 0 : index
    %get3A_14 = vector.load %arg2[%get3A_12, %get3A_13] : memref<512x128xf32, #tpu.memory_space<vmem>>, vector<512x128xf32>
    %add3A_15 = arith.addf %get3A_11, %get3A_14 : vector<512x128xf32>
    %mul3A = vector.broadcast %div3A_8 : vector<512x1xf32> to vector<512x128xf32>
    %mul3A_16 = arith.mulf %add3A_15, %mul3A : vector<512x128xf32>
    %get3A_17 = arith.constant 0 : index
    %get3A_18 = arith.constant 0 : index
    %get3A_19 = vector.load %arg6[%get3A_17, %get3A_18] : memref<128x128xf32, #tpu.memory_space<vmem>>, vector<128x128xf32>
    %dot_general3A = arith.constant dense<0.000000e+00> : vector<512x128xf32>
    %dot_general3A_20 = tpu.matmul %mul3A_16, %get3A_19, %dot_general3A {dimension_numbers = #tpu.dot_dimension_numbers<[1], [0], [0], [1], [0, 0, 1, 1], [], []>, transpose_lhs_hint = false} : vector<512x128xf32>, vector<128x128xf32>, vector<512x128xf32> -> vector<512x128xf32>
    %get3A_21 = arith.constant 0 : index
    %get3A_22 = arith.constant 0 : index
    %get3A_23 = vector.load %arg5[%get3A_21, %get3A_22] : memref<512x128xf32, #tpu.memory_space<vmem>>, vector<512x128xf32>
    %get3A_24 = arith.constant 0 : index
    %get3A_25 = arith.constant 0 : index
    %get3A_26 = vector.load %arg7[%get3A_24, %get3A_25] : memref<128x128xf32, #tpu.memory_space<vmem>>, vector<128x128xf32>
    %dot_general3A_27 = arith.constant dense<0.000000e+00> : vector<512x128xf32>
    %dot_general3A_28 = tpu.matmul %get3A_23, %get3A_26, %dot_general3A_27 {dimension_numbers = #tpu.dot_dimension_numbers<[1], [0], [0], [1], [0, 0, 1, 1], [], []>, transpose_lhs_hint = false} : vector<512x128xf32>, vector<128x128xf32>, vector<512x128xf32> -> vector<512x128xf32>
    %add3A_29 = arith.addf %dot_general3A_20, %dot_general3A_28 : vector<512x128xf32>
    %get3A_30 = arith.constant 0 : index
    %get3A_31 = arith.constant 0 : index
    %get3A_32 = vector.load %arg8[%get3A_30, %get3A_31] : memref<1x128xf32, #tpu.memory_space<vmem>>, vector<1x128xf32>
    %add3A_33 = vector.broadcast %get3A_32 : vector<1x128xf32> to vector<512x128xf32>
    %add3A_34 = arith.addf %add3A_29, %add3A_33 : vector<512x128xf32>
    %get3A_35 = arith.constant 0 : index
    %get3A_36 = arith.constant 0 : index
    %get3A_37 = vector.load %arg5[%get3A_35, %get3A_36] : memref<512x128xf32, #tpu.memory_space<vmem>>, vector<512x128xf32>
    %add3A_38 = arith.addf %add3A_34, %get3A_37 : vector<512x128xf32>
    %max3A_39 = arith.constant 0.000000e+00 : f32
    %max3A_40 = vector.broadcast %max3A_39 : f32 to vector<512x128xf32>
    %max3A_41 = arith.maximumf %add3A_38, %max3A_40 : vector<512x128xf32>
    %reduce_sum3A = arith.constant dense<0.000000e+00> : vector<512xf32>
    %reduce_sum3A_42 = vector.multi_reduction <add>, %max3A_41, %reduce_sum3A [1] : vector<512x128xf32> to vector<512xf32>
    %broadcast_in_dim3A = vector.shape_cast %reduce_sum3A_42 : vector<512xf32> to vector<512x1xf32>
    %div3A_43 = arith.constant 1.280000e+02 : f32
    %div3A_44 = vector.broadcast %div3A_43 : f32 to vector<512x1xf32>
    %div3A_45 = arith.divf %broadcast_in_dim3A, %div3A_44 : vector<512x1xf32>
    %sub3A = vector.broadcast %div3A_45 : vector<512x1xf32> to vector<512x128xf32>
    %sub3A_46 = arith.subf %max3A_41, %sub3A : vector<512x128xf32>
    %integer_pow3A = arith.mulf %sub3A_46, %sub3A_46 : vector<512x128xf32>
    %reduce_sum3A_47 = arith.constant dense<0.000000e+00> : vector<512xf32>
    %reduce_sum3A_48 = vector.multi_reduction <add>, %integer_pow3A, %reduce_sum3A_47 [1] : vector<512x128xf32> to vector<512xf32>
    %broadcast_in_dim3A_49 = vector.shape_cast %reduce_sum3A_48 : vector<512xf32> to vector<512x1xf32>
    %div3A_50 = arith.constant 1.280000e+02 : f32
    %div3A_51 = vector.broadcast %div3A_50 : f32 to vector<512x1xf32>
    %div3A_52 = arith.divf %broadcast_in_dim3A_49, %div3A_51 : vector<512x1xf32>
    %sub3A_53 = vector.broadcast %div3A_45 : vector<512x1xf32> to vector<512x128xf32>
    %sub3A_54 = arith.subf %max3A_41, %sub3A_53 : vector<512x128xf32>
    %add3A_55 = arith.constant 9.99999974E-6 : f32
    %add3A_56 = vector.broadcast %add3A_55 : f32 to vector<512x1xf32>
    %add3A_57 = arith.addf %div3A_52, %add3A_56 : vector<512x1xf32>
    %rsqrt3A = math.rsqrt %add3A_57 : vector<512x1xf32>
    %mul3A_58 = vector.broadcast %rsqrt3A : vector<512x1xf32> to vector<512x128xf32>
    %mul3A_59 = arith.mulf %sub3A_54, %mul3A_58 : vector<512x128xf32>
    %get3A_60 = arith.constant 0 : index
    %get3A_61 = arith.constant 0 : index
    %get3A_62 = vector.load %arg9[%get3A_60, %get3A_61] : memref<1x128xf32, #tpu.memory_space<vmem>>, vector<1x128xf32>
    %mul3A_63 = vector.broadcast %get3A_62 : vector<1x128xf32> to vector<512x128xf32>
    %mul3A_64 = arith.mulf %mul3A_59, %mul3A_63 : vector<512x128xf32>
    %get3A_65 = arith.constant 0 : index
    %get3A_66 = arith.constant 0 : index
    %get3A_67 = vector.load %arg10[%get3A_65, %get3A_66] : memref<1x128xf32, #tpu.memory_space<vmem>>, vector<1x128xf32>
    %add3A_68 = vector.broadcast %get3A_67 : vector<1x128xf32> to vector<512x128xf32>
    %add3A_69 = arith.addf %mul3A_64, %add3A_68 : vector<512x128xf32>
    %swap3A = arith.constant 0 : index
    %swap3A_70 = arith.constant 0 : index
    %swap3A_71 = vector.load %arg11[%swap3A, %swap3A_70] : memref<512x128xf32, #tpu.memory_space<vmem>>, vector<512x128xf32>
    tpu.vector_store %arg11[%swap3A, %swap3A_70], %add3A_69 {strides = array<i32>} : memref<512x128xf32, #tpu.memory_space<vmem>>, vector<512x128xf32>,
    return
  }
  func.func @transform_0(%arg0: i32) -> (i32, i32) {
    %c0_i32 = arith.constant 0 : i32
    %c0_i32_0 = arith.constant 0 : i32
    return %arg0, %c0_i32 : i32, i32
  }
  func.func @transform_1(%arg0: i32) -> (i32, i32) {
    %c0_i32 = arith.constant 0 : i32
    %c0_i32_0 = arith.constant 0 : i32
    return %arg0, %c0_i32 : i32, i32
  }
  func.func @transform_2(%arg0: i32) -> (i32, i32) {
    %c0_i32 = arith.constant 0 : i32
    %c0_i32_0 = arith.constant 0 : i32
    return %arg0, %c0_i32 : i32, i32
  }
  func.func @transform_3(%arg0: i32) -> (i32, i32) {
    %c0_i32 = arith.constant 0 : i32
    %c0_i32_0 = arith.constant 0 : i32
    return %arg0, %c0_i32 : i32, i32
  }
  func.func @transform_4(%arg0: i32) -> (i32, i32) {
    %c0_i32 = arith.constant 0 : i32
    %c0_i32_0 = arith.constant 0 : i32
    return %arg0, %c0_i32 : i32, i32
  }
  func.func @transform_5(%arg0: i32) -> (i32, i32) {
    %c0_i32 = arith.constant 0 : i32
    %c0_i32_0 = arith.constant 0 : i32
    %c0_i32_1 = arith.constant 0 : i32
    return %c0_i32, %c0_i32_0 : i32, i32
  }
  func.func @transform_6(%arg0: i32) -> (i32, i32) {
    %c0_i32 = arith.constant 0 : i32
    %c0_i32_0 = arith.constant 0 : i32
    %c0_i32_1 = arith.constant 0 : i32
    return %c0_i32, %c0_i32_0 : i32, i32
  }
  func.func @transform_7(%arg0: i32) -> (i32, i32) {
    %c0_i32 = arith.constant 0 : i32
    %c0_i32_0 = arith.constant 0 : i32
    %c0_i32_1 = arith.constant 0 : i32
    return %c0_i32, %c0_i32_0 : i32, i32
  }
  func.func @transform_8(%arg0: i32) -> (i32, i32) {
    %c0_i32 = arith.constant 0 : i32
    %c0_i32_0 = arith.constant 0 : i32
    %c0_i32_1 = arith.constant 0 : i32
    return %c0_i32, %c0_i32_0 : i32, i32
  }
  func.func @transform_9(%arg0: i32) -> (i32, i32) {
    %c0_i32 = arith.constant 0 : i32
    %c0_i32_0 = arith.constant 0 : i32
    %c0_i32_1 = arith.constant 0 : i32
    return %c0_i32, %c0_i32_0 : i32, i32
  }
  func.func @transform_10(%arg0: i32) -> (i32, i32) {
    %c0_i32 = arith.constant 0 : i32
    %c0_i32_0 = arith.constant 0 : i32
    return %arg0, %c0_i32 : i32, i32
  }
}

module attributes {stable_mosaic.version = 14 : i64} {
  func.func @_fuse_body(%arg0: i32, %arg1: memref<512x128xf32, #tpu.memory_space<vmem>>, %arg2: memref<512x128xf32, #tpu.memory_space<vmem>>, %arg3: memref<512x8xf32, #tpu.memory_space<vmem>>, %arg4: memref<512x8xf32, #tpu.memory_space<vmem>>, %arg5: memref<512x128xf32, #tpu.memory_space<vmem>>, %arg6: memref<128x128xf32, #tpu.memory_space<vmem>>, %arg7: memref<128x128xf32, #tpu.memory_space<vmem>>, %arg8: memref<1x128xf32, #tpu.memory_space<vmem>>, %arg9: memref<1x128xf32, #tpu.memory_space<vmem>>, %arg10: memref<1x128xf32, #tpu.memory_space<vmem>>, %arg11: memref<512x128xf32, #tpu.memory_space<vmem>>) attributes {dimension_semantics = [#tpu.dimension_semantics<arbitrary>], iteration_bounds = array<i64: 20>, scalar_prefetch = 0 : i64, scratch_operands = 0 : i64, tpu.core_type = #tpu.core_type<tc>, window_params = [{transform_indices = @transform_0, window_bounds = array<i64: 512, 128>}, {transform_indices = @transform_1, window_bounds = array<i64: 512, 128>}, {transform_indices = @transform_2, window_bounds = array<i64: 512, 8>}, {transform_indices = @transform_3, window_bounds = array<i64: 512, 8>}, {transform_indices = @transform_4, window_bounds = array<i64: 512, 128>}, {pipeline_mode = #tpu.pipeline_mode<synchronous>, transform_indices = @transform_5, window_bounds = array<i64: 128, 128>}, {pipeline_mode = #tpu.pipeline_mode<synchronous>, transform_indices = @transform_6, window_bounds = array<i64: 128, 128>}, {pipeline_mode = #tpu.pipeline_mode<synchronous>, transform_indices = @transform_7, window_bounds = array<i64: 1, 128>}, {pipeline_mode = #tpu.pipeline_mode<synchronous>, transform_indices = @transform_8, window_bounds = array<i64: 1, 128>}, {pipeline_mode = #tpu.pipeline_mode<synchronous>, transform_indices = @transform_9, window_bounds = array<i64: 1, 128>}, {transform_indices = @transform_10, window_bounds = array<i64: 512, 128>}]} {
    %get3A = arith.constant 0 : index
    %get3A_0 = arith.constant 0 : index
    %get3A_1 = vector.load %arg3[%get3A, %get3A_0] : memref<512x8xf32, #tpu.memory_space<vmem>>, vector<512x1xf32>
    %get3A_2 = arith.constant 0 : index
    %get3A_3 = arith.constant 0 : index
    %get3A_4 = vector.load %arg4[%get3A_2, %get3A_3] : memref<512x8xf32, #tpu.memory_space<vmem>>, vector<512x1xf32>
    %add3A = arith.addf %get3A_1, %get3A_4 : vector<512x1xf32>
    %max3A = arith.constant 1.000000e+00 : f32
    %max3A_5 = vector.broadcast %max3A : f32 to vector<512x1xf32>
    %max3A_6 = arith.maximumf %add3A, %max3A_5 : vector<512x1xf32>
    %div3A = arith.constant 1.000000e+00 : f32
    %div3A_7 = vector.broadcast %div3A : f32 to vector<512x1xf32>
    %div3A_8 = arith.divf %div3A_7, %max3A_6 : vector<512x1xf32>
    %get3A_9 = arith.constant 0 : index
    %get3A_10 = arith.constant 0 : index
    %get3A_11 = vector.load %arg1[%get3A_9, %get3A_10] : memref<512x128xf32, #tpu.memory_space<vmem>>, vector<512x128xf32>
    %get3A_12 = arith.constant 0 : index
    %get3A_13 = arith.constant 0 : index
    %get3A_14 = vector.load %arg2[%get3A_12, %get3A_13] : memref<512x128xf32, #tpu.memory_space<vmem>>, vector<512x128xf32>
    %add3A_15 = arith.addf %get3A_11, %get3A_14 : vector<512x128xf32>
    %mul3A = vector.broadcast %div3A_8 : vector<512x1xf32> to vector<512x128xf32>
    %mul3A_16 = arith.mulf %add3A_15, %mul3A : vector<512x128xf32>
    %get3A_17 = arith.constant 0 : index
    %get3A_18 = arith.constant 0 : index
    %get3A_19 = vector.load %arg6[%get3A_17, %get3A_18] : memref<128x128xf32, #tpu.memory_space<vmem>>, vector<128x128xf32>
    %dot_general3A = arith.constant dense<0.000000e+00> : vector<512x128xf32>
    %dot_general3A_20 = tpu.matmul %mul3A_16, %get3A_19, %dot_general3A {dimension_numbers = #tpu.dot_dimension_numbers<[1], [0], [0], [1], [0, 0, 1, 1], [], []>, transpose_lhs_hint = false} : vector<512x128xf32>, vector<128x128xf32>, vector<512x128xf32> -> vector<512x128xf32>
    %get3A_21 = arith.constant 0 : index
    %get3A_22 = arith.constant 0 : index
    %get3A_23 = vector.load %arg5[%get3A_21, %get3A_22] : memref<512x128xf32, #tpu.memory_space<vmem>>, vector<512x128xf32>
    %get3A_24 = arith.constant 0 : index
    %get3A_25 = arith.constant 0 : index
    %get3A_26 = vector.load %arg7[%get3A_24, %get3A_25] : memref<128x128xf32, #tpu.memory_space<vmem>>, vector<128x128xf32>
    %dot_general3A_27 = arith.constant dense<0.000000e+00> : vector<512x128xf32>
    %dot_general3A_28 = tpu.matmul %get3A_23, %get3A_26, %dot_general3A_27 {dimension_numbers = #tpu.dot_dimension_numbers<[1], [0], [0], [1], [0, 0, 1, 1], [], []>, transpose_lhs_hint = false} : vector<512x128xf32>, vector<128x128xf32>, vector<512x128xf32> -> vector<512x128xf32>
    %add3A_29 = arith.addf %dot_general3A_20, %dot_general3A_28 : vector<512x128xf32>
    %get3A_30 = arith.constant 0 : index
    %get3A_31 = arith.constant 0 : index
    %get3A_32 = vector.load %arg8[%get3A_30, %get3A_31] : memref<1x128xf32, #tpu.memory_space<vmem>>, vector<1x128xf32>
    %add3A_33 = vector.broadcast %get3A_32 : vector<1x128xf32> to vector<512x128xf32>
    %add3A_34 = arith.addf %add3A_29, %add3A_33 : vector<512x128xf32>
    %get3A_35 = arith.constant 0 : index
    %get3A_36 = arith.constant 0 : index
    %get3A_37 = vector.load %arg5[%get3A_35, %get3A_36] : memref<512x128xf32, #tpu.memory_space<vmem>>, vector<512x128xf32>
    %add3A_38 = arith.addf %add3A_34, %get3A_37 : vector<512x128xf32>
    %max3A_39 = arith.constant 0.000000e+00 : f32
    %max3A_40 = vector.broadcast %max3A_39 : f32 to vector<512x128xf32>
    %max3A_41 = arith.maximumf %add3A_38, %max3A_40 : vector<512x128xf32>
    %reduce_sum3A = arith.constant dense<0.000000e+00> : vector<512xf32>
    %reduce_sum3A_42 = vector.multi_reduction <add>, %max3A_41, %reduce_sum3A [1] : vector<512x128xf32> to vector<512xf32>
    %broadcast_in_dim3A = vector.shape_cast %reduce_sum3A_42 : vector<512xf32> to vector<512x1xf32>
    %div3A_43 = arith.constant 1.280000e+02 : f32
    %div3A_44 = vector.broadcast %div3A_43 : f32 to vector<512x1xf32>
    %div3A_45 = arith.divf %broadcast_in_dim3A, %div3A_44 : vector<512x1xf32>
    %sub3A = vector.broadcast %div3A_45 : vector<512x1xf32> to vector<512x128xf32>
    %sub3A_46 = arith.subf %max3A_41, %sub3A : vector<512x128xf32>
    %integer_pow3A = arith.mulf %sub3A_46, %sub3A_46 : vector<512x128xf32>
    %reduce_sum3A_47 = arith.constant dense<0.000000e+00> : vector<512xf32>
    %reduce_sum3A_48 = vector.multi_reduction <add>, %integer_pow3A, %reduce_sum3A_47 [1] : vector<512x128xf32> to vector<512xf32>
    %broadcast_in_dim3A_49 = vector.shape_cast %reduce_sum3A_48 : vector<512xf32> to vector<512x1xf32>
    %div3A_50 = arith.constant 1.280000e+02 : f32
    %div3A_51 = vector.broadcast %div3A_50 : f32 to vector<512x1xf32>
    %div3A_52 = arith.divf %broadcast_in_dim3A_49, %div3A_51 : vector<512x1xf32>
    %sub3A_53 = vector.broadcast %div3A_45 : vector<512x1xf32> to vector<512x128xf32>
    %sub3A_54 = arith.subf %max3A_41, %sub3A_53 : vector<512x128xf32>
    %add3A_55 = arith.constant 9.99999974E-6 : f32
    %add3A_56 = vector.broadcast %add3A_55 : f32 to vector<512x1xf32>
    %add3A_57 = arith.addf %div3A_52, %add3A_56 : vector<512x1xf32>
    %rsqrt3A = math.rsqrt %add3A_57 : vector<512x1xf32>
    %mul3A_58 = vector.broadcast %rsqrt3A : vector<512x1xf32> to vector<512x128xf32>
    %mul3A_59 = arith.mulf %sub3A_54, %mul3A_58 : vector<512x128xf32>
    %get3A_60 = arith.constant 0 : index
    %get3A_61 = arith.constant 0 : index
    %get3A_62 = vector.load %arg9[%get3A_60, %get3A_61] : memref<1x128xf32, #tpu.memory_space<vmem>>, vector<1x128xf32>
    %mul3A_63 = vector.broadcast %get3A_62 : vector<1x128xf32> to vector<512x128xf32>
    %mul3A_64 = arith.mulf %mul3A_59, %mul3A_63 : vector<512x128xf32>
    %get3A_65 = arith.constant 0 : index
    %get3A_66 = arith.constant 0 : index
    %get3A_67 = vector.load %arg10[%get3A_65, %get3A_66] : memref<1x128xf32, #tpu.memory_space<vmem>>, vector<1x128xf32>
    %add3A_68 = vector.broadcast %get3A_67 : vector<1x128xf32> to vector<512x128xf32>
    %add3A_69 = arith.addf %mul3A_64, %add3A_68 : vector<512x128xf32>
    %swap3A = arith.constant 0 : index
    %swap3A_70 = arith.constant 0 : index
    %swap3A_71 = vector.load %arg11[%swap3A, %swap3A_70] : memref<512x128xf32, #tpu.memory_space<vmem>>, vector<512x128xf32>
    tpu.vector_store %arg11[%swap3A, %swap3A_70], %add3A_69 {strides = array<i32>} : memref<512x128xf32, #tpu.memory_space<vmem>>, vector<512x128xf32>,
    return
  }
  func.func @transform_0(%arg0: i32) -> (i32, i32) {
    %c0_i32 = arith.constant 0 : i32
    %c0_i32_0 = arith.constant 0 : i32
    return %arg0, %c0_i32 : i32, i32
  }
  func.func @transform_1(%arg0: i32) -> (i32, i32) {
    %c0_i32 = arith.constant 0 : i32
    %c0_i32_0 = arith.constant 0 : i32
    return %arg0, %c0_i32 : i32, i32
  }
  func.func @transform_2(%arg0: i32) -> (i32, i32) {
    %c0_i32 = arith.constant 0 : i32
    %c0_i32_0 = arith.constant 0 : i32
    return %arg0, %c0_i32 : i32, i32
  }
  func.func @transform_3(%arg0: i32) -> (i32, i32) {
    %c0_i32 = arith.constant 0 : i32
    %c0_i32_0 = arith.constant 0 : i32
    return %arg0, %c0_i32 : i32, i32
  }
  func.func @transform_4(%arg0: i32) -> (i32, i32) {
    %c0_i32 = arith.constant 0 : i32
    %c0_i32_0 = arith.constant 0 : i32
    return %arg0, %c0_i32 : i32, i32
  }
  func.func @transform_5(%arg0: i32) -> (i32, i32) {
    %c0_i32 = arith.constant 0 : i32
    %c0_i32_0 = arith.constant 0 : i32
    %c0_i32_1 = arith.constant 0 : i32
    return %c0_i32, %c0_i32_0 : i32, i32
  }
  func.func @transform_6(%arg0: i32) -> (i32, i32) {
    %c0_i32 = arith.constant 0 : i32
    %c0_i32_0 = arith.constant 0 : i32
    %c0_i32_1 = arith.constant 0 : i32
    return %c0_i32, %c0_i32_0 : i32, i32
  }
  func.func @transform_7(%arg0: i32) -> (i32, i32) {
    %c0_i32 = arith.constant 0 : i32
    %c0_i32_0 = arith.constant 0 : i32
    %c0_i32_1 = arith.constant 0 : i32
    return %c0_i32, %c0_i32_0 : i32, i32
  }
  func.func @transform_8(%arg0: i32) -> (i32, i32) {
    %c0_i32 = arith.constant 0 : i32
    %c0_i32_0 = arith.constant 0 : i32
    %c0_i32_1 = arith.constant 0 : i32
    return %c0_i32, %c0_i32_0 : i32, i32
  }
  func.func @transform_9(%arg0: i32) -> (i32, i32) {
    %c0_i32 = arith.constant 0 : i32
    %c0_i32_0 = arith.constant 0 : i32
    %c0_i32_1 = arith.constant 0 : i32
    return %c0_i32, %c0_i32_0 : i32, i32
  }
  func.func @transform_10(%arg0: i32) -> (i32, i32) {
    %c0_i32 = arith.constant 0 : i32
    %c0_i32_0 = arith.constant 0 : i32
    return %arg0, %c0_i32 : i32, i32
  }
}

module attributes {stable_mosaic.version = 14 : i64} {
  func.func @_fuse_body(%arg0: i32, %arg1: memref<512x128xf32, #tpu.memory_space<vmem>>, %arg2: memref<512x128xf32, #tpu.memory_space<vmem>>, %arg3: memref<512x8xf32, #tpu.memory_space<vmem>>, %arg4: memref<512x8xf32, #tpu.memory_space<vmem>>, %arg5: memref<512x128xf32, #tpu.memory_space<vmem>>, %arg6: memref<128x128xf32, #tpu.memory_space<vmem>>, %arg7: memref<128x128xf32, #tpu.memory_space<vmem>>, %arg8: memref<1x128xf32, #tpu.memory_space<vmem>>, %arg9: memref<1x128xf32, #tpu.memory_space<vmem>>, %arg10: memref<1x128xf32, #tpu.memory_space<vmem>>, %arg11: memref<512x128xf32, #tpu.memory_space<vmem>>) attributes {dimension_semantics = [#tpu.dimension_semantics<arbitrary>], iteration_bounds = array<i64: 20>, scalar_prefetch = 0 : i64, scratch_operands = 0 : i64, tpu.core_type = #tpu.core_type<tc>, window_params = [{transform_indices = @transform_0, window_bounds = array<i64: 512, 128>}, {transform_indices = @transform_1, window_bounds = array<i64: 512, 128>}, {transform_indices = @transform_2, window_bounds = array<i64: 512, 8>}, {transform_indices = @transform_3, window_bounds = array<i64: 512, 8>}, {transform_indices = @transform_4, window_bounds = array<i64: 512, 128>}, {pipeline_mode = #tpu.pipeline_mode<synchronous>, transform_indices = @transform_5, window_bounds = array<i64: 128, 128>}, {pipeline_mode = #tpu.pipeline_mode<synchronous>, transform_indices = @transform_6, window_bounds = array<i64: 128, 128>}, {pipeline_mode = #tpu.pipeline_mode<synchronous>, transform_indices = @transform_7, window_bounds = array<i64: 1, 128>}, {pipeline_mode = #tpu.pipeline_mode<synchronous>, transform_indices = @transform_8, window_bounds = array<i64: 1, 128>}, {pipeline_mode = #tpu.pipeline_mode<synchronous>, transform_indices = @transform_9, window_bounds = array<i64: 1, 128>}, {transform_indices = @transform_10, window_bounds = array<i64: 512, 128>}]} {
    %get3A = arith.constant 0 : index
    %get3A_0 = arith.constant 0 : index
    %get3A_1 = vector.load %arg3[%get3A, %get3A_0] : memref<512x8xf32, #tpu.memory_space<vmem>>, vector<512x1xf32>
    %get3A_2 = arith.constant 0 : index
    %get3A_3 = arith.constant 0 : index
    %get3A_4 = vector.load %arg4[%get3A_2, %get3A_3] : memref<512x8xf32, #tpu.memory_space<vmem>>, vector<512x1xf32>
    %add3A = arith.addf %get3A_1, %get3A_4 : vector<512x1xf32>
    %max3A = arith.constant 1.000000e+00 : f32
    %max3A_5 = vector.broadcast %max3A : f32 to vector<512x1xf32>
    %max3A_6 = arith.maximumf %add3A, %max3A_5 : vector<512x1xf32>
    %div3A = arith.constant 1.000000e+00 : f32
    %div3A_7 = vector.broadcast %div3A : f32 to vector<512x1xf32>
    %div3A_8 = arith.divf %div3A_7, %max3A_6 : vector<512x1xf32>
    %get3A_9 = arith.constant 0 : index
    %get3A_10 = arith.constant 0 : index
    %get3A_11 = vector.load %arg1[%get3A_9, %get3A_10] : memref<512x128xf32, #tpu.memory_space<vmem>>, vector<512x128xf32>
    %get3A_12 = arith.constant 0 : index
    %get3A_13 = arith.constant 0 : index
    %get3A_14 = vector.load %arg2[%get3A_12, %get3A_13] : memref<512x128xf32, #tpu.memory_space<vmem>>, vector<512x128xf32>
    %add3A_15 = arith.addf %get3A_11, %get3A_14 : vector<512x128xf32>
    %mul3A = vector.broadcast %div3A_8 : vector<512x1xf32> to vector<512x128xf32>
    %mul3A_16 = arith.mulf %add3A_15, %mul3A : vector<512x128xf32>
    %get3A_17 = arith.constant 0 : index
    %get3A_18 = arith.constant 0 : index
    %get3A_19 = vector.load %arg6[%get3A_17, %get3A_18] : memref<128x128xf32, #tpu.memory_space<vmem>>, vector<128x128xf32>
    %dot_general3A = arith.constant dense<0.000000e+00> : vector<512x128xf32>
    %dot_general3A_20 = tpu.matmul %mul3A_16, %get3A_19, %dot_general3A {dimension_numbers = #tpu.dot_dimension_numbers<[1], [0], [0], [1], [0, 0, 1, 1], [], []>, transpose_lhs_hint = false} : vector<512x128xf32>, vector<128x128xf32>, vector<512x128xf32> -> vector<512x128xf32>
    %get3A_21 = arith.constant 0 : index
    %get3A_22 = arith.constant 0 : index
    %get3A_23 = vector.load %arg5[%get3A_21, %get3A_22] : memref<512x128xf32, #tpu.memory_space<vmem>>, vector<512x128xf32>
    %get3A_24 = arith.constant 0 : index
    %get3A_25 = arith.constant 0 : index
    %get3A_26 = vector.load %arg7[%get3A_24, %get3A_25] : memref<128x128xf32, #tpu.memory_space<vmem>>, vector<128x128xf32>
    %dot_general3A_27 = arith.constant dense<0.000000e+00> : vector<512x128xf32>
    %dot_general3A_28 = tpu.matmul %get3A_23, %get3A_26, %dot_general3A_27 {dimension_numbers = #tpu.dot_dimension_numbers<[1], [0], [0], [1], [0, 0, 1, 1], [], []>, transpose_lhs_hint = false} : vector<512x128xf32>, vector<128x128xf32>, vector<512x128xf32> -> vector<512x128xf32>
    %add3A_29 = arith.addf %dot_general3A_20, %dot_general3A_28 : vector<512x128xf32>
    %get3A_30 = arith.constant 0 : index
    %get3A_31 = arith.constant 0 : index
    %get3A_32 = vector.load %arg8[%get3A_30, %get3A_31] : memref<1x128xf32, #tpu.memory_space<vmem>>, vector<1x128xf32>
    %add3A_33 = vector.broadcast %get3A_32 : vector<1x128xf32> to vector<512x128xf32>
    %add3A_34 = arith.addf %add3A_29, %add3A_33 : vector<512x128xf32>
    %get3A_35 = arith.constant 0 : index
    %get3A_36 = arith.constant 0 : index
    %get3A_37 = vector.load %arg5[%get3A_35, %get3A_36] : memref<512x128xf32, #tpu.memory_space<vmem>>, vector<512x128xf32>
    %add3A_38 = arith.addf %add3A_34, %get3A_37 : vector<512x128xf32>
    %max3A_39 = arith.constant 0.000000e+00 : f32
    %max3A_40 = vector.broadcast %max3A_39 : f32 to vector<512x128xf32>
    %max3A_41 = arith.maximumf %add3A_38, %max3A_40 : vector<512x128xf32>
    %reduce_sum3A = arith.constant dense<0.000000e+00> : vector<512xf32>
    %reduce_sum3A_42 = vector.multi_reduction <add>, %max3A_41, %reduce_sum3A [1] : vector<512x128xf32> to vector<512xf32>
    %broadcast_in_dim3A = vector.shape_cast %reduce_sum3A_42 : vector<512xf32> to vector<512x1xf32>
    %div3A_43 = arith.constant 1.280000e+02 : f32
    %div3A_44 = vector.broadcast %div3A_43 : f32 to vector<512x1xf32>
    %div3A_45 = arith.divf %broadcast_in_dim3A, %div3A_44 : vector<512x1xf32>
    %sub3A = vector.broadcast %div3A_45 : vector<512x1xf32> to vector<512x128xf32>
    %sub3A_46 = arith.subf %max3A_41, %sub3A : vector<512x128xf32>
    %integer_pow3A = arith.mulf %sub3A_46, %sub3A_46 : vector<512x128xf32>
    %reduce_sum3A_47 = arith.constant dense<0.000000e+00> : vector<512xf32>
    %reduce_sum3A_48 = vector.multi_reduction <add>, %integer_pow3A, %reduce_sum3A_47 [1] : vector<512x128xf32> to vector<512xf32>
    %broadcast_in_dim3A_49 = vector.shape_cast %reduce_sum3A_48 : vector<512xf32> to vector<512x1xf32>
    %div3A_50 = arith.constant 1.280000e+02 : f32
    %div3A_51 = vector.broadcast %div3A_50 : f32 to vector<512x1xf32>
    %div3A_52 = arith.divf %broadcast_in_dim3A_49, %div3A_51 : vector<512x1xf32>
    %sub3A_53 = vector.broadcast %div3A_45 : vector<512x1xf32> to vector<512x128xf32>
    %sub3A_54 = arith.subf %max3A_41, %sub3A_53 : vector<512x128xf32>
    %add3A_55 = arith.constant 9.99999974E-6 : f32
    %add3A_56 = vector.broadcast %add3A_55 : f32 to vector<512x1xf32>
    %add3A_57 = arith.addf %div3A_52, %add3A_56 : vector<512x1xf32>
    %rsqrt3A = math.rsqrt %add3A_57 : vector<512x1xf32>
    %mul3A_58 = vector.broadcast %rsqrt3A : vector<512x1xf32> to vector<512x128xf32>
    %mul3A_59 = arith.mulf %sub3A_54, %mul3A_58 : vector<512x128xf32>
    %get3A_60 = arith.constant 0 : index
    %get3A_61 = arith.constant 0 : index
    %get3A_62 = vector.load %arg9[%get3A_60, %get3A_61] : memref<1x128xf32, #tpu.memory_space<vmem>>, vector<1x128xf32>
    %mul3A_63 = vector.broadcast %get3A_62 : vector<1x128xf32> to vector<512x128xf32>
    %mul3A_64 = arith.mulf %mul3A_59, %mul3A_63 : vector<512x128xf32>
    %get3A_65 = arith.constant 0 : index
    %get3A_66 = arith.constant 0 : index
    %get3A_67 = vector.load %arg10[%get3A_65, %get3A_66] : memref<1x128xf32, #tpu.memory_space<vmem>>, vector<1x128xf32>
    %add3A_68 = vector.broadcast %get3A_67 : vector<1x128xf32> to vector<512x128xf32>
    %add3A_69 = arith.addf %mul3A_64, %add3A_68 : vector<512x128xf32>
    %swap3A = arith.constant 0 : index
    %swap3A_70 = arith.constant 0 : index
    %swap3A_71 = vector.load %arg11[%swap3A, %swap3A_70] : memref<512x128xf32, #tpu.memory_space<vmem>>, vector<512x128xf32>
    tpu.vector_store %arg11[%swap3A, %swap3A_70], %add3A_69 {strides = array<i32>} : memref<512x128xf32, #tpu.memory_space<vmem>>, vector<512x128xf32>,
    return
  }
  func.func @transform_0(%arg0: i32) -> (i32, i32) {
    %c0_i32 = arith.constant 0 : i32
    %c0_i32_0 = arith.constant 0 : i32
    return %arg0, %c0_i32 : i32, i32
  }
  func.func @transform_1(%arg0: i32) -> (i32, i32) {
    %c0_i32 = arith.constant 0 : i32
    %c0_i32_0 = arith.constant 0 : i32
    return %arg0, %c0_i32 : i32, i32
  }
  func.func @transform_2(%arg0: i32) -> (i32, i32) {
    %c0_i32 = arith.constant 0 : i32
    %c0_i32_0 = arith.constant 0 : i32
    return %arg0, %c0_i32 : i32, i32
  }
  func.func @transform_3(%arg0: i32) -> (i32, i32) {
    %c0_i32 = arith.constant 0 : i32
    %c0_i32_0 = arith.constant 0 : i32
    return %arg0, %c0_i32 : i32, i32
  }
  func.func @transform_4(%arg0: i32) -> (i32, i32) {
    %c0_i32 = arith.constant 0 : i32
    %c0_i32_0 = arith.constant 0 : i32
    return %arg0, %c0_i32 : i32, i32
  }
  func.func @transform_5(%arg0: i32) -> (i32, i32) {
    %c0_i32 = arith.constant 0 : i32
    %c0_i32_0 = arith.constant 0 : i32
    %c0_i32_1 = arith.constant 0 : i32
    return %c0_i32, %c0_i32_0 : i32, i32
  }
  func.func @transform_6(%arg0: i32) -> (i32, i32) {
    %c0_i32 = arith.constant 0 : i32
    %c0_i32_0 = arith.constant 0 : i32
    %c0_i32_1 = arith.constant 0 : i32
    return %c0_i32, %c0_i32_0 : i32, i32
  }
  func.func @transform_7(%arg0: i32) -> (i32, i32) {
    %c0_i32 = arith.constant 0 : i32
    %c0_i32_0 = arith.constant 0 : i32
    %c0_i32_1 = arith.constant 0 : i32
    return %c0_i32, %c0_i32_0 : i32, i32
  }
  func.func @transform_8(%arg0: i32) -> (i32, i32) {
    %c0_i32 = arith.constant 0 : i32
    %c0_i32_0 = arith.constant 0 : i32
    %c0_i32_1 = arith.constant 0 : i32
    return %c0_i32, %c0_i32_0 : i32, i32
  }
  func.func @transform_9(%arg0: i32) -> (i32, i32) {
    %c0_i32 = arith.constant 0 : i32
    %c0_i32_0 = arith.constant 0 : i32
    %c0_i32_1 = arith.constant 0 : i32
    return %c0_i32, %c0_i32_0 : i32, i32
  }
  func.func @transform_10(%arg0: i32) -> (i32, i32) {
    %c0_i32 = arith.constant 0 : i32
    %c0_i32_0 = arith.constant 0 : i32
    return %arg0, %c0_i32 : i32, i32
  }
}

</mosaic_0001>

<sc_bundles>
// kernel: kernel.10.cloned.1.call-start
scs
__scs_entry_jumppad:
0x0: {  	(pc) =	sbr.rel $0x88, $3  }
0x1: {  	(tag) =	ssettag $0x0;
	lr =	simm.s32 $0x1  }
0x2: {  	[smem:$0x3F8D] =	sst lr;
	_ =	strace $0xD0000000  }
0x3: {  	_ = 	snop  }
0x4: {  	_ = 	snop  }
0x5: {  	_ = 	snop  }
0x6: {  	_ = 	snop  }
0x7: {  	_ = 	snop  }
__scs_overlays_trampoline_lowered:
0x8: {  	[smem:$0x3F9C] =	sst s0  }
0x9: {  	[smem:$0x3F9D] =	sst s1  }
0xa: {  	[smem:$0x3F9E] =	sst s2  }
0xb: {  	[smem:$0x3F9F] =	sst s3  }
0xc: {  	[smem:$0x3FA0] =	sst s4  }
0xd: {  	[smem:$0x3FA1] =	sst s5  }
0xe: {  	[smem:$0x3FA2] =	sst s6  }
0xf: {  	[smem:$0x3FA3] =	sst s7  }
0x10: {  	[smem:$0x3FA4] =	sst s8  }
0x11: {  	[smem:$0x3FA5] =	sst s9;
	s0 =	simm.s32 @!p0 $0x0  }
0x12: {  	s1 =	sld [smem:$0x3F8B];
	s0 =	simm.s32 @p0 $0x1  }
0x13: {  	[smem:$0x3FA6] =	sst s0;
	s0 =	simm.s32 @!p1 $0x0  }
0x14: {  	s2 =	sld [smem:$0x3F8A];
	s0 =	simm.s32 @p1 $0x1  }
0x15: {  	[smem:$0x3FA7] =	sst s0;
	s0 =	simm.s32 @!p2 $0x0  }
0x16: {  	s3 =	sld [smem:$0x3FDB];
	s0 =	simm.s32 @p2 $0x1  }
0x17: {  	s4 =	simm.s32 $0x1BF5;
	[smem:$0x3FA9] =	sst s0  }
0x18: {  	s0 =	sld [smem:$0x3F8C];
	_ =	swait.ge [sflag:s4], $0x0  }
0x19: {  	s7 =	sld [smem:$0x3F8D]  }
0x1a: {  	s8 =	sadd.s32 $0xFFFFE003, lr  }
0x1b: {  	s9 =	sadd.s32 $0xFFFFFEF7, lr;
	s5 =	simm.s32 $0xFFFFFFFF;
	p2 =	slt.u32 s8, $0xFFFFF086  }
0x1c: {  	p1 =	slt.u32 s9, $0xF7A;
	s5 =	simm.s32 @!p2 $0x0  }
0x1d: {  	s5 =	simm.s32 @p1 $0x1;
	p0 =	seq.s32 s7, s2  }
0x1e: {  	s7 =	smul.u32 @!p0 $0xF7A, s2;
	p2 =	seq.s32 @!p0 s5, $0x0  }
0x1f: {  	s9 =	smul.u32 $0xF7A, s1;
	s8 =	simm.s32 @!p0 $0x1BF5;
	p2 =	por !p2, p0  }
0x20: {  	[sflag:s8] =	ssyncset.s32 @!p0 $0xFFFFF086;
	s6 =	sadd.s32 @!p0 s3, s7;
	s7 =	simm.s32 @!p0 $0x108  }
0x21: {  	s3 =	sadd.s32 s3, s9;
	s6 =	sadd.s32 @!p0 $0x88, s6;
	s7 =	simm.s32 @p2 $0x1082  }
0x22: {  	[simem:s7], [sflag:s8] =	dma.local @!p0 [hbm:s6], $0xF7A  }
0x23: {  	s9 =	sor.u32 $0xD0000000, s2;
	s6 =	simm.s32 $0x108;
	_ =	swait.ge @!p0 [sflag:s8], $0x0  }
0x24: {  	s3 =	sadd.s32 $0x88, s3;
	s6 =	simm.s32 @!p1 $0x1082;
	[sflag:s4] =	ssyncset.s32 $0xFFFFF086  }
0x25: {  	[simem:s6], [sflag:s4] =	dma.local [hbm:s3], $0xF7A  }
0x26: {  	[smem:$0x3F8D] =	sst s1;
	(tag) =	ssettag s2;
	_ =	strace s9  }
0x27: {  	s1 =	sld [smem:$0x3F9D]  }
0x28: {  	s2 =	sld [smem:$0x3F9E]  }
0x29: {  	s4 =	sld [smem:$0x3FA0]  }
0x2a: {  	p0 =	seq.s32 s5, $0x0;
	s5 =	sld [smem:$0x3FA1]  }
0x2b: {  	s6 =	sld [smem:$0x3FA2]  }
0x2c: {  	s7 =	sld [smem:$0x3FA3]  }
0x2d: {  	s3 =	simm.s32 $0x108;
	s8 =	sld [smem:$0x3FA4]  }
0x2e: {  	s3 =	simm.s32 @!p0 $0x1082;
	s9 =	sld [smem:$0x3FA5]  }
0x2f: {  	lr =	sadd.s32 s0, s3;
	s0 =	sld [smem:$0x3F9C]  }
0x30: {  	s3 =	sld [smem:$0x3F9F]  }
0x31: {  	[smem:$0x3FA8] =	sst s10  }
0x32: {  	s10 =	sld [smem:$0x3FA6];
	_ =	sdelay $0x3  }
0x33: {  	p0 =	seq.s32 s10, $0x1;
	s10 =	sld [smem:$0x3FA8];
	_ =	sdelay $0x3  }
0x34: {  	[smem:$0x3FA8] =	sst s10  }
0x35: {  	s10 =	sld [smem:$0x3FA7];
	_ =	sdelay $0x3  }
0x36: {  	p1 =	seq.s32 s10, $0x1;
	s10 =	sld [smem:$0x3FA8];
	_ =	sdelay $0x3  }
0x37: {  	[smem:$0x3FA8] =	sst s10  }
0x38: {  	s10 =	sld [smem:$0x3FA9]  }
0x39: {  	_ = 	snop;
	(pc) =	sbr.ind lr, $3  }
0x3a: {  	_ = 	snop  }
0x3b: {  	_ = 	snop  }
0x3c: {  	p2 =	seq.s32 s10, $0x1;
	s10 =	sld [smem:$0x3FA8]  }
0x3d: {  	_ =	shalt  }
0x3e: {  	_ =	shalt  }
0x3f: {  	_ =	shalt  }
0x40: {  	_ =	shalt  }
0x41: {  	_ =	shalt  }
0x42: {  	_ =	shalt  }
0x43: {  	_ =	shalt  }
0x44: {  	_ =	shalt  }
0x45: {  	_ =	shalt  }
0x46: {  	_ =	shalt  }
0x47: {  	_ =	shalt  }
0x48: {  	_ =	shalt  }
0x49: {  	_ =	shalt  }
0x4a: {  	_ =	shalt  }
0x4b: {  	_ =	shalt  }
0x4c: {  	_ =	shalt  }
0x4d: {  	_ =	shalt  }
0x4e: {  	_ =	shalt  }
0x4f: {  	_ =	shalt  }
0x50: {  	_ =	shalt  }
0x51: {  	_ =	shalt  }
0x52: {  	_ =	shalt  }
0x53: {  	_ =	shalt  }
0x54: {  	_ =	shalt  }
0x55: {  	_ =	shalt  }
0x56: {  	_ =	shalt  }
0x57: {  	_ =	shalt  }
0x58: {  	_ =	shalt  }
0x59: {  	_ =	shalt  }
0x5a: {  	_ =	shalt  }
0x5b: {  	_ =	shalt  }
0x5c: {  	_ =	shalt  }
0x5d: {  	_ =	shalt  }
0x5e: {  	_ =	shalt  }
0x5f: {  	_ =	shalt  }
0x60: {  	_ =	shalt  }
0x61: {  	_ =	shalt  }
0x62: {  	_ =	shalt  }
0x63: {  	_ =	shalt  }
0x64: {  	_ =	shalt  }
0x65: {  	_ =	shalt  }
0x66: {  	_ =	shalt  }
0x67: {  	_ =	shalt  }
0x68: {  	_ =	shalt  }
0x69: {  	_ =	shalt  }
0x6a: {  	_ =	shalt  }
0x6b: {  	_ =	shalt  }
0x6c: {  	_ =	shalt  }
0x6d: {  	_ =	shalt  }
0x6e: {  	_ =	shalt  }
0x6f: {  	_ =	shalt  }
0x70: {  	_ =	shalt  }
0x71: {  	_ =	shalt  }
0x72: {  	_ =	shalt  }
0x73: {  	_ =	shalt  }
0x74: {  	_ =	shalt  }
0x75: {  	_ =	shalt  }
0x76: {  	_ =	shalt  }
0x77: {  	_ =	shalt  }
0x78: {  	_ =	shalt  }
0x79: {  	_ =	shalt  }
0x7a: {  	_ =	shalt  }
0x7b: {  	_ =	shalt  }
0x7c: {  	_ =	shalt  }
0x7d: {  	_ =	shalt  }
0x7e: {  	_ =	shalt  }
0x7f: {  	_ =	shalt  }
0x80: {  	_ =	shalt  }
0x81: {  	_ =	shalt  }
0x82: {  	_ =	shalt  }
0x83: {  	_ =	shalt  }
0x84: {  	_ =	shalt  }
0x85: {  	_ =	shalt  }
0x86: {  	_ =	shalt  }
0x87: {  	_ =	shalt  }
.Lfunc_end0:
.L_simem_size_0:
called_computation_lowered:
.L_overlay_start_0:
0x88: {  	s2 =	sld [smem:$0x3FD9]  }
0x89: {  	s3 =	sld [smem:$0x3FFE];
	_ =	sdelay $0x1  }
0x8a: {  	s1 =	srdreg.scid  }
0x8b: {  	s0 =	sand.u32 $0x1, s1  }
0x8c: {  	s14 =	sshll.u32 s0, $0xA;
	s2 =	sadd.s32 s3, s2  }
0x8d: {  	s2 =	sadd.s32 s2, s14  }
0x8e: {  	[smem:$0x3FB4] =	sst s2  }
0x8f: {  	_ = 	snop  }
0x90: {  	s2 =	sld [smem:$0x3FD0];
	_ =	sdelay $0x2  }
0x91: {  	s4 =	simm.s32 $0xA;
	s5 =	simm.s32 $0x10;
	s15 =	sld [smem:$0x3FC9]  }
0x92: {  	[smem:s5], [sflag:s4] =	dma.local [hbm:s2], $0x1  }
0x93: {  	_ =	swait.eq [sflag:s4], $0x1  }
0x94: {  	[sflag:s4] =	ssyncset.done $0x0  }
0x95: {  	[sflag:s4] =	ssyncadd.s32 $0xFFFFFFFF  }
0x96: {  	s16 =	sld [smem:$0x11];
	(tm) =	ssettm $0x1  }
0x97: {  	s17 =	sld [smem:$0x3FFB];
	_ =	sdelay $0x3  }
0x98: {  	_ =	strace s17  }
0x99: {  	s4 =	sld [smem:$0x3FFC];
	_ =	sdelay $0x3  }
0x9a: {  	_ =	strace s4  }
0x9b: {  	s4 =	sld [smem:$0x3FFD];
	_ =	sdelay $0x3  }
0x9c: {  	_ =	strace s4  }
0x9d: {  	_ =	strace $0x8FFFFFFF  }
0x9e: {  	s18 =	sld [smem:$0x3FDB];
	_ =	sdelay $0x1  }
0x9f: {  	s19 =	simm.s32 $_scs_section_size  }
0xa0: {  	s6 =	simm.s32 $_size__tile_overlayer_lowered;
	s7 =	simm.s32 $_tile_overlayer_lowered  }
0xa1: {  	s22 =	simm.s32 $0x1BFF;
	s21 =	sshll.u32 s7, $0x1;
	s4 =	sadd.s32 s19, s18  }
0xa2: {  	s8 =	simm.s32 $0x0;
	s20 =	sshll.u32 s6, $0x1;
	s6 =	sadd.s32 s21, s4  }
0xa3: {  	[timem:s8], [sflag:s22] =	dma.local [hbm:s6], s20  }
0xa4: {  	_ =	swait.ge [sflag:s22], s20  }
0xa5: {  	s5 =	ssub.s32 $0x0, s20;
	[sflag:s22] =	ssyncset.done $0x0  }
0xa6: {  	[sflag:s22] =	ssyncadd.s32 s5;
	_ =	sdelay $0x1  }
0xa7: {  	s23 =	simm.s32 $0x1B8B  }
0xa8: {  	_ =	swait.ge [sflag:s23], $0x1  }
0xa9: {  	[sflag:s23] =	ssyncset.done $0x0  }
0xaa: {  	s25 =	simm.s32 $0x1B8E;
	s24 =	sld [smem:$0x3FFE];
	[sflag:s23] =	ssyncadd.s32 $0xFFFFFFFF  }
0xab: {  	s26 =	simm.s32 $execute0_lowered;
	[smem:$0x3FD2] =	sst s25  }
0xac: {  	s6 =	sshll.u32 s26, $0x1;
	_ =	strace $0x80000046;
	[dreg:$0x1] =	wrdreg $0xFFFFFFFF  }
0xad: {  	s28 =	simm.s32 $_size_execute0_lowered;
	s4 =	sadd.s32 s4, s6;
	[dreg:$0x0] =	wrdreg $0x0  }
0xae: {  	s6 =	sshll.u32 s28, $0x1;
	[dreg:$0x2] =	wrdreg s4  }
0xaf: {  	[dreg:$0x3] =	wrdreg s6  }
0xb0: {  	[dreg:$0x4] =	wrdreg $0xC0  }
0xb1: {  	_ =	task [dreg:s8], $0x5FFFF  }
0xb2: {  	[dreg:$0x1] =	wrdreg $0xFFFFFFFF  }
0xb3: {  	[dreg:$0x0] =	wrdreg $0x60  }
0xb4: {  	[dreg:$0x2] =	wrdreg s15  }
0xb5: {  	[dreg:$0x3] =	wrdreg s24  }
0xb6: {  	[dreg:$0x4] =	wrdreg s16  }
0xb7: {  	[dreg:$0x5] =	wrdreg $0x2B200  }
0xb8: {  	[dreg:$0x6] =	wrdreg $0x16C200  }
0xb9: {  	[dreg:$0x7] =	wrdreg $0x9  }
0xba: {  	_ =	task.clear_ibuf [dreg:s8], $0x8FFFF;
	_ =	strace $0x90000046  }
0xbb: {  	s29 =	simm.s32 $0x9;
	_ =	strace $0x80000048  }
0xbc: {  	_ =	swait.ge [sflag:s29], $0x1  }
0xbd: {  	[sflag:s29] =	ssyncadd.s32 $0xFFFFFFFF  }
0xbe: {  	_ =	strace $0x90000048  }
0xbf: {  	_ =	sfence  }
0xc0: {  	s30 =	sld [smem:$0x0];
	_ =	sdelay $0x2  }
0xc1: {  	s31 =	sshll.u32 s1, $0xD;
	s1 =	sshrl.u32 s1, $0x2  }
0xc2: {  	s3 =	sand.u32 $0x4000, s31;
	s1 =	sadd.s32 s1, s30  }
0xc3: {  	s0 =	sor.u32 s3, s0;
	s1 =	sshll.u32 s1, $0x11  }
0xc4: {  	s0 =	sor.u32 s1, s0  }
0xc5: {  	s0 =	sadd.s32 $0x8F2B, s0  }
0xc6: {  	[sflag:s0] =	ssyncadd.remote.s32 $0x1  }
0xc7: {  	_ =	sfence.sel $0xFFFF  }
0xc8: {  	[dreg:$0x0] =	wrdreg $0xFFFFFFFF;
	(pc) =	sbr.abs _section_cstart, $3  }
0xc9: {  	[dreg:$0x1] =	wrdreg $0xFFFFFFFF  }
0xca: {  	_ =	task.clear_ibuf [dreg:s8], $0x2FFFF;
	_ =	strace $0x9FFFFFFF  }
0xcb: {  	(tm) =	ssettm $0x7FFFFFFF  }
tec
execute0_lowered:
.L_overlay_start_1:
0x0: {  	(tag) =	ssettag $0x1  }
0x1: {  	s0 =	rddreg [dreg:$0x0];
	s1 =	srdreg.scid  }
0x2: {  	s9 =	rddreg [dreg:$0x1];
	s10 =	sand.u32 $0x1, s1  }
0x3: {  	s1 =	stileid.u32;
	s7 =	smul.u32 $0x27100, s10  }
0x4: {  	s2 =	rddreg [dreg:$0x2];
	s8 =	smul.u32 $0x2710, s1  }
0x5: {  	s4 =	rddreg [dreg:$0x3];
	s11 =	smul.u32 $0x138800, s10  }
0x6: {  	s5 =	rddreg [dreg:$0x4];
	s12 =	smul.u32 $0x13880, s1  }
0x7: {  	s3 =	rddreg [dreg:$0x5];
	s6 =	simm.s32 $0x0;
	s13 =	smul.u32 $0x13880, s10  }
0x8: {  	s20 =	simm.s32 $0xA0;
	s21 =	simm.s32 $0x1;
	s15 =	smul.u32 $0x1388, s1  }
0x9: {  	s24 =	simm.s32 $0x0;
	[smem:$0x7FF] =	sst s6;
	s16 =	smul.u32 $0x4E400, s1  }
0xa: {  	_ =	strace $0x80000047;
	s10 =	ssub.s32 $0x2, s10;
	s17 =	smul.u32 $0x4E40, s1  }
0xb: {  	s31 =	sshll.u32 s1, $0x6;
	s26 =	sshrl.u32 s10, $0x1;
	s7 =	sadd.s32 s8, s7  }
0xc: {  	s8 =	sadd.s32 $0x1A600, s9;
	s11 =	sadd.s32 s12, s11;
	s13 =	sadd.s32 s15, s13  }
0xd: {  	s18 =	ssub.s32 s10, s26;
	s28 =	sshrl.u32 s16, $0x2;
	s29 =	sshrl.u32 s17, $0x2  }
0xe: {  	s22 =	sadd.s32 s12, s4;
	s23 =	sadd.s32 s15, s5;
	s15 =	simm.s32 $0x2  }
0xf: {  	s16 =	sor.u32 $0x1C02, s31;
	s7 =	sshrl.u32 s7, $0x3;
	s11 =	sshrl.u32 s11, $0x3  }
0x10: {  	s13 =	sshrl.u32 s13, $0x3;
	s30 =	sadd.s32 s28, s4;
	s19 =	sadd.s32 s29, s5  }
0x11: {  	s22 =	sshrl.u32 s22, $0x3;
	s23 =	sshrl.u32 s23, $0x3;
	s14 =	sadd.s32 s7, s9  }
0x12: {  	s7 =	sadd.s32 $0x17E00, s9;
	s11 =	sadd.s32 s11, s9;
	s13 =	sadd.s32 s13, s9  }
0x13: {  	s17 =	sshrl.u32 s30, $0x3;
	s9 =	sadd.s32 $0x1F800, s11;
	s10 =	sadd.s32 $0x1A800, s13  }
0x14: {  	s11 =	smax.u32 s18, $0x1;
	s12 =	sadd.s32 $0x4200, s14;
	s13 =	sadd.s32 $0xE000, s14  }
0x15: {  	s14 =	simm.s32 $0x28A0;
	s18 =	sshrl.u32 s19, $0x3;
	s19 =	simm.s32 $0x50  }
.LBB2_1:
0x16: {  	[tilespmem:s14], [sflag:$0x2] =	stream.linear.gather [hbm4b:s8+s6], $0x280, $0x38;
	[tilespmem:$0x18030] =	vst v63  }
0x17: {  	_ =	swait.ge [sflag:s15], $0x280  }
0x18: {  	[sflag:s15] =	ssyncset.done $0x0  }
0x19: {  	[sflag:s15] =	ssyncadd.s32 $0xFFFFFD80  }
0x1a: {  	[spmem:s17], [sflag:s16] =	dma.local [hbm:s7], $0x2720  }
0x1b: {  	_ =	swait.ge [sflag:s15], $0x2720  }
0x1c: {  	[sflag:s15] =	ssyncset.done $0x0  }
0x1d: {  	[sflag:s15] =	ssyncadd.s32 $0xFFFFD8E0  }
0x1e: {  	[spmem:s18], [sflag:s16] =	dma.local [hbm:s2], $0x272  }
0x1f: {  	_ =	swait.ge [sflag:s15], $0x272  }
0x20: {  	[sflag:s15] =	ssyncset.done $0x0  }
0x21: {  	[sflag:s15] =	ssyncadd.s32 $0xFFFFFD8E  }
0x22: {  	s25 =	sadd.s32 $0x0, s13;
	[bflag:$0x0] =	sbarrier.arrive $0xFFFF  }
0x23: {  	[tilespmem:s6], [sflag:$0x2] =	stream.linear.gather [hbm4b:s25+s6], $0x50, $0x38;
	[tilespmem:$0x18030] =	vst v63  }
0x24: {  	_ =	swait.ge [sflag:s15], $0x50  }
0x25: {  	[sflag:s15] =	ssyncset.done $0x0  }
0x26: {  	s31 =	sadd.s32 $0x0, s12;
	[sflag:s15] =	ssyncadd.s32 $0xFFFFFFB0  }
0x27: {  	[tilespmem:s19], [sflag:$0x2] =	stream.linear.gather [hbm4b:s31+s6], $0x50, $0x38;
	[tilespmem:$0x18030] =	vst v63  }
0x28: {  	_ =	swait.ge [sflag:s15], $0x50  }
0x29: {  	[sflag:s15] =	ssyncset.done $0x0  }
0x2a: {  	[sflag:s15] =	ssyncadd.s32 $0xFFFFFFB0  }
0x2b: {  	[tilespmem:s20], [sflag:$0x1] =	stream.indirect.gather [hbm4b:s0+s19], $0x80, s6, s19, $0xb8;
	[tilespmem:$0x18030] =	vst v63  }
0x2c: {  	_ =	swait.ge [sflag:s21], $0x2800  }
0x2d: {  	[sflag:s21] =	ssyncset.done $0x0  }
0x2e: {  	[sflag:s21] =	ssyncadd.s32 $0xFFFFD800  }
0x2f: {  	[spmem:s4] =	stream.indirect.scatter.add.f32 [tilespmem:s20], [sflag:$0x2], $0x80, s19, s19, $0xb8;
	[tilespmem:$0x18030] =	vst v63  }
0x30: {  	_ =	swait.ge [sflag:s15], $0x2800  }
0x31: {  	[sflag:s15] =	ssyncset.done $0x0  }
0x32: {  	[sflag:s15] =	ssyncadd.s32 $0xFFFFD800  }
0x33: {  	[spmem:s5] =	stream.indirect.scatter.add.f32 [tilespmem:s14], [sflag:$0x2], $0x8, s19, s19, $0xb8;
	[tilespmem:$0x18030] =	vst v63  }
0x34: {  	_ =	swait.ge [sflag:s15], $0x280  }
0x35: {  	s26 =	simm.s32 $0x14;
	s25 =	simm.s32 $0xA;
	[sflag:s15] =	ssyncset.done $0x0  }
.LBB2_2:
0x36: {  	s28 =	sadd.s32 s25, s13  }
0x37: {  	[sflag:s15] =	ssyncadd.s32 $0xFFFFFD80;
	s29 =	smov.u32 s26;
	s30 =	sadd.s32 $0xA, s26  }
0x38: {  	[tilespmem:s6], [sflag:$0x2] =	stream.linear.gather [hbm4b:s28+s6], $0x50, $0x38;
	[tilespmem:$0x18030] =	vst v63  }
0x39: {  	p0 =	sne.s32 s26, $0x4D8;
	_ =	swait.ge [sflag:s15], $0x50  }
0x3a: {  	[sflag:s15] =	ssyncset.done $0x0  }
0x3b: {  	s26 =	sadd.s32 s25, s12;
	s25 =	smov.u32 s29;
	[sflag:s15] =	ssyncadd.s32 $0xFFFFFFB0  }
0x3c: {  	[tilespmem:s19], [sflag:$0x2] =	stream.linear.gather [hbm4b:s26+s6], $0x50, $0x38;
	[tilespmem:$0x18030] =	vst v63  }
0x3d: {  	_ =	swait.ge [sflag:s15], $0x50  }
0x3e: {  	[sflag:s15] =	ssyncset.done $0x0  }
0x3f: {  	[sflag:s15] =	ssyncadd.s32 $0xFFFFFFB0  }
0x40: {  	[tilespmem:s20], [sflag:$0x1] =	stream.indirect.gather [hbm4b:s0+s19], $0x80, s6, s19, $0xb8;
	[tilespmem:$0x18030] =	vst v63  }
0x41: {  	_ =	swait.ge [sflag:s21], $0x2800  }
0x42: {  	[sflag:s21] =	ssyncset.done $0x0  }
0x43: {  	[sflag:s21] =	ssyncadd.s32 $0xFFFFD800  }
0x44: {  	[spmem:s4] =	stream.indirect.scatter.add.f32 [tilespmem:s20], [sflag:$0x2], $0x80, s19, s19, $0xb8;
	[tilespmem:$0x18030] =	vst v63  }
0x45: {  	_ =	swait.ge [sflag:s15], $0x2800  }
.Ltmp0:
0x46: {  	[sflag:s15] =	ssyncset.done $0x0;
	(pc) =	sbr.rel @p0 .LBB2_2-.Ltmp0, $4  }
0x47: {  	[sflag:s15] =	ssyncadd.s32 $0xFFFFD800  }
0x48: {  	[spmem:s5] =	stream.indirect.scatter.add.f32 [tilespmem:s14], [sflag:$0x2], $0x8, s19, s19, $0xb8;
	[tilespmem:$0x18030] =	vst v63  }
0x49: {  	_ =	swait.ge [sflag:s15], $0x280  }
0x4a: {  	s26 =	smov.u32 s30;
	[sflag:s15] =	ssyncset.done $0x0  }
0x4b: {  	s26 =	sadd.s32 s25, s13;
	[sflag:s15] =	ssyncadd.s32 $0xFFFFFD80  }
0x4c: {  	[tilespmem:s6], [sflag:$0x2] =	stream.linear.gather [hbm4b:s26+s6], $0x50, $0x38;
	[tilespmem:$0x18030] =	vst v63  }
0x4d: {  	_ =	swait.ge [sflag:s15], $0x50  }
0x4e: {  	[sflag:s15] =	ssyncset.done $0x0  }
0x4f: {  	s31 =	sadd.s32 s25, s12;
	[sflag:s15] =	ssyncadd.s32 $0xFFFFFFB0  }
0x50: {  	[tilespmem:s19], [sflag:$0x2] =	stream.linear.gather [hbm4b:s31+s6], $0x50, $0x38;
	[tilespmem:$0x18030] =	vst v63  }
0x51: {  	_ =	swait.ge [sflag:s15], $0x50  }
0x52: {  	[sflag:s15] =	ssyncset.done $0x0  }
0x53: {  	[sflag:s15] =	ssyncadd.s32 $0xFFFFFFB0  }
0x54: {  	[tilespmem:s20], [sflag:$0x1] =	stream.indirect.gather [hbm4b:s0+s19], $0x80, s6, s19, $0xb8;
	[tilespmem:$0x18030] =	vst v63  }
0x55: {  	_ =	swait.ge [sflag:s21], $0x2800  }
0x56: {  	[sflag:s21] =	ssyncset.done $0x0  }
0x57: {  	[sflag:s21] =	ssyncadd.s32 $0xFFFFD800  }
0x58: {  	[spmem:s4] =	stream.indirect.scatter.add.f32 [tilespmem:s20], [sflag:$0x2], $0x80, s19, s19, $0xb8;
	[tilespmem:$0x18030] =	vst v63  }
0x59: {  	_ =	swait.ge [sflag:s15], $0x2800  }
0x5a: {  	[sflag:s15] =	ssyncset.done $0x0  }
0x5b: {  	[sflag:s15] =	ssyncadd.s32 $0xFFFFD800  }
0x5c: {  	[spmem:s5] =	stream.indirect.scatter.add.f32 [tilespmem:s14], [sflag:$0x2], $0x8, s19, s19, $0xb8;
	[tilespmem:$0x18030] =	vst v63  }
0x5d: {  	_ =	swait.ge [sflag:s15], $0x280  }
0x5e: {  	[sflag:s15] =	ssyncset.done $0x0  }
0x5f: {  	[sflag:s15] =	ssyncadd.s32 $0xFFFFFD80  }
0x60: {  	[bflag:$0x0] =	sbarrier.arrive $0xFFFF  }
0x61: {  	[hbm:s9], [sflag:s16] =	dma.local [spmem:s22], $0x2710  }
0x62: {  	s24 =	sadd.s32 $0x1, s24;
	_ =	swait.ge [sflag:s15], $0x2710  }
0x63: {  	p0 =	sne.s32 s24, s11;
	[sflag:s15] =	ssyncset.done $0x0  }
.Ltmp1:
0x64: {  	[sflag:s15] =	ssyncadd.s32 $0xFFFFD8F0;
	(pc) =	sbr.rel @p0 .LBB2_1-.Ltmp1, $4  }
0x65: {  	[hbm:s10], [sflag:s16] =	dma.local [spmem:s23], $0x271  }
0x66: {  	_ =	swait.ge [sflag:s15], $0x271  }
0x67: {  	[sflag:s15] =	ssyncset.done $0x0  }
0x68: {  	[sflag:s15] =	ssyncadd.s32 $0xFFFFFD8F  }
0x69: {  	_ =	sfence.sel $0x180000  }
0x6a: {  	[bflag:$0x0] =	sbarrier.arrive $0xFFFF  }
0x6b: {  	p0 =	sne.s32 s1, $0x0;
	_ =	strace $0x90000047  }
0x6c: {  	s0 =	sadd.s32 @!p0 $0x100000, s3;
	[bflag:$0x2] =	sbarrier.arrive $0xFFFF  }
0x6d: {  	[sflag:s0] =	ssyncadd.tile.s32 @!p0 $0x1;
	_ =	shalt  }
.Lfunc_end2:
_tile_overlayer_lowered:
.L_overlay_start_2:
0x6e: {  	(tag) =	ssettag $0x2  }
0x6f: {  	s0 =	rddreg [dreg:$0x0];
	s2 =	stileid.u32  }
0x70: {  	s1 =	rddreg [dreg:$0x1];
	p0 =	sne.s32 s2, $0x0  }
0x71: {  	s3 =	rddreg [dreg:$0x2];
	[bflag:$0x3] =	sbarrier.arrive $0xFFFF;
	s2 =	simm.s32 @!p0 $0x1C02  }
0x72: {  	[timem:s3], [sflag:s2] =	dma.local @!p0 [hbm:s0], s1  }
0x73: {  	s0 =	simm.s32 @!p0 $0x2  }
0x74: {  	_ =	swait.ge @!p0 [sflag:s0], s1  }
0x75: {  	s1 =	ssub.s32 @!p0 $0x0, s1;
	[sflag:s0] =	ssyncset.done @!p0 $0x0  }
0x76: {  	[sflag:s0] =	ssyncadd.s32 @!p0 s1  }
0x77: {  	[bflag:$0x3] =	sbarrier.arrive $0xFFFF  }
0x78: {  	_ =	shalt  }

// kernel: kernel.13.cloned.1.call-start
scs
__scs_entry_jumppad:
0x0: {  	(pc) =	sbr.rel $0x88, $3  }
0x1: {  	(tag) =	ssettag $0x0;
	lr =	simm.s32 $0x1  }
0x2: {  	[smem:$0x3F8D] =	sst lr;
	_ =	strace $0xD0000000  }
0x3: {  	_ = 	snop  }
0x4: {  	_ = 	snop  }
0x5: {  	_ = 	snop  }
0x6: {  	_ = 	snop  }
0x7: {  	_ = 	snop  }
__scs_overlays_trampoline_lowered:
0x8: {  	[smem:$0x3F9C] =	sst s0  }
0x9: {  	[smem:$0x3F9D] =	sst s1  }
0xa: {  	[smem:$0x3F9E] =	sst s2  }
0xb: {  	[smem:$0x3F9F] =	sst s3  }
0xc: {  	[smem:$0x3FA0] =	sst s4  }
0xd: {  	[smem:$0x3FA1] =	sst s5  }
0xe: {  	[smem:$0x3FA2] =	sst s6  }
0xf: {  	[smem:$0x3FA3] =	sst s7  }
0x10: {  	[smem:$0x3FA4] =	sst s8  }
0x11: {  	[smem:$0x3FA5] =	sst s9;
	s0 =	simm.s32 @!p0 $0x0  }
0x12: {  	s1 =	sld [smem:$0x3F8B];
	s0 =	simm.s32 @p0 $0x1  }
0x13: {  	[smem:$0x3FA6] =	sst s0;
	s0 =	simm.s32 @!p1 $0x0  }
0x14: {  	s2 =	sld [smem:$0x3F8A];
	s0 =	simm.s32 @p1 $0x1  }
0x15: {  	[smem:$0x3FA7] =	sst s0;
	s0 =	simm.s32 @!p2 $0x0  }
0x16: {  	s3 =	sld [smem:$0x3FDB];
	s0 =	simm.s32 @p2 $0x1  }
0x17: {  	s4 =	simm.s32 $0x1BF5;
	[smem:$0x3FA9] =	sst s0  }
0x18: {  	s0 =	sld [smem:$0x3F8C];
	_ =	swait.ge [sflag:s4], $0x0  }
0x19: {  	s7 =	sld [smem:$0x3F8D]  }
0x1a: {  	s8 =	sadd.s32 $0xFFFFE003, lr  }
0x1b: {  	s9 =	sadd.s32 $0xFFFFFEF7, lr;
	s5 =	simm.s32 $0xFFFFFFFF;
	p2 =	slt.u32 s8, $0xFFFFF086  }
0x1c: {  	p1 =	slt.u32 s9, $0xF7A;
	s5 =	simm.s32 @!p2 $0x0  }
0x1d: {  	s5 =	simm.s32 @p1 $0x1;
	p0 =	seq.s32 s7, s2  }
0x1e: {  	s7 =	smul.u32 @!p0 $0xF7A, s2;
	p2 =	seq.s32 @!p0 s5, $0x0  }
0x1f: {  	s9 =	smul.u32 $0xF7A, s1;
	s8 =	simm.s32 @!p0 $0x1BF5;
	p2 =	por !p2, p0  }
0x20: {  	[sflag:s8] =	ssyncset.s32 @!p0 $0xFFFFF086;
	s6 =	sadd.s32 @!p0 s3, s7;
	s7 =	simm.s32 @!p0 $0x108  }
0x21: {  	s3 =	sadd.s32 s3, s9;
	s6 =	sadd.s32 @!p0 $0x88, s6;
	s7 =	simm.s32 @p2 $0x1082  }
0x22: {  	[simem:s7], [sflag:s8] =	dma.local @!p0 [hbm:s6], $0xF7A  }
0x23: {  	s9 =	sor.u32 $0xD0000000, s2;
	s6 =	simm.s32 $0x108;
	_ =	swait.ge @!p0 [sflag:s8], $0x0  }
0x24: {  	s3 =	sadd.s32 $0x88, s3;
	s6 =	simm.s32 @!p1 $0x1082;
	[sflag:s4] =	ssyncset.s32 $0xFFFFF086  }
0x25: {  	[simem:s6], [sflag:s4] =	dma.local [hbm:s3], $0xF7A  }
0x26: {  	[smem:$0x3F8D] =	sst s1;
	(tag) =	ssettag s2;
	_ =	strace s9  }
0x27: {  	s1 =	sld [smem:$0x3F9D]  }
0x28: {  	s2 =	sld [smem:$0x3F9E]  }
0x29: {  	s4 =	sld [smem:$0x3FA0]  }
0x2a: {  	p0 =	seq.s32 s5, $0x0;
	s5 =	sld [smem:$0x3FA1]  }
0x2b: {  	s6 =	sld [smem:$0x3FA2]  }
0x2c: {  	s7 =	sld [smem:$0x3FA3]  }
0x2d: {  	s3 =	simm.s32 $0x108;
	s8 =	sld [smem:$0x3FA4]  }
0x2e: {  	s3 =	simm.s32 @!p0 $0x1082;
	s9 =	sld [smem:$0x3FA5]  }
0x2f: {  	lr =	sadd.s32 s0, s3;
	s0 =	sld [smem:$0x3F9C]  }
0x30: {  	s3 =	sld [smem:$0x3F9F]  }
0x31: {  	[smem:$0x3FA8] =	sst s10  }
0x32: {  	s10 =	sld [smem:$0x3FA6];
	_ =	sdelay $0x3  }
0x33: {  	p0 =	seq.s32 s10, $0x1;
	s10 =	sld [smem:$0x3FA8];
	_ =	sdelay $0x3  }
0x34: {  	[smem:$0x3FA8] =	sst s10  }
0x35: {  	s10 =	sld [smem:$0x3FA7];
	_ =	sdelay $0x3  }
0x36: {  	p1 =	seq.s32 s10, $0x1;
	s10 =	sld [smem:$0x3FA8];
	_ =	sdelay $0x3  }
0x37: {  	[smem:$0x3FA8] =	sst s10  }
0x38: {  	s10 =	sld [smem:$0x3FA9]  }
0x39: {  	_ = 	snop;
	(pc) =	sbr.ind lr, $3  }
0x3a: {  	_ = 	snop  }
0x3b: {  	_ = 	snop  }
0x3c: {  	p2 =	seq.s32 s10, $0x1;
	s10 =	sld [smem:$0x3FA8]  }
0x3d: {  	_ =	shalt  }
0x3e: {  	_ =	shalt  }
0x3f: {  	_ =	shalt  }
0x40: {  	_ =	shalt  }
0x41: {  	_ =	shalt  }
0x42: {  	_ =	shalt  }
0x43: {  	_ =	shalt  }
0x44: {  	_ =	shalt  }
0x45: {  	_ =	shalt  }
0x46: {  	_ =	shalt  }
0x47: {  	_ =	shalt  }
0x48: {  	_ =	shalt  }
0x49: {  	_ =	shalt  }
0x4a: {  	_ =	shalt  }
0x4b: {  	_ =	shalt  }
0x4c: {  	_ =	shalt  }
0x4d: {  	_ =	shalt  }
0x4e: {  	_ =	shalt  }
0x4f: {  	_ =	shalt  }
0x50: {  	_ =	shalt  }
0x51: {  	_ =	shalt  }
0x52: {  	_ =	shalt  }
0x53: {  	_ =	shalt  }
0x54: {  	_ =	shalt  }
0x55: {  	_ =	shalt  }
0x56: {  	_ =	shalt  }
0x57: {  	_ =	shalt  }
0x58: {  	_ =	shalt  }
0x59: {  	_ =	shalt  }
0x5a: {  	_ =	shalt  }
0x5b: {  	_ =	shalt  }
0x5c: {  	_ =	shalt  }
0x5d: {  	_ =	shalt  }
0x5e: {  	_ =	shalt  }
0x5f: {  	_ =	shalt  }
0x60: {  	_ =	shalt  }
0x61: {  	_ =	shalt  }
0x62: {  	_ =	shalt  }
0x63: {  	_ =	shalt  }
0x64: {  	_ =	shalt  }
0x65: {  	_ =	shalt  }
0x66: {  	_ =	shalt  }
0x67: {  	_ =	shalt  }
0x68: {  	_ =	shalt  }
0x69: {  	_ =	shalt  }
0x6a: {  	_ =	shalt  }
0x6b: {  	_ =	shalt  }
0x6c: {  	_ =	shalt  }
0x6d: {  	_ =	shalt  }
0x6e: {  	_ =	shalt  }
0x6f: {  	_ =	shalt  }
0x70: {  	_ =	shalt  }
0x71: {  	_ =	shalt  }
0x72: {  	_ =	shalt  }
0x73: {  	_ =	shalt  }
0x74: {  	_ =	shalt  }
0x75: {  	_ =	shalt  }
0x76: {  	_ =	shalt  }
0x77: {  	_ =	shalt  }
0x78: {  	_ =	shalt  }
0x79: {  	_ =	shalt  }
0x7a: {  	_ =	shalt  }
0x7b: {  	_ =	shalt  }
0x7c: {  	_ =	shalt  }
0x7d: {  	_ =	shalt  }
0x7e: {  	_ =	shalt  }
0x7f: {  	_ =	shalt  }
0x80: {  	_ =	shalt  }
0x81: {  	_ =	shalt  }
0x82: {  	_ =	shalt  }
0x83: {  	_ =	shalt  }
0x84: {  	_ =	shalt  }
0x85: {  	_ =	shalt  }
0x86: {  	_ =	shalt  }
0x87: {  	_ =	shalt  }
.Lfunc_end0:
.L_simem_size_0:
called_computation.1_lowered:
.L_overlay_start_0:
0x88: {  	s2 =	sld [smem:$0x3FD9]  }
0x89: {  	s3 =	sld [smem:$0x3FFE];
	_ =	sdelay $0x1  }
0x8a: {  	s1 =	srdreg.scid  }
0x8b: {  	s0 =	sand.u32 $0x1, s1  }
0x8c: {  	s14 =	sshll.u32 s0, $0xA;
	s2 =	sadd.s32 s3, s2  }
0x8d: {  	s2 =	sadd.s32 s2, s14  }
0x8e: {  	[smem:$0x3FB4] =	sst s2  }
0x8f: {  	_ = 	snop  }
0x90: {  	s2 =	sld [smem:$0x3FD0];
	_ =	sdelay $0x2  }
0x91: {  	s4 =	simm.s32 $0xA;
	s5 =	simm.s32 $0x10;
	s15 =	sld [smem:$0x3FC8]  }
0x92: {  	[smem:s5], [sflag:s4] =	dma.local [hbm:s2], $0x1  }
0x93: {  	_ =	swait.eq [sflag:s4], $0x1  }
0x94: {  	[sflag:s4] =	ssyncset.done $0x0  }
0x95: {  	s16 =	sld [smem:$0x10];
	[sflag:s4] =	ssyncadd.s32 $0xFFFFFFFF  }
0x96: {  	s17 =	sld [smem:$0x11];
	(tm) =	ssettm $0x1  }
0x97: {  	s18 =	sld [smem:$0x3FFB];
	_ =	sdelay $0x3  }
0x98: {  	_ =	strace s18  }
0x99: {  	s5 =	sld [smem:$0x3FFC];
	_ =	sdelay $0x3  }
0x9a: {  	_ =	strace s5  }
0x9b: {  	s5 =	sld [smem:$0x3FFD];
	_ =	sdelay $0x3  }
0x9c: {  	_ =	strace s5  }
0x9d: {  	_ =	strace $0x8FFFFFFF  }
0x9e: {  	s19 =	sld [smem:$0x3FDB];
	_ =	sdelay $0x1  }
0x9f: {  	s6 =	simm.s32 $_scs_section_size  }
0xa0: {  	s7 =	simm.s32 $_size__tile_overlayer_lowered;
	s8 =	simm.s32 $_tile_overlayer_lowered  }
0xa1: {  	s22 =	simm.s32 $0x1BFF;
	s21 =	sshll.u32 s8, $0x1;
	s5 =	sadd.s32 s6, s19  }
0xa2: {  	s9 =	simm.s32 $0x0;
	s20 =	sshll.u32 s7, $0x1;
	s7 =	sadd.s32 s21, s5  }
0xa3: {  	[timem:s9], [sflag:s22] =	dma.local [hbm:s7], s20  }
0xa4: {  	_ =	swait.ge [sflag:s22], s20  }
0xa5: {  	s6 =	ssub.s32 $0x0, s20;
	[sflag:s22] =	ssyncset.done $0x0  }
0xa6: {  	[sflag:s22] =	ssyncadd.s32 s6;
	_ =	sdelay $0x1  }
0xa7: {  	s23 =	simm.s32 $0x1B8B  }
0xa8: {  	_ =	swait.ge [sflag:s23], $0x1  }
0xa9: {  	[sflag:s23] =	ssyncset.done $0x0  }
0xaa: {  	s25 =	simm.s32 $0x1B8E;
	s24 =	sld [smem:$0x3FFE];
	[sflag:s23] =	ssyncadd.s32 $0xFFFFFFFF  }
0xab: {  	s26 =	simm.s32 $execute0_lowered;
	[smem:$0x3FD2] =	sst s25  }
0xac: {  	s7 =	sshll.u32 s26, $0x1;
	_ =	strace $0x80000049;
	[dreg:$0x1] =	wrdreg $0xFFFFFFFF  }
0xad: {  	s28 =	simm.s32 $_size_execute0_lowered;
	s5 =	sadd.s32 s5, s7;
	[dreg:$0x0] =	wrdreg $0x0  }
0xae: {  	s7 =	sshll.u32 s28, $0x1;
	[dreg:$0x2] =	wrdreg s5  }
0xaf: {  	[dreg:$0x3] =	wrdreg s7  }
0xb0: {  	[dreg:$0x4] =	wrdreg $0xC0  }
0xb1: {  	_ =	task [dreg:s9], $0x5FFFF  }
0xb2: {  	[dreg:$0x1] =	wrdreg $0xFFFFFFFF  }
0xb3: {  	[dreg:$0x0] =	wrdreg $0x60  }
0xb4: {  	[dreg:$0x2] =	wrdreg s15  }
0xb5: {  	[dreg:$0x3] =	wrdreg s24  }
0xb6: {  	[dreg:$0x4] =	wrdreg s16  }
0xb7: {  	[dreg:$0x5] =	wrdreg s17  }
0xb8: {  	[dreg:$0x6] =	wrdreg $0x2B200  }
0xb9: {  	[dreg:$0x7] =	wrdreg $0x1BAA00  }
0xba: {  	[dreg:$0x8] =	wrdreg $0x9  }
0xbb: {  	_ =	task.clear_ibuf [dreg:s9], $0x9FFFF;
	_ =	strace $0x90000049  }
0xbc: {  	s29 =	simm.s32 $0x9;
	_ =	strace $0x8000004B  }
0xbd: {  	_ =	swait.ge [sflag:s29], $0x1  }
0xbe: {  	[sflag:s29] =	ssyncadd.s32 $0xFFFFFFFF  }
0xbf: {  	_ =	strace $0x9000004B  }
0xc0: {  	_ =	sfence  }
0xc1: {  	s30 =	sld [smem:$0x0];
	_ =	sdelay $0x2  }
0xc2: {  	s31 =	sshll.u32 s1, $0xD;
	s1 =	sshrl.u32 s1, $0x2  }
0xc3: {  	s3 =	sand.u32 $0x4000, s31;
	s1 =	sadd.s32 s1, s30  }
0xc4: {  	s0 =	sor.u32 s3, s0;
	s1 =	sshll.u32 s1, $0x11  }
0xc5: {  	s0 =	sor.u32 s1, s0  }
0xc6: {  	s0 =	sadd.s32 $0x8F2B, s0  }
0xc7: {  	[sflag:s0] =	ssyncadd.remote.s32 $0x1  }
0xc8: {  	_ =	sfence.sel $0xFFFF  }
0xc9: {  	[dreg:$0x0] =	wrdreg $0xFFFFFFFF;
	(pc) =	sbr.abs _section_cstart, $3  }
0xca: {  	[dreg:$0x1] =	wrdreg $0xFFFFFFFF  }
0xcb: {  	_ =	task.clear_ibuf [dreg:s9], $0x2FFFF;
	_ =	strace $0x9FFFFFFF  }
0xcc: {  	(tm) =	ssettm $0x7FFFFFFF  }
0xcd: {  	_ =	shalt  }
tec
execute0_lowered:
.L_overlay_start_1:
0x0: {  	(tag) =	ssettag $0x1  }
0x1: {  	s0 =	rddreg [dreg:$0x0]  }
0x2: {  	s3 =	rddreg [dreg:$0x1]  }
0x3: {  	s1 =	rddreg [dreg:$0x2];
	s23 =	stileid.u32  }
0x4: {  	s8 =	rddreg [dreg:$0x3];
	s7 =	smul.u32 $0x2710, s23  }
0x5: {  	s2 =	srdreg.scid;
	s10 =	smul.u32 $0x61E00, s23  }
0x6: {  	s4 =	rddreg [dreg:$0x4];
	s11 =	smul.u32 $0x61E0, s23  }
0x7: {  	s5 =	rddreg [dreg:$0x5];
	s12 =	smul.u32 $0x30E, s23  }
0x8: {  	s6 =	simm.s32 $0x0;
	s29 =	simm.s32 $0x28A0;
	s16 =	smul.u32 $0x18700, s23  }
0x9: {  	s31 =	simm.s32 $0x50;
	s9 =	sand.u32 $0x1, s2;
	s18 =	smul.u32 $0x30B, s23  }
0xa: {  	[smem:$0x7FF] =	sst s6;
	s13 =	sadd.s32 $0x1A600, s3;
	s2 =	smul.u32 $0x27100, s9  }
0xb: {  	s30 =	simm.s32 $0x2;
	_ =	strace $0x8000004A;
	s14 =	smul.u32 $0x61A800, s9  }
0xc: {  	[dreg:$0x7] =	wrdreg s13;
	s25 =	ssub.s32 $0x2, s9;
	s9 =	smul.u32 $0x61A80, s9  }
0xd: {  	s15 =	sshrl.u32 s25, $0x1;
	s10 =	sshrl.u32 s10, $0x2;
	s26 =	sadd.s32 $0x30E0, s12  }
0xe: {  	s11 =	sshrl.u32 s11, $0x2;
	s12 =	sadd.s32 $0x61C0, s12;
	s22 =	sadd.s32 $0x92A0, s18  }
0xf: {  	s2 =	sadd.s32 s7, s2;
	s7 =	sadd.s32 $0x81600, s3;
	s13 =	ssub.s32 s25, s15  }
0x10: {  	s10 =	sadd.s32 s10, s4;
	s17 =	sshll.u32 s26, $0x7;
	s20 =	sshrl.u32 s9, $0x3  }
0x11: {  	s21 =	sshll.u32 s12, $0x7;
	s25 =	sshll.u32 s22, $0x7;
	s11 =	sadd.s32 s11, s5  }
0x12: {  	s2 =	sshrl.u32 s2, $0x3;
	[dreg:$0x8] =	wrdreg s10;
	s10 =	smul.u32 $0x1870, s23  }
0x13: {  	s17 =	sadd.s32 s14, s17;
	s19 =	sadd.s32 s8, s20;
	s24 =	sadd.s32 s14, s21  }
0x14: {  	[dreg:$0xa] =	wrdreg s11;
	s2 =	sadd.s32 s2, s3;
	s3 =	sadd.s32 $0x84800, s3  }
0x15: {  	s15 =	sadd.s32 s26, s19;
	s26 =	sadd.s32 s14, s25;
	s14 =	sadd.s32 s16, s14  }
0x16: {  	s21 =	sshrl.u32 s17, $0x3;
	s24 =	sshrl.u32 s24, $0x3;
	[dreg:$0x9] =	wrdreg s15  }
0x17: {  	s9 =	sadd.s32 s10, s9;
	s14 =	sshrl.u32 s14, $0x3;
	s15 =	sadd.s32 s16, s4  }
0x18: {  	s16 =	sadd.s32 s10, s5;
	s17 =	sadd.s32 s3, s24;
	s25 =	sshrl.u32 s26, $0x3  }
0x19: {  	s26 =	sadd.s32 s8, s12;
	s12 =	smul.u32 $0x61600, s23;
	[dreg:$0xc] =	wrdreg s15  }
0x1a: {  	s9 =	sshrl.u32 s9, $0x3;
	s11 =	sadd.s32 s3, s14;
	[dreg:$0xe] =	wrdreg s16  }
0x1b: {  	s18 =	sadd.s32 s3, s25;
	s19 =	sadd.s32 s20, s26;
	s14 =	sshll.u32 s23, $0x4  }
0x1c: {  	s15 =	smul.u32 $0x6160, s23;
	[dreg:$0xb] =	wrdreg s11;
	s9 =	sadd.s32 s8, s9  }
0x1d: {  	s8 =	sadd.s32 s8, s22;
	s11 =	smul.u32 $0x6180, s23;
	s16 =	sadd.s32 $0x30E0, s14  }
0x1e: {  	s10 =	sadd.s32 $0x30B0, s14;
	s22 =	sadd.s32 $0x6DA00, s2;
	[dreg:$0xd] =	wrdreg s9  }
0x1f: {  	s9 =	sadd.s32 s3, s21;
	s20 =	sadd.s32 s20, s8;
	s8 =	sshrl.u32 s12, $0x2  }
0x20: {  	s21 =	smax.u32 s13, $0x1;
	[dreg:$0xf] =	wrdreg s9;
	s9 =	smul.u32 $0x61800, s23  }
0x21: {  	s8 =	sadd.s32 s8, s4;
	s23 =	sadd.s32 $0x77800, s2;
	s2 =	simm.s32 $0x1  }
0x22: {  	s26 =	sshrl.u32 s8, $0x3;
	s8 =	simm.s32 $0x0;
	s3 =	sshrl.u32 s9, $0x2  }
0x23: {  	s9 =	sshrl.u32 s11, $0x2;
	s11 =	sshrl.u32 s15, $0x2;
	s3 =	sadd.s32 s3, s4  }
0x24: {  	v1 =	vlaneseq.u32;
	s9 =	sadd.s32 s9, s5;
	s11 =	sadd.s32 s11, s5;
	s24 =	sshrl.u32 s3, $0x3  }
0x25: {  	v0 =	vor.u32 s16, v1;
	v1 =	vor.u32 s10, v1;
	s25 =	sshrl.u32 s9, $0x3;
	s28 =	sshrl.u32 s11, $0x3;
	s3 =	simm.s32 $0xA0  }
.LBB2_1:
0x26: {  	s9 =	rddreg [dreg:$0x7]  }
0x27: {  	[tilespmem:s29], [sflag:$0x2] =	stream.linear.gather [hbm4b:s9+s6], $0x280, $0x38;
	[tilespmem:$0x1D398] =	vst v63  }
0x28: {  	s13 =	stileid.u32;
	_ =	swait.ge [sflag:s30], $0x280  }
0x29: {  	s9 =	sshll.u32 s13, $0x6;
	[sflag:s30] =	ssyncset.done $0x0;
	s10 =	rddreg [dreg:$0x8]  }
0x2a: {  	s9 =	sor.u32 $0x1C02, s9;
	[sflag:s30] =	ssyncadd.s32 $0xFFFFFD80;
	s12 =	sshrl.u32 s10, $0x3  }
0x2b: {  	[spmem:s12], [sflag:s9] =	dma.local [hbm:s7], $0x30F0  }
0x2c: {  	_ =	swait.ge [sflag:s30], $0x30F0  }
0x2d: {  	[sflag:s30] =	ssyncset.done $0x0;
	s14 =	rddreg [dreg:$0xa]  }
0x2e: {  	[sflag:s30] =	ssyncadd.s32 $0xFFFFCF10;
	s13 =	sshrl.u32 s14, $0x3  }
0x2f: {  	[spmem:s13], [sflag:s9] =	dma.local [hbm:s1], $0x30F  }
0x30: {  	_ =	swait.ge [sflag:s30], $0x30F  }
0x31: {  	[sflag:s30] =	ssyncset.done $0x0  }
0x32: {  	[sflag:s30] =	ssyncadd.s32 $0xFFFFFCF1  }
0x33: {  	s15 =	sadd.s32 $0x0, s23;
	[bflag:$0x0] =	sbarrier.arrive $0xFFFF  }
0x34: {  	[tilespmem:s6], [sflag:$0x2] =	stream.linear.gather [hbm4b:s15+s6], $0x50, $0x38;
	[tilespmem:$0x1D398] =	vst v63  }
0x35: {  	_ =	swait.ge [sflag:s30], $0x50  }
0x36: {  	[sflag:s30] =	ssyncset.done $0x0  }
0x37: {  	s16 =	sadd.s32 $0x0, s22;
	[sflag:s30] =	ssyncadd.s32 $0xFFFFFFB0  }
0x38: {  	[tilespmem:s31], [sflag:$0x2] =	stream.linear.gather [hbm4b:s16+s6], $0x50, $0x38;
	[tilespmem:$0x1D398] =	vst v63  }
0x39: {  	_ =	swait.ge [sflag:s30], $0x50  }
0x3a: {  	[sflag:s30] =	ssyncset.done $0x0  }
0x3b: {  	[sflag:s30] =	ssyncadd.s32 $0xFFFFFFB0  }
0x3c: {  	v2 =	vld [tilespmem:$0x90]  }
0x3d: {  	v3 =	vld [tilespmem:$0x80]  }
0x3e: {  	v4 =	vld [tilespmem:$0x70]  }
0x3f: {  	v5 =	vld [tilespmem:$0x60]  }
0x40: {  	v6 =	vld [tilespmem:$0x50]  }
0x41: {  	vm0 =	vlt.u32 v2, $0x30E0  }
0x42: {  	vm1 =	vlt.u32 v3, $0x30E0;
	v2 =	vsel vm0, v2, v0  }
0x43: {  	vm13 =	vlt.u32 v4, $0x30E0;
	v3 =	vsel vm1, v3, v0;
	[tilespmem:$0x90] =	vst v2  }
0x44: {  	vm14 =	vlt.u32 v5, $0x30E0;
	v2 =	vsel vm13, v4, v0;
	[tilespmem:$0x80] =	vst v3  }
0x45: {  	vm15 =	vlt.u32 v6, $0x30E0;
	v3 =	vsel vm14, v5, v0;
	[tilespmem:$0x70] =	vst v2  }
0x46: {  	v2 =	vsel vm15, v6, v0;
	[tilespmem:$0x60] =	vst v3  }
0x47: {  	[tilespmem:$0x50] =	vst v2  }
0x48: {  	[tilespmem:s3], [sflag:$0x1] =	stream.indirect.gather [hbm4b:s0+s31], $0x80, s6, s31, $0xb8;
	[tilespmem:$0x1D398] =	vst v63  }
0x49: {  	_ =	swait.ge [sflag:s2], $0x2800  }
0x4a: {  	[sflag:s2] =	ssyncset.done $0x0  }
0x4b: {  	[sflag:s2] =	ssyncadd.s32 $0xFFFFD800  }
0x4c: {  	[spmem:s4] =	stream.indirect.scatter.add.f32 [tilespmem:s3], [sflag:$0x2], $0x80, s31, s31, $0xb8;
	[tilespmem:$0x1D398] =	vst v63  }
0x4d: {  	_ =	swait.ge [sflag:s30], $0x2800  }
0x4e: {  	s10 =	simm.s32 $0xA;
	[sflag:s30] =	ssyncset.done $0x0  }
.LBB2_2:
0x4f: {  	p0 =	sne.s32 s10, $0x4D8  }
0x50: {  	[sflag:s30] =	ssyncadd.s32 $0xFFFFD800;
	s11 =	smov.u32 s10;
	s10 =	sadd.s32 $0xA, s10  }
0x51: {  	[spmem:s5] =	stream.indirect.scatter.add.f32 [tilespmem:s29], [sflag:$0x2], $0x8, s31, s31, $0xb8;
	[tilespmem:$0x1D398] =	vst v63  }
0x52: {  	_ =	swait.ge [sflag:s30], $0x280  }
0x53: {  	[sflag:s30] =	ssyncset.done $0x0  }
0x54: {  	s14 =	sadd.s32 s11, s23;
	[sflag:s30] =	ssyncadd.s32 $0xFFFFFD80  }
0x55: {  	[tilespmem:s6], [sflag:$0x2] =	stream.linear.gather [hbm4b:s14+s6], $0x50, $0x38;
	[tilespmem:$0x1D398] =	vst v63  }
0x56: {  	_ =	swait.ge [sflag:s30], $0x50  }
0x57: {  	[sflag:s30] =	ssyncset.done $0x0  }
0x58: {  	s11 =	sadd.s32 s11, s22;
	[sflag:s30] =	ssyncadd.s32 $0xFFFFFFB0  }
0x59: {  	[tilespmem:s31], [sflag:$0x2] =	stream.linear.gather [hbm4b:s11+s6], $0x50, $0x38;
	[tilespmem:$0x1D398] =	vst v63  }
0x5a: {  	_ =	swait.ge [sflag:s30], $0x50  }
0x5b: {  	[sflag:s30] =	ssyncset.done $0x0  }
0x5c: {  	[sflag:s30] =	ssyncadd.s32 $0xFFFFFFB0  }
0x5d: {  	v2 =	vld [tilespmem:$0x90]  }
0x5e: {  	v3 =	vld [tilespmem:$0x80]  }
0x5f: {  	v4 =	vld [tilespmem:$0x70]  }
0x60: {  	v5 =	vld [tilespmem:$0x60]  }
0x61: {  	v6 =	vld [tilespmem:$0x50]  }
0x62: {  	vm0 =	vlt.u32 v2, $0x30E0  }
0x63: {  	vm1 =	vlt.u32 v3, $0x30E0;
	v2 =	vsel vm0, v2, v0  }
0x64: {  	vm0 =	vlt.u32 v4, $0x30E0;
	v3 =	vsel vm1, v3, v0;
	[tilespmem:$0x90] =	vst v2  }
0x65: {  	vm1 =	vlt.u32 v5, $0x30E0;
	v2 =	vsel vm0, v4, v0;
	[tilespmem:$0x80] =	vst v3  }
0x66: {  	vm0 =	vlt.u32 v6, $0x30E0;
	v3 =	vsel vm1, v5, v0;
	[tilespmem:$0x70] =	vst v2  }
0x67: {  	v2 =	vsel vm0, v6, v0;
	[tilespmem:$0x60] =	vst v3  }
0x68: {  	[tilespmem:$0x50] =	vst v2  }
0x69: {  	[tilespmem:s3], [sflag:$0x1] =	stream.indirect.gather [hbm4b:s0+s31], $0x80, s6, s31, $0xb8;
	[tilespmem:$0x1D398] =	vst v63  }
0x6a: {  	_ =	swait.ge [sflag:s2], $0x2800  }
.Ltmp0:
0x6b: {  	[sflag:s2] =	ssyncset.done $0x0;
	(pc) =	sbr.rel @p0 .LBB2_2-.Ltmp0, $4  }
0x6c: {  	[sflag:s2] =	ssyncadd.s32 $0xFFFFD800  }
0x6d: {  	[spmem:s4] =	stream.indirect.scatter.add.f32 [tilespmem:s3], [sflag:$0x2], $0x80, s31, s31, $0xb8;
	[tilespmem:$0x1D398] =	vst v63  }
0x6e: {  	_ =	swait.ge [sflag:s30], $0x2800  }
0x6f: {  	[sflag:s30] =	ssyncset.done $0x0  }
0x70: {  	[sflag:s30] =	ssyncadd.s32 $0xFFFFD800  }
0x71: {  	[spmem:s5] =	stream.indirect.scatter.add.f32 [tilespmem:s29], [sflag:$0x2], $0x8, s31, s31, $0xb8;
	[tilespmem:$0x1D398] =	vst v63  }
0x72: {  	_ =	swait.ge [sflag:s30], $0x280  }
0x73: {  	[sflag:s30] =	ssyncset.done $0x0  }
0x74: {  	[sflag:s30] =	ssyncadd.s32 $0xFFFFFD80  }
0x75: {  	[bflag:$0x0] =	sbarrier.arrive $0xFFFF  }
0x76: {  	s10 =	rddreg [dreg:$0xc]  }
0x77: {  	s11 =	rddreg [dreg:$0xb];
	s10 =	sshrl.u32 s10, $0x3  }
0x78: {  	[hbm:s11], [sflag:s9] =	dma.local [spmem:s10], $0x30E0  }
0x79: {  	_ =	swait.ge [sflag:s30], $0x30E0  }
0x7a: {  	[sflag:s30] =	ssyncset.done $0x0;
	s14 =	rddreg [dreg:$0xe]  }
0x7b: {  	[sflag:s30] =	ssyncadd.s32 $0xFFFFCF20;
	s11 =	sshrl.u32 s14, $0x3;
	s14 =	rddreg [dreg:$0xd]  }
0x7c: {  	[hbm:s14], [sflag:s9] =	dma.local [spmem:s11], $0x30E  }
0x7d: {  	_ =	swait.ge [sflag:s30], $0x30E  }
0x7e: {  	[sflag:s30] =	ssyncset.done $0x0  }
0x7f: {  	[sflag:s30] =	ssyncadd.s32 $0xFFFFFCF2  }
0x80: {  	[bflag:$0x0] =	sbarrier.arrive $0xFFFF  }
0x81: {  	[spmem:s12], [sflag:s9] =	dma.local [hbm:s7], $0x30F0  }
0x82: {  	_ =	swait.ge [sflag:s30], $0x30F0  }
0x83: {  	[sflag:s30] =	ssyncset.done $0x0  }
0x84: {  	[sflag:s30] =	ssyncadd.s32 $0xFFFFCF10  }
0x85: {  	[spmem:s13], [sflag:s9] =	dma.local [hbm:s1], $0x30F  }
0x86: {  	_ =	swait.ge [sflag:s30], $0x30F  }
0x87: {  	[sflag:s30] =	ssyncset.done $0x0  }
0x88: {  	[sflag:s30] =	ssyncadd.s32 $0xFFFFFCF1  }
0x89: {  	s15 =	sadd.s32 $0x0, s23;
	[bflag:$0x0] =	sbarrier.arrive $0xFFFF  }
0x8a: {  	[tilespmem:s6], [sflag:$0x2] =	stream.linear.gather [hbm4b:s15+s6], $0x50, $0x38;
	[tilespmem:$0x1D398] =	vst v63  }
0x8b: {  	_ =	swait.ge [sflag:s30], $0x50  }
0x8c: {  	[sflag:s30] =	ssyncset.done $0x0  }
0x8d: {  	s16 =	sadd.s32 $0x0, s22;
	[sflag:s30] =	ssyncadd.s32 $0xFFFFFFB0  }
0x8e: {  	[tilespmem:s31], [sflag:$0x2] =	stream.linear.gather [hbm4b:s16+s6], $0x50, $0x38;
	[tilespmem:$0x1D398] =	vst v63  }
0x8f: {  	_ =	swait.ge [sflag:s30], $0x50  }
0x90: {  	[sflag:s30] =	ssyncset.done $0x0  }
0x91: {  	[sflag:s30] =	ssyncadd.s32 $0xFFFFFFB0  }
0x92: {  	v2 =	vld [tilespmem:$0x90]  }
0x93: {  	v3 =	vld [tilespmem:$0x80]  }
0x94: {  	v4 =	vld [tilespmem:$0x70]  }
0x95: {  	v5 =	vld [tilespmem:$0x60]  }
0x96: {  	v6 =	vld [tilespmem:$0x50]  }
0x97: {  	v2 =	vadd.s32 $0xFFFFCF20, v2  }
0x98: {  	v3 =	vadd.s32 $0xFFFFCF20, v3;
	vm0 =	vlt.u32 v2, $0x30E0  }
0x99: {  	v4 =	vadd.s32 $0xFFFFCF20, v4;
	vm1 =	vlt.u32 v3, $0x30E0;
	v2 =	vsel vm0, v2, v0  }
0x9a: {  	v5 =	vadd.s32 $0xFFFFCF20, v5;
	vm13 =	vlt.u32 v4, $0x30E0;
	v3 =	vsel vm1, v3, v0;
	[tilespmem:$0x90] =	vst v2  }
0x9b: {  	vm14 =	vlt.u32 v5, $0x30E0;
	v4 =	vsel vm13, v4, v0;
	v2 =	vadd.s32 $0xFFFFCF20, v6;
	[tilespmem:$0x80] =	vst v3  }
0x9c: {  	v3 =	vsel vm14, v5, v0;
	[tilespmem:$0x70] =	vst v4;
	vm15 =	vlt.u32 v2, $0x30E0  }
0x9d: {  	[tilespmem:$0x60] =	vst v3;
	v2 =	vsel vm15, v2, v0  }
0x9e: {  	[tilespmem:$0x50] =	vst v2  }
0x9f: {  	[tilespmem:s3], [sflag:$0x1] =	stream.indirect.gather [hbm4b:s0+s31], $0x80, s6, s31, $0xb8;
	[tilespmem:$0x1D398] =	vst v63  }
0xa0: {  	_ =	swait.ge [sflag:s2], $0x2800  }
0xa1: {  	[sflag:s2] =	ssyncset.done $0x0  }
0xa2: {  	[sflag:s2] =	ssyncadd.s32 $0xFFFFD800  }
0xa3: {  	[spmem:s4] =	stream.indirect.scatter.add.f32 [tilespmem:s3], [sflag:$0x2], $0x80, s31, s31, $0xb8;
	[tilespmem:$0x1D398] =	vst v63  }
0xa4: {  	_ =	swait.ge [sflag:s30], $0x2800  }
0xa5: {  	s14 =	simm.s32 $0xA;
	[sflag:s30] =	ssyncset.done $0x0  }
.LBB2_4:
0xa6: {  	p0 =	sne.s32 s14, $0x4D8  }
0xa7: {  	[sflag:s30] =	ssyncadd.s32 $0xFFFFD800;
	s15 =	smov.u32 s14;
	s14 =	sadd.s32 $0xA, s14  }
0xa8: {  	[spmem:s5] =	stream.indirect.scatter.add.f32 [tilespmem:s29], [sflag:$0x2], $0x8, s31, s31, $0xb8;
	[tilespmem:$0x1D398] =	vst v63  }
0xa9: {  	_ =	swait.ge [sflag:s30], $0x280  }
0xaa: {  	[sflag:s30] =	ssyncset.done $0x0  }
0xab: {  	s16 =	sadd.s32 s15, s23;
	[sflag:s30] =	ssyncadd.s32 $0xFFFFFD80  }
0xac: {  	[tilespmem:s6], [sflag:$0x2] =	stream.linear.gather [hbm4b:s16+s6], $0x50, $0x38;
	[tilespmem:$0x1D398] =	vst v63  }
0xad: {  	_ =	swait.ge [sflag:s30], $0x50  }
0xae: {  	[sflag:s30] =	ssyncset.done $0x0  }
0xaf: {  	s15 =	sadd.s32 s15, s22;
	[sflag:s30] =	ssyncadd.s32 $0xFFFFFFB0  }
0xb0: {  	[tilespmem:s31], [sflag:$0x2] =	stream.linear.gather [hbm4b:s15+s6], $0x50, $0x38;
	[tilespmem:$0x1D398] =	vst v63  }
0xb1: {  	_ =	swait.ge [sflag:s30], $0x50  }
0xb2: {  	[sflag:s30] =	ssyncset.done $0x0  }
0xb3: {  	[sflag:s30] =	ssyncadd.s32 $0xFFFFFFB0  }
0xb4: {  	v2 =	vld [tilespmem:$0x90]  }
0xb5: {  	v3 =	vld [tilespmem:$0x80]  }
0xb6: {  	v4 =	vld [tilespmem:$0x70]  }
0xb7: {  	v5 =	vld [tilespmem:$0x60]  }
0xb8: {  	v6 =	vld [tilespmem:$0x50]  }
0xb9: {  	v2 =	vadd.s32 $0xFFFFCF20, v2  }
0xba: {  	v3 =	vadd.s32 $0xFFFFCF20, v3;
	vm0 =	vlt.u32 v2, $0x30E0  }
0xbb: {  	v4 =	vadd.s32 $0xFFFFCF20, v4;
	vm1 =	vlt.u32 v3, $0x30E0;
	v2 =	vsel vm0, v2, v0  }
0xbc: {  	v5 =	vadd.s32 $0xFFFFCF20, v5;
	vm0 =	vlt.u32 v4, $0x30E0;
	v3 =	vsel vm1, v3, v0;
	[tilespmem:$0x90] =	vst v2  }
0xbd: {  	v2 =	vadd.s32 $0xFFFFCF20, v6;
	vm1 =	vlt.u32 v5, $0x30E0;
	v4 =	vsel vm0, v4, v0;
	[tilespmem:$0x80] =	vst v3  }
0xbe: {  	vm0 =	vlt.u32 v2, $0x30E0;
	v3 =	vsel vm1, v5, v0;
	[tilespmem:$0x70] =	vst v4  }
0xbf: {  	v2 =	vsel vm0, v2, v0;
	[tilespmem:$0x60] =	vst v3  }
0xc0: {  	[tilespmem:$0x50] =	vst v2  }
0xc1: {  	[tilespmem:s3], [sflag:$0x1] =	stream.indirect.gather [hbm4b:s0+s31], $0x80, s6, s31, $0xb8;
	[tilespmem:$0x1D398] =	vst v63  }
0xc2: {  	_ =	swait.ge [sflag:s2], $0x2800  }
.Ltmp1:
0xc3: {  	[sflag:s2] =	ssyncset.done $0x0;
	(pc) =	sbr.rel @p0 .LBB2_4-.Ltmp1, $4  }
0xc4: {  	[sflag:s2] =	ssyncadd.s32 $0xFFFFD800  }
0xc5: {  	[spmem:s4] =	stream.indirect.scatter.add.f32 [tilespmem:s3], [sflag:$0x2], $0x80, s31, s31, $0xb8;
	[tilespmem:$0x1D398] =	vst v63  }
0xc6: {  	_ =	swait.ge [sflag:s30], $0x2800  }
0xc7: {  	[sflag:s30] =	ssyncset.done $0x0  }
0xc8: {  	[sflag:s30] =	ssyncadd.s32 $0xFFFFD800  }
0xc9: {  	[spmem:s5] =	stream.indirect.scatter.add.f32 [tilespmem:s29], [sflag:$0x2], $0x8, s31, s31, $0xb8;
	[tilespmem:$0x1D398] =	vst v63  }
0xca: {  	_ =	swait.ge [sflag:s30], $0x280  }
0xcb: {  	[sflag:s30] =	ssyncset.done $0x0  }
0xcc: {  	[sflag:s30] =	ssyncadd.s32 $0xFFFFFD80  }
0xcd: {  	[bflag:$0x0] =	sbarrier.arrive $0xFFFF  }
0xce: {  	s14 =	rddreg [dreg:$0xf]  }
0xcf: {  	[hbm:s14], [sflag:s9] =	dma.local [spmem:s10], $0x30E0  }
0xd0: {  	_ =	swait.ge [sflag:s30], $0x30E0  }
0xd1: {  	[sflag:s30] =	ssyncset.done $0x0  }
0xd2: {  	s16 =	rddreg [dreg:$0x9];
	[sflag:s30] =	ssyncadd.s32 $0xFFFFCF20  }
0xd3: {  	[hbm:s16], [sflag:s9] =	dma.local [spmem:s11], $0x30E  }
0xd4: {  	_ =	swait.ge [sflag:s30], $0x30E  }
0xd5: {  	[sflag:s30] =	ssyncset.done $0x0  }
0xd6: {  	[sflag:s30] =	ssyncadd.s32 $0xFFFFFCF2  }
0xd7: {  	[bflag:$0x0] =	sbarrier.arrive $0xFFFF  }
0xd8: {  	[spmem:s12], [sflag:s9] =	dma.local [hbm:s7], $0x30F0  }
0xd9: {  	_ =	swait.ge [sflag:s30], $0x30F0  }
0xda: {  	[sflag:s30] =	ssyncset.done $0x0  }
0xdb: {  	[sflag:s30] =	ssyncadd.s32 $0xFFFFCF10  }
0xdc: {  	[spmem:s13], [sflag:s9] =	dma.local [hbm:s1], $0x30F  }
0xdd: {  	_ =	swait.ge [sflag:s30], $0x30F  }
0xde: {  	[sflag:s30] =	ssyncset.done $0x0  }
0xdf: {  	[sflag:s30] =	ssyncadd.s32 $0xFFFFFCF1  }
0xe0: {  	s15 =	sadd.s32 $0x0, s23;
	[bflag:$0x0] =	sbarrier.arrive $0xFFFF  }
0xe1: {  	[tilespmem:s6], [sflag:$0x2] =	stream.linear.gather [hbm4b:s15+s6], $0x50, $0x38;
	[tilespmem:$0x1D398] =	vst v63  }
0xe2: {  	_ =	swait.ge [sflag:s30], $0x50  }
0xe3: {  	[sflag:s30] =	ssyncset.done $0x0  }
0xe4: {  	s16 =	sadd.s32 $0x0, s22;
	[sflag:s30] =	ssyncadd.s32 $0xFFFFFFB0  }
0xe5: {  	[tilespmem:s31], [sflag:$0x2] =	stream.linear.gather [hbm4b:s16+s6], $0x50, $0x38;
	[tilespmem:$0x1D398] =	vst v63  }
0xe6: {  	_ =	swait.ge [sflag:s30], $0x50  }
0xe7: {  	[sflag:s30] =	ssyncset.done $0x0  }
0xe8: {  	[sflag:s30] =	ssyncadd.s32 $0xFFFFFFB0  }
0xe9: {  	v2 =	vld [tilespmem:$0x90]  }
0xea: {  	v3 =	vld [tilespmem:$0x80]  }
0xeb: {  	v4 =	vld [tilespmem:$0x70]  }
0xec: {  	v5 =	vld [tilespmem:$0x60]  }
0xed: {  	v6 =	vld [tilespmem:$0x50]  }
0xee: {  	v2 =	vadd.s32 $0xFFFF9E40, v2  }
0xef: {  	v3 =	vadd.s32 $0xFFFF9E40, v3;
	vm0 =	vlt.u32 v2, $0x30E0  }
0xf0: {  	v4 =	vadd.s32 $0xFFFF9E40, v4;
	vm1 =	vlt.u32 v3, $0x30E0;
	v2 =	vsel vm0, v2, v0  }
0xf1: {  	v5 =	vadd.s32 $0xFFFF9E40, v5;
	vm13 =	vlt.u32 v4, $0x30E0;
	v3 =	vsel vm1, v3, v0;
	[tilespmem:$0x90] =	vst v2  }
0xf2: {  	vm14 =	vlt.u32 v5, $0x30E0;
	v4 =	vsel vm13, v4, v0;
	v2 =	vadd.s32 $0xFFFF9E40, v6;
	[tilespmem:$0x80] =	vst v3  }
0xf3: {  	v3 =	vsel vm14, v5, v0;
	[tilespmem:$0x70] =	vst v4;
	vm15 =	vlt.u32 v2, $0x30E0  }
0xf4: {  	[tilespmem:$0x60] =	vst v3;
	v2 =	vsel vm15, v2, v0  }
0xf5: {  	[tilespmem:$0x50] =	vst v2  }
0xf6: {  	[tilespmem:s3], [sflag:$0x1] =	stream.indirect.gather [hbm4b:s0+s31], $0x80, s6, s31, $0xb8;
	[tilespmem:$0x1D398] =	vst v63  }
0xf7: {  	_ =	swait.ge [sflag:s2], $0x2800  }
0xf8: {  	[sflag:s2] =	ssyncset.done $0x0  }
0xf9: {  	[sflag:s2] =	ssyncadd.s32 $0xFFFFD800  }
0xfa: {  	[spmem:s4] =	stream.indirect.scatter.add.f32 [tilespmem:s3], [sflag:$0x2], $0x80, s31, s31, $0xb8;
	[tilespmem:$0x1D398] =	vst v63  }
0xfb: {  	_ =	swait.ge [sflag:s30], $0x2800  }
0xfc: {  	s12 =	simm.s32 $0xA;
	[sflag:s30] =	ssyncset.done $0x0  }
.LBB2_6:
0xfd: {  	p0 =	sne.s32 s12, $0x4D8  }
0xfe: {  	[sflag:s30] =	ssyncadd.s32 $0xFFFFD800;
	s13 =	smov.u32 s12;
	s12 =	sadd.s32 $0xA, s12  }
0xff: {  	[spmem:s5] =	stream.indirect.scatter.add.f32 [tilespmem:s29], [sflag:$0x2], $0x8, s31, s31, $0xb8;
	[tilespmem:$0x1D398] =	vst v63  }
0x100: {  	_ =	swait.ge [sflag:s30], $0x280  }
0x101: {  	[sflag:s30] =	ssyncset.done $0x0  }
0x102: {  	s14 =	sadd.s32 s13, s23;
	[sflag:s30] =	ssyncadd.s32 $0xFFFFFD80  }
0x103: {  	[tilespmem:s6], [sflag:$0x2] =	stream.linear.gather [hbm4b:s14+s6], $0x50, $0x38;
	[tilespmem:$0x1D398] =	vst v63  }
0x104: {  	_ =	swait.ge [sflag:s30], $0x50  }
0x105: {  	[sflag:s30] =	ssyncset.done $0x0  }
0x106: {  	s13 =	sadd.s32 s13, s22;
	[sflag:s30] =	ssyncadd.s32 $0xFFFFFFB0  }
0x107: {  	[tilespmem:s31], [sflag:$0x2] =	stream.linear.gather [hbm4b:s13+s6], $0x50, $0x38;
	[tilespmem:$0x1D398] =	vst v63  }
0x108: {  	_ =	swait.ge [sflag:s30], $0x50  }
0x109: {  	[sflag:s30] =	ssyncset.done $0x0  }
0x10a: {  	[sflag:s30] =	ssyncadd.s32 $0xFFFFFFB0  }
0x10b: {  	v2 =	vld [tilespmem:$0x90]  }
0x10c: {  	v3 =	vld [tilespmem:$0x80]  }
0x10d: {  	v4 =	vld [tilespmem:$0x70]  }
0x10e: {  	v5 =	vld [tilespmem:$0x60]  }
0x10f: {  	v6 =	vld [tilespmem:$0x50]  }
0x110: {  	v2 =	vadd.s32 $0xFFFF9E40, v2  }
0x111: {  	v3 =	vadd.s32 $0xFFFF9E40, v3;
	vm0 =	vlt.u32 v2, $0x30E0  }
0x112: {  	v4 =	vadd.s32 $0xFFFF9E40, v4;
	vm1 =	vlt.u32 v3, $0x30E0;
	v2 =	vsel vm0, v2, v0  }
0x113: {  	v5 =	vadd.s32 $0xFFFF9E40, v5;
	vm0 =	vlt.u32 v4, $0x30E0;
	v3 =	vsel vm1, v3, v0;
	[tilespmem:$0x90] =	vst v2  }
0x114: {  	v2 =	vadd.s32 $0xFFFF9E40, v6;
	vm1 =	vlt.u32 v5, $0x30E0;
	v4 =	vsel vm0, v4, v0;
	[tilespmem:$0x80] =	vst v3  }
0x115: {  	vm0 =	vlt.u32 v2, $0x30E0;
	v3 =	vsel vm1, v5, v0;
	[tilespmem:$0x70] =	vst v4  }
0x116: {  	v2 =	vsel vm0, v2, v0;
	[tilespmem:$0x60] =	vst v3  }
0x117: {  	[tilespmem:$0x50] =	vst v2  }
0x118: {  	[tilespmem:s3], [sflag:$0x1] =	stream.indirect.gather [hbm4b:s0+s31], $0x80, s6, s31, $0xb8;
	[tilespmem:$0x1D398] =	vst v63  }
0x119: {  	_ =	swait.ge [sflag:s2], $0x2800  }
.Ltmp2:
0x11a: {  	[sflag:s2] =	ssyncset.done $0x0;
	(pc) =	sbr.rel @p0 .LBB2_6-.Ltmp2, $4  }
0x11b: {  	[sflag:s2] =	ssyncadd.s32 $0xFFFFD800  }
0x11c: {  	[spmem:s4] =	stream.indirect.scatter.add.f32 [tilespmem:s3], [sflag:$0x2], $0x80, s31, s31, $0xb8;
	[tilespmem:$0x1D398] =	vst v63  }
0x11d: {  	_ =	swait.ge [sflag:s30], $0x2800  }
0x11e: {  	[sflag:s30] =	ssyncset.done $0x0  }
0x11f: {  	[sflag:s30] =	ssyncadd.s32 $0xFFFFD800  }
0x120: {  	[spmem:s5] =	stream.indirect.scatter.add.f32 [tilespmem:s29], [sflag:$0x2], $0x8, s31, s31, $0xb8;
	[tilespmem:$0x1D398] =	vst v63  }
0x121: {  	_ =	swait.ge [sflag:s30], $0x280  }
0x122: {  	[sflag:s30] =	ssyncset.done $0x0  }
0x123: {  	[sflag:s30] =	ssyncadd.s32 $0xFFFFFD80  }
0x124: {  	[bflag:$0x0] =	sbarrier.arrive $0xFFFF  }
0x125: {  	[hbm:s17], [sflag:s9] =	dma.local [spmem:s10], $0x30E0  }
0x126: {  	_ =	swait.ge [sflag:s30], $0x30E0  }
0x127: {  	[sflag:s30] =	ssyncset.done $0x0  }
0x128: {  	[sflag:s30] =	ssyncadd.s32 $0xFFFFCF20  }
0x129: {  	[hbm:s19], [sflag:s9] =	dma.local [spmem:s11], $0x30E  }
0x12a: {  	_ =	swait.ge [sflag:s30], $0x30E  }
0x12b: {  	[sflag:s30] =	ssyncset.done $0x0  }
0x12c: {  	[sflag:s30] =	ssyncadd.s32 $0xFFFFFCF2  }
0x12d: {  	[bflag:$0x0] =	sbarrier.arrive $0xFFFF  }
0x12e: {  	[spmem:s24], [sflag:s9] =	dma.local [hbm:s7], $0x30C0  }
0x12f: {  	_ =	swait.ge [sflag:s30], $0x30C0  }
0x130: {  	[sflag:s30] =	ssyncset.done $0x0  }
0x131: {  	[sflag:s30] =	ssyncadd.s32 $0xFFFFCF40  }
0x132: {  	[spmem:s25], [sflag:s9] =	dma.local [hbm:s1], $0x30C  }
0x133: {  	_ =	swait.ge [sflag:s30], $0x30C  }
0x134: {  	[sflag:s30] =	ssyncset.done $0x0  }
0x135: {  	[sflag:s30] =	ssyncadd.s32 $0xFFFFFCF4  }
0x136: {  	s15 =	sadd.s32 $0x0, s23;
	[bflag:$0x0] =	sbarrier.arrive $0xFFFF  }
0x137: {  	[tilespmem:s6], [sflag:$0x2] =	stream.linear.gather [hbm4b:s15+s6], $0x50, $0x38;
	[tilespmem:$0x1D398] =	vst v63  }
0x138: {  	_ =	swait.ge [sflag:s30], $0x50  }
0x139: {  	[sflag:s30] =	ssyncset.done $0x0  }
0x13a: {  	s16 =	sadd.s32 $0x0, s22;
	[sflag:s30] =	ssyncadd.s32 $0xFFFFFFB0  }
0x13b: {  	[tilespmem:s31], [sflag:$0x2] =	stream.linear.gather [hbm4b:s16+s6], $0x50, $0x38;
	[tilespmem:$0x1D398] =	vst v63  }
0x13c: {  	_ =	swait.ge [sflag:s30], $0x50  }
0x13d: {  	[sflag:s30] =	ssyncset.done $0x0  }
0x13e: {  	[sflag:s30] =	ssyncadd.s32 $0xFFFFFFB0  }
0x13f: {  	v2 =	vld [tilespmem:$0x90]  }
0x140: {  	v3 =	vld [tilespmem:$0x80]  }
0x141: {  	v4 =	vld [tilespmem:$0x70]  }
0x142: {  	v5 =	vld [tilespmem:$0x60]  }
0x143: {  	v6 =	vld [tilespmem:$0x50]  }
0x144: {  	v2 =	vadd.s32 $0xFFFF6D60, v2  }
0x145: {  	v3 =	vadd.s32 $0xFFFF6D60, v3;
	vm0 =	vlt.u32 v2, $0x30B0  }
0x146: {  	v4 =	vadd.s32 $0xFFFF6D60, v4;
	vm1 =	vlt.u32 v3, $0x30B0;
	v2 =	vsel vm0, v2, v1  }
0x147: {  	v5 =	vadd.s32 $0xFFFF6D60, v5;
	vm13 =	vlt.u32 v4, $0x30B0;
	v3 =	vsel vm1, v3, v1;
	[tilespmem:$0x90] =	vst v2  }
0x148: {  	vm14 =	vlt.u32 v5, $0x30B0;
	v4 =	vsel vm13, v4, v1;
	v2 =	vadd.s32 $0xFFFF6D60, v6;
	[tilespmem:$0x80] =	vst v3  }
0x149: {  	v3 =	vsel vm14, v5, v1;
	[tilespmem:$0x70] =	vst v4;
	vm15 =	vlt.u32 v2, $0x30B0  }
0x14a: {  	[tilespmem:$0x60] =	vst v3;
	v2 =	vsel vm15, v2, v1  }
0x14b: {  	[tilespmem:$0x50] =	vst v2  }
0x14c: {  	[tilespmem:s3], [sflag:$0x1] =	stream.indirect.gather [hbm4b:s0+s31], $0x80, s6, s31, $0xb8;
	[tilespmem:$0x1D398] =	vst v63  }
0x14d: {  	_ =	swait.ge [sflag:s2], $0x2800  }
0x14e: {  	[sflag:s2] =	ssyncset.done $0x0  }
0x14f: {  	[sflag:s2] =	ssyncadd.s32 $0xFFFFD800  }
0x150: {  	[spmem:s4] =	stream.indirect.scatter.add.f32 [tilespmem:s3], [sflag:$0x2], $0x80, s31, s31, $0xb8;
	[tilespmem:$0x1D398] =	vst v63  }
0x151: {  	_ =	swait.ge [sflag:s30], $0x2800  }
0x152: {  	s10 =	simm.s32 $0xA;
	[sflag:s30] =	ssyncset.done $0x0  }
.LBB2_8:
0x153: {  	p0 =	sne.s32 s10, $0x4D8  }
0x154: {  	[sflag:s30] =	ssyncadd.s32 $0xFFFFD800;
	s11 =	smov.u32 s10;
	s10 =	sadd.s32 $0xA, s10  }
0x155: {  	[spmem:s5] =	stream.indirect.scatter.add.f32 [tilespmem:s29], [sflag:$0x2], $0x8, s31, s31, $0xb8;
	[tilespmem:$0x1D398] =	vst v63  }
0x156: {  	_ =	swait.ge [sflag:s30], $0x280  }
0x157: {  	[sflag:s30] =	ssyncset.done $0x0  }
0x158: {  	s12 =	sadd.s32 s11, s23;
	[sflag:s30] =	ssyncadd.s32 $0xFFFFFD80  }
0x159: {  	[tilespmem:s6], [sflag:$0x2] =	stream.linear.gather [hbm4b:s12+s6], $0x50, $0x38;
	[tilespmem:$0x1D398] =	vst v63  }
0x15a: {  	_ =	swait.ge [sflag:s30], $0x50  }
0x15b: {  	[sflag:s30] =	ssyncset.done $0x0  }
0x15c: {  	s11 =	sadd.s32 s11, s22;
	[sflag:s30] =	ssyncadd.s32 $0xFFFFFFB0  }
0x15d: {  	[tilespmem:s31], [sflag:$0x2] =	stream.linear.gather [hbm4b:s11+s6], $0x50, $0x38;
	[tilespmem:$0x1D398] =	vst v63  }
0x15e: {  	_ =	swait.ge [sflag:s30], $0x50  }
0x15f: {  	[sflag:s30] =	ssyncset.done $0x0  }
0x160: {  	[sflag:s30] =	ssyncadd.s32 $0xFFFFFFB0  }
0x161: {  	v2 =	vld [tilespmem:$0x90]  }
0x162: {  	v3 =	vld [tilespmem:$0x80]  }
0x163: {  	v4 =	vld [tilespmem:$0x70]  }
0x164: {  	v5 =	vld [tilespmem:$0x60]  }
0x165: {  	v6 =	vld [tilespmem:$0x50]  }
0x166: {  	v2 =	vadd.s32 $0xFFFF6D60, v2  }
0x167: {  	v3 =	vadd.s32 $0xFFFF6D60, v3;
	vm0 =	vlt.u32 v2, $0x30B0  }
0x168: {  	v4 =	vadd.s32 $0xFFFF6D60, v4;
	vm1 =	vlt.u32 v3, $0x30B0;
	v2 =	vsel vm0, v2, v1  }
0x169: {  	v5 =	vadd.s32 $0xFFFF6D60, v5;
	vm0 =	vlt.u32 v4, $0x30B0;
	v3 =	vsel vm1, v3, v1;
	[tilespmem:$0x90] =	vst v2  }
0x16a: {  	v2 =	vadd.s32 $0xFFFF6D60, v6;
	vm1 =	vlt.u32 v5, $0x30B0;
	v4 =	vsel vm0, v4, v1;
	[tilespmem:$0x80] =	vst v3  }
0x16b: {  	vm0 =	vlt.u32 v2, $0x30B0;
	v3 =	vsel vm1, v5, v1;
	[tilespmem:$0x70] =	vst v4  }
0x16c: {  	v2 =	vsel vm0, v2, v1;
	[tilespmem:$0x60] =	vst v3  }
0x16d: {  	[tilespmem:$0x50] =	vst v2  }
0x16e: {  	[tilespmem:s3], [sflag:$0x1] =	stream.indirect.gather [hbm4b:s0+s31], $0x80, s6, s31, $0xb8;
	[tilespmem:$0x1D398] =	vst v63  }
0x16f: {  	_ =	swait.ge [sflag:s2], $0x2800  }
.Ltmp3:
0x170: {  	[sflag:s2] =	ssyncset.done $0x0;
	(pc) =	sbr.rel @p0 .LBB2_8-.Ltmp3, $4  }
0x171: {  	[sflag:s2] =	ssyncadd.s32 $0xFFFFD800  }
0x172: {  	[spmem:s4] =	stream.indirect.scatter.add.f32 [tilespmem:s3], [sflag:$0x2], $0x80, s31, s31, $0xb8;
	[tilespmem:$0x1D398] =	vst v63  }
0x173: {  	_ =	swait.ge [sflag:s30], $0x2800  }
0x174: {  	[sflag:s30] =	ssyncset.done $0x0  }
0x175: {  	[sflag:s30] =	ssyncadd.s32 $0xFFFFD800  }
0x176: {  	[spmem:s5] =	stream.indirect.scatter.add.f32 [tilespmem:s29], [sflag:$0x2], $0x8, s31, s31, $0xb8;
	[tilespmem:$0x1D398] =	vst v63  }
0x177: {  	_ =	swait.ge [sflag:s30], $0x280  }
0x178: {  	[sflag:s30] =	ssyncset.done $0x0  }
0x179: {  	[sflag:s30] =	ssyncadd.s32 $0xFFFFFD80  }
0x17a: {  	[bflag:$0x0] =	sbarrier.arrive $0xFFFF  }
0x17b: {  	[hbm:s18], [sflag:s9] =	dma.local [spmem:s26], $0x30B0  }
0x17c: {  	_ =	swait.ge [sflag:s30], $0x30B0  }
0x17d: {  	s8 =	sadd.s32 $0x1, s8;
	[sflag:s30] =	ssyncset.done $0x0  }
0x17e: {  	p0 =	sne.s32 s8, s21;
	[sflag:s30] =	ssyncadd.s32 $0xFFFFCF50  }
0x17f: {  	[hbm:s20], [sflag:s9] =	dma.local [spmem:s28], $0x30B  }
.Ltmp4:
0x180: {  	_ =	swait.ge [sflag:s30], $0x30B;
	(pc) =	sbr.rel @p0 .LBB2_1-.Ltmp4, $3  }
0x181: {  	[sflag:s30] =	ssyncset.done $0x0  }
0x182: {  	[sflag:s30] =	ssyncadd.s32 $0xFFFFFCF5  }
0x183: {  	[bflag:$0x0] =	sbarrier.arrive $0xFFFF;
	_ =	sdelay $0x1  }
0x184: {  	_ =	sfence.sel $0x180000  }
0x185: {  	[bflag:$0x0] =	sbarrier.arrive $0xFFFF  }
0x186: {  	_ =	strace $0x9000004A  }
0x187: {  	s0 =	stileid.u32;
	[bflag:$0x2] =	sbarrier.arrive $0xFFFF  }
0x188: {  	p0 =	sne.s32 s0, $0x0;
	s0 =	rddreg [dreg:$0x6]  }
0x189: {  	s0 =	sadd.s32 @!p0 $0x100000, s0  }
0x18a: {  	[sflag:s0] =	ssyncadd.tile.s32 @!p0 $0x1;
	_ =	shalt  }
.Lfunc_end2:
_tile_overlayer_lowered:
.L_overlay_start_2:
0x18b: {  	(tag) =	ssettag $0x2  }
0x18c: {  	s0 =	rddreg [dreg:$0x0];
	s2 =	stileid.u32  }
0x18d: {  	s1 =	rddreg [dreg:$0x1];
	p0 =	sne.s32 s2, $0x0  }
0x18e: {  	s3 =	rddreg [dreg:$0x2];
	[bflag:$0x3] =	sbarrier.arrive $0xFFFF;
	s2 =	simm.s32 @!p0 $0x1C02  }
0x18f: {  	[timem:s3], [sflag:s2] =	dma.local @!p0 [hbm:s0], s1  }
0x190: {  	s0 =	simm.s32 @!p0 $0x2  }
0x191: {  	_ =	swait.ge @!p0 [sflag:s0], s1  }
0x192: {  	s1 =	ssub.s32 @!p0 $0x0, s1;
	[sflag:s0] =	ssyncset.done @!p0 $0x0  }
0x193: {  	[sflag:s0] =	ssyncadd.s32 @!p0 s1  }
0x194: {  	[bflag:$0x3] =	sbarrier.arrive $0xFFFF  }
0x195: {  	_ =	shalt  }

// kernel: kernel.16.cloned.1.call-start
scs
__scs_entry_jumppad:
0x0: {  	(pc) =	sbr.rel $0x88, $3  }
0x1: {  	(tag) =	ssettag $0x0;
	lr =	simm.s32 $0x1  }
0x2: {  	[smem:$0x3F8D] =	sst lr;
	_ =	strace $0xD0000000  }
0x3: {  	_ = 	snop  }
0x4: {  	_ = 	snop  }
0x5: {  	_ = 	snop  }
0x6: {  	_ = 	snop  }
0x7: {  	_ = 	snop  }
__scs_overlays_trampoline_lowered:
0x8: {  	[smem:$0x3F9C] =	sst s0  }
0x9: {  	[smem:$0x3F9D] =	sst s1  }
0xa: {  	[smem:$0x3F9E] =	sst s2  }
0xb: {  	[smem:$0x3F9F] =	sst s3  }
0xc: {  	[smem:$0x3FA0] =	sst s4  }
0xd: {  	[smem:$0x3FA1] =	sst s5  }
0xe: {  	[smem:$0x3FA2] =	sst s6  }
0xf: {  	[smem:$0x3FA3] =	sst s7  }
0x10: {  	[smem:$0x3FA4] =	sst s8  }
0x11: {  	[smem:$0x3FA5] =	sst s9;
	s0 =	simm.s32 @!p0 $0x0  }
0x12: {  	s1 =	sld [smem:$0x3F8B];
	s0 =	simm.s32 @p0 $0x1  }
0x13: {  	[smem:$0x3FA6] =	sst s0;
	s0 =	simm.s32 @!p1 $0x0  }
0x14: {  	s2 =	sld [smem:$0x3F8A];
	s0 =	simm.s32 @p1 $0x1  }
0x15: {  	[smem:$0x3FA7] =	sst s0;
	s0 =	simm.s32 @!p2 $0x0  }
0x16: {  	s3 =	sld [smem:$0x3FDB];
	s0 =	simm.s32 @p2 $0x1  }
0x17: {  	s4 =	simm.s32 $0x1BF5;
	[smem:$0x3FA9] =	sst s0  }
0x18: {  	s0 =	sld [smem:$0x3F8C];
	_ =	swait.ge [sflag:s4], $0x0  }
0x19: {  	s7 =	sld [smem:$0x3F8D]  }
0x1a: {  	s8 =	sadd.s32 $0xFFFFE003, lr  }
0x1b: {  	s9 =	sadd.s32 $0xFFFFFEF7, lr;
	s5 =	simm.s32 $0xFFFFFFFF;
	p2 =	slt.u32 s8, $0xFFFFF086  }
0x1c: {  	p1 =	slt.u32 s9, $0xF7A;
	s5 =	simm.s32 @!p2 $0x0  }
0x1d: {  	s5 =	simm.s32 @p1 $0x1;
	p0 =	seq.s32 s7, s2  }
0x1e: {  	s7 =	smul.u32 @!p0 $0xF7A, s2;
	p2 =	seq.s32 @!p0 s5, $0x0  }
0x1f: {  	s9 =	smul.u32 $0xF7A, s1;
	s8 =	simm.s32 @!p0 $0x1BF5;
	p2 =	por !p2, p0  }
0x20: {  	[sflag:s8] =	ssyncset.s32 @!p0 $0xFFFFF086;
	s6 =	sadd.s32 @!p0 s3, s7;
	s7 =	simm.s32 @!p0 $0x108  }
0x21: {  	s3 =	sadd.s32 s3, s9;
	s6 =	sadd.s32 @!p0 $0x88, s6;
	s7 =	simm.s32 @p2 $0x1082  }
0x22: {  	[simem:s7], [sflag:s8] =	dma.local @!p0 [hbm:s6], $0xF7A  }
0x23: {  	s9 =	sor.u32 $0xD0000000, s2;
	s6 =	simm.s32 $0x108;
	_ =	swait.ge @!p0 [sflag:s8], $0x0  }
0x24: {  	s3 =	sadd.s32 $0x88, s3;
	s6 =	simm.s32 @!p1 $0x1082;
	[sflag:s4] =	ssyncset.s32 $0xFFFFF086  }
0x25: {  	[simem:s6], [sflag:s4] =	dma.local [hbm:s3], $0xF7A  }
0x26: {  	[smem:$0x3F8D] =	sst s1;
	(tag) =	ssettag s2;
	_ =	strace s9  }
0x27: {  	s1 =	sld [smem:$0x3F9D]  }
0x28: {  	s2 =	sld [smem:$0x3F9E]  }
0x29: {  	s4 =	sld [smem:$0x3FA0]  }
0x2a: {  	p0 =	seq.s32 s5, $0x0;
	s5 =	sld [smem:$0x3FA1]  }
0x2b: {  	s6 =	sld [smem:$0x3FA2]  }
0x2c: {  	s7 =	sld [smem:$0x3FA3]  }
0x2d: {  	s3 =	simm.s32 $0x108;
	s8 =	sld [smem:$0x3FA4]  }
0x2e: {  	s3 =	simm.s32 @!p0 $0x1082;
	s9 =	sld [smem:$0x3FA5]  }
0x2f: {  	lr =	sadd.s32 s0, s3;
	s0 =	sld [smem:$0x3F9C]  }
0x30: {  	s3 =	sld [smem:$0x3F9F]  }
0x31: {  	[smem:$0x3FA8] =	sst s10  }
0x32: {  	s10 =	sld [smem:$0x3FA6];
	_ =	sdelay $0x3  }
0x33: {  	p0 =	seq.s32 s10, $0x1;
	s10 =	sld [smem:$0x3FA8];
	_ =	sdelay $0x3  }
0x34: {  	[smem:$0x3FA8] =	sst s10  }
0x35: {  	s10 =	sld [smem:$0x3FA7];
	_ =	sdelay $0x3  }
0x36: {  	p1 =	seq.s32 s10, $0x1;
	s10 =	sld [smem:$0x3FA8];
	_ =	sdelay $0x3  }
0x37: {  	[smem:$0x3FA8] =	sst s10  }
0x38: {  	s10 =	sld [smem:$0x3FA9]  }
0x39: {  	_ = 	snop;
	(pc) =	sbr.ind lr, $3  }
0x3a: {  	_ = 	snop  }
0x3b: {  	_ = 	snop  }
0x3c: {  	p2 =	seq.s32 s10, $0x1;
	s10 =	sld [smem:$0x3FA8]  }
0x3d: {  	_ =	shalt  }
0x3e: {  	_ =	shalt  }
0x3f: {  	_ =	shalt  }
0x40: {  	_ =	shalt  }
0x41: {  	_ =	shalt  }
0x42: {  	_ =	shalt  }
0x43: {  	_ =	shalt  }
0x44: {  	_ =	shalt  }
0x45: {  	_ =	shalt  }
0x46: {  	_ =	shalt  }
0x47: {  	_ =	shalt  }
0x48: {  	_ =	shalt  }
0x49: {  	_ =	shalt  }
0x4a: {  	_ =	shalt  }
0x4b: {  	_ =	shalt  }
0x4c: {  	_ =	shalt  }
0x4d: {  	_ =	shalt  }
0x4e: {  	_ =	shalt  }
0x4f: {  	_ =	shalt  }
0x50: {  	_ =	shalt  }
0x51: {  	_ =	shalt  }
0x52: {  	_ =	shalt  }
0x53: {  	_ =	shalt  }
0x54: {  	_ =	shalt  }
0x55: {  	_ =	shalt  }
0x56: {  	_ =	shalt  }
0x57: {  	_ =	shalt  }
0x58: {  	_ =	shalt  }
0x59: {  	_ =	shalt  }
0x5a: {  	_ =	shalt  }
0x5b: {  	_ =	shalt  }
0x5c: {  	_ =	shalt  }
0x5d: {  	_ =	shalt  }
0x5e: {  	_ =	shalt  }
0x5f: {  	_ =	shalt  }
0x60: {  	_ =	shalt  }
0x61: {  	_ =	shalt  }
0x62: {  	_ =	shalt  }
0x63: {  	_ =	shalt  }
0x64: {  	_ =	shalt  }
0x65: {  	_ =	shalt  }
0x66: {  	_ =	shalt  }
0x67: {  	_ =	shalt  }
0x68: {  	_ =	shalt  }
0x69: {  	_ =	shalt  }
0x6a: {  	_ =	shalt  }
0x6b: {  	_ =	shalt  }
0x6c: {  	_ =	shalt  }
0x6d: {  	_ =	shalt  }
0x6e: {  	_ =	shalt  }
0x6f: {  	_ =	shalt  }
0x70: {  	_ =	shalt  }
0x71: {  	_ =	shalt  }
0x72: {  	_ =	shalt  }
0x73: {  	_ =	shalt  }
0x74: {  	_ =	shalt  }
0x75: {  	_ =	shalt  }
0x76: {  	_ =	shalt  }
0x77: {  	_ =	shalt  }
0x78: {  	_ =	shalt  }
0x79: {  	_ =	shalt  }
0x7a: {  	_ =	shalt  }
0x7b: {  	_ =	shalt  }
0x7c: {  	_ =	shalt  }
0x7d: {  	_ =	shalt  }
0x7e: {  	_ =	shalt  }
0x7f: {  	_ =	shalt  }
0x80: {  	_ =	shalt  }
0x81: {  	_ =	shalt  }
0x82: {  	_ =	shalt  }
0x83: {  	_ =	shalt  }
0x84: {  	_ =	shalt  }
0x85: {  	_ =	shalt  }
0x86: {  	_ =	shalt  }
0x87: {  	_ =	shalt  }
.Lfunc_end0:
.L_simem_size_0:
called_computation.2_lowered:
.L_overlay_start_0:
0x88: {  	s2 =	sld [smem:$0x3FD9]  }
0x89: {  	s3 =	sld [smem:$0x3FFE];
	_ =	sdelay $0x1  }
0x8a: {  	s1 =	srdreg.scid  }
0x8b: {  	s0 =	sand.u32 $0x1, s1  }
0x8c: {  	s14 =	sshll.u32 s0, $0xA;
	s2 =	sadd.s32 s3, s2  }
0x8d: {  	s2 =	sadd.s32 s2, s14  }
0x8e: {  	[smem:$0x3FB4] =	sst s2  }
0x8f: {  	_ = 	snop  }
0x90: {  	s2 =	sld [smem:$0x3FD0];
	_ =	sdelay $0x2  }
0x91: {  	s15 =	simm.s32 $0xA;
	s4 =	simm.s32 $0x10  }
0x92: {  	[smem:s4], [sflag:s15] =	dma.local [hbm:s2], $0x1  }
0x93: {  	_ =	swait.eq [sflag:s15], $0x1  }
0x94: {  	[sflag:s15] =	ssyncset.done $0x0  }
0x95: {  	[sflag:s15] =	ssyncadd.s32 $0xFFFFFFFF  }
0x96: {  	s16 =	sld [smem:$0x10];
	(tm) =	ssettm $0x1  }
0x97: {  	s17 =	sld [smem:$0x3FFB];
	_ =	sdelay $0x3  }
0x98: {  	_ =	strace s17  }
0x99: {  	s3 =	sld [smem:$0x3FFC];
	_ =	sdelay $0x3  }
0x9a: {  	_ =	strace s3  }
0x9b: {  	s3 =	sld [smem:$0x3FFD];
	_ =	sdelay $0x3  }
0x9c: {  	_ =	strace s3  }
0x9d: {  	_ =	strace $0x8FFFFFFF  }
0x9e: {  	s18 =	sld [smem:$0x3FDB];
	_ =	sdelay $0x1  }
0x9f: {  	s19 =	simm.s32 $_scs_section_size  }
0xa0: {  	s5 =	simm.s32 $_size__tile_overlayer_lowered;
	s6 =	simm.s32 $_tile_overlayer_lowered  }
0xa1: {  	s22 =	simm.s32 $0x1BFF;
	s21 =	sshll.u32 s6, $0x1;
	s3 =	sadd.s32 s19, s18  }
0xa2: {  	s7 =	simm.s32 $0x0;
	s20 =	sshll.u32 s5, $0x1;
	s5 =	sadd.s32 s21, s3  }
0xa3: {  	[timem:s7], [sflag:s22] =	dma.local [hbm:s5], s20  }
0xa4: {  	_ =	swait.ge [sflag:s22], s20  }
0xa5: {  	s4 =	ssub.s32 $0x0, s20;
	[sflag:s22] =	ssyncset.done $0x0  }
0xa6: {  	[sflag:s22] =	ssyncadd.s32 s4;
	_ =	sdelay $0x1  }
0xa7: {  	s23 =	simm.s32 $0x1B8B  }
0xa8: {  	_ =	swait.ge [sflag:s23], $0x1  }
0xa9: {  	[sflag:s23] =	ssyncset.done $0x0  }
0xaa: {  	s25 =	simm.s32 $0x1B8E;
	s24 =	sld [smem:$0x3FFE];
	[sflag:s23] =	ssyncadd.s32 $0xFFFFFFFF  }
0xab: {  	s26 =	simm.s32 $execute0_lowered;
	[smem:$0x3FD2] =	sst s25  }
0xac: {  	s5 =	sshll.u32 s26, $0x1;
	_ =	strace $0x8000004C;
	[dreg:$0x1] =	wrdreg $0xFFFFFFFF  }
0xad: {  	s28 =	simm.s32 $_size_execute0_lowered;
	s3 =	sadd.s32 s3, s5;
	[dreg:$0x0] =	wrdreg $0x0  }
0xae: {  	s5 =	sshll.u32 s28, $0x1;
	[dreg:$0x2] =	wrdreg s3  }
0xaf: {  	[dreg:$0x3] =	wrdreg s5  }
0xb0: {  	[dreg:$0x4] =	wrdreg $0xC0  }
0xb1: {  	_ =	task [dreg:s7], $0x5FFFF  }
0xb2: {  	[dreg:$0x1] =	wrdreg $0xFFFFFFFF  }
0xb3: {  	[dreg:$0x0] =	wrdreg $0x60  }
0xb4: {  	[dreg:$0x2] =	wrdreg s24  }
0xb5: {  	[dreg:$0x3] =	wrdreg s16  }
0xb6: {  	[dreg:$0x4] =	wrdreg $0x28A00  }
0xb7: {  	[dreg:$0x5] =	wrdreg $0x9  }
0xb8: {  	_ =	task.clear_ibuf [dreg:s7], $0x6FFFF;
	_ =	strace $0x9000004C  }
0xb9: {  	s29 =	simm.s32 $0x9;
	_ =	strace $0x8000004E  }
0xba: {  	_ =	swait.ge [sflag:s29], $0x1  }
0xbb: {  	[sflag:s29] =	ssyncadd.s32 $0xFFFFFFFF  }
0xbc: {  	_ =	strace $0x9000004E  }
0xbd: {  	_ =	sfence  }
0xbe: {  	s30 =	sld [smem:$0x0];
	_ =	sdelay $0x2  }
0xbf: {  	s31 =	sshll.u32 s1, $0xD;
	s1 =	sshrl.u32 s1, $0x2  }
0xc0: {  	s3 =	sand.u32 $0x4000, s31;
	s1 =	sadd.s32 s1, s30  }
0xc1: {  	s0 =	sor.u32 s3, s0;
	s1 =	sshll.u32 s1, $0x11  }
0xc2: {  	s0 =	sor.u32 s1, s0  }
0xc3: {  	s0 =	sadd.s32 $0x8F2B, s0  }
0xc4: {  	[sflag:s0] =	ssyncadd.remote.s32 $0x1  }
0xc5: {  	_ =	sfence.sel $0xFFFF  }
0xc6: {  	[dreg:$0x0] =	wrdreg $0xFFFFFFFF;
	(pc) =	sbr.abs _section_cstart, $3  }
0xc7: {  	[dreg:$0x1] =	wrdreg $0xFFFFFFFF  }
0xc8: {  	_ =	task.clear_ibuf [dreg:s7], $0x2FFFF;
	_ =	strace $0x9FFFFFFF  }
0xc9: {  	(tm) =	ssettm $0x7FFFFFFF  }
tec
execute0_lowered:
.L_overlay_start_1:
0x0: {  	(tag) =	ssettag $0x1  }
0x1: {  	s5 =	rddreg [dreg:$0x0]  }
0x2: {  	s7 =	rddreg [dreg:$0x1]  }
0x3: {  	s1 =	rddreg [dreg:$0x2];
	s2 =	srdreg.scid  }
0x4: {  	s0 =	rddreg [dreg:$0x3];
	s6 =	sand.u32 $0x1, s2  }
0x5: {  	s2 =	stileid.u32;
	s8 =	smul.u32 $0x27100, s6  }
0x6: {  	s3 =	simm.s32 $0x0;
	s15 =	simm.s32 $0x1;
	s9 =	smul.u32 $0x2710, s2  }
0x7: {  	s17 =	simm.s32 $0x0;
	[smem:$0x7FF] =	sst s3;
	s10 =	smul.u32 $0x4E400, s2  }
0x8: {  	s4 =	sadd.s32 $0x84800, s5;
	s25 =	ssub.s32 $0x2, s6;
	s6 =	smul.u32 $0x138800, s6  }
0x9: {  	_ =	strace $0x8000004D;
	s12 =	smul.u32 $0x13880, s2;
	s11 =	sshrl.u32 s25, $0x1  }
0xa: {  	s29 =	sshll.u32 s2, $0x6;
	s8 =	sadd.s32 s9, s8;
	s26 =	ssub.s32 s25, s11  }
0xb: {  	s28 =	sshrl.u32 s10, $0x2;
	s30 =	sadd.s32 s12, s6;
	s6 =	sor.u32 $0x1C02, s29  }
0xc: {  	s16 =	sadd.s32 s12, s1;
	s12 =	simm.s32 $0x2;
	s8 =	sshrl.u32 s8, $0x3  }
0xd: {  	s14 =	sadd.s32 s28, s1;
	s31 =	sshrl.u32 s30, $0x3;
	s16 =	sshrl.u32 s16, $0x3  }
0xe: {  	s13 =	sadd.s32 s8, s5;
	s5 =	sadd.s32 $0x17E00, s5;
	s7 =	sadd.s32 s7, s31  }
0xf: {  	s8 =	smax.u32 s26, $0x1;
	s11 =	sshrl.u32 s14, $0x3;
	s14 =	simm.s32 $0xA0  }
0x10: {  	s9 =	sadd.s32 $0x4200, s13;
	s10 =	sadd.s32 $0xE000, s13;
	s13 =	simm.s32 $0x50  }
.LBB2_1:
0x11: {  	[spmem:s11], [sflag:s6] =	dma.local [hbm:s5], $0x2720  }
0x12: {  	_ =	swait.ge [sflag:s12], $0x2720  }
0x13: {  	[sflag:s12] =	ssyncset.done $0x0  }
0x14: {  	[sflag:s12] =	ssyncadd.s32 $0xFFFFD8E0  }
0x15: {  	s18 =	sadd.s32 $0x0, s10;
	[bflag:$0x0] =	sbarrier.arrive $0xFFFF  }
0x16: {  	[tilespmem:s3], [sflag:$0x2] =	stream.linear.gather [hbm4b:s18+s3], $0x50, $0x38;
	[tilespmem:$0x169A0] =	vst v63  }
0x17: {  	_ =	swait.ge [sflag:s12], $0x50  }
0x18: {  	[sflag:s12] =	ssyncset.done $0x0  }
0x19: {  	s31 =	sadd.s32 $0x0, s9;
	[sflag:s12] =	ssyncadd.s32 $0xFFFFFFB0  }
0x1a: {  	[tilespmem:s13], [sflag:$0x2] =	stream.linear.gather [hbm4b:s31+s3], $0x50, $0x38;
	[tilespmem:$0x169A0] =	vst v63  }
0x1b: {  	_ =	swait.ge [sflag:s12], $0x50  }
0x1c: {  	[sflag:s12] =	ssyncset.done $0x0  }
0x1d: {  	[sflag:s12] =	ssyncadd.s32 $0xFFFFFFB0  }
0x1e: {  	[tilespmem:s14], [sflag:$0x1] =	stream.indirect.gather [hbm4b:s4+s13], $0x80, s3, s13, $0xb8;
	[tilespmem:$0x169A0] =	vst v63  }
0x1f: {  	_ =	swait.ge [sflag:s15], $0x2800  }
0x20: {  	[sflag:s15] =	ssyncset.done $0x0  }
0x21: {  	[sflag:s15] =	ssyncadd.s32 $0xFFFFD800  }
0x22: {  	[spmem:s1] =	stream.indirect.scatter.add.f32 [tilespmem:s14], [sflag:$0x2], $0x80, s13, s13, $0xb8;
	[tilespmem:$0x169A0] =	vst v63  }
0x23: {  	_ =	swait.ge [sflag:s12], $0x2800  }
0x24: {  	s19 =	simm.s32 $0x14;
	s18 =	simm.s32 $0xA;
	[sflag:s12] =	ssyncset.done $0x0  }
.LBB2_2:
0x25: {  	s20 =	sadd.s32 s18, s10  }
0x26: {  	[sflag:s12] =	ssyncadd.s32 $0xFFFFD800;
	s21 =	smov.u32 s19;
	s22 =	sadd.s32 $0xA, s19  }
0x27: {  	[tilespmem:s3], [sflag:$0x2] =	stream.linear.gather [hbm4b:s20+s3], $0x50, $0x38;
	[tilespmem:$0x169A0] =	vst v63  }
0x28: {  	p0 =	sne.s32 s19, $0x4D8;
	_ =	swait.ge [sflag:s12], $0x50  }
0x29: {  	[sflag:s12] =	ssyncset.done $0x0  }
0x2a: {  	s19 =	sadd.s32 s18, s9;
	s18 =	smov.u32 s21;
	[sflag:s12] =	ssyncadd.s32 $0xFFFFFFB0  }
0x2b: {  	[tilespmem:s13], [sflag:$0x2] =	stream.linear.gather [hbm4b:s19+s3], $0x50, $0x38;
	[tilespmem:$0x169A0] =	vst v63  }
0x2c: {  	_ =	swait.ge [sflag:s12], $0x50  }
0x2d: {  	[sflag:s12] =	ssyncset.done $0x0  }
0x2e: {  	[sflag:s12] =	ssyncadd.s32 $0xFFFFFFB0  }
0x2f: {  	[tilespmem:s14], [sflag:$0x1] =	stream.indirect.gather [hbm4b:s4+s13], $0x80, s3, s13, $0xb8;
	[tilespmem:$0x169A0] =	vst v63  }
0x30: {  	_ =	swait.ge [sflag:s15], $0x2800  }
.Ltmp0:
0x31: {  	[sflag:s15] =	ssyncset.done $0x0;
	(pc) =	sbr.rel @p0 .LBB2_2-.Ltmp0, $4  }
0x32: {  	[sflag:s15] =	ssyncadd.s32 $0xFFFFD800  }
0x33: {  	[spmem:s1] =	stream.indirect.scatter.add.f32 [tilespmem:s14], [sflag:$0x2], $0x80, s13, s13, $0xb8;
	[tilespmem:$0x169A0] =	vst v63  }
0x34: {  	_ =	swait.ge [sflag:s12], $0x2800  }
0x35: {  	s19 =	smov.u32 s22;
	[sflag:s12] =	ssyncset.done $0x0  }
0x36: {  	s19 =	sadd.s32 s18, s10;
	[sflag:s12] =	ssyncadd.s32 $0xFFFFD800  }
0x37: {  	[tilespmem:s3], [sflag:$0x2] =	stream.linear.gather [hbm4b:s19+s3], $0x50, $0x38;
	[tilespmem:$0x169A0] =	vst v63  }
0x38: {  	_ =	swait.ge [sflag:s12], $0x50  }
0x39: {  	[sflag:s12] =	ssyncset.done $0x0  }
0x3a: {  	s31 =	sadd.s32 s18, s9;
	[sflag:s12] =	ssyncadd.s32 $0xFFFFFFB0  }
0x3b: {  	[tilespmem:s13], [sflag:$0x2] =	stream.linear.gather [hbm4b:s31+s3], $0x50, $0x38;
	[tilespmem:$0x169A0] =	vst v63  }
0x3c: {  	_ =	swait.ge [sflag:s12], $0x50  }
0x3d: {  	[sflag:s12] =	ssyncset.done $0x0  }
0x3e: {  	[sflag:s12] =	ssyncadd.s32 $0xFFFFFFB0  }
0x3f: {  	[tilespmem:s14], [sflag:$0x1] =	stream.indirect.gather [hbm4b:s4+s13], $0x80, s3, s13, $0xb8;
	[tilespmem:$0x169A0] =	vst v63  }
0x40: {  	_ =	swait.ge [sflag:s15], $0x2800  }
0x41: {  	[sflag:s15] =	ssyncset.done $0x0  }
0x42: {  	[sflag:s15] =	ssyncadd.s32 $0xFFFFD800  }
0x43: {  	[spmem:s1] =	stream.indirect.scatter.add.f32 [tilespmem:s14], [sflag:$0x2], $0x80, s13, s13, $0xb8;
	[tilespmem:$0x169A0] =	vst v63  }
0x44: {  	_ =	swait.ge [sflag:s12], $0x2800  }
0x45: {  	s17 =	sadd.s32 $0x1, s17;
	[sflag:s12] =	ssyncset.done $0x0  }
0x46: {  	p0 =	sne.s32 s17, s8;
	[sflag:s12] =	ssyncadd.s32 $0xFFFFD800  }
.Ltmp1:
0x47: {  	[bflag:$0x0] =	sbarrier.arrive $0xFFFF;
	(pc) =	sbr.rel @p0 .LBB2_1-.Ltmp1, $4  }
0x48: {  	[hbm:s7], [sflag:s6] =	dma.local [spmem:s16], $0x2710  }
0x49: {  	_ =	swait.ge [sflag:s12], $0x2710  }
0x4a: {  	[sflag:s12] =	ssyncset.done $0x0  }
0x4b: {  	[sflag:s12] =	ssyncadd.s32 $0xFFFFD8F0  }
0x4c: {  	_ =	sfence.sel $0x180000  }
0x4d: {  	[bflag:$0x0] =	sbarrier.arrive $0xFFFF  }
0x4e: {  	p0 =	sne.s32 s2, $0x0;
	_ =	strace $0x9000004D  }
0x4f: {  	s0 =	sadd.s32 @!p0 $0x100000, s0;
	[bflag:$0x2] =	sbarrier.arrive $0xFFFF  }
0x50: {  	[sflag:s0] =	ssyncadd.tile.s32 @!p0 $0x1;
	_ =	shalt  }
.Lfunc_end2:
_tile_overlayer_lowered:
.L_overlay_start_2:
0x51: {  	(tag) =	ssettag $0x2  }
0x52: {  	s0 =	rddreg [dreg:$0x0];
	s2 =	stileid.u32  }
0x53: {  	s1 =	rddreg [dreg:$0x1];
	p0 =	sne.s32 s2, $0x0  }
0x54: {  	s3 =	rddreg [dreg:$0x2];
	[bflag:$0x3] =	sbarrier.arrive $0xFFFF;
	s2 =	simm.s32 @!p0 $0x1C02  }
0x55: {  	[timem:s3], [sflag:s2] =	dma.local @!p0 [hbm:s0], s1  }
0x56: {  	s0 =	simm.s32 @!p0 $0x2  }
0x57: {  	_ =	swait.ge @!p0 [sflag:s0], s1  }
0x58: {  	s1 =	ssub.s32 @!p0 $0x0, s1;
	[sflag:s0] =	ssyncset.done @!p0 $0x0  }
0x59: {  	[sflag:s0] =	ssyncadd.s32 @!p0 s1  }
0x5a: {  	[bflag:$0x3] =	sbarrier.arrive $0xFFFF  }
0x5b: {  	_ =	shalt  }

// kernel: kernel.19.cloned.1.call-start
scs
__scs_entry_jumppad:
0x0: {  	(pc) =	sbr.rel $0x88, $3  }
0x1: {  	(tag) =	ssettag $0x0;
	lr =	simm.s32 $0x1  }
0x2: {  	[smem:$0x3F8D] =	sst lr;
	_ =	strace $0xD0000000  }
0x3: {  	_ = 	snop  }
0x4: {  	_ = 	snop  }
0x5: {  	_ = 	snop  }
0x6: {  	_ = 	snop  }
0x7: {  	_ = 	snop  }
__scs_overlays_trampoline_lowered:
0x8: {  	[smem:$0x3F9C] =	sst s0  }
0x9: {  	[smem:$0x3F9D] =	sst s1  }
0xa: {  	[smem:$0x3F9E] =	sst s2  }
0xb: {  	[smem:$0x3F9F] =	sst s3  }
0xc: {  	[smem:$0x3FA0] =	sst s4  }
0xd: {  	[smem:$0x3FA1] =	sst s5  }
0xe: {  	[smem:$0x3FA2] =	sst s6  }
0xf: {  	[smem:$0x3FA3] =	sst s7  }
0x10: {  	[smem:$0x3FA4] =	sst s8  }
0x11: {  	[smem:$0x3FA5] =	sst s9;
	s0 =	simm.s32 @!p0 $0x0  }
0x12: {  	s1 =	sld [smem:$0x3F8B];
	s0 =	simm.s32 @p0 $0x1  }
0x13: {  	[smem:$0x3FA6] =	sst s0;
	s0 =	simm.s32 @!p1 $0x0  }
0x14: {  	s2 =	sld [smem:$0x3F8A];
	s0 =	simm.s32 @p1 $0x1  }
0x15: {  	[smem:$0x3FA7] =	sst s0;
	s0 =	simm.s32 @!p2 $0x0  }
0x16: {  	s3 =	sld [smem:$0x3FDB];
	s0 =	simm.s32 @p2 $0x1  }
0x17: {  	s4 =	simm.s32 $0x1BF5;
	[smem:$0x3FA9] =	sst s0  }
0x18: {  	s0 =	sld [smem:$0x3F8C];
	_ =	swait.ge [sflag:s4], $0x0  }
0x19: {  	s7 =	sld [smem:$0x3F8D]  }
0x1a: {  	s8 =	sadd.s32 $0xFFFFE003, lr  }
0x1b: {  	s9 =	sadd.s32 $0xFFFFFEF7, lr;
	s5 =	simm.s32 $0xFFFFFFFF;
	p2 =	slt.u32 s8, $0xFFFFF086  }
0x1c: {  	p1 =	slt.u32 s9, $0xF7A;
	s5 =	simm.s32 @!p2 $0x0  }
0x1d: {  	s5 =	simm.s32 @p1 $0x1;
	p0 =	seq.s32 s7, s2  }
0x1e: {  	s7 =	smul.u32 @!p0 $0xF7A, s2;
	p2 =	seq.s32 @!p0 s5, $0x0  }
0x1f: {  	s9 =	smul.u32 $0xF7A, s1;
	s8 =	simm.s32 @!p0 $0x1BF5;
	p2 =	por !p2, p0  }
0x20: {  	[sflag:s8] =	ssyncset.s32 @!p0 $0xFFFFF086;
	s6 =	sadd.s32 @!p0 s3, s7;
	s7 =	simm.s32 @!p0 $0x108  }
0x21: {  	s3 =	sadd.s32 s3, s9;
	s6 =	sadd.s32 @!p0 $0x88, s6;
	s7 =	simm.s32 @p2 $0x1082  }
0x22: {  	[simem:s7], [sflag:s8] =	dma.local @!p0 [hbm:s6], $0xF7A  }
0x23: {  	s9 =	sor.u32 $0xD0000000, s2;
	s6 =	simm.s32 $0x108;
	_ =	swait.ge @!p0 [sflag:s8], $0x0  }
0x24: {  	s3 =	sadd.s32 $0x88, s3;
	s6 =	simm.s32 @!p1 $0x1082;
	[sflag:s4] =	ssyncset.s32 $0xFFFFF086  }
0x25: {  	[simem:s6], [sflag:s4] =	dma.local [hbm:s3], $0xF7A  }
0x26: {  	[smem:$0x3F8D] =	sst s1;
	(tag) =	ssettag s2;
	_ =	strace s9  }
0x27: {  	s1 =	sld [smem:$0x3F9D]  }
0x28: {  	s2 =	sld [smem:$0x3F9E]  }
0x29: {  	s4 =	sld [smem:$0x3FA0]  }
0x2a: {  	p0 =	seq.s32 s5, $0x0;
	s5 =	sld [smem:$0x3FA1]  }
0x2b: {  	s6 =	sld [smem:$0x3FA2]  }
0x2c: {  	s7 =	sld [smem:$0x3FA3]  }
0x2d: {  	s3 =	simm.s32 $0x108;
	s8 =	sld [smem:$0x3FA4]  }
0x2e: {  	s3 =	simm.s32 @!p0 $0x1082;
	s9 =	sld [smem:$0x3FA5]  }
0x2f: {  	lr =	sadd.s32 s0, s3;
	s0 =	sld [smem:$0x3F9C]  }
0x30: {  	s3 =	sld [smem:$0x3F9F]  }
0x31: {  	[smem:$0x3FA8] =	sst s10  }
0x32: {  	s10 =	sld [smem:$0x3FA6];
	_ =	sdelay $0x3  }
0x33: {  	p0 =	seq.s32 s10, $0x1;
	s10 =	sld [smem:$0x3FA8];
	_ =	sdelay $0x3  }
0x34: {  	[smem:$0x3FA8] =	sst s10  }
0x35: {  	s10 =	sld [smem:$0x3FA7];
	_ =	sdelay $0x3  }
0x36: {  	p1 =	seq.s32 s10, $0x1;
	s10 =	sld [smem:$0x3FA8];
	_ =	sdelay $0x3  }
0x37: {  	[smem:$0x3FA8] =	sst s10  }
0x38: {  	s10 =	sld [smem:$0x3FA9]  }
0x39: {  	_ = 	snop;
	(pc) =	sbr.ind lr, $3  }
0x3a: {  	_ = 	snop  }
0x3b: {  	_ = 	snop  }
0x3c: {  	p2 =	seq.s32 s10, $0x1;
	s10 =	sld [smem:$0x3FA8]  }
0x3d: {  	_ =	shalt  }
0x3e: {  	_ =	shalt  }
0x3f: {  	_ =	shalt  }
0x40: {  	_ =	shalt  }
0x41: {  	_ =	shalt  }
0x42: {  	_ =	shalt  }
0x43: {  	_ =	shalt  }
0x44: {  	_ =	shalt  }
0x45: {  	_ =	shalt  }
0x46: {  	_ =	shalt  }
0x47: {  	_ =	shalt  }
0x48: {  	_ =	shalt  }
0x49: {  	_ =	shalt  }
0x4a: {  	_ =	shalt  }
0x4b: {  	_ =	shalt  }
0x4c: {  	_ =	shalt  }
0x4d: {  	_ =	shalt  }
0x4e: {  	_ =	shalt  }
0x4f: {  	_ =	shalt  }
0x50: {  	_ =	shalt  }
0x51: {  	_ =	shalt  }
0x52: {  	_ =	shalt  }
0x53: {  	_ =	shalt  }
0x54: {  	_ =	shalt  }
0x55: {  	_ =	shalt  }
0x56: {  	_ =	shalt  }
0x57: {  	_ =	shalt  }
0x58: {  	_ =	shalt  }
0x59: {  	_ =	shalt  }
0x5a: {  	_ =	shalt  }
0x5b: {  	_ =	shalt  }
0x5c: {  	_ =	shalt  }
0x5d: {  	_ =	shalt  }
0x5e: {  	_ =	shalt  }
0x5f: {  	_ =	shalt  }
0x60: {  	_ =	shalt  }
0x61: {  	_ =	shalt  }
0x62: {  	_ =	shalt  }
0x63: {  	_ =	shalt  }
0x64: {  	_ =	shalt  }
0x65: {  	_ =	shalt  }
0x66: {  	_ =	shalt  }
0x67: {  	_ =	shalt  }
0x68: {  	_ =	shalt  }
0x69: {  	_ =	shalt  }
0x6a: {  	_ =	shalt  }
0x6b: {  	_ =	shalt  }
0x6c: {  	_ =	shalt  }
0x6d: {  	_ =	shalt  }
0x6e: {  	_ =	shalt  }
0x6f: {  	_ =	shalt  }
0x70: {  	_ =	shalt  }
0x71: {  	_ =	shalt  }
0x72: {  	_ =	shalt  }
0x73: {  	_ =	shalt  }
0x74: {  	_ =	shalt  }
0x75: {  	_ =	shalt  }
0x76: {  	_ =	shalt  }
0x77: {  	_ =	shalt  }
0x78: {  	_ =	shalt  }
0x79: {  	_ =	shalt  }
0x7a: {  	_ =	shalt  }
0x7b: {  	_ =	shalt  }
0x7c: {  	_ =	shalt  }
0x7d: {  	_ =	shalt  }
0x7e: {  	_ =	shalt  }
0x7f: {  	_ =	shalt  }
0x80: {  	_ =	shalt  }
0x81: {  	_ =	shalt  }
0x82: {  	_ =	shalt  }
0x83: {  	_ =	shalt  }
0x84: {  	_ =	shalt  }
0x85: {  	_ =	shalt  }
0x86: {  	_ =	shalt  }
0x87: {  	_ =	shalt  }
.Lfunc_end0:
.L_simem_size_0:
called_computation.3_lowered:
.L_overlay_start_0:
0x88: {  	s2 =	sld [smem:$0x3FD9]  }
0x89: {  	s3 =	sld [smem:$0x3FFE];
	_ =	sdelay $0x1  }
0x8a: {  	s1 =	srdreg.scid  }
0x8b: {  	s0 =	sand.u32 $0x1, s1  }
0x8c: {  	s16 =	sshll.u32 s0, $0xA;
	s2 =	sadd.s32 s3, s2  }
0x8d: {  	s2 =	sadd.s32 s2, s16  }
0x8e: {  	[smem:$0x3FB4] =	sst s2  }
0x8f: {  	_ = 	snop  }
0x90: {  	(tm) =	ssettm $0x1  }
0x91: {  	s17 =	sld [smem:$0x3FFB];
	_ =	sdelay $0x3  }
0x92: {  	_ =	strace s17  }
0x93: {  	s2 =	sld [smem:$0x3FFC];
	_ =	sdelay $0x3  }
0x94: {  	_ =	strace s2  }
0x95: {  	s2 =	sld [smem:$0x3FFD];
	_ =	sdelay $0x3  }
0x96: {  	_ =	strace s2  }
0x97: {  	_ =	strace $0x8FFFFFFF  }
0x98: {  	s18 =	sld [smem:$0x3FDB];
	_ =	sdelay $0x1  }
0x99: {  	s19 =	simm.s32 $_scs_section_size  }
0x9a: {  	s4 =	simm.s32 $_size__tile_overlayer_lowered;
	s5 =	simm.s32 $_tile_overlayer_lowered  }
0x9b: {  	s22 =	simm.s32 $0x1BFF;
	s21 =	sshll.u32 s5, $0x1;
	s2 =	sadd.s32 s19, s18  }
0x9c: {  	s6 =	simm.s32 $0x0;
	s20 =	sshll.u32 s4, $0x1;
	s4 =	sadd.s32 s21, s2  }
0x9d: {  	[timem:s6], [sflag:s22] =	dma.local [hbm:s4], s20  }
0x9e: {  	_ =	swait.ge [sflag:s22], s20  }
0x9f: {  	s3 =	ssub.s32 $0x0, s20;
	[sflag:s22] =	ssyncset.done $0x0  }
0xa0: {  	[sflag:s22] =	ssyncadd.s32 s3;
	_ =	sdelay $0x1  }
0xa1: {  	s23 =	simm.s32 $0x1B8B  }
0xa2: {  	_ =	swait.ge [sflag:s23], $0x1  }
0xa3: {  	[sflag:s23] =	ssyncset.done $0x0  }
0xa4: {  	s25 =	simm.s32 $0x1B8E;
	s24 =	sld [smem:$0x3FFE];
	[sflag:s23] =	ssyncadd.s32 $0xFFFFFFFF  }
0xa5: {  	s26 =	simm.s32 $execute0_lowered;
	[smem:$0x3FD2] =	sst s25  }
0xa6: {  	s4 =	sshll.u32 s26, $0x1;
	_ =	strace $0x8000004F;
	[dreg:$0x1] =	wrdreg $0xFFFFFFFF  }
0xa7: {  	s28 =	simm.s32 $_size_execute0_lowered;
	s2 =	sadd.s32 s2, s4;
	[dreg:$0x0] =	wrdreg $0x0  }
0xa8: {  	s4 =	sshll.u32 s28, $0x1;
	[dreg:$0x2] =	wrdreg s2  }
0xa9: {  	[dreg:$0x3] =	wrdreg s4  }
0xaa: {  	[dreg:$0x4] =	wrdreg $0xC0  }
0xab: {  	_ =	task [dreg:s6], $0x5FFFF  }
0xac: {  	[dreg:$0x1] =	wrdreg $0xFFFFFFFF  }
0xad: {  	[dreg:$0x0] =	wrdreg $0x60  }
0xae: {  	[dreg:$0x2] =	wrdreg s24  }
0xaf: {  	[dreg:$0x3] =	wrdreg $0x28A00  }
0xb0: {  	[dreg:$0x4] =	wrdreg $0x9  }
0xb1: {  	_ =	task.clear_ibuf [dreg:s6], $0x5FFFF;
	_ =	strace $0x9000004F  }
0xb2: {  	s29 =	simm.s32 $0x9;
	_ =	strace $0x80000051  }
0xb3: {  	_ =	swait.ge [sflag:s29], $0x1  }
0xb4: {  	[sflag:s29] =	ssyncadd.s32 $0xFFFFFFFF  }
0xb5: {  	_ =	strace $0x90000051  }
0xb6: {  	_ =	sfence  }
0xb7: {  	s30 =	sld [smem:$0x0];
	_ =	sdelay $0x2  }
0xb8: {  	s31 =	sshll.u32 s1, $0xD;
	s1 =	sshrl.u32 s1, $0x2  }
0xb9: {  	s3 =	sand.u32 $0x4000, s31;
	s1 =	sadd.s32 s1, s30  }
0xba: {  	s0 =	sor.u32 s3, s0;
	s1 =	sshll.u32 s1, $0x11  }
0xbb: {  	s0 =	sor.u32 s1, s0  }
0xbc: {  	s0 =	sadd.s32 $0x8F2B, s0  }
0xbd: {  	[sflag:s0] =	ssyncadd.remote.s32 $0x1  }
0xbe: {  	_ =	sfence.sel $0xFFFF  }
0xbf: {  	[dreg:$0x0] =	wrdreg $0xFFFFFFFF;
	(pc) =	sbr.abs _section_cstart, $3  }
0xc0: {  	[dreg:$0x1] =	wrdreg $0xFFFFFFFF  }
0xc1: {  	_ =	task.clear_ibuf [dreg:s6], $0x2FFFF;
	_ =	strace $0x9FFFFFFF  }
0xc2: {  	(tm) =	ssettm $0x7FFFFFFF  }
0xc3: {  	_ =	shalt  }
tec
execute0_lowered:
.L_overlay_start_1:
0x0: {  	(tag) =	ssettag $0x1  }
0x1: {  	s0 =	srdreg.scid  }
0x2: {  	s7 =	sand.u32 $0x1, s0  }
0x3: {  	s0 =	stileid.u32;
	s4 =	smul.u32 $0x27100, s7  }
0x4: {  	s6 =	rddreg [dreg:$0x0];
	s5 =	smul.u32 $0x2710, s0  }
0x5: {  	s2 =	rddreg [dreg:$0x1];
	s8 =	smul.u32 $0x61E00, s0  }
0x6: {  	s1 =	rddreg [dreg:$0x2];
	s10 =	smul.u32 $0x61A800, s7  }
0x7: {  	s3 =	simm.s32 $0x0;
	s19 =	simm.s32 $0x1;
	s12 =	smul.u32 $0x18700, s0  }
0x8: {  	[smem:$0x7FF] =	sst s3;
	s11 =	sadd.s32 $0x147E00, s6;
	s17 =	smul.u32 $0x18580, s0  }
0x9: {  	_ =	strace $0x80000050;
	s9 =	ssub.s32 $0x2, s7;
	s18 =	smul.u32 $0x61800, s0  }
0xa: {  	s26 =	sshll.u32 s0, $0x6;
	s16 =	sshll.u32 s0, $0x4;
	s30 =	smul.u32 $0x61600, s0  }
0xb: {  	s24 =	sshrl.u32 s9, $0x1;
	s20 =	sadd.s32 $0x30E0, s16;
	s22 =	sadd.s32 $0x30B0, s16  }
0xc: {  	s16 =	simm.s32 $0x2;
	s4 =	sadd.s32 s5, s4;
	s13 =	ssub.s32 s9, s24  }
0xd: {  	s25 =	sshrl.u32 s8, $0x2;
	s28 =	sadd.s32 s12, s10;
	s8 =	sadd.s32 s12, s2  }
0xe: {  	v1 =	vlaneseq.u32;
	s10 =	sadd.s32 s10, s17;
	s29 =	sshrl.u32 s18, $0x2;
	s31 =	sshrl.u32 s30, $0x2  }
0xf: {  	s18 =	simm.s32 $0xA0;
	v0 =	vor.u32 s20, v1;
	v1 =	vor.u32 s22, v1;
	s22 =	simm.s32 $0x0;
	s5 =	sshrl.u32 s4, $0x3  }
0x10: {  	s4 =	sadd.s32 $0x1A600, s6;
	s15 =	sadd.s32 s25, s2;
	s7 =	sshrl.u32 s28, $0x3  }
0x11: {  	s17 =	sshrl.u32 s10, $0x3;
	s21 =	sadd.s32 s29, s2;
	s23 =	sadd.s32 s31, s2  }
0x12: {  	s12 =	smax.u32 s13, $0x1;
	s14 =	sadd.s32 s5, s6;
	s5 =	sadd.s32 $0x81600, s6  }
0x13: {  	s6 =	sor.u32 $0x1C02, s26;
	s7 =	sadd.s32 s11, s7;
	s11 =	sadd.s32 s11, s17  }
0x14: {  	s15 =	sshrl.u32 s15, $0x3;
	s17 =	simm.s32 $0x50;
	s20 =	sshrl.u32 s21, $0x3  }
0x15: {  	s21 =	sshrl.u32 s23, $0x3;
	s9 =	sadd.s32 $0x30E00, s7;
	s10 =	sadd.s32 $0x61C00, s7  }
0x16: {  	s11 =	sadd.s32 $0x92A00, s11;
	s13 =	sadd.s32 $0x6DA00, s14;
	s14 =	sadd.s32 $0x77800, s14  }
.LBB2_1:
0x17: {  	[spmem:s15], [sflag:s6] =	dma.local [hbm:s5], $0x30F0  }
0x18: {  	_ =	swait.ge [sflag:s16], $0x30F0  }
0x19: {  	[sflag:s16] =	ssyncset.done $0x0  }
0x1a: {  	[sflag:s16] =	ssyncadd.s32 $0xFFFFCF10  }
0x1b: {  	s23 =	sadd.s32 $0x0, s14;
	[bflag:$0x0] =	sbarrier.arrive $0xFFFF  }
0x1c: {  	[tilespmem:s3], [sflag:$0x2] =	stream.linear.gather [hbm4b:s23+s3], $0x50, $0x38;
	[tilespmem:$0x1B820] =	vst v63  }
0x1d: {  	_ =	swait.ge [sflag:s16], $0x50  }
0x1e: {  	[sflag:s16] =	ssyncset.done $0x0  }
0x1f: {  	s31 =	sadd.s32 $0x0, s13;
	[sflag:s16] =	ssyncadd.s32 $0xFFFFFFB0  }
0x20: {  	[tilespmem:s17], [sflag:$0x2] =	stream.linear.gather [hbm4b:s31+s3], $0x50, $0x38;
	[tilespmem:$0x1B820] =	vst v63  }
0x21: {  	_ =	swait.ge [sflag:s16], $0x50  }
0x22: {  	[sflag:s16] =	ssyncset.done $0x0  }
0x23: {  	[sflag:s16] =	ssyncadd.s32 $0xFFFFFFB0  }
0x24: {  	v2 =	vld [tilespmem:$0x90]  }
0x25: {  	v3 =	vld [tilespmem:$0x80]  }
0x26: {  	v4 =	vld [tilespmem:$0x70]  }
0x27: {  	v5 =	vld [tilespmem:$0x60]  }
0x28: {  	v6 =	vld [tilespmem:$0x50]  }
0x29: {  	vm0 =	vlt.u32 v2, $0x30E0  }
0x2a: {  	vm1 =	vlt.u32 v3, $0x30E0;
	v2 =	vsel vm0, v2, v0  }
0x2b: {  	vm13 =	vlt.u32 v4, $0x30E0;
	v3 =	vsel vm1, v3, v0;
	[tilespmem:$0x90] =	vst v2  }
0x2c: {  	vm14 =	vlt.u32 v5, $0x30E0;
	v2 =	vsel vm13, v4, v0;
	[tilespmem:$0x80] =	vst v3  }
0x2d: {  	vm15 =	vlt.u32 v6, $0x30E0;
	v3 =	vsel vm14, v5, v0;
	[tilespmem:$0x70] =	vst v2  }
0x2e: {  	v2 =	vsel vm15, v6, v0;
	[tilespmem:$0x60] =	vst v3  }
0x2f: {  	[tilespmem:$0x50] =	vst v2  }
0x30: {  	[tilespmem:s18], [sflag:$0x1] =	stream.indirect.gather [hbm4b:s4+s17], $0x80, s3, s17, $0xb8;
	[tilespmem:$0x1B820] =	vst v63  }
0x31: {  	_ =	swait.ge [sflag:s19], $0x2800  }
0x32: {  	s23 =	simm.s32 $0xA;
	[sflag:s19] =	ssyncset.done $0x0  }
.LBB2_2:
0x33: {  	p0 =	sne.s32 s23, $0x4D8  }
0x34: {  	[sflag:s19] =	ssyncadd.s32 $0xFFFFD800;
	s24 =	smov.u32 s23;
	s23 =	sadd.s32 $0xA, s23  }
0x35: {  	[spmem:s2] =	stream.indirect.scatter.add.f32 [tilespmem:s18], [sflag:$0x2], $0x80, s17, s17, $0xb8;
	[tilespmem:$0x1B820] =	vst v63  }
0x36: {  	_ =	swait.ge [sflag:s16], $0x2800  }
0x37: {  	[sflag:s16] =	ssyncset.done $0x0  }
0x38: {  	s25 =	sadd.s32 s24, s14;
	[sflag:s16] =	ssyncadd.s32 $0xFFFFD800  }
0x39: {  	[tilespmem:s3], [sflag:$0x2] =	stream.linear.gather [hbm4b:s25+s3], $0x50, $0x38;
	[tilespmem:$0x1B820] =	vst v63  }
0x3a: {  	_ =	swait.ge [sflag:s16], $0x50  }
0x3b: {  	[sflag:s16] =	ssyncset.done $0x0  }
0x3c: {  	s24 =	sadd.s32 s24, s13;
	[sflag:s16] =	ssyncadd.s32 $0xFFFFFFB0  }
0x3d: {  	[tilespmem:s17], [sflag:$0x2] =	stream.linear.gather [hbm4b:s24+s3], $0x50, $0x38;
	[tilespmem:$0x1B820] =	vst v63  }
0x3e: {  	_ =	swait.ge [sflag:s16], $0x50  }
0x3f: {  	[sflag:s16] =	ssyncset.done $0x0  }
0x40: {  	[sflag:s16] =	ssyncadd.s32 $0xFFFFFFB0  }
0x41: {  	v2 =	vld [tilespmem:$0x90]  }
0x42: {  	v3 =	vld [tilespmem:$0x80]  }
0x43: {  	v4 =	vld [tilespmem:$0x70]  }
0x44: {  	v5 =	vld [tilespmem:$0x60]  }
0x45: {  	v6 =	vld [tilespmem:$0x50]  }
0x46: {  	vm0 =	vlt.u32 v2, $0x30E0  }
0x47: {  	vm1 =	vlt.u32 v3, $0x30E0;
	v2 =	vsel vm0, v2, v0  }
0x48: {  	vm0 =	vlt.u32 v4, $0x30E0;
	v3 =	vsel vm1, v3, v0;
	[tilespmem:$0x90] =	vst v2  }
0x49: {  	vm1 =	vlt.u32 v5, $0x30E0;
	v2 =	vsel vm0, v4, v0;
	[tilespmem:$0x80] =	vst v3  }
0x4a: {  	vm0 =	vlt.u32 v6, $0x30E0;
	v3 =	vsel vm1, v5, v0;
	[tilespmem:$0x70] =	vst v2  }
.Ltmp0:
0x4b: {  	v2 =	vsel vm0, v6, v0;
	[tilespmem:$0x60] =	vst v3;
	(pc) =	sbr.rel @p0 .LBB2_2-.Ltmp0, $4  }
0x4c: {  	[tilespmem:$0x50] =	vst v2  }
0x4d: {  	[tilespmem:s18], [sflag:$0x1] =	stream.indirect.gather [hbm4b:s4+s17], $0x80, s3, s17, $0xb8;
	[tilespmem:$0x1B820] =	vst v63  }
0x4e: {  	_ =	swait.ge [sflag:s19], $0x2800  }
0x4f: {  	[sflag:s19] =	ssyncset.done $0x0  }
0x50: {  	[sflag:s19] =	ssyncadd.s32 $0xFFFFD800  }
0x51: {  	[spmem:s2] =	stream.indirect.scatter.add.f32 [tilespmem:s18], [sflag:$0x2], $0x80, s17, s17, $0xb8;
	[tilespmem:$0x1B820] =	vst v63  }
0x52: {  	_ =	swait.ge [sflag:s16], $0x2800  }
0x53: {  	[sflag:s16] =	ssyncset.done $0x0  }
0x54: {  	[sflag:s16] =	ssyncadd.s32 $0xFFFFD800  }
0x55: {  	s23 =	sshrl.u32 s8, $0x3;
	[bflag:$0x0] =	sbarrier.arrive $0xFFFF  }
0x56: {  	[hbm:s7], [sflag:s6] =	dma.local [spmem:s23], $0x30E0  }
0x57: {  	_ =	swait.ge [sflag:s16], $0x30E0  }
0x58: {  	[sflag:s16] =	ssyncset.done $0x0  }
0x59: {  	[sflag:s16] =	ssyncadd.s32 $0xFFFFCF20  }
0x5a: {  	[bflag:$0x0] =	sbarrier.arrive $0xFFFF  }
0x5b: {  	[spmem:s15], [sflag:s6] =	dma.local [hbm:s5], $0x30F0  }
0x5c: {  	_ =	swait.ge [sflag:s16], $0x30F0  }
0x5d: {  	[sflag:s16] =	ssyncset.done $0x0  }
0x5e: {  	[sflag:s16] =	ssyncadd.s32 $0xFFFFCF10  }
0x5f: {  	s24 =	sadd.s32 $0x0, s14;
	[bflag:$0x0] =	sbarrier.arrive $0xFFFF  }
0x60: {  	[tilespmem:s3], [sflag:$0x2] =	stream.linear.gather [hbm4b:s24+s3], $0x50, $0x38;
	[tilespmem:$0x1B820] =	vst v63  }
0x61: {  	_ =	swait.ge [sflag:s16], $0x50  }
0x62: {  	[sflag:s16] =	ssyncset.done $0x0  }
0x63: {  	s31 =	sadd.s32 $0x0, s13;
	[sflag:s16] =	ssyncadd.s32 $0xFFFFFFB0  }
0x64: {  	[tilespmem:s17], [sflag:$0x2] =	stream.linear.gather [hbm4b:s31+s3], $0x50, $0x38;
	[tilespmem:$0x1B820] =	vst v63  }
0x65: {  	_ =	swait.ge [sflag:s16], $0x50  }
0x66: {  	[sflag:s16] =	ssyncset.done $0x0  }
0x67: {  	[sflag:s16] =	ssyncadd.s32 $0xFFFFFFB0  }
0x68: {  	v2 =	vld [tilespmem:$0x90]  }
0x69: {  	v3 =	vld [tilespmem:$0x80]  }
0x6a: {  	v4 =	vld [tilespmem:$0x70]  }
0x6b: {  	v5 =	vld [tilespmem:$0x60]  }
0x6c: {  	v6 =	vld [tilespmem:$0x50]  }
0x6d: {  	v2 =	vadd.s32 $0xFFFFCF20, v2  }
0x6e: {  	v3 =	vadd.s32 $0xFFFFCF20, v3;
	vm0 =	vlt.u32 v2, $0x30E0  }
0x6f: {  	v4 =	vadd.s32 $0xFFFFCF20, v4;
	vm1 =	vlt.u32 v3, $0x30E0;
	v2 =	vsel vm0, v2, v0  }
0x70: {  	v5 =	vadd.s32 $0xFFFFCF20, v5;
	vm13 =	vlt.u32 v4, $0x30E0;
	v3 =	vsel vm1, v3, v0;
	[tilespmem:$0x90] =	vst v2  }
0x71: {  	vm14 =	vlt.u32 v5, $0x30E0;
	v4 =	vsel vm13, v4, v0;
	v2 =	vadd.s32 $0xFFFFCF20, v6;
	[tilespmem:$0x80] =	vst v3  }
0x72: {  	v3 =	vsel vm14, v5, v0;
	[tilespmem:$0x70] =	vst v4;
	vm15 =	vlt.u32 v2, $0x30E0  }
0x73: {  	[tilespmem:$0x60] =	vst v3;
	v2 =	vsel vm15, v2, v0  }
0x74: {  	[tilespmem:$0x50] =	vst v2  }
0x75: {  	[tilespmem:s18], [sflag:$0x1] =	stream.indirect.gather [hbm4b:s4+s17], $0x80, s3, s17, $0xb8;
	[tilespmem:$0x1B820] =	vst v63  }
0x76: {  	_ =	swait.ge [sflag:s19], $0x2800  }
0x77: {  	s24 =	simm.s32 $0xA;
	[sflag:s19] =	ssyncset.done $0x0  }
.LBB2_4:
0x78: {  	p0 =	sne.s32 s24, $0x4D8  }
0x79: {  	[sflag:s19] =	ssyncadd.s32 $0xFFFFD800;
	s25 =	smov.u32 s24;
	s24 =	sadd.s32 $0xA, s24  }
0x7a: {  	[spmem:s2] =	stream.indirect.scatter.add.f32 [tilespmem:s18], [sflag:$0x2], $0x80, s17, s17, $0xb8;
	[tilespmem:$0x1B820] =	vst v63  }
0x7b: {  	_ =	swait.ge [sflag:s16], $0x2800  }
0x7c: {  	[sflag:s16] =	ssyncset.done $0x0  }
0x7d: {  	s26 =	sadd.s32 s25, s14;
	[sflag:s16] =	ssyncadd.s32 $0xFFFFD800  }
0x7e: {  	[tilespmem:s3], [sflag:$0x2] =	stream.linear.gather [hbm4b:s26+s3], $0x50, $0x38;
	[tilespmem:$0x1B820] =	vst v63  }
0x7f: {  	_ =	swait.ge [sflag:s16], $0x50  }
0x80: {  	[sflag:s16] =	ssyncset.done $0x0  }
0x81: {  	s25 =	sadd.s32 s25, s13;
	[sflag:s16] =	ssyncadd.s32 $0xFFFFFFB0  }
0x82: {  	[tilespmem:s17], [sflag:$0x2] =	stream.linear.gather [hbm4b:s25+s3], $0x50, $0x38;
	[tilespmem:$0x1B820] =	vst v63  }
0x83: {  	_ =	swait.ge [sflag:s16], $0x50  }
0x84: {  	[sflag:s16] =	ssyncset.done $0x0  }
0x85: {  	[sflag:s16] =	ssyncadd.s32 $0xFFFFFFB0  }
0x86: {  	v2 =	vld [tilespmem:$0x90]  }
0x87: {  	v3 =	vld [tilespmem:$0x80]  }
0x88: {  	v4 =	vld [tilespmem:$0x70]  }
0x89: {  	v5 =	vld [tilespmem:$0x60]  }
0x8a: {  	v6 =	vld [tilespmem:$0x50]  }
0x8b: {  	v2 =	vadd.s32 $0xFFFFCF20, v2  }
0x8c: {  	v3 =	vadd.s32 $0xFFFFCF20, v3;
	vm0 =	vlt.u32 v2, $0x30E0  }
0x8d: {  	v4 =	vadd.s32 $0xFFFFCF20, v4;
	vm1 =	vlt.u32 v3, $0x30E0;
	v2 =	vsel vm0, v2, v0  }
0x8e: {  	v5 =	vadd.s32 $0xFFFFCF20, v5;
	vm0 =	vlt.u32 v4, $0x30E0;
	v3 =	vsel vm1, v3, v0;
	[tilespmem:$0x90] =	vst v2  }
0x8f: {  	v2 =	vadd.s32 $0xFFFFCF20, v6;
	vm1 =	vlt.u32 v5, $0x30E0;
	v4 =	vsel vm0, v4, v0;
	[tilespmem:$0x80] =	vst v3  }
0x90: {  	vm0 =	vlt.u32 v2, $0x30E0;
	v3 =	vsel vm1, v5, v0;
	[tilespmem:$0x70] =	vst v4  }
.Ltmp1:
0x91: {  	v2 =	vsel vm0, v2, v0;
	[tilespmem:$0x60] =	vst v3;
	(pc) =	sbr.rel @p0 .LBB2_4-.Ltmp1, $4  }
0x92: {  	[tilespmem:$0x50] =	vst v2  }
0x93: {  	[tilespmem:s18], [sflag:$0x1] =	stream.indirect.gather [hbm4b:s4+s17], $0x80, s3, s17, $0xb8;
	[tilespmem:$0x1B820] =	vst v63  }
0x94: {  	_ =	swait.ge [sflag:s19], $0x2800  }
0x95: {  	[sflag:s19] =	ssyncset.done $0x0  }
0x96: {  	[sflag:s19] =	ssyncadd.s32 $0xFFFFD800  }
0x97: {  	[spmem:s2] =	stream.indirect.scatter.add.f32 [tilespmem:s18], [sflag:$0x2], $0x80, s17, s17, $0xb8;
	[tilespmem:$0x1B820] =	vst v63  }
0x98: {  	_ =	swait.ge [sflag:s16], $0x2800  }
0x99: {  	[sflag:s16] =	ssyncset.done $0x0  }
0x9a: {  	[sflag:s16] =	ssyncadd.s32 $0xFFFFD800  }
0x9b: {  	[bflag:$0x0] =	sbarrier.arrive $0xFFFF  }
0x9c: {  	[hbm:s9], [sflag:s6] =	dma.local [spmem:s23], $0x30E0  }
0x9d: {  	_ =	swait.ge [sflag:s16], $0x30E0  }
0x9e: {  	[sflag:s16] =	ssyncset.done $0x0  }
0x9f: {  	[sflag:s16] =	ssyncadd.s32 $0xFFFFCF20  }
0xa0: {  	[bflag:$0x0] =	sbarrier.arrive $0xFFFF  }
0xa1: {  	[spmem:s15], [sflag:s6] =	dma.local [hbm:s5], $0x30F0  }
0xa2: {  	_ =	swait.ge [sflag:s16], $0x30F0  }
0xa3: {  	[sflag:s16] =	ssyncset.done $0x0  }
0xa4: {  	[sflag:s16] =	ssyncadd.s32 $0xFFFFCF10  }
0xa5: {  	s24 =	sadd.s32 $0x0, s14;
	[bflag:$0x0] =	sbarrier.arrive $0xFFFF  }
0xa6: {  	[tilespmem:s3], [sflag:$0x2] =	stream.linear.gather [hbm4b:s24+s3], $0x50, $0x38;
	[tilespmem:$0x1B820] =	vst v63  }
0xa7: {  	_ =	swait.ge [sflag:s16], $0x50  }
0xa8: {  	[sflag:s16] =	ssyncset.done $0x0  }
0xa9: {  	s31 =	sadd.s32 $0x0, s13;
	[sflag:s16] =	ssyncadd.s32 $0xFFFFFFB0  }
0xaa: {  	[tilespmem:s17], [sflag:$0x2] =	stream.linear.gather [hbm4b:s31+s3], $0x50, $0x38;
	[tilespmem:$0x1B820] =	vst v63  }
0xab: {  	_ =	swait.ge [sflag:s16], $0x50  }
0xac: {  	[sflag:s16] =	ssyncset.done $0x0  }
0xad: {  	[sflag:s16] =	ssyncadd.s32 $0xFFFFFFB0  }
0xae: {  	v2 =	vld [tilespmem:$0x90]  }
0xaf: {  	v3 =	vld [tilespmem:$0x80]  }
0xb0: {  	v4 =	vld [tilespmem:$0x70]  }
0xb1: {  	v5 =	vld [tilespmem:$0x60]  }
0xb2: {  	v6 =	vld [tilespmem:$0x50]  }
0xb3: {  	v2 =	vadd.s32 $0xFFFF9E40, v2  }
0xb4: {  	v3 =	vadd.s32 $0xFFFF9E40, v3;
	vm0 =	vlt.u32 v2, $0x30E0  }
0xb5: {  	v4 =	vadd.s32 $0xFFFF9E40, v4;
	vm1 =	vlt.u32 v3, $0x30E0;
	v2 =	vsel vm0, v2, v0  }
0xb6: {  	v5 =	vadd.s32 $0xFFFF9E40, v5;
	vm13 =	vlt.u32 v4, $0x30E0;
	v3 =	vsel vm1, v3, v0;
	[tilespmem:$0x90] =	vst v2  }
0xb7: {  	vm14 =	vlt.u32 v5, $0x30E0;
	v4 =	vsel vm13, v4, v0;
	v2 =	vadd.s32 $0xFFFF9E40, v6;
	[tilespmem:$0x80] =	vst v3  }
0xb8: {  	v3 =	vsel vm14, v5, v0;
	[tilespmem:$0x70] =	vst v4;
	vm15 =	vlt.u32 v2, $0x30E0  }
0xb9: {  	[tilespmem:$0x60] =	vst v3;
	v2 =	vsel vm15, v2, v0  }
0xba: {  	[tilespmem:$0x50] =	vst v2  }
0xbb: {  	[tilespmem:s18], [sflag:$0x1] =	stream.indirect.gather [hbm4b:s4+s17], $0x80, s3, s17, $0xb8;
	[tilespmem:$0x1B820] =	vst v63  }
0xbc: {  	_ =	swait.ge [sflag:s19], $0x2800  }
0xbd: {  	s24 =	simm.s32 $0xA;
	[sflag:s19] =	ssyncset.done $0x0  }
.LBB2_6:
0xbe: {  	p0 =	sne.s32 s24, $0x4D8  }
0xbf: {  	[sflag:s19] =	ssyncadd.s32 $0xFFFFD800;
	s25 =	smov.u32 s24;
	s24 =	sadd.s32 $0xA, s24  }
0xc0: {  	[spmem:s2] =	stream.indirect.scatter.add.f32 [tilespmem:s18], [sflag:$0x2], $0x80, s17, s17, $0xb8;
	[tilespmem:$0x1B820] =	vst v63  }
0xc1: {  	_ =	swait.ge [sflag:s16], $0x2800  }
0xc2: {  	[sflag:s16] =	ssyncset.done $0x0  }
0xc3: {  	s26 =	sadd.s32 s25, s14;
	[sflag:s16] =	ssyncadd.s32 $0xFFFFD800  }
0xc4: {  	[tilespmem:s3], [sflag:$0x2] =	stream.linear.gather [hbm4b:s26+s3], $0x50, $0x38;
	[tilespmem:$0x1B820] =	vst v63  }
0xc5: {  	_ =	swait.ge [sflag:s16], $0x50  }
0xc6: {  	[sflag:s16] =	ssyncset.done $0x0  }
0xc7: {  	s25 =	sadd.s32 s25, s13;
	[sflag:s16] =	ssyncadd.s32 $0xFFFFFFB0  }
0xc8: {  	[tilespmem:s17], [sflag:$0x2] =	stream.linear.gather [hbm4b:s25+s3], $0x50, $0x38;
	[tilespmem:$0x1B820] =	vst v63  }
0xc9: {  	_ =	swait.ge [sflag:s16], $0x50  }
0xca: {  	[sflag:s16] =	ssyncset.done $0x0  }
0xcb: {  	[sflag:s16] =	ssyncadd.s32 $0xFFFFFFB0  }
0xcc: {  	v2 =	vld [tilespmem:$0x90]  }
0xcd: {  	v3 =	vld [tilespmem:$0x80]  }
0xce: {  	v4 =	vld [tilespmem:$0x70]  }
0xcf: {  	v5 =	vld [tilespmem:$0x60]  }
0xd0: {  	v6 =	vld [tilespmem:$0x50]  }
0xd1: {  	v2 =	vadd.s32 $0xFFFF9E40, v2  }
0xd2: {  	v3 =	vadd.s32 $0xFFFF9E40, v3;
	vm0 =	vlt.u32 v2, $0x30E0  }
0xd3: {  	v4 =	vadd.s32 $0xFFFF9E40, v4;
	vm1 =	vlt.u32 v3, $0x30E0;
	v2 =	vsel vm0, v2, v0  }
0xd4: {  	v5 =	vadd.s32 $0xFFFF9E40, v5;
	vm0 =	vlt.u32 v4, $0x30E0;
	v3 =	vsel vm1, v3, v0;
	[tilespmem:$0x90] =	vst v2  }
0xd5: {  	v2 =	vadd.s32 $0xFFFF9E40, v6;
	vm1 =	vlt.u32 v5, $0x30E0;
	v4 =	vsel vm0, v4, v0;
	[tilespmem:$0x80] =	vst v3  }
0xd6: {  	vm0 =	vlt.u32 v2, $0x30E0;
	v3 =	vsel vm1, v5, v0;
	[tilespmem:$0x70] =	vst v4  }
.Ltmp2:
0xd7: {  	v2 =	vsel vm0, v2, v0;
	[tilespmem:$0x60] =	vst v3;
	(pc) =	sbr.rel @p0 .LBB2_6-.Ltmp2, $4  }
0xd8: {  	[tilespmem:$0x50] =	vst v2  }
0xd9: {  	[tilespmem:s18], [sflag:$0x1] =	stream.indirect.gather [hbm4b:s4+s17], $0x80, s3, s17, $0xb8;
	[tilespmem:$0x1B820] =	vst v63  }
0xda: {  	_ =	swait.ge [sflag:s19], $0x2800  }
0xdb: {  	[sflag:s19] =	ssyncset.done $0x0  }
0xdc: {  	[sflag:s19] =	ssyncadd.s32 $0xFFFFD800  }
0xdd: {  	[spmem:s2] =	stream.indirect.scatter.add.f32 [tilespmem:s18], [sflag:$0x2], $0x80, s17, s17, $0xb8;
	[tilespmem:$0x1B820] =	vst v63  }
0xde: {  	_ =	swait.ge [sflag:s16], $0x2800  }
0xdf: {  	[sflag:s16] =	ssyncset.done $0x0  }
0xe0: {  	[sflag:s16] =	ssyncadd.s32 $0xFFFFD800  }
0xe1: {  	[bflag:$0x0] =	sbarrier.arrive $0xFFFF  }
0xe2: {  	[hbm:s10], [sflag:s6] =	dma.local [spmem:s23], $0x30E0  }
0xe3: {  	_ =	swait.ge [sflag:s16], $0x30E0  }
0xe4: {  	[sflag:s16] =	ssyncset.done $0x0  }
0xe5: {  	[sflag:s16] =	ssyncadd.s32 $0xFFFFCF20  }
0xe6: {  	[bflag:$0x0] =	sbarrier.arrive $0xFFFF  }
0xe7: {  	[spmem:s20], [sflag:s6] =	dma.local [hbm:s5], $0x30C0  }
0xe8: {  	_ =	swait.ge [sflag:s16], $0x30C0  }
0xe9: {  	[sflag:s16] =	ssyncset.done $0x0  }
0xea: {  	[sflag:s16] =	ssyncadd.s32 $0xFFFFCF40  }
0xeb: {  	s30 =	sadd.s32 $0x0, s14;
	[bflag:$0x0] =	sbarrier.arrive $0xFFFF  }
0xec: {  	[tilespmem:s3], [sflag:$0x2] =	stream.linear.gather [hbm4b:s30+s3], $0x50, $0x38;
	[tilespmem:$0x1B820] =	vst v63  }
0xed: {  	_ =	swait.ge [sflag:s16], $0x50  }
0xee: {  	[sflag:s16] =	ssyncset.done $0x0  }
0xef: {  	s31 =	sadd.s32 $0x0, s13;
	[sflag:s16] =	ssyncadd.s32 $0xFFFFFFB0  }
0xf0: {  	[tilespmem:s17], [sflag:$0x2] =	stream.linear.gather [hbm4b:s31+s3], $0x50, $0x38;
	[tilespmem:$0x1B820] =	vst v63  }
0xf1: {  	_ =	swait.ge [sflag:s16], $0x50  }
0xf2: {  	[sflag:s16] =	ssyncset.done $0x0  }
0xf3: {  	[sflag:s16] =	ssyncadd.s32 $0xFFFFFFB0  }
0xf4: {  	v2 =	vld [tilespmem:$0x90]  }
0xf5: {  	v3 =	vld [tilespmem:$0x80]  }
0xf6: {  	v4 =	vld [tilespmem:$0x70]  }
0xf7: {  	v5 =	vld [tilespmem:$0x60]  }
0xf8: {  	v6 =	vld [tilespmem:$0x50]  }
0xf9: {  	v2 =	vadd.s32 $0xFFFF6D60, v2  }
0xfa: {  	v3 =	vadd.s32 $0xFFFF6D60, v3;
	vm0 =	vlt.u32 v2, $0x30B0  }
0xfb: {  	v4 =	vadd.s32 $0xFFFF6D60, v4;
	vm1 =	vlt.u32 v3, $0x30B0;
	v2 =	vsel vm0, v2, v1  }
0xfc: {  	v5 =	vadd.s32 $0xFFFF6D60, v5;
	vm13 =	vlt.u32 v4, $0x30B0;
	v3 =	vsel vm1, v3, v1;
	[tilespmem:$0x90] =	vst v2  }
0xfd: {  	vm14 =	vlt.u32 v5, $0x30B0;
	v4 =	vsel vm13, v4, v1;
	v2 =	vadd.s32 $0xFFFF6D60, v6;
	[tilespmem:$0x80] =	vst v3  }
0xfe: {  	v3 =	vsel vm14, v5, v1;
	[tilespmem:$0x70] =	vst v4;
	vm15 =	vlt.u32 v2, $0x30B0  }
0xff: {  	[tilespmem:$0x60] =	vst v3;
	v2 =	vsel vm15, v2, v1  }
0x100: {  	[tilespmem:$0x50] =	vst v2  }
0x101: {  	[tilespmem:s18], [sflag:$0x1] =	stream.indirect.gather [hbm4b:s4+s17], $0x80, s3, s17, $0xb8;
	[tilespmem:$0x1B820] =	vst v63  }
0x102: {  	_ =	swait.ge [sflag:s19], $0x2800  }
0x103: {  	s23 =	simm.s32 $0xA;
	[sflag:s19] =	ssyncset.done $0x0  }
.LBB2_8:
0x104: {  	p0 =	sne.s32 s23, $0x4D8  }
0x105: {  	[sflag:s19] =	ssyncadd.s32 $0xFFFFD800;
	s24 =	smov.u32 s23;
	s23 =	sadd.s32 $0xA, s23  }
0x106: {  	[spmem:s2] =	stream.indirect.scatter.add.f32 [tilespmem:s18], [sflag:$0x2], $0x80, s17, s17, $0xb8;
	[tilespmem:$0x1B820] =	vst v63  }
0x107: {  	_ =	swait.ge [sflag:s16], $0x2800  }
0x108: {  	[sflag:s16] =	ssyncset.done $0x0  }
0x109: {  	s25 =	sadd.s32 s24, s14;
	[sflag:s16] =	ssyncadd.s32 $0xFFFFD800  }
0x10a: {  	[tilespmem:s3], [sflag:$0x2] =	stream.linear.gather [hbm4b:s25+s3], $0x50, $0x38;
	[tilespmem:$0x1B820] =	vst v63  }
0x10b: {  	_ =	swait.ge [sflag:s16], $0x50  }
0x10c: {  	[sflag:s16] =	ssyncset.done $0x0  }
0x10d: {  	s24 =	sadd.s32 s24, s13;
	[sflag:s16] =	ssyncadd.s32 $0xFFFFFFB0  }
0x10e: {  	[tilespmem:s17], [sflag:$0x2] =	stream.linear.gather [hbm4b:s24+s3], $0x50, $0x38;
	[tilespmem:$0x1B820] =	vst v63  }
0x10f: {  	_ =	swait.ge [sflag:s16], $0x50  }
0x110: {  	[sflag:s16] =	ssyncset.done $0x0  }
0x111: {  	[sflag:s16] =	ssyncadd.s32 $0xFFFFFFB0  }
0x112: {  	v2 =	vld [tilespmem:$0x90]  }
0x113: {  	v3 =	vld [tilespmem:$0x80]  }
0x114: {  	v4 =	vld [tilespmem:$0x70]  }
0x115: {  	v5 =	vld [tilespmem:$0x60]  }
0x116: {  	v6 =	vld [tilespmem:$0x50]  }
0x117: {  	v2 =	vadd.s32 $0xFFFF6D60, v2  }
0x118: {  	v3 =	vadd.s32 $0xFFFF6D60, v3;
	vm0 =	vlt.u32 v2, $0x30B0  }
0x119: {  	v4 =	vadd.s32 $0xFFFF6D60, v4;
	vm1 =	vlt.u32 v3, $0x30B0;
	v2 =	vsel vm0, v2, v1  }
0x11a: {  	v5 =	vadd.s32 $0xFFFF6D60, v5;
	vm0 =	vlt.u32 v4, $0x30B0;
	v3 =	vsel vm1, v3, v1;
	[tilespmem:$0x90] =	vst v2  }
0x11b: {  	v2 =	vadd.s32 $0xFFFF6D60, v6;
	vm1 =	vlt.u32 v5, $0x30B0;
	v4 =	vsel vm0, v4, v1;
	[tilespmem:$0x80] =	vst v3  }
0x11c: {  	vm0 =	vlt.u32 v2, $0x30B0;
	v3 =	vsel vm1, v5, v1;
	[tilespmem:$0x70] =	vst v4  }
.Ltmp3:
0x11d: {  	v2 =	vsel vm0, v2, v1;
	[tilespmem:$0x60] =	vst v3;
	(pc) =	sbr.rel @p0 .LBB2_8-.Ltmp3, $4  }
0x11e: {  	[tilespmem:$0x50] =	vst v2  }
0x11f: {  	[tilespmem:s18], [sflag:$0x1] =	stream.indirect.gather [hbm4b:s4+s17], $0x80, s3, s17, $0xb8;
	[tilespmem:$0x1B820] =	vst v63  }
0x120: {  	_ =	swait.ge [sflag:s19], $0x2800  }
0x121: {  	[sflag:s19] =	ssyncset.done $0x0  }
0x122: {  	[sflag:s19] =	ssyncadd.s32 $0xFFFFD800  }
0x123: {  	[spmem:s2] =	stream.indirect.scatter.add.f32 [tilespmem:s18], [sflag:$0x2], $0x80, s17, s17, $0xb8;
	[tilespmem:$0x1B820] =	vst v63  }
0x124: {  	_ =	swait.ge [sflag:s16], $0x2800  }
0x125: {  	[sflag:s16] =	ssyncset.done $0x0  }
0x126: {  	s22 =	sadd.s32 $0x1, s22;
	[sflag:s16] =	ssyncadd.s32 $0xFFFFD800  }
0x127: {  	p0 =	sne.s32 s22, s12;
	[bflag:$0x0] =	sbarrier.arrive $0xFFFF  }
0x128: {  	[hbm:s11], [sflag:s6] =	dma.local [spmem:s21], $0x30B0  }
.Ltmp4:
0x129: {  	_ =	swait.ge [sflag:s16], $0x30B0;
	(pc) =	sbr.rel @p0 .LBB2_1-.Ltmp4, $3  }
0x12a: {  	[sflag:s16] =	ssyncset.done $0x0  }
0x12b: {  	[sflag:s16] =	ssyncadd.s32 $0xFFFFCF50  }
0x12c: {  	[bflag:$0x0] =	sbarrier.arrive $0xFFFF;
	_ =	sdelay $0x1  }
0x12d: {  	_ =	sfence.sel $0x180000  }
0x12e: {  	[bflag:$0x0] =	sbarrier.arrive $0xFFFF  }
0x12f: {  	p0 =	sne.s32 s0, $0x0;
	_ =	strace $0x90000050  }
0x130: {  	s0 =	sadd.s32 @!p0 $0x100000, s1;
	[bflag:$0x2] =	sbarrier.arrive $0xFFFF  }
0x131: {  	[sflag:s0] =	ssyncadd.tile.s32 @!p0 $0x1;
	_ =	shalt  }
.Lfunc_end2:
_tile_overlayer_lowered:
.L_overlay_start_2:
0x132: {  	(tag) =	ssettag $0x2  }
0x133: {  	s0 =	rddreg [dreg:$0x0];
	s2 =	stileid.u32  }
0x134: {  	s1 =	rddreg [dreg:$0x1];
	p0 =	sne.s32 s2, $0x0  }
0x135: {  	s3 =	rddreg [dreg:$0x2];
	[bflag:$0x3] =	sbarrier.arrive $0xFFFF;
	s2 =	simm.s32 @!p0 $0x1C02  }
0x136: {  	[timem:s3], [sflag:s2] =	dma.local @!p0 [hbm:s0], s1  }
0x137: {  	s0 =	simm.s32 @!p0 $0x2  }
0x138: {  	_ =	swait.ge @!p0 [sflag:s0], s1  }
0x139: {  	s1 =	ssub.s32 @!p0 $0x0, s1;
	[sflag:s0] =	ssyncset.done @!p0 $0x0  }
0x13a: {  	[sflag:s0] =	ssyncadd.s32 @!p0 s1  }
0x13b: {  	[bflag:$0x3] =	sbarrier.arrive $0xFFFF  }
0x13c: {  	_ =	shalt  }

</sc_bundles>
